<compile_context>
chip_gen: v7x
topology: tpu7x:2x2x1
jax: 0.10.2.dev20260603
libtpu: 0.0.44.dev20260713+nightly
codegen_flags: <defaults>
</compile_context>

<pallas_src>
import functools

import jax
import jax.numpy as jnp
from jax import lax
from jax.experimental import pallas as pl
from jax.experimental.pallas import tpu as pltpu
from jax.experimental.pallas import tpu_sc as plsc

R = 65536
T = 96
NNZ = 524288
NC = 2
NS = 16
NW = NC * NS
L = 16

NCHUNK = 8
CHUNK_ROWS = R // NCHUNK
CHUNK_SHIFT = 13
ROWS_PER_SUB = CHUNK_ROWS // NS
WB_BLK = 128

EDGES_PER_SUB = NNZ // NS
SEG = 4096
NSEG = EDGES_PER_SUB // SEG
GB = 128
NB_MAX = SEG // GB

E0_ROWS = R // NW


def _iota16():
    return lax.iota(jnp.int32, L)


def _splat(ref, i):
    return plsc.load_gather(ref, [jnp.full((L,), i, jnp.int32)])


def _bounce_body(with_echo0, e_old, kval, w, krow, kcol, kdel,
                 e_new, echo_out,
                 acc_sh, eb_row, eb_col, eb_val, eb_del,
                 cb_rl, cb_col, cb_val, cb_del,
                 idxbuf, colbuf, rowbuf, stage, wb, wvec, eacc):
    c = lax.axis_index("c")
    s = lax.axis_index("s")
    wid = c * NS + s
    iota = _iota16()
    zf = jnp.zeros((L,), jnp.float32)
    zi = jnp.zeros((L,), jnp.int32)

    for t6 in range(6):
        eacc[pl.ds(t6 * L, L)] = zf

    def detect_rows(block_ref, w_off, nrows):
        def body(r, carry):
            wv = _splat(wvec, w_off + r)
            ri = jnp.full((L,), r, jnp.int32)
            return tuple(
                carry[t] + wv * plsc.load_gather(block_ref, [ri, iota + t * L])
                for t in range(6)
            )
        acc = lax.fori_loop(0, nrows, body,
                            tuple(zf for _ in range(6)))
        for t6 in range(6):
            eacc[pl.ds(t6 * L, L)] = eacc[pl.ds(t6 * L, L)] + acc[t6]

    if with_echo0:
        base = wid * E0_ROWS
        pltpu.sync_copy(w.at[pl.ds(base, E0_ROWS)], wvec)

        def e0blk(blk, _):
            pltpu.sync_copy(e_old.at[pl.ds(base + blk * WB_BLK, WB_BLK)], wb)
            detect_rows(wb, blk * WB_BLK, WB_BLK)
            return 0
        lax.fori_loop(0, E0_ROWS // WB_BLK, e0blk, 0)

    my_row0 = s * ROWS_PER_SUB

    def do_pass(p, _):
        chunk = c * (NCHUNK // NC) + p
        chunk_base = chunk * CHUNK_ROWS

        def zrow(r, _):
            ri = jnp.full((L,), r, jnp.int32)
            for t6 in range(6):
                plsc.store_scatter(wb, [ri, iota + t6 * L], zf)
            return 0
        lax.fori_loop(0, WB_BLK, zrow, 0)

        def zblk(blk, _):
            pltpu.sync_copy(wb, acc_sh.at[pl.ds(my_row0 + blk * WB_BLK, WB_BLK)])
            return 0
        lax.fori_loop(0, ROWS_PER_SUB // WB_BLK, zblk, 0)
        plsc.subcore_barrier()

        def do_seg(seg, _):
            seg_base = s * EDGES_PER_SUB + seg * SEG
            pltpu.sync_copy(krow.at[pl.ds(seg_base, SEG)], eb_row)
            pltpu.sync_copy(kcol.at[pl.ds(seg_base, SEG)], eb_col)
            pltpu.sync_copy(kval.at[pl.ds(seg_base, SEG)], eb_val)
            pltpu.sync_copy(kdel.at[pl.ds(seg_base, SEG)], eb_del)

            def compress(b, cnt):
                off = b * L
                r16 = eb_row[pl.ds(off, L)]
                m = lax.shift_right_logical(r16, CHUNK_SHIFT) == chunk
                plsc.store_compressed(cb_rl.at[pl.ds(cnt, L)],
                                      r16 & (CHUNK_ROWS - 1), mask=m)
                plsc.store_compressed(cb_col.at[pl.ds(cnt, L)],
                                      eb_col[pl.ds(off, L)], mask=m)
                plsc.store_compressed(cb_val.at[pl.ds(cnt, L)],
                                      eb_val[pl.ds(off, L)], mask=m)
                plsc.store_compressed(cb_del.at[pl.ds(cnt, L)],
                                      eb_del[pl.ds(off, L)], mask=m)
                return cnt + jnp.max(plsc.all_reduce_population_count(m))
            cnt = lax.fori_loop(0, SEG // L, compress, jnp.int32(0))

            for i in range(GB // L):
                cb_rl[pl.ds(cnt + i * L, L)] = zi
                cb_col[pl.ds(cnt + i * L, L)] = zi
                cb_val[pl.ds(cnt + i * L, L)] = zf
                cb_del[pl.ds(cnt + i * L, L)] = zi

            nb = (cnt + GB - 1) // GB

            def batch(j, _):
                for i in range(GB // L):
                    idxbuf[pl.ds(i * L, L)] = cb_rl[pl.ds(j * GB + i * L, L)]
                    colbuf[pl.ds(i * L, L)] = cb_col[pl.ds(j * GB + i * L, L)]
                pltpu.sync_copy(e_old.at[colbuf], rowbuf)

                def edge(e, _):
                    ge = j * GB + e
                    dv = _splat(cb_del, ge)
                    vv = _splat(cb_val, ge)
                    ei = jnp.full((L,), e, jnp.int32)
                    for t6 in range(6):
                        tv = iota + t6 * L
                        st = tv - dv
                        m = st >= 0
                        g = plsc.load_gather(rowbuf, [ei, st], mask=m)
                        plsc.store_scatter(stage, [ei, tv],
                                           jnp.where(m, g, 0.0) * vv)
                    return 0
                lax.fori_loop(0, GB, edge, 0)
                pltpu.sync_copy(stage, acc_sh.at[idxbuf], add=True)
                return 0
            lax.fori_loop(0, nb, batch, 0)
            return 0
        lax.fori_loop(0, NSEG, do_seg, 0)

        plsc.subcore_barrier()

        pltpu.sync_copy(w.at[pl.ds(chunk_base + my_row0, ROWS_PER_SUB)],
                        wvec.at[pl.ds(0, ROWS_PER_SUB)])

        def wblk(blk, _):
            r0 = my_row0 + blk * WB_BLK
            pltpu.sync_copy(acc_sh.at[pl.ds(r0, WB_BLK)], wb)
            detect_rows(wb, blk * WB_BLK, WB_BLK)
            pltpu.sync_copy(wb, e_new.at[pl.ds(chunk_base + r0, WB_BLK)])
            return 0
        lax.fori_loop(0, ROWS_PER_SUB // WB_BLK, wblk, 0)
        return 0

    lax.fori_loop(0, NCHUNK // NC, do_pass, 0)
    pltpu.sync_copy(eacc, echo_out.at[wid])


@functools.lru_cache(maxsize=None)
def _bounce(with_echo0: bool):
    mesh = plsc.VectorSubcoreMesh(core_axis_name="c", subcore_axis_name="s")
    return pl.kernel(
        functools.partial(_bounce_body, with_echo0),
        out_type=[
            jax.ShapeDtypeStruct((R, T), jnp.float32),
            jax.ShapeDtypeStruct((NW, T), jnp.float32),
        ],
        mesh=mesh,
        compiler_params=pltpu.CompilerParams(needs_layout_passes=False,
                                             use_tc_tiling_on_sc=False),
        scratch_types=[
            pltpu.VMEM_SHARED((CHUNK_ROWS, T), jnp.float32),
            pltpu.VMEM((SEG,), jnp.int32),
            pltpu.VMEM((SEG,), jnp.int32),
            pltpu.VMEM((SEG,), jnp.float32),
            pltpu.VMEM((SEG,), jnp.int32),
            pltpu.VMEM((SEG + GB,), jnp.int32),
            pltpu.VMEM((SEG + GB,), jnp.int32),
            pltpu.VMEM((SEG + GB,), jnp.float32),
            pltpu.VMEM((SEG + GB,), jnp.int32),
            pltpu.VMEM((GB,), jnp.int32),
            pltpu.VMEM((GB,), jnp.int32),
            pltpu.VMEM((GB, T), jnp.float32),
            pltpu.VMEM((GB, T), jnp.float32),
            pltpu.VMEM((WB_BLK, T), jnp.float32),
            pltpu.VMEM((E0_ROWS,), jnp.float32),
            pltpu.VMEM((T,), jnp.float32),
        ],
    )


def kernel(injected_radiance, kernel_val, detection_weight, kernel_row,
           kernel_col, delay):
    e1, echo_a = _bounce(True)(injected_radiance, kernel_val, detection_weight,
                               kernel_row, kernel_col, delay)
    _, echo_b = _bounce(False)(e1, kernel_val, detection_weight,
                               kernel_row, kernel_col, delay)
    return jnp.sum(echo_a, axis=0) + jnp.sum(echo_b, axis=0)

# --- scband reference (transcript-rebuilt; emitter-appended) ---
"""Pipeline reference for scband-acoustic-radiance-transfer-patch-direction-factorized-89893665505842 (READ-ONLY COPY).

The authoritative reference and input builder live on the scoring server;
editing this copy changes nothing except your own understanding.
"""

import jax, jax.numpy as jnp
import numpy as np

NUM_RADIANCES = 65536
NNZ = 524288
T = 96
NUM_BOUNCES = 2


def setup_inputs(seed: int = 0) -> dict:
    key = jax.random.key(seed)
    ks = jax.random.split(key, 6)
    injected_radiance = jax.random.uniform(ks[0], (NUM_RADIANCES, T), dtype=jnp.float32)
    # sparse global transport kernel (form-factor * visibility * BRDF weight), scaled so
    # per-bounce energy stays bounded (avg in-degree ~8)
    kernel_val = jax.random.uniform(ks[1], (NNZ,), dtype=jnp.float32) * 0.25
    detection_weight = jax.random.uniform(ks[2], (NUM_RADIANCES,), dtype=jnp.float32)
    kernel_row = jax.random.randint(ks[3], (NNZ,), 0, NUM_RADIANCES, dtype=jnp.int32)
    kernel_col = jax.random.randint(ks[4], (NNZ,), 0, NUM_RADIANCES, dtype=jnp.int32)
    delay = jax.random.randint(ks[5], (NNZ,), 0, T, dtype=jnp.int32)
    return {
        "injected_radiance": injected_radiance,
        "kernel_val": kernel_val,
        "detection_weight": detection_weight,
        "kernel_row": kernel_row,
        "kernel_col": kernel_col,
        "delay": delay,
    }


def reference(injected_radiance, kernel_val, detection_weight, kernel_row, kernel_col, delay):
    # Time-domain acoustic radiance transfer main loop (patch-direction factorized):
    # per bounce: gather source radiance echograms along sparse kernel columns,
    # weight by kernel values (form factor * BRDF), shift in time by integer
    # propagation delay, scatter-add into destination radiance bins, then detect.
    T_ = injected_radiance.shape[1]
    t = jnp.arange(T_, dtype=jnp.int32)[None, :]
    src_t = t - delay[:, None]
    valid = src_t >= 0
    src_t_c = jnp.clip(src_t, 0, T_ - 1)

    e = injected_radiance
    # direct arrival / bounce-0 detection
    echo = jnp.sum(detection_weight[:, None] * e, axis=0)
    for _ in range(NUM_BOUNCES):
        msg = e[kernel_col] * kernel_val[:, None]            # gather (SparseCore)
        shifted = jnp.where(valid, jnp.take_along_axis(msg, src_t_c, axis=1), 0.0)
        e = jnp.zeros_like(e).at[kernel_row].add(shifted)    # scatter-add (SparseCore)
        echo = echo + jnp.sum(detection_weight[:, None] * e, axis=0)
    return echo

if __name__ == "__main__":
    import jax
    _d = setup_inputs()
    print(jax.jit(kernel)(*tuple(_d.values())))

</pallas_src>

<mosaic_0001>
#map = affine_map<(d0, d1) -> (0, 0)>
#map1 = affine_map<(d0, d1) -> (0)>
module attributes {stable_mosaic.version = 14 : i64} {
  func.func @_bounce_body(%arg0: i32, %arg1: i32, %arg2: memref<65536x96xf32, #tpu.memory_space<hbm>>, %arg3: memref<524288xf32, #tpu.memory_space<hbm>>, %arg4: memref<65536xf32, #tpu.memory_space<hbm>>, %arg5: memref<524288xi32, #tpu.memory_space<hbm>>, %arg6: memref<524288xi32, #tpu.memory_space<hbm>>, %arg7: memref<524288xi32, #tpu.memory_space<hbm>>, %arg8: memref<65536x96xf32, #tpu.memory_space<hbm>>, %arg9: memref<32x96xf32, #tpu.memory_space<hbm>>, %arg10: memref<8192x96xf32, #tpu.memory_space<vmem_shared>>, %arg11: memref<4096xi32, #tpu.memory_space<vmem>>, %arg12: memref<4096xi32, #tpu.memory_space<vmem>>, %arg13: memref<4096xf32, #tpu.memory_space<vmem>>, %arg14: memref<4096xi32, #tpu.memory_space<vmem>>, %arg15: memref<4224xi32, #tpu.memory_space<vmem>>, %arg16: memref<4224xi32, #tpu.memory_space<vmem>>, %arg17: memref<4224xf32, #tpu.memory_space<vmem>>, %arg18: memref<4224xi32, #tpu.memory_space<vmem>>, %arg19: memref<128xi32, #tpu.memory_space<vmem>>, %arg20: memref<128xi32, #tpu.memory_space<vmem>>, %arg21: memref<128x96xf32, #tpu.memory_space<vmem>>, %arg22: memref<128x96xf32, #tpu.memory_space<vmem>>, %arg23: memref<128x96xf32, #tpu.memory_space<vmem>>, %arg24: memref<2048xf32, #tpu.memory_space<vmem>>, %arg25: memref<96xf32, #tpu.memory_space<vmem>>) attributes {dimension_semantics = [#tpu.dimension_semantics<core_parallel>, #tpu.dimension_semantics<subcore_parallel>], iteration_bounds = array<i64: 2, 16>, scalar_prefetch = 0 : i64, scratch_operands = 16 : i64, tpu.core_type = #tpu.core_type<sc_vector_subcore>, window_params = [{transform_indices = #map}, {transform_indices = #map1}, {transform_indices = #map1}, {transform_indices = #map1}, {transform_indices = #map1}, {transform_indices = #map1}, {transform_indices = #map}, {transform_indices = #map}]} {
    %mul3A = arith.constant 16 : i32
    %mul3A_0 = arith.muli %arg0, %mul3A : i32
    %add3A = arith.addi %mul3A_0, %arg1 : i32
    %iota3A = tpu.iota {dimensions = array<i32: 0>} : vector<16xi32>
    %broadcast_in_dim3A = arith.constant 0.000000e+00 : f32
    %broadcast_in_dim3A_1 = vector.broadcast %broadcast_in_dim3A : f32 to vector<16xf32>
    %broadcast_in_dim3A_2 = arith.constant 0 : i32
    %broadcast_in_dim3A_3 = vector.broadcast %broadcast_in_dim3A_2 : i32 to vector<16xi32>
    %swap3A = arith.constant 0 : index
    %swap3A_4 = tpu.vector_load %arg25[%swap3A] {strides = array<i32>} : memref<96xf32, #tpu.memory_space<vmem>>, vector<16xf32>,
    tpu.vector_store %arg25[%swap3A], %broadcast_in_dim3A_1 {strides = array<i32>} : memref<96xf32, #tpu.memory_space<vmem>>, vector<16xf32>,
    %swap3A_5 = arith.constant 16 : index
    %swap3A_6 = tpu.vector_load %arg25[%swap3A_5] {strides = array<i32>} : memref<96xf32, #tpu.memory_space<vmem>>, vector<16xf32>,
    tpu.vector_store %arg25[%swap3A_5], %broadcast_in_dim3A_1 {strides = array<i32>} : memref<96xf32, #tpu.memory_space<vmem>>, vector<16xf32>,
    %swap3A_7 = arith.constant 32 : index
    %swap3A_8 = tpu.vector_load %arg25[%swap3A_7] {strides = array<i32>} : memref<96xf32, #tpu.memory_space<vmem>>, vector<16xf32>,
    tpu.vector_store %arg25[%swap3A_7], %broadcast_in_dim3A_1 {strides = array<i32>} : memref<96xf32, #tpu.memory_space<vmem>>, vector<16xf32>,
    %swap3A_9 = arith.constant 48 : index
    %swap3A_10 = tpu.vector_load %arg25[%swap3A_9] {strides = array<i32>} : memref<96xf32, #tpu.memory_space<vmem>>, vector<16xf32>,
    tpu.vector_store %arg25[%swap3A_9], %broadcast_in_dim3A_1 {strides = array<i32>} : memref<96xf32, #tpu.memory_space<vmem>>, vector<16xf32>,
    %swap3A_11 = arith.constant 64 : index
    %swap3A_12 = tpu.vector_load %arg25[%swap3A_11] {strides = array<i32>} : memref<96xf32, #tpu.memory_space<vmem>>, vector<16xf32>,
    tpu.vector_store %arg25[%swap3A_11], %broadcast_in_dim3A_1 {strides = array<i32>} : memref<96xf32, #tpu.memory_space<vmem>>, vector<16xf32>,
    %swap3A_13 = arith.constant 80 : index
    %swap3A_14 = tpu.vector_load %arg25[%swap3A_13] {strides = array<i32>} : memref<96xf32, #tpu.memory_space<vmem>>, vector<16xf32>,
    tpu.vector_store %arg25[%swap3A_13], %broadcast_in_dim3A_1 {strides = array<i32>} : memref<96xf32, #tpu.memory_space<vmem>>, vector<16xf32>,
    %mul3A_15 = arith.constant 2048 : i32
    %mul3A_16 = arith.muli %add3A, %mul3A_15 : i32
    "tpu.region"() ({
      %run_scoped3A = tpu.sem_alloc : memref<!tpu.dma_semaphore, #tpu.memory_space<semaphore_mem>>
      %dma_start3A = tpu.memref_slice %arg4[%mul3A_16] : memref<65536xf32, #tpu.memory_space<hbm>> -> memref<2048xf32, #tpu.memory_space<hbm>>
      %dma_start3A_32 = tpu.memref_slice %arg4[%mul3A_16] : memref<65536xf32, #tpu.memory_space<hbm>> -> memref<2048xf32, #tpu.memory_space<hbm>>
      tpu.enqueue_dma source(%dma_start3A_32 : memref<2048xf32, #tpu.memory_space<hbm>>) target(%arg24 : memref<2048xf32, #tpu.memory_space<vmem>>) target_semaphore(%run_scoped3A : memref<!tpu.dma_semaphore, #tpu.memory_space<semaphore_mem>>)
      %dma_wait3A = tpu.memref_slice %arg4[%mul3A_16] : memref<65536xf32, #tpu.memory_space<hbm>> -> memref<2048xf32, #tpu.memory_space<hbm>>
      %dma_wait3A_33 = tpu.memref_slice %arg4[%mul3A_16] : memref<65536xf32, #tpu.memory_space<hbm>> -> memref<2048xf32, #tpu.memory_space<hbm>>
      tpu.wait_dma2 semaphore(%run_scoped3A : memref<!tpu.dma_semaphore, #tpu.memory_space<semaphore_mem>>) src(%dma_wait3A_33 : memref<2048xf32, #tpu.memory_space<hbm>>) dst(%arg24 : memref<2048xf32, #tpu.memory_space<vmem>>)
      tpu.yield
    }) : () -> ()
    %scan3A = arith.constant 0 : i32
    %scan3A_17 = arith.constant 0 : i32
    %scan3A_18 = arith.constant 16 : i32
    %scan3A_19 = arith.addi %scan3A_17, %scan3A_18 : i32
    %scan3A_20 = arith.constant 1 : i32
    %scan3A_21 = scf.for %scan3A_32 = %scan3A_17 to %scan3A_19 step %scan3A_20 iter_args(%scan3A_33 = %scan3A) -> (i32)  : i32 {
      %mul3A_34 = arith.constant 128 : i32
      %mul3A_35 = arith.muli %scan3A_32, %mul3A_34 : i32
      %add3A_36 = arith.addi %mul3A_16, %mul3A_35 : i32
      "tpu.region"() ({
        %run_scoped3A = tpu.sem_alloc : memref<!tpu.dma_semaphore, #tpu.memory_space<semaphore_mem>>
        %dma_start3A = arith.constant 0 : i32
        %dma_start3A_75 = tpu.memref_slice %arg2[%add3A_36, %dma_start3A] : memref<65536x96xf32, #tpu.memory_space<hbm>> -> memref<128x96xf32, #tpu.memory_space<hbm>>
        %dma_start3A_76 = arith.constant 0 : i32
        %dma_start3A_77 = tpu.memref_slice %arg2[%add3A_36, %dma_start3A_76] : memref<65536x96xf32, #tpu.memory_space<hbm>> -> memref<128x96xf32, #tpu.memory_space<hbm>>
        tpu.enqueue_dma source(%dma_start3A_77 : memref<128x96xf32, #tpu.memory_space<hbm>>) target(%arg23 : memref<128x96xf32, #tpu.memory_space<vmem>>) target_semaphore(%run_scoped3A : memref<!tpu.dma_semaphore, #tpu.memory_space<semaphore_mem>>)
        %dma_wait3A = arith.constant 0 : i32
        %dma_wait3A_78 = tpu.memref_slice %arg2[%add3A_36, %dma_wait3A] : memref<65536x96xf32, #tpu.memory_space<hbm>> -> memref<128x96xf32, #tpu.memory_space<hbm>>
        %dma_wait3A_79 = arith.constant 0 : i32
        %dma_wait3A_80 = tpu.memref_slice %arg2[%add3A_36, %dma_wait3A_79] : memref<65536x96xf32, #tpu.memory_space<hbm>> -> memref<128x96xf32, #tpu.memory_space<hbm>>
        tpu.wait_dma2 semaphore(%run_scoped3A : memref<!tpu.dma_semaphore, #tpu.memory_space<semaphore_mem>>) src(%dma_wait3A_80 : memref<128x96xf32, #tpu.memory_space<hbm>>) dst(%arg23 : memref<128x96xf32, #tpu.memory_space<vmem>>)
        tpu.yield
      }) : () -> ()
      %mul3A_37 = arith.constant 128 : i32
      %mul3A_38 = arith.muli %scan3A_32, %mul3A_37 : i32
      %scan3A_39 = arith.constant 0 : i32
      %scan3A_40 = arith.constant 128 : i32
      %scan3A_41 = arith.addi %scan3A_39, %scan3A_40 : i32
      %scan3A_42 = arith.constant 1 : i32
      %scan3A_43:6 = scf.for %scan3A_75 = %scan3A_39 to %scan3A_41 step %scan3A_42 iter_args(%scan3A_76 = %broadcast_in_dim3A_1, %scan3A_77 = %broadcast_in_dim3A_1, %scan3A_78 = %broadcast_in_dim3A_1, %scan3A_79 = %broadcast_in_dim3A_1, %scan3A_80 = %broadcast_in_dim3A_1, %scan3A_81 = %broadcast_in_dim3A_1) -> (vector<16xf32>, vector<16xf32>, vector<16xf32>, vector<16xf32>, vector<16xf32>, vector<16xf32>)  : i32 {
        %add3A_82 = arith.addi %mul3A_38, %scan3A_75 : i32
        %broadcast_in_dim3A_83 = vector.broadcast %add3A_82 : i32 to vector<16xi32>
        %gather3A = tpu.vector_load_idx %arg24[%broadcast_in_dim3A_83] : memref<2048xf32, #tpu.memory_space<vmem>>[vector<16xi32>], vector<16xf32>,
        %broadcast_in_dim3A_84 = vector.broadcast %scan3A_75 : i32 to vector<16xi32>
        %add3A_85 = arith.constant 0 : i32
        %add3A_86 = vector.broadcast %add3A_85 : i32 to vector<16xi32>
        %add3A_87 = arith.addi %iota3A, %add3A_86 : vector<16xi32>
        %gather3A_88 = tpu.vector_load_idx %arg23[%broadcast_in_dim3A_84, %add3A_87] : memref<128x96xf32, #tpu.memory_space<vmem>>[vector<16xi32>, vector<16xi32>], vector<16xf32>,
        %mul3A_89 = arith.mulf %gather3A, %gather3A_88 : vector<16xf32>
        %add3A_90 = arith.addf %scan3A_76, %mul3A_89 : vector<16xf32>
        %add3A_91 = arith.constant 16 : i32
        %add3A_92 = vector.broadcast %add3A_91 : i32 to vector<16xi32>
        %add3A_93 = arith.addi %iota3A, %add3A_92 : vector<16xi32>
        %gather3A_94 = tpu.vector_load_idx %arg23[%broadcast_in_dim3A_84, %add3A_93] : memref<128x96xf32, #tpu.memory_space<vmem>>[vector<16xi32>, vector<16xi32>], vector<16xf32>,
        %mul3A_95 = arith.mulf %gather3A, %gather3A_94 : vector<16xf32>
        %add3A_96 = arith.addf %scan3A_77, %mul3A_95 : vector<16xf32>
        %add3A_97 = arith.constant 32 : i32
        %add3A_98 = vector.broadcast %add3A_97 : i32 to vector<16xi32>
        %add3A_99 = arith.addi %iota3A, %add3A_98 : vector<16xi32>
        %gather3A_100 = tpu.vector_load_idx %arg23[%broadcast_in_dim3A_84, %add3A_99] : memref<128x96xf32, #tpu.memory_space<vmem>>[vector<16xi32>, vector<16xi32>], vector<16xf32>,
        %mul3A_101 = arith.mulf %gather3A, %gather3A_100 : vector<16xf32>
        %add3A_102 = arith.addf %scan3A_78, %mul3A_101 : vector<16xf32>
        %add3A_103 = arith.constant 48 : i32
        %add3A_104 = vector.broadcast %add3A_103 : i32 to vector<16xi32>
        %add3A_105 = arith.addi %iota3A, %add3A_104 : vector<16xi32>
        %gather3A_106 = tpu.vector_load_idx %arg23[%broadcast_in_dim3A_84, %add3A_105] : memref<128x96xf32, #tpu.memory_space<vmem>>[vector<16xi32>, vector<16xi32>], vector<16xf32>,
        %mul3A_107 = arith.mulf %gather3A, %gather3A_106 : vector<16xf32>
        %add3A_108 = arith.addf %scan3A_79, %mul3A_107 : vector<16xf32>
        %add3A_109 = arith.constant 64 : i32
        %add3A_110 = vector.broadcast %add3A_109 : i32 to vector<16xi32>
        %add3A_111 = arith.addi %iota3A, %add3A_110 : vector<16xi32>
        %gather3A_112 = tpu.vector_load_idx %arg23[%broadcast_in_dim3A_84, %add3A_111] : memref<128x96xf32, #tpu.memory_space<vmem>>[vector<16xi32>, vector<16xi32>], vector<16xf32>,
        %mul3A_113 = arith.mulf %gather3A, %gather3A_112 : vector<16xf32>
        %add3A_114 = arith.addf %scan3A_80, %mul3A_113 : vector<16xf32>
        %add3A_115 = arith.constant 80 : i32
        %add3A_116 = vector.broadcast %add3A_115 : i32 to vector<16xi32>
        %add3A_117 = arith.addi %iota3A, %add3A_116 : vector<16xi32>
        %gather3A_118 = tpu.vector_load_idx %arg23[%broadcast_in_dim3A_84, %add3A_117] : memref<128x96xf32, #tpu.memory_space<vmem>>[vector<16xi32>, vector<16xi32>], vector<16xf32>,
        %mul3A_119 = arith.mulf %gather3A, %gather3A_118 : vector<16xf32>
        %add3A_120 = arith.addf %scan3A_81, %mul3A_119 : vector<16xf32>
        scf.yield %add3A_90, %add3A_96, %add3A_102, %add3A_108, %add3A_114, %add3A_120 : vector<16xf32>, vector<16xf32>, vector<16xf32>, vector<16xf32>, vector<16xf32>, vector<16xf32>
      }
      %scan3A_44 = arith.constant 128 : i32
      %get3A = arith.constant 0 : index
      %get3A_45 = tpu.vector_load %arg25[%get3A] {strides = array<i32>} : memref<96xf32, #tpu.memory_space<vmem>>, vector<16xf32>,
      %add3A_46 = arith.addf %get3A_45, %scan3A_43#0 : vector<16xf32>
      %swap3A_47 = arith.constant 0 : index
      %swap3A_48 = tpu.vector_load %arg25[%swap3A_47] {strides = array<i32>} : memref<96xf32, #tpu.memory_space<vmem>>, vector<16xf32>,
      tpu.vector_store %arg25[%swap3A_47], %add3A_46 {strides = array<i32>} : memref<96xf32, #tpu.memory_space<vmem>>, vector<16xf32>,
      %get3A_49 = arith.constant 16 : index
      %get3A_50 = tpu.vector_load %arg25[%get3A_49] {strides = array<i32>} : memref<96xf32, #tpu.memory_space<vmem>>, vector<16xf32>,
      %add3A_51 = arith.addf %get3A_50, %scan3A_43#1 : vector<16xf32>
      %swap3A_52 = arith.constant 16 : index
      %swap3A_53 = tpu.vector_load %arg25[%swap3A_52] {strides = array<i32>} : memref<96xf32, #tpu.memory_space<vmem>>, vector<16xf32>,
      tpu.vector_store %arg25[%swap3A_52], %add3A_51 {strides = array<i32>} : memref<96xf32, #tpu.memory_space<vmem>>, vector<16xf32>,
      %get3A_54 = arith.constant 32 : index
      %get3A_55 = tpu.vector_load %arg25[%get3A_54] {strides = array<i32>} : memref<96xf32, #tpu.memory_space<vmem>>, vector<16xf32>,
      %add3A_56 = arith.addf %get3A_55, %scan3A_43#2 : vector<16xf32>
      %swap3A_57 = arith.constant 32 : index
      %swap3A_58 = tpu.vector_load %arg25[%swap3A_57] {strides = array<i32>} : memref<96xf32, #tpu.memory_space<vmem>>, vector<16xf32>,
      tpu.vector_store %arg25[%swap3A_57], %add3A_56 {strides = array<i32>} : memref<96xf32, #tpu.memory_space<vmem>>, vector<16xf32>,
      %get3A_59 = arith.constant 48 : index
      %get3A_60 = tpu.vector_load %arg25[%get3A_59] {strides = array<i32>} : memref<96xf32, #tpu.memory_space<vmem>>, vector<16xf32>,
      %add3A_61 = arith.addf %get3A_60, %scan3A_43#3 : vector<16xf32>
      %swap3A_62 = arith.constant 48 : index
      %swap3A_63 = tpu.vector_load %arg25[%swap3A_62] {strides = array<i32>} : memref<96xf32, #tpu.memory_space<vmem>>, vector<16xf32>,
      tpu.vector_store %arg25[%swap3A_62], %add3A_61 {strides = array<i32>} : memref<96xf32, #tpu.memory_space<vmem>>, vector<16xf32>,
      %get3A_64 = arith.constant 64 : index
      %get3A_65 = tpu.vector_load %arg25[%get3A_64] {strides = array<i32>} : memref<96xf32, #tpu.memory_space<vmem>>, vector<16xf32>,
      %add3A_66 = arith.addf %get3A_65, %scan3A_43#4 : vector<16xf32>
      %swap3A_67 = arith.constant 64 : index
      %swap3A_68 = tpu.vector_load %arg25[%swap3A_67] {strides = array<i32>} : memref<96xf32, #tpu.memory_space<vmem>>, vector<16xf32>,
      tpu.vector_store %arg25[%swap3A_67], %add3A_66 {strides = array<i32>} : memref<96xf32, #tpu.memory_space<vmem>>, vector<16xf32>,
      %get3A_69 = arith.constant 80 : index
      %get3A_70 = tpu.vector_load %arg25[%get3A_69] {strides = array<i32>} : memref<96xf32, #tpu.memory_space<vmem>>, vector<16xf32>,
      %add3A_71 = arith.addf %get3A_70, %scan3A_43#5 : vector<16xf32>
      %swap3A_72 = arith.constant 80 : index
      %swap3A_73 = tpu.vector_load %arg25[%swap3A_72] {strides = array<i32>} : memref<96xf32, #tpu.memory_space<vmem>>, vector<16xf32>,
      tpu.vector_store %arg25[%swap3A_72], %add3A_71 {strides = array<i32>} : memref<96xf32, #tpu.memory_space<vmem>>, vector<16xf32>,
      %scan3A_74 = arith.constant 0 : i32
      scf.yield %scan3A_74 : i32
    }
    %scan3A_22 = arith.constant 16 : i32
    %mul3A_23 = arith.constant 512 : i32
    %mul3A_24 = arith.muli %arg1, %mul3A_23 : i32
    %scan3A_25 = arith.constant 0 : i32
    %scan3A_26 = arith.constant 0 : i32
    %scan3A_27 = arith.constant 4 : i32
    %scan3A_28 = arith.addi %scan3A_26, %scan3A_27 : i32
    %scan3A_29 = arith.constant 1 : i32
    %scan3A_30 = scf.for %scan3A_32 = %scan3A_26 to %scan3A_28 step %scan3A_29 iter_args(%scan3A_33 = %scan3A_25) -> (i32)  : i32 {
      %mul3A_34 = arith.constant 4 : i32
      %mul3A_35 = arith.muli %arg0, %mul3A_34 : i32
      %add3A_36 = arith.addi %mul3A_35, %scan3A_32 : i32
      %mul3A_37 = arith.constant 8192 : i32
      %mul3A_38 = arith.muli %add3A_36, %mul3A_37 : i32
      %scan3A_39 = arith.constant 0 : i32
      %scan3A_40 = arith.constant 0 : i32
      %scan3A_41 = arith.constant 128 : i32
      %scan3A_42 = arith.addi %scan3A_40, %scan3A_41 : i32
      %scan3A_43 = arith.constant 1 : i32
      %scan3A_44 = scf.for %scan3A_70 = %scan3A_40 to %scan3A_42 step %scan3A_43 iter_args(%scan3A_71 = %scan3A_39) -> (i32)  : i32 {
        %broadcast_in_dim3A_72 = vector.broadcast %scan3A_70 : i32 to vector<16xi32>
        %add3A_73 = arith.constant 0 : i32
        %add3A_74 = vector.broadcast %add3A_73 : i32 to vector<16xi32>
        %add3A_75 = arith.addi %iota3A, %add3A_74 : vector<16xi32>
        tpu.vector_store_idx %arg23[%broadcast_in_dim3A_72, %add3A_75], %broadcast_in_dim3A_1 : memref<128x96xf32, #tpu.memory_space<vmem>>[vector<16xi32>, vector<16xi32>], vector<16xf32>,
        %add3A_76 = arith.constant 16 : i32
        %add3A_77 = vector.broadcast %add3A_76 : i32 to vector<16xi32>
        %add3A_78 = arith.addi %iota3A, %add3A_77 : vector<16xi32>
        tpu.vector_store_idx %arg23[%broadcast_in_dim3A_72, %add3A_78], %broadcast_in_dim3A_1 : memref<128x96xf32, #tpu.memory_space<vmem>>[vector<16xi32>, vector<16xi32>], vector<16xf32>,
        %add3A_79 = arith.constant 32 : i32
        %add3A_80 = vector.broadcast %add3A_79 : i32 to vector<16xi32>
        %add3A_81 = arith.addi %iota3A, %add3A_80 : vector<16xi32>
        tpu.vector_store_idx %arg23[%broadcast_in_dim3A_72, %add3A_81], %broadcast_in_dim3A_1 : memref<128x96xf32, #tpu.memory_space<vmem>>[vector<16xi32>, vector<16xi32>], vector<16xf32>,
        %add3A_82 = arith.constant 48 : i32
        %add3A_83 = vector.broadcast %add3A_82 : i32 to vector<16xi32>
        %add3A_84 = arith.addi %iota3A, %add3A_83 : vector<16xi32>
        tpu.vector_store_idx %arg23[%broadcast_in_dim3A_72, %add3A_84], %broadcast_in_dim3A_1 : memref<128x96xf32, #tpu.memory_space<vmem>>[vector<16xi32>, vector<16xi32>], vector<16xf32>,
        %add3A_85 = arith.constant 64 : i32
        %add3A_86 = vector.broadcast %add3A_85 : i32 to vector<16xi32>
        %add3A_87 = arith.addi %iota3A, %add3A_86 : vector<16xi32>
        tpu.vector_store_idx %arg23[%broadcast_in_dim3A_72, %add3A_87], %broadcast_in_dim3A_1 : memref<128x96xf32, #tpu.memory_space<vmem>>[vector<16xi32>, vector<16xi32>], vector<16xf32>,
        %add3A_88 = arith.constant 80 : i32
        %add3A_89 = vector.broadcast %add3A_88 : i32 to vector<16xi32>
        %add3A_90 = arith.addi %iota3A, %add3A_89 : vector<16xi32>
        tpu.vector_store_idx %arg23[%broadcast_in_dim3A_72, %add3A_90], %broadcast_in_dim3A_1 : memref<128x96xf32, #tpu.memory_space<vmem>>[vector<16xi32>, vector<16xi32>], vector<16xf32>,
        %scan3A_91 = arith.constant 0 : i32
        scf.yield %scan3A_91 : i32
      }
      %scan3A_45 = arith.constant 128 : i32
      %scan3A_46 = arith.constant 0 : i32
      %scan3A_47 = arith.constant 0 : i32
      %scan3A_48 = arith.constant 4 : i32
      %scan3A_49 = arith.addi %scan3A_47, %scan3A_48 : i32
      %scan3A_50 = arith.constant 1 : i32
      %scan3A_51 = scf.for %scan3A_70 = %scan3A_47 to %scan3A_49 step %scan3A_50 iter_args(%scan3A_71 = %scan3A_46) -> (i32)  : i32 {
        %mul3A_72 = arith.constant 128 : i32
        %mul3A_73 = arith.muli %scan3A_70, %mul3A_72 : i32
        %add3A_74 = arith.addi %mul3A_24, %mul3A_73 : i32
        "tpu.region"() ({
          %run_scoped3A = tpu.sem_alloc : memref<!tpu.dma_semaphore, #tpu.memory_space<semaphore_mem>>
          %dma_start3A = arith.constant 0 : i32
          %dma_start3A_76 = tpu.memref_slice %arg10[%add3A_74, %dma_start3A] : memref<8192x96xf32, #tpu.memory_space<vmem_shared>> -> memref<128x96xf32, #tpu.memory_space<vmem_shared>>
          %dma_start3A_77 = arith.constant 0 : i32
          %dma_start3A_78 = tpu.memref_slice %arg10[%add3A_74, %dma_start3A_77] : memref<8192x96xf32, #tpu.memory_space<vmem_shared>> -> memref<128x96xf32, #tpu.memory_space<vmem_shared>>
          tpu.enqueue_dma source(%arg23 : memref<128x96xf32, #tpu.memory_space<vmem>>) target(%dma_start3A_78 : memref<128x96xf32, #tpu.memory_space<vmem_shared>>) target_semaphore(%run_scoped3A : memref<!tpu.dma_semaphore, #tpu.memory_space<semaphore_mem>>)
          %dma_wait3A = arith.constant 0 : i32
          %dma_wait3A_79 = tpu.memref_slice %arg10[%add3A_74, %dma_wait3A] : memref<8192x96xf32, #tpu.memory_space<vmem_shared>> -> memref<128x96xf32, #tpu.memory_space<vmem_shared>>
          %dma_wait3A_80 = arith.constant 0 : i32
          %dma_wait3A_81 = tpu.memref_slice %arg10[%add3A_74, %dma_wait3A_80] : memref<8192x96xf32, #tpu.memory_space<vmem_shared>> -> memref<128x96xf32, #tpu.memory_space<vmem_shared>>
          tpu.wait_dma2 semaphore(%run_scoped3A : memref<!tpu.dma_semaphore, #tpu.memory_space<semaphore_mem>>) src(%arg23 : memref<128x96xf32, #tpu.memory_space<vmem>>) dst(%dma_wait3A_81 : memref<128x96xf32, #tpu.memory_space<vmem_shared>>)
          tpu.yield
        }) : () -> ()
        %scan3A_75 = arith.constant 0 : i32
        scf.yield %scan3A_75 : i32
      }
      %scan3A_52 = arith.constant 4 : i32
      %barrier3A = arith.constant 0 : index
      tpu.barrier barrier_id(%barrier3A)
      %scan3A_53 = arith.constant 0 : i32
      %scan3A_54 = arith.constant 0 : i32
      %scan3A_55 = arith.constant 8 : i32
      %scan3A_56 = arith.addi %scan3A_54, %scan3A_55 : i32
      %scan3A_57 = arith.constant 1 : i32
      %scan3A_58 = scf.for %scan3A_70 = %scan3A_54 to %scan3A_56 step %scan3A_57 iter_args(%scan3A_71 = %scan3A_53) -> (i32)  : i32 {
        %mul3A_72 = arith.constant 32768 : i32
        %mul3A_73 = arith.muli %arg1, %mul3A_72 : i32
        %mul3A_74 = arith.constant 4096 : i32
        %mul3A_75 = arith.muli %scan3A_70, %mul3A_74 : i32
        %add3A_76 = arith.addi %mul3A_73, %mul3A_75 : i32
        "tpu.region"() ({
          %run_scoped3A = tpu.sem_alloc : memref<!tpu.dma_semaphore, #tpu.memory_space<semaphore_mem>>
          %dma_start3A = tpu.memref_slice %arg5[%add3A_76] : memref<524288xi32, #tpu.memory_space<hbm>> -> memref<4096xi32, #tpu.memory_space<hbm>>
          %dma_start3A_244 = tpu.memref_slice %arg5[%add3A_76] : memref<524288xi32, #tpu.memory_space<hbm>> -> memref<4096xi32, #tpu.memory_space<hbm>>
          tpu.enqueue_dma source(%dma_start3A_244 : memref<4096xi32, #tpu.memory_space<hbm>>) target(%arg11 : memref<4096xi32, #tpu.memory_space<vmem>>) target_semaphore(%run_scoped3A : memref<!tpu.dma_semaphore, #tpu.memory_space<semaphore_mem>>)
          %dma_wait3A = tpu.memref_slice %arg5[%add3A_76] : memref<524288xi32, #tpu.memory_space<hbm>> -> memref<4096xi32, #tpu.memory_space<hbm>>
          %dma_wait3A_245 = tpu.memref_slice %arg5[%add3A_76] : memref<524288xi32, #tpu.memory_space<hbm>> -> memref<4096xi32, #tpu.memory_space<hbm>>
          tpu.wait_dma2 semaphore(%run_scoped3A : memref<!tpu.dma_semaphore, #tpu.memory_space<semaphore_mem>>) src(%dma_wait3A_245 : memref<4096xi32, #tpu.memory_space<hbm>>) dst(%arg11 : memref<4096xi32, #tpu.memory_space<vmem>>)
          tpu.yield
        }) : () -> ()
        "tpu.region"() ({
          %run_scoped3A = tpu.sem_alloc : memref<!tpu.dma_semaphore, #tpu.memory_space<semaphore_mem>>
          %dma_start3A = tpu.memref_slice %arg6[%add3A_76] : memref<524288xi32, #tpu.memory_space<hbm>> -> memref<4096xi32, #tpu.memory_space<hbm>>
          %dma_start3A_244 = tpu.memref_slice %arg6[%add3A_76] : memref<524288xi32, #tpu.memory_space<hbm>> -> memref<4096xi32, #tpu.memory_space<hbm>>
          tpu.enqueue_dma source(%dma_start3A_244 : memref<4096xi32, #tpu.memory_space<hbm>>) target(%arg12 : memref<4096xi32, #tpu.memory_space<vmem>>) target_semaphore(%run_scoped3A : memref<!tpu.dma_semaphore, #tpu.memory_space<semaphore_mem>>)
          %dma_wait3A = tpu.memref_slice %arg6[%add3A_76] : memref<524288xi32, #tpu.memory_space<hbm>> -> memref<4096xi32, #tpu.memory_space<hbm>>
          %dma_wait3A_245 = tpu.memref_slice %arg6[%add3A_76] : memref<524288xi32, #tpu.memory_space<hbm>> -> memref<4096xi32, #tpu.memory_space<hbm>>
          tpu.wait_dma2 semaphore(%run_scoped3A : memref<!tpu.dma_semaphore, #tpu.memory_space<semaphore_mem>>) src(%dma_wait3A_245 : memref<4096xi32, #tpu.memory_space<hbm>>) dst(%arg12 : memref<4096xi32, #tpu.memory_space<vmem>>)
          tpu.yield
        }) : () -> ()
        "tpu.region"() ({
          %run_scoped3A = tpu.sem_alloc : memref<!tpu.dma_semaphore, #tpu.memory_space<semaphore_mem>>
          %dma_start3A = tpu.memref_slice %arg3[%add3A_76] : memref<524288xf32, #tpu.memory_space<hbm>> -> memref<4096xf32, #tpu.memory_space<hbm>>
          %dma_start3A_244 = tpu.memref_slice %arg3[%add3A_76] : memref<524288xf32, #tpu.memory_space<hbm>> -> memref<4096xf32, #tpu.memory_space<hbm>>
          tpu.enqueue_dma source(%dma_start3A_244 : memref<4096xf32, #tpu.memory_space<hbm>>) target(%arg13 : memref<4096xf32, #tpu.memory_space<vmem>>) target_semaphore(%run_scoped3A : memref<!tpu.dma_semaphore, #tpu.memory_space<semaphore_mem>>)
          %dma_wait3A = tpu.memref_slice %arg3[%add3A_76] : memref<524288xf32, #tpu.memory_space<hbm>> -> memref<4096xf32, #tpu.memory_space<hbm>>
          %dma_wait3A_245 = tpu.memref_slice %arg3[%add3A_76] : memref<524288xf32, #tpu.memory_space<hbm>> -> memref<4096xf32, #tpu.memory_space<hbm>>
          tpu.wait_dma2 semaphore(%run_scoped3A : memref<!tpu.dma_semaphore, #tpu.memory_space<semaphore_mem>>) src(%dma_wait3A_245 : memref<4096xf32, #tpu.memory_space<hbm>>) dst(%arg13 : memref<4096xf32, #tpu.memory_space<vmem>>)
          tpu.yield
        }) : () -> ()
        "tpu.region"() ({
          %run_scoped3A = tpu.sem_alloc : memref<!tpu.dma_semaphore, #tpu.memory_space<semaphore_mem>>
          %dma_start3A = tpu.memref_slice %arg7[%add3A_76] : memref<524288xi32, #tpu.memory_space<hbm>> -> memref<4096xi32, #tpu.memory_space<hbm>>
          %dma_start3A_244 = tpu.memref_slice %arg7[%add3A_76] : memref<524288xi32, #tpu.memory_space<hbm>> -> memref<4096xi32, #tpu.memory_space<hbm>>
          tpu.enqueue_dma source(%dma_start3A_244 : memref<4096xi32, #tpu.memory_space<hbm>>) target(%arg14 : memref<4096xi32, #tpu.memory_space<vmem>>) target_semaphore(%run_scoped3A : memref<!tpu.dma_semaphore, #tpu.memory_space<semaphore_mem>>)
          %dma_wait3A = tpu.memref_slice %arg7[%add3A_76] : memref<524288xi32, #tpu.memory_space<hbm>> -> memref<4096xi32, #tpu.memory_space<hbm>>
          %dma_wait3A_245 = tpu.memref_slice %arg7[%add3A_76] : memref<524288xi32, #tpu.memory_space<hbm>> -> memref<4096xi32, #tpu.memory_space<hbm>>
          tpu.wait_dma2 semaphore(%run_scoped3A : memref<!tpu.dma_semaphore, #tpu.memory_space<semaphore_mem>>) src(%dma_wait3A_245 : memref<4096xi32, #tpu.memory_space<hbm>>) dst(%arg14 : memref<4096xi32, #tpu.memory_space<vmem>>)
          tpu.yield
        }) : () -> ()
        %scan3A_77 = arith.constant 0 : i32
        %scan3A_78 = arith.constant 0 : i32
        %scan3A_79 = arith.constant 256 : i32
        %scan3A_80 = arith.addi %scan3A_78, %scan3A_79 : i32
        %scan3A_81 = arith.constant 1 : i32
        %scan3A_82 = scf.for %scan3A_244 = %scan3A_78 to %scan3A_80 step %scan3A_81 iter_args(%scan3A_245 = %scan3A_77) -> (i32)  : i32 {
          %mul3A_246 = arith.constant 16 : i32
          %mul3A_247 = arith.muli %scan3A_244, %mul3A_246 : i32
          %get3A = arith.index_cast %mul3A_247 : i32 to index
          %get3A_248 = tpu.vector_load %arg11[%get3A] {strides = array<i32>} : memref<4096xi32, #tpu.memory_space<vmem>>, vector<16xi32>,
          %shift_right_logical3A = arith.constant 13 : i32
          %shift_right_logical3A_249 = vector.broadcast %shift_right_logical3A : i32 to vector<16xi32>
          %shift_right_logical3A_250 = arith.shrui %get3A_248, %shift_right_logical3A_249 : vector<16xi32>
          %eq3A = vector.broadcast %add3A_36 : i32 to vector<16xi32>
          %eq3A_251 = arith.cmpi eq, %shift_right_logical3A_250, %eq3A : vector<16xi32>
          %and3A_252 = arith.constant 8191 : i32
          %and3A_253 = vector.broadcast %and3A_252 : i32 to vector<16xi32>
          %and3A_254 = arith.andi %get3A_248, %and3A_253 : vector<16xi32>
          %swap3A_255 = arith.index_cast %scan3A_245 : i32 to index
          %swap3A_256 = tpu.vector_load %arg15[%swap3A_255] masked %eq3A_251 {strides = array<i32>} : memref<4224xi32, #tpu.memory_space<vmem>>, vector<16xi32>, vector<16xi1>
          tpu.vector_store %arg15[%swap3A_255], %and3A_254 masked %eq3A_251 {strides = array<i32>} : memref<4224xi32, #tpu.memory_space<vmem>>, vector<16xi32>, vector<16xi1>
          %get3A_257 = arith.index_cast %mul3A_247 : i32 to index
          %get3A_258 = tpu.vector_load %arg12[%get3A_257] {strides = array<i32>} : memref<4096xi32, #tpu.memory_space<vmem>>, vector<16xi32>,
          %swap3A_259 = arith.index_cast %scan3A_245 : i32 to index
          %swap3A_260 = tpu.vector_load %arg16[%swap3A_259] masked %eq3A_251 {strides = array<i32>} : memref<4224xi32, #tpu.memory_space<vmem>>, vector<16xi32>, vector<16xi1>
          tpu.vector_store %arg16[%swap3A_259], %get3A_258 masked %eq3A_251 {strides = array<i32>} : memref<4224xi32, #tpu.memory_space<vmem>>, vector<16xi32>, vector<16xi1>
          %get3A_261 = arith.index_cast %mul3A_247 : i32 to index
          %get3A_262 = tpu.vector_load %arg13[%get3A_261] {strides = array<i32>} : memref<4096xf32, #tpu.memory_space<vmem>>, vector<16xf32>,
          %swap3A_263 = arith.index_cast %scan3A_245 : i32 to index
          %swap3A_264 = tpu.vector_load %arg17[%swap3A_263] masked %eq3A_251 {strides = array<i32>} : memref<4224xf32, #tpu.memory_space<vmem>>, vector<16xf32>, vector<16xi1>
          tpu.vector_store %arg17[%swap3A_263], %get3A_262 masked %eq3A_251 {strides = array<i32>} : memref<4224xf32, #tpu.memory_space<vmem>>, vector<16xf32>, vector<16xi1>
          %get3A_265 = arith.index_cast %mul3A_247 : i32 to index
          %get3A_266 = tpu.vector_load %arg14[%get3A_265] {strides = array<i32>} : memref<4096xi32, #tpu.memory_space<vmem>>, vector<16xi32>,
          %swap3A_267 = arith.index_cast %scan3A_245 : i32 to index
          %swap3A_268 = tpu.vector_load %arg18[%swap3A_267] masked %eq3A_251 {strides = array<i32>} : memref<4224xi32, #tpu.memory_space<vmem>>, vector<16xi32>, vector<16xi1>
          tpu.vector_store %arg18[%swap3A_267], %get3A_266 masked %eq3A_251 {strides = array<i32>} : memref<4224xi32, #tpu.memory_space<vmem>>, vector<16xi32>, vector<16xi1>
          %all_reduce_population_count3A = tpu.all_reduce %eq3A_251 {dim = 0 : i64, kind = #tpu.reduction_kind<sum>} : vector<16xi1> -> vector<16xi32>
          %reduce_max3A = arith.constant true
          %reduce_max3A_269 = vector.broadcast %reduce_max3A : i1 to vector<16xi1>
          %reduce_max3A_270 = arith.constant -2147483648 : i32
          %reduce_max3A_271 = vector.broadcast %reduce_max3A_270 : i32 to vector<16xi32>
          %reduce_max3A_272 = arith.xori %all_reduce_population_count3A, %reduce_max3A_271 : vector<16xi32>
          %reduce_max3A_273 = tpu.scan <max>, %reduce_max3A_272 masked %reduce_max3A_269 : vector<16xi32>, vector<16xi1> -> vector<16xi32>
          %reduce_max3A_274 = arith.xori %reduce_max3A_273, %reduce_max3A_271 : vector<16xi32>
          %reduce_max3A_275 = vector.extract %reduce_max3A_274[15] : i32 from vector<16xi32>
          %add3A_276 = arith.addi %scan3A_245, %reduce_max3A_275 : i32
          scf.yield %add3A_276 : i32
        }
        %scan3A_83 = arith.constant 256 : i32
        %add3A_84 = arith.constant 0 : i32
        %add3A_85 = arith.addi %scan3A_82, %add3A_84 : i32
        %swap3A_86 = arith.index_cast %add3A_85 : i32 to index
        %swap3A_87 = tpu.vector_load %arg15[%swap3A_86] {strides = array<i32>} : memref<4224xi32, #tpu.memory_space<vmem>>, vector<16xi32>,
        tpu.vector_store %arg15[%swap3A_86], %broadcast_in_dim3A_3 {strides = array<i32>} : memref<4224xi32, #tpu.memory_space<vmem>>, vector<16xi32>,
        %add3A_88 = arith.constant 0 : i32
        %add3A_89 = arith.addi %scan3A_82, %add3A_88 : i32
        %swap3A_90 = arith.index_cast %add3A_89 : i32 to index
        %swap3A_91 = tpu.vector_load %arg16[%swap3A_90] {strides = array<i32>} : memref<4224xi32, #tpu.memory_space<vmem>>, vector<16xi32>,
        tpu.vector_store %arg16[%swap3A_90], %broadcast_in_dim3A_3 {strides = array<i32>} : memref<4224xi32, #tpu.memory_space<vmem>>, vector<16xi32>,
        %add3A_92 = arith.constant 0 : i32
        %add3A_93 = arith.addi %scan3A_82, %add3A_92 : i32
        %swap3A_94 = arith.index_cast %add3A_93 : i32 to index
        %swap3A_95 = tpu.vector_load %arg17[%swap3A_94] {strides = array<i32>} : memref<4224xf32, #tpu.memory_space<vmem>>, vector<16xf32>,
        tpu.vector_store %arg17[%swap3A_94], %broadcast_in_dim3A_1 {strides = array<i32>} : memref<4224xf32, #tpu.memory_space<vmem>>, vector<16xf32>,
        %add3A_96 = arith.constant 0 : i32
        %add3A_97 = arith.addi %scan3A_82, %add3A_96 : i32
        %swap3A_98 = arith.index_cast %add3A_97 : i32 to index
        %swap3A_99 = tpu.vector_load %arg18[%swap3A_98] {strides = array<i32>} : memref<4224xi32, #tpu.memory_space<vmem>>, vector<16xi32>,
        tpu.vector_store %arg18[%swap3A_98], %broadcast_in_dim3A_3 {strides = array<i32>} : memref<4224xi32, #tpu.memory_space<vmem>>, vector<16xi32>,
        %add3A_100 = arith.constant 16 : i32
        %add3A_101 = arith.addi %scan3A_82, %add3A_100 : i32
        %swap3A_102 = arith.index_cast %add3A_101 : i32 to index
        %swap3A_103 = tpu.vector_load %arg15[%swap3A_102] {strides = array<i32>} : memref<4224xi32, #tpu.memory_space<vmem>>, vector<16xi32>,
        tpu.vector_store %arg15[%swap3A_102], %broadcast_in_dim3A_3 {strides = array<i32>} : memref<4224xi32, #tpu.memory_space<vmem>>, vector<16xi32>,
        %add3A_104 = arith.constant 16 : i32
        %add3A_105 = arith.addi %scan3A_82, %add3A_104 : i32
        %swap3A_106 = arith.index_cast %add3A_105 : i32 to index
        %swap3A_107 = tpu.vector_load %arg16[%swap3A_106] {strides = array<i32>} : memref<4224xi32, #tpu.memory_space<vmem>>, vector<16xi32>,
        tpu.vector_store %arg16[%swap3A_106], %broadcast_in_dim3A_3 {strides = array<i32>} : memref<4224xi32, #tpu.memory_space<vmem>>, vector<16xi32>,
        %add3A_108 = arith.constant 16 : i32
        %add3A_109 = arith.addi %scan3A_82, %add3A_108 : i32
        %swap3A_110 = arith.index_cast %add3A_109 : i32 to index
        %swap3A_111 = tpu.vector_load %arg17[%swap3A_110] {strides = array<i32>} : memref<4224xf32, #tpu.memory_space<vmem>>, vector<16xf32>,
        tpu.vector_store %arg17[%swap3A_110], %broadcast_in_dim3A_1 {strides = array<i32>} : memref<4224xf32, #tpu.memory_space<vmem>>, vector<16xf32>,
        %add3A_112 = arith.constant 16 : i32
        %add3A_113 = arith.addi %scan3A_82, %add3A_112 : i32
        %swap3A_114 = arith.index_cast %add3A_113 : i32 to index
        %swap3A_115 = tpu.vector_load %arg18[%swap3A_114] {strides = array<i32>} : memref<4224xi32, #tpu.memory_space<vmem>>, vector<16xi32>,
        tpu.vector_store %arg18[%swap3A_114], %broadcast_in_dim3A_3 {strides = array<i32>} : memref<4224xi32, #tpu.memory_space<vmem>>, vector<16xi32>,
        %add3A_116 = arith.constant 32 : i32
        %add3A_117 = arith.addi %scan3A_82, %add3A_116 : i32
        %swap3A_118 = arith.index_cast %add3A_117 : i32 to index
        %swap3A_119 = tpu.vector_load %arg15[%swap3A_118] {strides = array<i32>} : memref<4224xi32, #tpu.memory_space<vmem>>, vector<16xi32>,
        tpu.vector_store %arg15[%swap3A_118], %broadcast_in_dim3A_3 {strides = array<i32>} : memref<4224xi32, #tpu.memory_space<vmem>>, vector<16xi32>,
        %add3A_120 = arith.constant 32 : i32
        %add3A_121 = arith.addi %scan3A_82, %add3A_120 : i32
        %swap3A_122 = arith.index_cast %add3A_121 : i32 to index
        %swap3A_123 = tpu.vector_load %arg16[%swap3A_122] {strides = array<i32>} : memref<4224xi32, #tpu.memory_space<vmem>>, vector<16xi32>,
        tpu.vector_store %arg16[%swap3A_122], %broadcast_in_dim3A_3 {strides = array<i32>} : memref<4224xi32, #tpu.memory_space<vmem>>, vector<16xi32>,
        %add3A_124 = arith.constant 32 : i32
        %add3A_125 = arith.addi %scan3A_82, %add3A_124 : i32
        %swap3A_126 = arith.index_cast %add3A_125 : i32 to index
        %swap3A_127 = tpu.vector_load %arg17[%swap3A_126] {strides = array<i32>} : memref<4224xf32, #tpu.memory_space<vmem>>, vector<16xf32>,
        tpu.vector_store %arg17[%swap3A_126], %broadcast_in_dim3A_1 {strides = array<i32>} : memref<4224xf32, #tpu.memory_space<vmem>>, vector<16xf32>,
        %add3A_128 = arith.constant 32 : i32
        %add3A_129 = arith.addi %scan3A_82, %add3A_128 : i32
        %swap3A_130 = arith.index_cast %add3A_129 : i32 to index
        %swap3A_131 = tpu.vector_load %arg18[%swap3A_130] {strides = array<i32>} : memref<4224xi32, #tpu.memory_space<vmem>>, vector<16xi32>,
        tpu.vector_store %arg18[%swap3A_130], %broadcast_in_dim3A_3 {strides = array<i32>} : memref<4224xi32, #tpu.memory_space<vmem>>, vector<16xi32>,
        %add3A_132 = arith.constant 48 : i32
        %add3A_133 = arith.addi %scan3A_82, %add3A_132 : i32
        %swap3A_134 = arith.index_cast %add3A_133 : i32 to index
        %swap3A_135 = tpu.vector_load %arg15[%swap3A_134] {strides = array<i32>} : memref<4224xi32, #tpu.memory_space<vmem>>, vector<16xi32>,
        tpu.vector_store %arg15[%swap3A_134], %broadcast_in_dim3A_3 {strides = array<i32>} : memref<4224xi32, #tpu.memory_space<vmem>>, vector<16xi32>,
        %add3A_136 = arith.constant 48 : i32
        %add3A_137 = arith.addi %scan3A_82, %add3A_136 : i32
        %swap3A_138 = arith.index_cast %add3A_137 : i32 to index
        %swap3A_139 = tpu.vector_load %arg16[%swap3A_138] {strides = array<i32>} : memref<4224xi32, #tpu.memory_space<vmem>>, vector<16xi32>,
        tpu.vector_store %arg16[%swap3A_138], %broadcast_in_dim3A_3 {strides = array<i32>} : memref<4224xi32, #tpu.memory_space<vmem>>, vector<16xi32>,
        %add3A_140 = arith.constant 48 : i32
        %add3A_141 = arith.addi %scan3A_82, %add3A_140 : i32
        %swap3A_142 = arith.index_cast %add3A_141 : i32 to index
        %swap3A_143 = tpu.vector_load %arg17[%swap3A_142] {strides = array<i32>} : memref<4224xf32, #tpu.memory_space<vmem>>, vector<16xf32>,
        tpu.vector_store %arg17[%swap3A_142], %broadcast_in_dim3A_1 {strides = array<i32>} : memref<4224xf32, #tpu.memory_space<vmem>>, vector<16xf32>,
        %add3A_144 = arith.constant 48 : i32
        %add3A_145 = arith.addi %scan3A_82, %add3A_144 : i32
        %swap3A_146 = arith.index_cast %add3A_145 : i32 to index
        %swap3A_147 = tpu.vector_load %arg18[%swap3A_146] {strides = array<i32>} : memref<4224xi32, #tpu.memory_space<vmem>>, vector<16xi32>,
        tpu.vector_store %arg18[%swap3A_146], %broadcast_in_dim3A_3 {strides = array<i32>} : memref<4224xi32, #tpu.memory_space<vmem>>, vector<16xi32>,
        %add3A_148 = arith.constant 64 : i32
        %add3A_149 = arith.addi %scan3A_82, %add3A_148 : i32
        %swap3A_150 = arith.index_cast %add3A_149 : i32 to index
        %swap3A_151 = tpu.vector_load %arg15[%swap3A_150] {strides = array<i32>} : memref<4224xi32, #tpu.memory_space<vmem>>, vector<16xi32>,
        tpu.vector_store %arg15[%swap3A_150], %broadcast_in_dim3A_3 {strides = array<i32>} : memref<4224xi32, #tpu.memory_space<vmem>>, vector<16xi32>,
        %add3A_152 = arith.constant 64 : i32
        %add3A_153 = arith.addi %scan3A_82, %add3A_152 : i32
        %swap3A_154 = arith.index_cast %add3A_153 : i32 to index
        %swap3A_155 = tpu.vector_load %arg16[%swap3A_154] {strides = array<i32>} : memref<4224xi32, #tpu.memory_space<vmem>>, vector<16xi32>,
        tpu.vector_store %arg16[%swap3A_154], %broadcast_in_dim3A_3 {strides = array<i32>} : memref<4224xi32, #tpu.memory_space<vmem>>, vector<16xi32>,
        %add3A_156 = arith.constant 64 : i32
        %add3A_157 = arith.addi %scan3A_82, %add3A_156 : i32
        %swap3A_158 = arith.index_cast %add3A_157 : i32 to index
        %swap3A_159 = tpu.vector_load %arg17[%swap3A_158] {strides = array<i32>} : memref<4224xf32, #tpu.memory_space<vmem>>, vector<16xf32>,
        tpu.vector_store %arg17[%swap3A_158], %broadcast_in_dim3A_1 {strides = array<i32>} : memref<4224xf32, #tpu.memory_space<vmem>>, vector<16xf32>,
        %add3A_160 = arith.constant 64 : i32
        %add3A_161 = arith.addi %scan3A_82, %add3A_160 : i32
        %swap3A_162 = arith.index_cast %add3A_161 : i32 to index
        %swap3A_163 = tpu.vector_load %arg18[%swap3A_162] {strides = array<i32>} : memref<4224xi32, #tpu.memory_space<vmem>>, vector<16xi32>,
        tpu.vector_store %arg18[%swap3A_162], %broadcast_in_dim3A_3 {strides = array<i32>} : memref<4224xi32, #tpu.memory_space<vmem>>, vector<16xi32>,
        %add3A_164 = arith.constant 80 : i32
        %add3A_165 = arith.addi %scan3A_82, %add3A_164 : i32
        %swap3A_166 = arith.index_cast %add3A_165 : i32 to index
        %swap3A_167 = tpu.vector_load %arg15[%swap3A_166] {strides = array<i32>} : memref<4224xi32, #tpu.memory_space<vmem>>, vector<16xi32>,
        tpu.vector_store %arg15[%swap3A_166], %broadcast_in_dim3A_3 {strides = array<i32>} : memref<4224xi32, #tpu.memory_space<vmem>>, vector<16xi32>,
        %add3A_168 = arith.constant 80 : i32
        %add3A_169 = arith.addi %scan3A_82, %add3A_168 : i32
        %swap3A_170 = arith.index_cast %add3A_169 : i32 to index
        %swap3A_171 = tpu.vector_load %arg16[%swap3A_170] {strides = array<i32>} : memref<4224xi32, #tpu.memory_space<vmem>>, vector<16xi32>,
        tpu.vector_store %arg16[%swap3A_170], %broadcast_in_dim3A_3 {strides = array<i32>} : memref<4224xi32, #tpu.memory_space<vmem>>, vector<16xi32>,
        %add3A_172 = arith.constant 80 : i32
        %add3A_173 = arith.addi %scan3A_82, %add3A_172 : i32
        %swap3A_174 = arith.index_cast %add3A_173 : i32 to index
        %swap3A_175 = tpu.vector_load %arg17[%swap3A_174] {strides = array<i32>} : memref<4224xf32, #tpu.memory_space<vmem>>, vector<16xf32>,
        tpu.vector_store %arg17[%swap3A_174], %broadcast_in_dim3A_1 {strides = array<i32>} : memref<4224xf32, #tpu.memory_space<vmem>>, vector<16xf32>,
        %add3A_176 = arith.constant 80 : i32
        %add3A_177 = arith.addi %scan3A_82, %add3A_176 : i32
        %swap3A_178 = arith.index_cast %add3A_177 : i32 to index
        %swap3A_179 = tpu.vector_load %arg18[%swap3A_178] {strides = array<i32>} : memref<4224xi32, #tpu.memory_space<vmem>>, vector<16xi32>,
        tpu.vector_store %arg18[%swap3A_178], %broadcast_in_dim3A_3 {strides = array<i32>} : memref<4224xi32, #tpu.memory_space<vmem>>, vector<16xi32>,
        %add3A_180 = arith.constant 96 : i32
        %add3A_181 = arith.addi %scan3A_82, %add3A_180 : i32
        %swap3A_182 = arith.index_cast %add3A_181 : i32 to index
        %swap3A_183 = tpu.vector_load %arg15[%swap3A_182] {strides = array<i32>} : memref<4224xi32, #tpu.memory_space<vmem>>, vector<16xi32>,
        tpu.vector_store %arg15[%swap3A_182], %broadcast_in_dim3A_3 {strides = array<i32>} : memref<4224xi32, #tpu.memory_space<vmem>>, vector<16xi32>,
        %add3A_184 = arith.constant 96 : i32
        %add3A_185 = arith.addi %scan3A_82, %add3A_184 : i32
        %swap3A_186 = arith.index_cast %add3A_185 : i32 to index
        %swap3A_187 = tpu.vector_load %arg16[%swap3A_186] {strides = array<i32>} : memref<4224xi32, #tpu.memory_space<vmem>>, vector<16xi32>,
        tpu.vector_store %arg16[%swap3A_186], %broadcast_in_dim3A_3 {strides = array<i32>} : memref<4224xi32, #tpu.memory_space<vmem>>, vector<16xi32>,
        %add3A_188 = arith.constant 96 : i32
        %add3A_189 = arith.addi %scan3A_82, %add3A_188 : i32
        %swap3A_190 = arith.index_cast %add3A_189 : i32 to index
        %swap3A_191 = tpu.vector_load %arg17[%swap3A_190] {strides = array<i32>} : memref<4224xf32, #tpu.memory_space<vmem>>, vector<16xf32>,
        tpu.vector_store %arg17[%swap3A_190], %broadcast_in_dim3A_1 {strides = array<i32>} : memref<4224xf32, #tpu.memory_space<vmem>>, vector<16xf32>,
        %add3A_192 = arith.constant 96 : i32
        %add3A_193 = arith.addi %scan3A_82, %add3A_192 : i32
        %swap3A_194 = arith.index_cast %add3A_193 : i32 to index
        %swap3A_195 = tpu.vector_load %arg18[%swap3A_194] {strides = array<i32>} : memref<4224xi32, #tpu.memory_space<vmem>>, vector<16xi32>,
        tpu.vector_store %arg18[%swap3A_194], %broadcast_in_dim3A_3 {strides = array<i32>} : memref<4224xi32, #tpu.memory_space<vmem>>, vector<16xi32>,
        %add3A_196 = arith.constant 112 : i32
        %add3A_197 = arith.addi %scan3A_82, %add3A_196 : i32
        %swap3A_198 = arith.index_cast %add3A_197 : i32 to index
        %swap3A_199 = tpu.vector_load %arg15[%swap3A_198] {strides = array<i32>} : memref<4224xi32, #tpu.memory_space<vmem>>, vector<16xi32>,
        tpu.vector_store %arg15[%swap3A_198], %broadcast_in_dim3A_3 {strides = array<i32>} : memref<4224xi32, #tpu.memory_space<vmem>>, vector<16xi32>,
        %add3A_200 = arith.constant 112 : i32
        %add3A_201 = arith.addi %scan3A_82, %add3A_200 : i32
        %swap3A_202 = arith.index_cast %add3A_201 : i32 to index
        %swap3A_203 = tpu.vector_load %arg16[%swap3A_202] {strides = array<i32>} : memref<4224xi32, #tpu.memory_space<vmem>>, vector<16xi32>,
        tpu.vector_store %arg16[%swap3A_202], %broadcast_in_dim3A_3 {strides = array<i32>} : memref<4224xi32, #tpu.memory_space<vmem>>, vector<16xi32>,
        %add3A_204 = arith.constant 112 : i32
        %add3A_205 = arith.addi %scan3A_82, %add3A_204 : i32
        %swap3A_206 = arith.index_cast %add3A_205 : i32 to index
        %swap3A_207 = tpu.vector_load %arg17[%swap3A_206] {strides = array<i32>} : memref<4224xf32, #tpu.memory_space<vmem>>, vector<16xf32>,
        tpu.vector_store %arg17[%swap3A_206], %broadcast_in_dim3A_1 {strides = array<i32>} : memref<4224xf32, #tpu.memory_space<vmem>>, vector<16xf32>,
        %add3A_208 = arith.constant 112 : i32
        %add3A_209 = arith.addi %scan3A_82, %add3A_208 : i32
        %swap3A_210 = arith.index_cast %add3A_209 : i32 to index
        %swap3A_211 = tpu.vector_load %arg18[%swap3A_210] {strides = array<i32>} : memref<4224xi32, #tpu.memory_space<vmem>>, vector<16xi32>,
        tpu.vector_store %arg18[%swap3A_210], %broadcast_in_dim3A_3 {strides = array<i32>} : memref<4224xi32, #tpu.memory_space<vmem>>, vector<16xi32>,
        %add3A_212 = arith.constant 128 : i32
        %add3A_213 = arith.addi %scan3A_82, %add3A_212 : i32
        %sub3A = arith.constant 1 : i32
        %sub3A_214 = arith.subi %add3A_213, %sub3A : i32
        %jit3A = arith.constant 128 : i32
        %div3A = arith.divsi %sub3A_214, %jit3A : i32
        %sign3A = arith.constant 0 : i32
        %sign3A_215 = arith.cmpi sgt, %sub3A_214, %sign3A : i32
        %sign3A_216 = arith.extui %sign3A_215 : i1 to i32
        %sign3A_217 = arith.constant 0 : i32
        %sign3A_218 = arith.cmpi slt, %sub3A_214, %sign3A_217 : i32
        %sign3A_219 = arith.extui %sign3A_218 : i1 to i32
        %sign3A_220 = arith.subi %sign3A_216, %sign3A_219 : i32
        %sign3A_221 = arith.constant 0 : i32
        %sign3A_222 = arith.cmpi sgt, %jit3A, %sign3A_221 : i32
        %sign3A_223 = arith.extui %sign3A_222 : i1 to i32
        %sign3A_224 = arith.constant 0 : i32
        %sign3A_225 = arith.cmpi slt, %jit3A, %sign3A_224 : i32
        %sign3A_226 = arith.extui %sign3A_225 : i1 to i32
        %sign3A_227 = arith.subi %sign3A_223, %sign3A_226 : i32
        %ne3A = arith.cmpi ne, %sign3A_220, %sign3A_227 : i32
        %rem3A = arith.remsi %sub3A_214, %jit3A : i32
        %ne3A_228 = arith.constant 0 : i32
        %ne3A_229 = arith.cmpi ne, %rem3A, %ne3A_228 : i32
        %and3A = arith.andi %ne3A, %ne3A_229 : i1
        %sub3A_230 = arith.constant 1 : i32
        %sub3A_231 = arith.subi %div3A, %sub3A_230 : i32
        %select_n3A = arith.select %and3A, %sub3A_231, %div3A : i32
        %while3A = arith.constant 0 : i32
        %while3A_232 = arith.constant 0 : i32
        %while3A_233 = arith.subi %select_n3A, %while3A : i32
        %while3A_234 = arith.addi %while3A, %while3A_233 : i32
        %while3A_235 = arith.constant 1 : i32
        %while3A_236 = arith.divsi %while3A_233, %while3A_235 : i32
        %while3A_237 = arith.muli %while3A_236, %while3A_235 : i32
        %while3A_238 = arith.addi %while3A, %while3A_237 : i32
        %while3A_239 = arith.constant 1 : i32
        %while3A_240 = scf.for %while3A_244 = %while3A to %while3A_238 step %while3A_239 iter_args(%while3A_245 = %while3A_232) -> (i32)  : i32 {
          %mul3A_246 = arith.constant 128 : i32
          %mul3A_247 = arith.muli %while3A_244, %mul3A_246 : i32
          %add3A_248 = arith.constant 0 : i32
          %add3A_249 = arith.addi %mul3A_247, %add3A_248 : i32
          %get3A = arith.index_cast %add3A_249 : i32 to index
          %get3A_250 = tpu.vector_load %arg15[%get3A] {strides = array<i32>} : memref<4224xi32, #tpu.memory_space<vmem>>, vector<16xi32>,
          %swap3A_251 = arith.constant 0 : index
          %swap3A_252 = tpu.vector_load %arg19[%swap3A_251] {strides = array<i32>} : memref<128xi32, #tpu.memory_space<vmem>>, vector<16xi32>,
          tpu.vector_store %arg19[%swap3A_251], %get3A_250 {strides = array<i32>} : memref<128xi32, #tpu.memory_space<vmem>>, vector<16xi32>,
          %mul3A_253 = arith.constant 128 : i32
          %mul3A_254 = arith.muli %while3A_244, %mul3A_253 : i32
          %add3A_255 = arith.constant 0 : i32
          %add3A_256 = arith.addi %mul3A_254, %add3A_255 : i32
          %get3A_257 = arith.index_cast %add3A_256 : i32 to index
          %get3A_258 = tpu.vector_load %arg16[%get3A_257] {strides = array<i32>} : memref<4224xi32, #tpu.memory_space<vmem>>, vector<16xi32>,
          %swap3A_259 = arith.constant 0 : index
          %swap3A_260 = tpu.vector_load %arg20[%swap3A_259] {strides = array<i32>} : memref<128xi32, #tpu.memory_space<vmem>>, vector<16xi32>,
          tpu.vector_store %arg20[%swap3A_259], %get3A_258 {strides = array<i32>} : memref<128xi32, #tpu.memory_space<vmem>>, vector<16xi32>,
          %mul3A_261 = arith.constant 128 : i32
          %mul3A_262 = arith.muli %while3A_244, %mul3A_261 : i32
          %add3A_263 = arith.constant 16 : i32
          %add3A_264 = arith.addi %mul3A_262, %add3A_263 : i32
          %get3A_265 = arith.index_cast %add3A_264 : i32 to index
          %get3A_266 = tpu.vector_load %arg15[%get3A_265] {strides = array<i32>} : memref<4224xi32, #tpu.memory_space<vmem>>, vector<16xi32>,
          %swap3A_267 = arith.constant 16 : index
          %swap3A_268 = tpu.vector_load %arg19[%swap3A_267] {strides = array<i32>} : memref<128xi32, #tpu.memory_space<vmem>>, vector<16xi32>,
          tpu.vector_store %arg19[%swap3A_267], %get3A_266 {strides = array<i32>} : memref<128xi32, #tpu.memory_space<vmem>>, vector<16xi32>,
          %mul3A_269 = arith.constant 128 : i32
          %mul3A_270 = arith.muli %while3A_244, %mul3A_269 : i32
          %add3A_271 = arith.constant 16 : i32
          %add3A_272 = arith.addi %mul3A_270, %add3A_271 : i32
          %get3A_273 = arith.index_cast %add3A_272 : i32 to index
          %get3A_274 = tpu.vector_load %arg16[%get3A_273] {strides = array<i32>} : memref<4224xi32, #tpu.memory_space<vmem>>, vector<16xi32>,
          %swap3A_275 = arith.constant 16 : index
          %swap3A_276 = tpu.vector_load %arg20[%swap3A_275] {strides = array<i32>} : memref<128xi32, #tpu.memory_space<vmem>>, vector<16xi32>,
          tpu.vector_store %arg20[%swap3A_275], %get3A_274 {strides = array<i32>} : memref<128xi32, #tpu.memory_space<vmem>>, vector<16xi32>,
          %mul3A_277 = arith.constant 128 : i32
          %mul3A_278 = arith.muli %while3A_244, %mul3A_277 : i32
          %add3A_279 = arith.constant 32 : i32
          %add3A_280 = arith.addi %mul3A_278, %add3A_279 : i32
          %get3A_281 = arith.index_cast %add3A_280 : i32 to index
          %get3A_282 = tpu.vector_load %arg15[%get3A_281] {strides = array<i32>} : memref<4224xi32, #tpu.memory_space<vmem>>, vector<16xi32>,
          %swap3A_283 = arith.constant 32 : index
          %swap3A_284 = tpu.vector_load %arg19[%swap3A_283] {strides = array<i32>} : memref<128xi32, #tpu.memory_space<vmem>>, vector<16xi32>,
          tpu.vector_store %arg19[%swap3A_283], %get3A_282 {strides = array<i32>} : memref<128xi32, #tpu.memory_space<vmem>>, vector<16xi32>,
          %mul3A_285 = arith.constant 128 : i32
          %mul3A_286 = arith.muli %while3A_244, %mul3A_285 : i32
          %add3A_287 = arith.constant 32 : i32
          %add3A_288 = arith.addi %mul3A_286, %add3A_287 : i32
          %get3A_289 = arith.index_cast %add3A_288 : i32 to index
          %get3A_290 = tpu.vector_load %arg16[%get3A_289] {strides = array<i32>} : memref<4224xi32, #tpu.memory_space<vmem>>, vector<16xi32>,
          %swap3A_291 = arith.constant 32 : index
          %swap3A_292 = tpu.vector_load %arg20[%swap3A_291] {strides = array<i32>} : memref<128xi32, #tpu.memory_space<vmem>>, vector<16xi32>,
          tpu.vector_store %arg20[%swap3A_291], %get3A_290 {strides = array<i32>} : memref<128xi32, #tpu.memory_space<vmem>>, vector<16xi32>,
          %mul3A_293 = arith.constant 128 : i32
          %mul3A_294 = arith.muli %while3A_244, %mul3A_293 : i32
          %add3A_295 = arith.constant 48 : i32
          %add3A_296 = arith.addi %mul3A_294, %add3A_295 : i32
          %get3A_297 = arith.index_cast %add3A_296 : i32 to index
          %get3A_298 = tpu.vector_load %arg15[%get3A_297] {strides = array<i32>} : memref<4224xi32, #tpu.memory_space<vmem>>, vector<16xi32>,
          %swap3A_299 = arith.constant 48 : index
          %swap3A_300 = tpu.vector_load %arg19[%swap3A_299] {strides = array<i32>} : memref<128xi32, #tpu.memory_space<vmem>>, vector<16xi32>,
          tpu.vector_store %arg19[%swap3A_299], %get3A_298 {strides = array<i32>} : memref<128xi32, #tpu.memory_space<vmem>>, vector<16xi32>,
          %mul3A_301 = arith.constant 128 : i32
          %mul3A_302 = arith.muli %while3A_244, %mul3A_301 : i32
          %add3A_303 = arith.constant 48 : i32
          %add3A_304 = arith.addi %mul3A_302, %add3A_303 : i32
          %get3A_305 = arith.index_cast %add3A_304 : i32 to index
          %get3A_306 = tpu.vector_load %arg16[%get3A_305] {strides = array<i32>} : memref<4224xi32, #tpu.memory_space<vmem>>, vector<16xi32>,
          %swap3A_307 = arith.constant 48 : index
          %swap3A_308 = tpu.vector_load %arg20[%swap3A_307] {strides = array<i32>} : memref<128xi32, #tpu.memory_space<vmem>>, vector<16xi32>,
          tpu.vector_store %arg20[%swap3A_307], %get3A_306 {strides = array<i32>} : memref<128xi32, #tpu.memory_space<vmem>>, vector<16xi32>,
          %mul3A_309 = arith.constant 128 : i32
          %mul3A_310 = arith.muli %while3A_244, %mul3A_309 : i32
          %add3A_311 = arith.constant 64 : i32
          %add3A_312 = arith.addi %mul3A_310, %add3A_311 : i32
          %get3A_313 = arith.index_cast %add3A_312 : i32 to index
          %get3A_314 = tpu.vector_load %arg15[%get3A_313] {strides = array<i32>} : memref<4224xi32, #tpu.memory_space<vmem>>, vector<16xi32>,
          %swap3A_315 = arith.constant 64 : index
          %swap3A_316 = tpu.vector_load %arg19[%swap3A_315] {strides = array<i32>} : memref<128xi32, #tpu.memory_space<vmem>>, vector<16xi32>,
          tpu.vector_store %arg19[%swap3A_315], %get3A_314 {strides = array<i32>} : memref<128xi32, #tpu.memory_space<vmem>>, vector<16xi32>,
          %mul3A_317 = arith.constant 128 : i32
          %mul3A_318 = arith.muli %while3A_244, %mul3A_317 : i32
          %add3A_319 = arith.constant 64 : i32
          %add3A_320 = arith.addi %mul3A_318, %add3A_319 : i32
          %get3A_321 = arith.index_cast %add3A_320 : i32 to index
          %get3A_322 = tpu.vector_load %arg16[%get3A_321] {strides = array<i32>} : memref<4224xi32, #tpu.memory_space<vmem>>, vector<16xi32>,
          %swap3A_323 = arith.constant 64 : index
          %swap3A_324 = tpu.vector_load %arg20[%swap3A_323] {strides = array<i32>} : memref<128xi32, #tpu.memory_space<vmem>>, vector<16xi32>,
          tpu.vector_store %arg20[%swap3A_323], %get3A_322 {strides = array<i32>} : memref<128xi32, #tpu.memory_space<vmem>>, vector<16xi32>,
          %mul3A_325 = arith.constant 128 : i32
          %mul3A_326 = arith.muli %while3A_244, %mul3A_325 : i32
          %add3A_327 = arith.constant 80 : i32
          %add3A_328 = arith.addi %mul3A_326, %add3A_327 : i32
          %get3A_329 = arith.index_cast %add3A_328 : i32 to index
          %get3A_330 = tpu.vector_load %arg15[%get3A_329] {strides = array<i32>} : memref<4224xi32, #tpu.memory_space<vmem>>, vector<16xi32>,
          %swap3A_331 = arith.constant 80 : index
          %swap3A_332 = tpu.vector_load %arg19[%swap3A_331] {strides = array<i32>} : memref<128xi32, #tpu.memory_space<vmem>>, vector<16xi32>,
          tpu.vector_store %arg19[%swap3A_331], %get3A_330 {strides = array<i32>} : memref<128xi32, #tpu.memory_space<vmem>>, vector<16xi32>,
          %mul3A_333 = arith.constant 128 : i32
          %mul3A_334 = arith.muli %while3A_244, %mul3A_333 : i32
          %add3A_335 = arith.constant 80 : i32
          %add3A_336 = arith.addi %mul3A_334, %add3A_335 : i32
          %get3A_337 = arith.index_cast %add3A_336 : i32 to index
          %get3A_338 = tpu.vector_load %arg16[%get3A_337] {strides = array<i32>} : memref<4224xi32, #tpu.memory_space<vmem>>, vector<16xi32>,
          %swap3A_339 = arith.constant 80 : index
          %swap3A_340 = tpu.vector_load %arg20[%swap3A_339] {strides = array<i32>} : memref<128xi32, #tpu.memory_space<vmem>>, vector<16xi32>,
          tpu.vector_store %arg20[%swap3A_339], %get3A_338 {strides = array<i32>} : memref<128xi32, #tpu.memory_space<vmem>>, vector<16xi32>,
          %mul3A_341 = arith.constant 128 : i32
          %mul3A_342 = arith.muli %while3A_244, %mul3A_341 : i32
          %add3A_343 = arith.constant 96 : i32
          %add3A_344 = arith.addi %mul3A_342, %add3A_343 : i32
          %get3A_345 = arith.index_cast %add3A_344 : i32 to index
          %get3A_346 = tpu.vector_load %arg15[%get3A_345] {strides = array<i32>} : memref<4224xi32, #tpu.memory_space<vmem>>, vector<16xi32>,
          %swap3A_347 = arith.constant 96 : index
          %swap3A_348 = tpu.vector_load %arg19[%swap3A_347] {strides = array<i32>} : memref<128xi32, #tpu.memory_space<vmem>>, vector<16xi32>,
          tpu.vector_store %arg19[%swap3A_347], %get3A_346 {strides = array<i32>} : memref<128xi32, #tpu.memory_space<vmem>>, vector<16xi32>,
          %mul3A_349 = arith.constant 128 : i32
          %mul3A_350 = arith.muli %while3A_244, %mul3A_349 : i32
          %add3A_351 = arith.constant 96 : i32
          %add3A_352 = arith.addi %mul3A_350, %add3A_351 : i32
          %get3A_353 = arith.index_cast %add3A_352 : i32 to index
          %get3A_354 = tpu.vector_load %arg16[%get3A_353] {strides = array<i32>} : memref<4224xi32, #tpu.memory_space<vmem>>, vector<16xi32>,
          %swap3A_355 = arith.constant 96 : index
          %swap3A_356 = tpu.vector_load %arg20[%swap3A_355] {strides = array<i32>} : memref<128xi32, #tpu.memory_space<vmem>>, vector<16xi32>,
          tpu.vector_store %arg20[%swap3A_355], %get3A_354 {strides = array<i32>} : memref<128xi32, #tpu.memory_space<vmem>>, vector<16xi32>,
          %mul3A_357 = arith.constant 128 : i32
          %mul3A_358 = arith.muli %while3A_244, %mul3A_357 : i32
          %add3A_359 = arith.constant 112 : i32
          %add3A_360 = arith.addi %mul3A_358, %add3A_359 : i32
          %get3A_361 = arith.index_cast %add3A_360 : i32 to index
          %get3A_362 = tpu.vector_load %arg15[%get3A_361] {strides = array<i32>} : memref<4224xi32, #tpu.memory_space<vmem>>, vector<16xi32>,
          %swap3A_363 = arith.constant 112 : index
          %swap3A_364 = tpu.vector_load %arg19[%swap3A_363] {strides = array<i32>} : memref<128xi32, #tpu.memory_space<vmem>>, vector<16xi32>,
          tpu.vector_store %arg19[%swap3A_363], %get3A_362 {strides = array<i32>} : memref<128xi32, #tpu.memory_space<vmem>>, vector<16xi32>,
          %mul3A_365 = arith.constant 128 : i32
          %mul3A_366 = arith.muli %while3A_244, %mul3A_365 : i32
          %add3A_367 = arith.constant 112 : i32
          %add3A_368 = arith.addi %mul3A_366, %add3A_367 : i32
          %get3A_369 = arith.index_cast %add3A_368 : i32 to index
          %get3A_370 = tpu.vector_load %arg16[%get3A_369] {strides = array<i32>} : memref<4224xi32, #tpu.memory_space<vmem>>, vector<16xi32>,
          %swap3A_371 = arith.constant 112 : index
          %swap3A_372 = tpu.vector_load %arg20[%swap3A_371] {strides = array<i32>} : memref<128xi32, #tpu.memory_space<vmem>>, vector<16xi32>,
          tpu.vector_store %arg20[%swap3A_371], %get3A_370 {strides = array<i32>} : memref<128xi32, #tpu.memory_space<vmem>>, vector<16xi32>,
          "tpu.region"() ({
            %run_scoped3A = tpu.sem_alloc : memref<!tpu.dma_semaphore, #tpu.memory_space<semaphore_mem>>
            %dma_start3A = arith.constant 0 : i32
            %dma_start3A_381 = arith.constant 0 : i32
            %dma_start3A_382 = tpu.memref_slice %arg2[%dma_start3A, %dma_start3A_381] : memref<65536x96xf32, #tpu.memory_space<hbm>> -> memref<65536x96xf32, #tpu.memory_space<hbm>>
            tpu.enqueue_indirect_dma source(%dma_start3A_382 : memref<65536x96xf32, #tpu.memory_space<hbm>>) target(%arg21 : memref<128x96xf32, #tpu.memory_space<vmem>>) offsets(%arg20 : memref<128xi32, #tpu.memory_space<vmem>>) semaphore(%run_scoped3A : memref<!tpu.dma_semaphore, #tpu.memory_space<semaphore_mem>>)
            %dma_wait3A = arith.constant 0 : i32
            %dma_wait3A_383 = arith.constant 0 : i32
            %dma_wait3A_384 = tpu.memref_slice %arg2[%dma_wait3A, %dma_wait3A_383] : memref<65536x96xf32, #tpu.memory_space<hbm>> -> memref<65536x96xf32, #tpu.memory_space<hbm>>
            tpu.wait_indirect_dma semaphore(%run_scoped3A : memref<!tpu.dma_semaphore, #tpu.memory_space<semaphore_mem>>) src(%dma_wait3A_384 : memref<65536x96xf32, #tpu.memory_space<hbm>>) dst(%arg21 : memref<128x96xf32, #tpu.memory_space<vmem>>)
            tpu.yield
          }) : () -> ()
          %scan3A_373 = arith.constant 0 : i32
          %scan3A_374 = arith.constant 0 : i32
          %scan3A_375 = arith.constant 128 : i32
          %scan3A_376 = arith.addi %scan3A_374, %scan3A_375 : i32
          %scan3A_377 = arith.constant 1 : i32
          %scan3A_378 = scf.for %scan3A_381 = %scan3A_374 to %scan3A_376 step %scan3A_377 iter_args(%scan3A_382 = %scan3A_373) -> (i32)  : i32 {
            %mul3A_383 = arith.constant 128 : i32
            %mul3A_384 = arith.muli %while3A_244, %mul3A_383 : i32
            %add3A_385 = arith.addi %mul3A_384, %scan3A_381 : i32
            %broadcast_in_dim3A_386 = vector.broadcast %add3A_385 : i32 to vector<16xi32>
            %gather3A = tpu.vector_load_idx %arg18[%broadcast_in_dim3A_386] : memref<4224xi32, #tpu.memory_space<vmem>>[vector<16xi32>], vector<16xi32>,
            %broadcast_in_dim3A_387 = vector.broadcast %add3A_385 : i32 to vector<16xi32>
            %gather3A_388 = tpu.vector_load_idx %arg17[%broadcast_in_dim3A_387] : memref<4224xf32, #tpu.memory_space<vmem>>[vector<16xi32>], vector<16xf32>,
            %broadcast_in_dim3A_389 = vector.broadcast %scan3A_381 : i32 to vector<16xi32>
            %add3A_390 = arith.constant 0 : i32
            %add3A_391 = vector.broadcast %add3A_390 : i32 to vector<16xi32>
            %add3A_392 = arith.addi %iota3A, %add3A_391 : vector<16xi32>
            %sub3A_393 = arith.subi %add3A_392, %gather3A : vector<16xi32>
            %ge3A = arith.constant 0 : i32
            %ge3A_394 = vector.broadcast %ge3A : i32 to vector<16xi32>
            %ge3A_395 = arith.cmpi sge, %sub3A_393, %ge3A_394 : vector<16xi32>
            %gather3A_396 = tpu.vector_load_idx %arg21[%broadcast_in_dim3A_389, %sub3A_393] masked %ge3A_395 : memref<128x96xf32, #tpu.memory_space<vmem>>[vector<16xi32>, vector<16xi32>], vector<16xf32>, vector<16xi1>
            %jit3A_397 = arith.constant 0.000000e+00 : f32
            %broadcast_in_dim3A_398 = vector.broadcast %jit3A_397 : f32 to vector<16xf32>
            %select_n3A_399 = arith.select %ge3A_395, %gather3A_396, %broadcast_in_dim3A_398 : vector<16xi1>, vector<16xf32>
            %mul3A_400 = arith.mulf %select_n3A_399, %gather3A_388 : vector<16xf32>
            tpu.vector_store_idx %arg22[%broadcast_in_dim3A_389, %add3A_392], %mul3A_400 : memref<128x96xf32, #tpu.memory_space<vmem>>[vector<16xi32>, vector<16xi32>], vector<16xf32>,
            %add3A_401 = arith.constant 16 : i32
            %add3A_402 = vector.broadcast %add3A_401 : i32 to vector<16xi32>
            %add3A_403 = arith.addi %iota3A, %add3A_402 : vector<16xi32>
            %sub3A_404 = arith.subi %add3A_403, %gather3A : vector<16xi32>
            %ge3A_405 = arith.constant 0 : i32
            %ge3A_406 = vector.broadcast %ge3A_405 : i32 to vector<16xi32>
            %ge3A_407 = arith.cmpi sge, %sub3A_404, %ge3A_406 : vector<16xi32>
            %gather3A_408 = tpu.vector_load_idx %arg21[%broadcast_in_dim3A_389, %sub3A_404] masked %ge3A_407 : memref<128x96xf32, #tpu.memory_space<vmem>>[vector<16xi32>, vector<16xi32>], vector<16xf32>, vector<16xi1>
            %jit3A_409 = arith.constant 0.000000e+00 : f32
            %broadcast_in_dim3A_410 = vector.broadcast %jit3A_409 : f32 to vector<16xf32>
            %select_n3A_411 = arith.select %ge3A_407, %gather3A_408, %broadcast_in_dim3A_410 : vector<16xi1>, vector<16xf32>
            %mul3A_412 = arith.mulf %select_n3A_411, %gather3A_388 : vector<16xf32>
            tpu.vector_store_idx %arg22[%broadcast_in_dim3A_389, %add3A_403], %mul3A_412 : memref<128x96xf32, #tpu.memory_space<vmem>>[vector<16xi32>, vector<16xi32>], vector<16xf32>,
            %add3A_413 = arith.constant 32 : i32
            %add3A_414 = vector.broadcast %add3A_413 : i32 to vector<16xi32>
            %add3A_415 = arith.addi %iota3A, %add3A_414 : vector<16xi32>
            %sub3A_416 = arith.subi %add3A_415, %gather3A : vector<16xi32>
            %ge3A_417 = arith.constant 0 : i32
            %ge3A_418 = vector.broadcast %ge3A_417 : i32 to vector<16xi32>
            %ge3A_419 = arith.cmpi sge, %sub3A_416, %ge3A_418 : vector<16xi32>
            %gather3A_420 = tpu.vector_load_idx %arg21[%broadcast_in_dim3A_389, %sub3A_416] masked %ge3A_419 : memref<128x96xf32, #tpu.memory_space<vmem>>[vector<16xi32>, vector<16xi32>], vector<16xf32>, vector<16xi1>
            %jit3A_421 = arith.constant 0.000000e+00 : f32
            %broadcast_in_dim3A_422 = vector.broadcast %jit3A_421 : f32 to vector<16xf32>
            %select_n3A_423 = arith.select %ge3A_419, %gather3A_420, %broadcast_in_dim3A_422 : vector<16xi1>, vector<16xf32>
            %mul3A_424 = arith.mulf %select_n3A_423, %gather3A_388 : vector<16xf32>
            tpu.vector_store_idx %arg22[%broadcast_in_dim3A_389, %add3A_415], %mul3A_424 : memref<128x96xf32, #tpu.memory_space<vmem>>[vector<16xi32>, vector<16xi32>], vector<16xf32>,
            %add3A_425 = arith.constant 48 : i32
            %add3A_426 = vector.broadcast %add3A_425 : i32 to vector<16xi32>
            %add3A_427 = arith.addi %iota3A, %add3A_426 : vector<16xi32>
            %sub3A_428 = arith.subi %add3A_427, %gather3A : vector<16xi32>
            %ge3A_429 = arith.constant 0 : i32
            %ge3A_430 = vector.broadcast %ge3A_429 : i32 to vector<16xi32>
            %ge3A_431 = arith.cmpi sge, %sub3A_428, %ge3A_430 : vector<16xi32>
            %gather3A_432 = tpu.vector_load_idx %arg21[%broadcast_in_dim3A_389, %sub3A_428] masked %ge3A_431 : memref<128x96xf32, #tpu.memory_space<vmem>>[vector<16xi32>, vector<16xi32>], vector<16xf32>, vector<16xi1>
            %jit3A_433 = arith.constant 0.000000e+00 : f32
            %broadcast_in_dim3A_434 = vector.broadcast %jit3A_433 : f32 to vector<16xf32>
            %select_n3A_435 = arith.select %ge3A_431, %gather3A_432, %broadcast_in_dim3A_434 : vector<16xi1>, vector<16xf32>
            %mul3A_436 = arith.mulf %select_n3A_435, %gather3A_388 : vector<16xf32>
            tpu.vector_store_idx %arg22[%broadcast_in_dim3A_389, %add3A_427], %mul3A_436 : memref<128x96xf32, #tpu.memory_space<vmem>>[vector<16xi32>, vector<16xi32>], vector<16xf32>,
            %add3A_437 = arith.constant 64 : i32
            %add3A_438 = vector.broadcast %add3A_437 : i32 to vector<16xi32>
            %add3A_439 = arith.addi %iota3A, %add3A_438 : vector<16xi32>
            %sub3A_440 = arith.subi %add3A_439, %gather3A : vector<16xi32>
            %ge3A_441 = arith.constant 0 : i32
            %ge3A_442 = vector.broadcast %ge3A_441 : i32 to vector<16xi32>
            %ge3A_443 = arith.cmpi sge, %sub3A_440, %ge3A_442 : vector<16xi32>
            %gather3A_444 = tpu.vector_load_idx %arg21[%broadcast_in_dim3A_389, %sub3A_440] masked %ge3A_443 : memref<128x96xf32, #tpu.memory_space<vmem>>[vector<16xi32>, vector<16xi32>], vector<16xf32>, vector<16xi1>
            %jit3A_445 = arith.constant 0.000000e+00 : f32
            %broadcast_in_dim3A_446 = vector.broadcast %jit3A_445 : f32 to vector<16xf32>
            %select_n3A_447 = arith.select %ge3A_443, %gather3A_444, %broadcast_in_dim3A_446 : vector<16xi1>, vector<16xf32>
            %mul3A_448 = arith.mulf %select_n3A_447, %gather3A_388 : vector<16xf32>
            tpu.vector_store_idx %arg22[%broadcast_in_dim3A_389, %add3A_439], %mul3A_448 : memref<128x96xf32, #tpu.memory_space<vmem>>[vector<16xi32>, vector<16xi32>], vector<16xf32>,
            %add3A_449 = arith.constant 80 : i32
            %add3A_450 = vector.broadcast %add3A_449 : i32 to vector<16xi32>
            %add3A_451 = arith.addi %iota3A, %add3A_450 : vector<16xi32>
            %sub3A_452 = arith.subi %add3A_451, %gather3A : vector<16xi32>
            %ge3A_453 = arith.constant 0 : i32
            %ge3A_454 = vector.broadcast %ge3A_453 : i32 to vector<16xi32>
            %ge3A_455 = arith.cmpi sge, %sub3A_452, %ge3A_454 : vector<16xi32>
            %gather3A_456 = tpu.vector_load_idx %arg21[%broadcast_in_dim3A_389, %sub3A_452] masked %ge3A_455 : memref<128x96xf32, #tpu.memory_space<vmem>>[vector<16xi32>, vector<16xi32>], vector<16xf32>, vector<16xi1>
            %jit3A_457 = arith.constant 0.000000e+00 : f32
            %broadcast_in_dim3A_458 = vector.broadcast %jit3A_457 : f32 to vector<16xf32>
            %select_n3A_459 = arith.select %ge3A_455, %gather3A_456, %broadcast_in_dim3A_458 : vector<16xi1>, vector<16xf32>
            %mul3A_460 = arith.mulf %select_n3A_459, %gather3A_388 : vector<16xf32>
            tpu.vector_store_idx %arg22[%broadcast_in_dim3A_389, %add3A_451], %mul3A_460 : memref<128x96xf32, #tpu.memory_space<vmem>>[vector<16xi32>, vector<16xi32>], vector<16xf32>,
            %scan3A_461 = arith.constant 0 : i32
            scf.yield %scan3A_461 : i32
          }
          %scan3A_379 = arith.constant 128 : i32
          "tpu.region"() ({
            %run_scoped3A = tpu.sem_alloc : memref<!tpu.dma_semaphore, #tpu.memory_space<semaphore_mem>>
            %dma_start3A = arith.constant 0 : i32
            %dma_start3A_381 = arith.constant 0 : i32
            %dma_start3A_382 = tpu.memref_slice %arg10[%dma_start3A, %dma_start3A_381] : memref<8192x96xf32, #tpu.memory_space<vmem_shared>> -> memref<8192x96xf32, #tpu.memory_space<vmem_shared>>
            tpu.enqueue_indirect_dma source(%arg22 : memref<128x96xf32, #tpu.memory_space<vmem>>) target(%dma_start3A_382 : memref<8192x96xf32, #tpu.memory_space<vmem_shared>>) offsets(%arg19 : memref<128xi32, #tpu.memory_space<vmem>>) semaphore(%run_scoped3A : memref<!tpu.dma_semaphore, #tpu.memory_space<semaphore_mem>>) {add = true}
            %dma_wait3A = arith.constant 0 : i32
            %dma_wait3A_383 = arith.constant 0 : i32
            %dma_wait3A_384 = tpu.memref_slice %arg10[%dma_wait3A, %dma_wait3A_383] : memref<8192x96xf32, #tpu.memory_space<vmem_shared>> -> memref<8192x96xf32, #tpu.memory_space<vmem_shared>>
            tpu.wait_indirect_dma semaphore(%run_scoped3A : memref<!tpu.dma_semaphore, #tpu.memory_space<semaphore_mem>>) src(%arg22 : memref<128x96xf32, #tpu.memory_space<vmem>>) dst(%dma_wait3A_384 : memref<8192x96xf32, #tpu.memory_space<vmem_shared>>)
            tpu.yield
          }) : () -> ()
          %while3A_380 = arith.constant 0 : i32
          scf.yield %while3A_380 : i32
        }
        %while3A_241 = arith.constant 1 : i32
        %while3A_242 = scf.for %while3A_244 = %while3A_238 to %while3A_234 step %while3A_241 iter_args(%while3A_245 = %while3A_240) -> (i32)  : i32 {
          %mul3A_246 = arith.constant 128 : i32
          %mul3A_247 = arith.muli %while3A_244, %mul3A_246 : i32
          %add3A_248 = arith.constant 0 : i32
          %add3A_249 = arith.addi %mul3A_247, %add3A_248 : i32
          %get3A = arith.index_cast %add3A_249 : i32 to index
          %get3A_250 = tpu.vector_load %arg15[%get3A] {strides = array<i32>} : memref<4224xi32, #tpu.memory_space<vmem>>, vector<16xi32>,
          %swap3A_251 = arith.constant 0 : index
          %swap3A_252 = tpu.vector_load %arg19[%swap3A_251] {strides = array<i32>} : memref<128xi32, #tpu.memory_space<vmem>>, vector<16xi32>,
          tpu.vector_store %arg19[%swap3A_251], %get3A_250 {strides = array<i32>} : memref<128xi32, #tpu.memory_space<vmem>>, vector<16xi32>,
          %mul3A_253 = arith.constant 128 : i32
          %mul3A_254 = arith.muli %while3A_244, %mul3A_253 : i32
          %add3A_255 = arith.constant 0 : i32
          %add3A_256 = arith.addi %mul3A_254, %add3A_255 : i32
          %get3A_257 = arith.index_cast %add3A_256 : i32 to index
          %get3A_258 = tpu.vector_load %arg16[%get3A_257] {strides = array<i32>} : memref<4224xi32, #tpu.memory_space<vmem>>, vector<16xi32>,
          %swap3A_259 = arith.constant 0 : index
          %swap3A_260 = tpu.vector_load %arg20[%swap3A_259] {strides = array<i32>} : memref<128xi32, #tpu.memory_space<vmem>>, vector<16xi32>,
          tpu.vector_store %arg20[%swap3A_259], %get3A_258 {strides = array<i32>} : memref<128xi32, #tpu.memory_space<vmem>>, vector<16xi32>,
          %mul3A_261 = arith.constant 128 : i32
          %mul3A_262 = arith.muli %while3A_244, %mul3A_261 : i32
          %add3A_263 = arith.constant 16 : i32
          %add3A_264 = arith.addi %mul3A_262, %add3A_263 : i32
          %get3A_265 = arith.index_cast %add3A_264 : i32 to index
          %get3A_266 = tpu.vector_load %arg15[%get3A_265] {strides = array<i32>} : memref<4224xi32, #tpu.memory_space<vmem>>, vector<16xi32>,
          %swap3A_267 = arith.constant 16 : index
          %swap3A_268 = tpu.vector_load %arg19[%swap3A_267] {strides = array<i32>} : memref<128xi32, #tpu.memory_space<vmem>>, vector<16xi32>,
          tpu.vector_store %arg19[%swap3A_267], %get3A_266 {strides = array<i32>} : memref<128xi32, #tpu.memory_space<vmem>>, vector<16xi32>,
          %mul3A_269 = arith.constant 128 : i32
          %mul3A_270 = arith.muli %while3A_244, %mul3A_269 : i32
          %add3A_271 = arith.constant 16 : i32
          %add3A_272 = arith.addi %mul3A_270, %add3A_271 : i32
          %get3A_273 = arith.index_cast %add3A_272 : i32 to index
          %get3A_274 = tpu.vector_load %arg16[%get3A_273] {strides = array<i32>} : memref<4224xi32, #tpu.memory_space<vmem>>, vector<16xi32>,
          %swap3A_275 = arith.constant 16 : index
          %swap3A_276 = tpu.vector_load %arg20[%swap3A_275] {strides = array<i32>} : memref<128xi32, #tpu.memory_space<vmem>>, vector<16xi32>,
          tpu.vector_store %arg20[%swap3A_275], %get3A_274 {strides = array<i32>} : memref<128xi32, #tpu.memory_space<vmem>>, vector<16xi32>,
          %mul3A_277 = arith.constant 128 : i32
          %mul3A_278 = arith.muli %while3A_244, %mul3A_277 : i32
          %add3A_279 = arith.constant 32 : i32
          %add3A_280 = arith.addi %mul3A_278, %add3A_279 : i32
          %get3A_281 = arith.index_cast %add3A_280 : i32 to index
          %get3A_282 = tpu.vector_load %arg15[%get3A_281] {strides = array<i32>} : memref<4224xi32, #tpu.memory_space<vmem>>, vector<16xi32>,
          %swap3A_283 = arith.constant 32 : index
          %swap3A_284 = tpu.vector_load %arg19[%swap3A_283] {strides = array<i32>} : memref<128xi32, #tpu.memory_space<vmem>>, vector<16xi32>,
          tpu.vector_store %arg19[%swap3A_283], %get3A_282 {strides = array<i32>} : memref<128xi32, #tpu.memory_space<vmem>>, vector<16xi32>,
          %mul3A_285 = arith.constant 128 : i32
          %mul3A_286 = arith.muli %while3A_244, %mul3A_285 : i32
          %add3A_287 = arith.constant 32 : i32
          %add3A_288 = arith.addi %mul3A_286, %add3A_287 : i32
          %get3A_289 = arith.index_cast %add3A_288 : i32 to index
          %get3A_290 = tpu.vector_load %arg16[%get3A_289] {strides = array<i32>} : memref<4224xi32, #tpu.memory_space<vmem>>, vector<16xi32>,
          %swap3A_291 = arith.constant 32 : index
          %swap3A_292 = tpu.vector_load %arg20[%swap3A_291] {strides = array<i32>} : memref<128xi32, #tpu.memory_space<vmem>>, vector<16xi32>,
          tpu.vector_store %arg20[%swap3A_291], %get3A_290 {strides = array<i32>} : memref<128xi32, #tpu.memory_space<vmem>>, vector<16xi32>,
          %mul3A_293 = arith.constant 128 : i32
          %mul3A_294 = arith.muli %while3A_244, %mul3A_293 : i32
          %add3A_295 = arith.constant 48 : i32
          %add3A_296 = arith.addi %mul3A_294, %add3A_295 : i32
          %get3A_297 = arith.index_cast %add3A_296 : i32 to index
          %get3A_298 = tpu.vector_load %arg15[%get3A_297] {strides = array<i32>} : memref<4224xi32, #tpu.memory_space<vmem>>, vector<16xi32>,
          %swap3A_299 = arith.constant 48 : index
          %swap3A_300 = tpu.vector_load %arg19[%swap3A_299] {strides = array<i32>} : memref<128xi32, #tpu.memory_space<vmem>>, vector<16xi32>,
          tpu.vector_store %arg19[%swap3A_299], %get3A_298 {strides = array<i32>} : memref<128xi32, #tpu.memory_space<vmem>>, vector<16xi32>,
          %mul3A_301 = arith.constant 128 : i32
          %mul3A_302 = arith.muli %while3A_244, %mul3A_301 : i32
          %add3A_303 = arith.constant 48 : i32
          %add3A_304 = arith.addi %mul3A_302, %add3A_303 : i32
          %get3A_305 = arith.index_cast %add3A_304 : i32 to index
          %get3A_306 = tpu.vector_load %arg16[%get3A_305] {strides = array<i32>} : memref<4224xi32, #tpu.memory_space<vmem>>, vector<16xi32>,
          %swap3A_307 = arith.constant 48 : index
          %swap3A_308 = tpu.vector_load %arg20[%swap3A_307] {strides = array<i32>} : memref<128xi32, #tpu.memory_space<vmem>>, vector<16xi32>,
          tpu.vector_store %arg20[%swap3A_307], %get3A_306 {strides = array<i32>} : memref<128xi32, #tpu.memory_space<vmem>>, vector<16xi32>,
          %mul3A_309 = arith.constant 128 : i32
          %mul3A_310 = arith.muli %while3A_244, %mul3A_309 : i32
          %add3A_311 = arith.constant 64 : i32
          %add3A_312 = arith.addi %mul3A_310, %add3A_311 : i32
          %get3A_313 = arith.index_cast %add3A_312 : i32 to index
          %get3A_314 = tpu.vector_load %arg15[%get3A_313] {strides = array<i32>} : memref<4224xi32, #tpu.memory_space<vmem>>, vector<16xi32>,
          %swap3A_315 = arith.constant 64 : index
          %swap3A_316 = tpu.vector_load %arg19[%swap3A_315] {strides = array<i32>} : memref<128xi32, #tpu.memory_space<vmem>>, vector<16xi32>,
          tpu.vector_store %arg19[%swap3A_315], %get3A_314 {strides = array<i32>} : memref<128xi32, #tpu.memory_space<vmem>>, vector<16xi32>,
          %mul3A_317 = arith.constant 128 : i32
          %mul3A_318 = arith.muli %while3A_244, %mul3A_317 : i32
          %add3A_319 = arith.constant 64 : i32
          %add3A_320 = arith.addi %mul3A_318, %add3A_319 : i32
          %get3A_321 = arith.index_cast %add3A_320 : i32 to index
          %get3A_322 = tpu.vector_load %arg16[%get3A_321] {strides = array<i32>} : memref<4224xi32, #tpu.memory_space<vmem>>, vector<16xi32>,
          %swap3A_323 = arith.constant 64 : index
          %swap3A_324 = tpu.vector_load %arg20[%swap3A_323] {strides = array<i32>} : memref<128xi32, #tpu.memory_space<vmem>>, vector<16xi32>,
          tpu.vector_store %arg20[%swap3A_323], %get3A_322 {strides = array<i32>} : memref<128xi32, #tpu.memory_space<vmem>>, vector<16xi32>,
          %mul3A_325 = arith.constant 128 : i32
          %mul3A_326 = arith.muli %while3A_244, %mul3A_325 : i32
          %add3A_327 = arith.constant 80 : i32
          %add3A_328 = arith.addi %mul3A_326, %add3A_327 : i32
          %get3A_329 = arith.index_cast %add3A_328 : i32 to index
          %get3A_330 = tpu.vector_load %arg15[%get3A_329] {strides = array<i32>} : memref<4224xi32, #tpu.memory_space<vmem>>, vector<16xi32>,
          %swap3A_331 = arith.constant 80 : index
          %swap3A_332 = tpu.vector_load %arg19[%swap3A_331] {strides = array<i32>} : memref<128xi32, #tpu.memory_space<vmem>>, vector<16xi32>,
          tpu.vector_store %arg19[%swap3A_331], %get3A_330 {strides = array<i32>} : memref<128xi32, #tpu.memory_space<vmem>>, vector<16xi32>,
          %mul3A_333 = arith.constant 128 : i32
          %mul3A_334 = arith.muli %while3A_244, %mul3A_333 : i32
          %add3A_335 = arith.constant 80 : i32
          %add3A_336 = arith.addi %mul3A_334, %add3A_335 : i32
          %get3A_337 = arith.index_cast %add3A_336 : i32 to index
          %get3A_338 = tpu.vector_load %arg16[%get3A_337] {strides = array<i32>} : memref<4224xi32, #tpu.memory_space<vmem>>, vector<16xi32>,
          %swap3A_339 = arith.constant 80 : index
          %swap3A_340 = tpu.vector_load %arg20[%swap3A_339] {strides = array<i32>} : memref<128xi32, #tpu.memory_space<vmem>>, vector<16xi32>,
          tpu.vector_store %arg20[%swap3A_339], %get3A_338 {strides = array<i32>} : memref<128xi32, #tpu.memory_space<vmem>>, vector<16xi32>,
          %mul3A_341 = arith.constant 128 : i32
          %mul3A_342 = arith.muli %while3A_244, %mul3A_341 : i32
          %add3A_343 = arith.constant 96 : i32
          %add3A_344 = arith.addi %mul3A_342, %add3A_343 : i32
          %get3A_345 = arith.index_cast %add3A_344 : i32 to index
          %get3A_346 = tpu.vector_load %arg15[%get3A_345] {strides = array<i32>} : memref<4224xi32, #tpu.memory_space<vmem>>, vector<16xi32>,
          %swap3A_347 = arith.constant 96 : index
          %swap3A_348 = tpu.vector_load %arg19[%swap3A_347] {strides = array<i32>} : memref<128xi32, #tpu.memory_space<vmem>>, vector<16xi32>,
          tpu.vector_store %arg19[%swap3A_347], %get3A_346 {strides = array<i32>} : memref<128xi32, #tpu.memory_space<vmem>>, vector<16xi32>,
          %mul3A_349 = arith.constant 128 : i32
          %mul3A_350 = arith.muli %while3A_244, %mul3A_349 : i32
          %add3A_351 = arith.constant 96 : i32
          %add3A_352 = arith.addi %mul3A_350, %add3A_351 : i32
          %get3A_353 = arith.index_cast %add3A_352 : i32 to index
          %get3A_354 = tpu.vector_load %arg16[%get3A_353] {strides = array<i32>} : memref<4224xi32, #tpu.memory_space<vmem>>, vector<16xi32>,
          %swap3A_355 = arith.constant 96 : index
          %swap3A_356 = tpu.vector_load %arg20[%swap3A_355] {strides = array<i32>} : memref<128xi32, #tpu.memory_space<vmem>>, vector<16xi32>,
          tpu.vector_store %arg20[%swap3A_355], %get3A_354 {strides = array<i32>} : memref<128xi32, #tpu.memory_space<vmem>>, vector<16xi32>,
          %mul3A_357 = arith.constant 128 : i32
          %mul3A_358 = arith.muli %while3A_244, %mul3A_357 : i32
          %add3A_359 = arith.constant 112 : i32
          %add3A_360 = arith.addi %mul3A_358, %add3A_359 : i32
          %get3A_361 = arith.index_cast %add3A_360 : i32 to index
          %get3A_362 = tpu.vector_load %arg15[%get3A_361] {strides = array<i32>} : memref<4224xi32, #tpu.memory_space<vmem>>, vector<16xi32>,
          %swap3A_363 = arith.constant 112 : index
          %swap3A_364 = tpu.vector_load %arg19[%swap3A_363] {strides = array<i32>} : memref<128xi32, #tpu.memory_space<vmem>>, vector<16xi32>,
          tpu.vector_store %arg19[%swap3A_363], %get3A_362 {strides = array<i32>} : memref<128xi32, #tpu.memory_space<vmem>>, vector<16xi32>,
          %mul3A_365 = arith.constant 128 : i32
          %mul3A_366 = arith.muli %while3A_244, %mul3A_365 : i32
          %add3A_367 = arith.constant 112 : i32
          %add3A_368 = arith.addi %mul3A_366, %add3A_367 : i32
          %get3A_369 = arith.index_cast %add3A_368 : i32 to index
          %get3A_370 = tpu.vector_load %arg16[%get3A_369] {strides = array<i32>} : memref<4224xi32, #tpu.memory_space<vmem>>, vector<16xi32>,
          %swap3A_371 = arith.constant 112 : index
          %swap3A_372 = tpu.vector_load %arg20[%swap3A_371] {strides = array<i32>} : memref<128xi32, #tpu.memory_space<vmem>>, vector<16xi32>,
          tpu.vector_store %arg20[%swap3A_371], %get3A_370 {strides = array<i32>} : memref<128xi32, #tpu.memory_space<vmem>>, vector<16xi32>,
          "tpu.region"() ({
            %run_scoped3A = tpu.sem_alloc : memref<!tpu.dma_semaphore, #tpu.memory_space<semaphore_mem>>
            %dma_start3A = arith.constant 0 : i32
            %dma_start3A_381 = arith.constant 0 : i32
            %dma_start3A_382 = tpu.memref_slice %arg2[%dma_start3A, %dma_start3A_381] : memref<65536x96xf32, #tpu.memory_space<hbm>> -> memref<65536x96xf32, #tpu.memory_space<hbm>>
            tpu.enqueue_indirect_dma source(%dma_start3A_382 : memref<65536x96xf32, #tpu.memory_space<hbm>>) target(%arg21 : memref<128x96xf32, #tpu.memory_space<vmem>>) offsets(%arg20 : memref<128xi32, #tpu.memory_space<vmem>>) semaphore(%run_scoped3A : memref<!tpu.dma_semaphore, #tpu.memory_space<semaphore_mem>>)
            %dma_wait3A = arith.constant 0 : i32
            %dma_wait3A_383 = arith.constant 0 : i32
            %dma_wait3A_384 = tpu.memref_slice %arg2[%dma_wait3A, %dma_wait3A_383] : memref<65536x96xf32, #tpu.memory_space<hbm>> -> memref<65536x96xf32, #tpu.memory_space<hbm>>
            tpu.wait_indirect_dma semaphore(%run_scoped3A : memref<!tpu.dma_semaphore, #tpu.memory_space<semaphore_mem>>) src(%dma_wait3A_384 : memref<65536x96xf32, #tpu.memory_space<hbm>>) dst(%arg21 : memref<128x96xf32, #tpu.memory_space<vmem>>)
            tpu.yield
          }) : () -> ()
          %scan3A_373 = arith.constant 0 : i32
          %scan3A_374 = arith.constant 0 : i32
          %scan3A_375 = arith.constant 128 : i32
          %scan3A_376 = arith.addi %scan3A_374, %scan3A_375 : i32
          %scan3A_377 = arith.constant 1 : i32
          %scan3A_378 = scf.for %scan3A_381 = %scan3A_374 to %scan3A_376 step %scan3A_377 iter_args(%scan3A_382 = %scan3A_373) -> (i32)  : i32 {
            %mul3A_383 = arith.constant 128 : i32
            %mul3A_384 = arith.muli %while3A_244, %mul3A_383 : i32
            %add3A_385 = arith.addi %mul3A_384, %scan3A_381 : i32
            %broadcast_in_dim3A_386 = vector.broadcast %add3A_385 : i32 to vector<16xi32>
            %gather3A = tpu.vector_load_idx %arg18[%broadcast_in_dim3A_386] : memref<4224xi32, #tpu.memory_space<vmem>>[vector<16xi32>], vector<16xi32>,
            %broadcast_in_dim3A_387 = vector.broadcast %add3A_385 : i32 to vector<16xi32>
            %gather3A_388 = tpu.vector_load_idx %arg17[%broadcast_in_dim3A_387] : memref<4224xf32, #tpu.memory_space<vmem>>[vector<16xi32>], vector<16xf32>,
            %broadcast_in_dim3A_389 = vector.broadcast %scan3A_381 : i32 to vector<16xi32>
            %add3A_390 = arith.constant 0 : i32
            %add3A_391 = vector.broadcast %add3A_390 : i32 to vector<16xi32>
            %add3A_392 = arith.addi %iota3A, %add3A_391 : vector<16xi32>
            %sub3A_393 = arith.subi %add3A_392, %gather3A : vector<16xi32>
            %ge3A = arith.constant 0 : i32
            %ge3A_394 = vector.broadcast %ge3A : i32 to vector<16xi32>
            %ge3A_395 = arith.cmpi sge, %sub3A_393, %ge3A_394 : vector<16xi32>
            %gather3A_396 = tpu.vector_load_idx %arg21[%broadcast_in_dim3A_389, %sub3A_393] masked %ge3A_395 : memref<128x96xf32, #tpu.memory_space<vmem>>[vector<16xi32>, vector<16xi32>], vector<16xf32>, vector<16xi1>
            %jit3A_397 = arith.constant 0.000000e+00 : f32
            %broadcast_in_dim3A_398 = vector.broadcast %jit3A_397 : f32 to vector<16xf32>
            %select_n3A_399 = arith.select %ge3A_395, %gather3A_396, %broadcast_in_dim3A_398 : vector<16xi1>, vector<16xf32>
            %mul3A_400 = arith.mulf %select_n3A_399, %gather3A_388 : vector<16xf32>
            tpu.vector_store_idx %arg22[%broadcast_in_dim3A_389, %add3A_392], %mul3A_400 : memref<128x96xf32, #tpu.memory_space<vmem>>[vector<16xi32>, vector<16xi32>], vector<16xf32>,
            %add3A_401 = arith.constant 16 : i32
            %add3A_402 = vector.broadcast %add3A_401 : i32 to vector<16xi32>
            %add3A_403 = arith.addi %iota3A, %add3A_402 : vector<16xi32>
            %sub3A_404 = arith.subi %add3A_403, %gather3A : vector<16xi32>
            %ge3A_405 = arith.constant 0 : i32
            %ge3A_406 = vector.broadcast %ge3A_405 : i32 to vector<16xi32>
            %ge3A_407 = arith.cmpi sge, %sub3A_404, %ge3A_406 : vector<16xi32>
            %gather3A_408 = tpu.vector_load_idx %arg21[%broadcast_in_dim3A_389, %sub3A_404] masked %ge3A_407 : memref<128x96xf32, #tpu.memory_space<vmem>>[vector<16xi32>, vector<16xi32>], vector<16xf32>, vector<16xi1>
            %jit3A_409 = arith.constant 0.000000e+00 : f32
            %broadcast_in_dim3A_410 = vector.broadcast %jit3A_409 : f32 to vector<16xf32>
            %select_n3A_411 = arith.select %ge3A_407, %gather3A_408, %broadcast_in_dim3A_410 : vector<16xi1>, vector<16xf32>
            %mul3A_412 = arith.mulf %select_n3A_411, %gather3A_388 : vector<16xf32>
            tpu.vector_store_idx %arg22[%broadcast_in_dim3A_389, %add3A_403], %mul3A_412 : memref<128x96xf32, #tpu.memory_space<vmem>>[vector<16xi32>, vector<16xi32>], vector<16xf32>,
            %add3A_413 = arith.constant 32 : i32
            %add3A_414 = vector.broadcast %add3A_413 : i32 to vector<16xi32>
            %add3A_415 = arith.addi %iota3A, %add3A_414 : vector<16xi32>
            %sub3A_416 = arith.subi %add3A_415, %gather3A : vector<16xi32>
            %ge3A_417 = arith.constant 0 : i32
            %ge3A_418 = vector.broadcast %ge3A_417 : i32 to vector<16xi32>
            %ge3A_419 = arith.cmpi sge, %sub3A_416, %ge3A_418 : vector<16xi32>
            %gather3A_420 = tpu.vector_load_idx %arg21[%broadcast_in_dim3A_389, %sub3A_416] masked %ge3A_419 : memref<128x96xf32, #tpu.memory_space<vmem>>[vector<16xi32>, vector<16xi32>], vector<16xf32>, vector<16xi1>
            %jit3A_421 = arith.constant 0.000000e+00 : f32
            %broadcast_in_dim3A_422 = vector.broadcast %jit3A_421 : f32 to vector<16xf32>
            %select_n3A_423 = arith.select %ge3A_419, %gather3A_420, %broadcast_in_dim3A_422 : vector<16xi1>, vector<16xf32>
            %mul3A_424 = arith.mulf %select_n3A_423, %gather3A_388 : vector<16xf32>
            tpu.vector_store_idx %arg22[%broadcast_in_dim3A_389, %add3A_415], %mul3A_424 : memref<128x96xf32, #tpu.memory_space<vmem>>[vector<16xi32>, vector<16xi32>], vector<16xf32>,
            %add3A_425 = arith.constant 48 : i32
            %add3A_426 = vector.broadcast %add3A_425 : i32 to vector<16xi32>
            %add3A_427 = arith.addi %iota3A, %add3A_426 : vector<16xi32>
            %sub3A_428 = arith.subi %add3A_427, %gather3A : vector<16xi32>
            %ge3A_429 = arith.constant 0 : i32
            %ge3A_430 = vector.broadcast %ge3A_429 : i32 to vector<16xi32>
            %ge3A_431 = arith.cmpi sge, %sub3A_428, %ge3A_430 : vector<16xi32>
            %gather3A_432 = tpu.vector_load_idx %arg21[%broadcast_in_dim3A_389, %sub3A_428] masked %ge3A_431 : memref<128x96xf32, #tpu.memory_space<vmem>>[vector<16xi32>, vector<16xi32>], vector<16xf32>, vector<16xi1>
            %jit3A_433 = arith.constant 0.000000e+00 : f32
            %broadcast_in_dim3A_434 = vector.broadcast %jit3A_433 : f32 to vector<16xf32>
            %select_n3A_435 = arith.select %ge3A_431, %gather3A_432, %broadcast_in_dim3A_434 : vector<16xi1>, vector<16xf32>
            %mul3A_436 = arith.mulf %select_n3A_435, %gather3A_388 : vector<16xf32>
            tpu.vector_store_idx %arg22[%broadcast_in_dim3A_389, %add3A_427], %mul3A_436 : memref<128x96xf32, #tpu.memory_space<vmem>>[vector<16xi32>, vector<16xi32>], vector<16xf32>,
            %add3A_437 = arith.constant 64 : i32
            %add3A_438 = vector.broadcast %add3A_437 : i32 to vector<16xi32>
            %add3A_439 = arith.addi %iota3A, %add3A_438 : vector<16xi32>
            %sub3A_440 = arith.subi %add3A_439, %gather3A : vector<16xi32>
            %ge3A_441 = arith.constant 0 : i32
            %ge3A_442 = vector.broadcast %ge3A_441 : i32 to vector<16xi32>
            %ge3A_443 = arith.cmpi sge, %sub3A_440, %ge3A_442 : vector<16xi32>
            %gather3A_444 = tpu.vector_load_idx %arg21[%broadcast_in_dim3A_389, %sub3A_440] masked %ge3A_443 : memref<128x96xf32, #tpu.memory_space<vmem>>[vector<16xi32>, vector<16xi32>], vector<16xf32>, vector<16xi1>
            %jit3A_445 = arith.constant 0.000000e+00 : f32
            %broadcast_in_dim3A_446 = vector.broadcast %jit3A_445 : f32 to vector<16xf32>
            %select_n3A_447 = arith.select %ge3A_443, %gather3A_444, %broadcast_in_dim3A_446 : vector<16xi1>, vector<16xf32>
            %mul3A_448 = arith.mulf %select_n3A_447, %gather3A_388 : vector<16xf32>
            tpu.vector_store_idx %arg22[%broadcast_in_dim3A_389, %add3A_439], %mul3A_448 : memref<128x96xf32, #tpu.memory_space<vmem>>[vector<16xi32>, vector<16xi32>], vector<16xf32>,
            %add3A_449 = arith.constant 80 : i32
            %add3A_450 = vector.broadcast %add3A_449 : i32 to vector<16xi32>
            %add3A_451 = arith.addi %iota3A, %add3A_450 : vector<16xi32>
            %sub3A_452 = arith.subi %add3A_451, %gather3A : vector<16xi32>
            %ge3A_453 = arith.constant 0 : i32
            %ge3A_454 = vector.broadcast %ge3A_453 : i32 to vector<16xi32>
            %ge3A_455 = arith.cmpi sge, %sub3A_452, %ge3A_454 : vector<16xi32>
            %gather3A_456 = tpu.vector_load_idx %arg21[%broadcast_in_dim3A_389, %sub3A_452] masked %ge3A_455 : memref<128x96xf32, #tpu.memory_space<vmem>>[vector<16xi32>, vector<16xi32>], vector<16xf32>, vector<16xi1>
            %jit3A_457 = arith.constant 0.000000e+00 : f32
            %broadcast_in_dim3A_458 = vector.broadcast %jit3A_457 : f32 to vector<16xf32>
            %select_n3A_459 = arith.select %ge3A_455, %gather3A_456, %broadcast_in_dim3A_458 : vector<16xi1>, vector<16xf32>
            %mul3A_460 = arith.mulf %select_n3A_459, %gather3A_388 : vector<16xf32>
            tpu.vector_store_idx %arg22[%broadcast_in_dim3A_389, %add3A_451], %mul3A_460 : memref<128x96xf32, #tpu.memory_space<vmem>>[vector<16xi32>, vector<16xi32>], vector<16xf32>,
            %scan3A_461 = arith.constant 0 : i32
            scf.yield %scan3A_461 : i32
          }
          %scan3A_379 = arith.constant 128 : i32
          "tpu.region"() ({
            %run_scoped3A = tpu.sem_alloc : memref<!tpu.dma_semaphore, #tpu.memory_space<semaphore_mem>>
            %dma_start3A = arith.constant 0 : i32
            %dma_start3A_381 = arith.constant 0 : i32
            %dma_start3A_382 = tpu.memref_slice %arg10[%dma_start3A, %dma_start3A_381] : memref<8192x96xf32, #tpu.memory_space<vmem_shared>> -> memref<8192x96xf32, #tpu.memory_space<vmem_shared>>
            tpu.enqueue_indirect_dma source(%arg22 : memref<128x96xf32, #tpu.memory_space<vmem>>) target(%dma_start3A_382 : memref<8192x96xf32, #tpu.memory_space<vmem_shared>>) offsets(%arg19 : memref<128xi32, #tpu.memory_space<vmem>>) semaphore(%run_scoped3A : memref<!tpu.dma_semaphore, #tpu.memory_space<semaphore_mem>>) {add = true}
            %dma_wait3A = arith.constant 0 : i32
            %dma_wait3A_383 = arith.constant 0 : i32
            %dma_wait3A_384 = tpu.memref_slice %arg10[%dma_wait3A, %dma_wait3A_383] : memref<8192x96xf32, #tpu.memory_space<vmem_shared>> -> memref<8192x96xf32, #tpu.memory_space<vmem_shared>>
            tpu.wait_indirect_dma semaphore(%run_scoped3A : memref<!tpu.dma_semaphore, #tpu.memory_space<semaphore_mem>>) src(%arg22 : memref<128x96xf32, #tpu.memory_space<vmem>>) dst(%dma_wait3A_384 : memref<8192x96xf32, #tpu.memory_space<vmem_shared>>)
            tpu.yield
          }) : () -> ()
          %while3A_380 = arith.constant 0 : i32
          scf.yield %while3A_380 : i32
        }
        %scan3A_243 = arith.constant 0 : i32
        scf.yield %scan3A_243 : i32
      }
      %scan3A_59 = arith.constant 8 : i32
      %barrier3A_60 = arith.constant 0 : index
      tpu.barrier barrier_id(%barrier3A_60)
      %add3A_61 = arith.addi %mul3A_38, %mul3A_24 : i32
      "tpu.region"() ({
        %run_scoped3A = tpu.sem_alloc : memref<!tpu.dma_semaphore, #tpu.memory_space<semaphore_mem>>
        %dma_start3A = arith.constant 0 : i32
        %dma_start3A_70 = tpu.memref_slice %arg24[%dma_start3A] : memref<2048xf32, #tpu.memory_space<vmem>> -> memref<512xf32, #tpu.memory_space<vmem>>
        %dma_start3A_71 = tpu.memref_slice %arg4[%add3A_61] : memref<65536xf32, #tpu.memory_space<hbm>> -> memref<512xf32, #tpu.memory_space<hbm>>
        %dma_start3A_72 = arith.constant 0 : i32
        %dma_start3A_73 = tpu.memref_slice %arg24[%dma_start3A_72] : memref<2048xf32, #tpu.memory_space<vmem>> -> memref<512xf32, #tpu.memory_space<vmem>>
        %dma_start3A_74 = tpu.memref_slice %arg4[%add3A_61] : memref<65536xf32, #tpu.memory_space<hbm>> -> memref<512xf32, #tpu.memory_space<hbm>>
        tpu.enqueue_dma source(%dma_start3A_74 : memref<512xf32, #tpu.memory_space<hbm>>) target(%dma_start3A_73 : memref<512xf32, #tpu.memory_space<vmem>>) target_semaphore(%run_scoped3A : memref<!tpu.dma_semaphore, #tpu.memory_space<semaphore_mem>>)
        %dma_wait3A = arith.constant 0 : i32
        %dma_wait3A_75 = tpu.memref_slice %arg24[%dma_wait3A] : memref<2048xf32, #tpu.memory_space<vmem>> -> memref<512xf32, #tpu.memory_space<vmem>>
        %dma_wait3A_76 = tpu.memref_slice %arg4[%add3A_61] : memref<65536xf32, #tpu.memory_space<hbm>> -> memref<512xf32, #tpu.memory_space<hbm>>
        %dma_wait3A_77 = arith.constant 0 : i32
        %dma_wait3A_78 = tpu.memref_slice %arg24[%dma_wait3A_77] : memref<2048xf32, #tpu.memory_space<vmem>> -> memref<512xf32, #tpu.memory_space<vmem>>
        %dma_wait3A_79 = tpu.memref_slice %arg4[%add3A_61] : memref<65536xf32, #tpu.memory_space<hbm>> -> memref<512xf32, #tpu.memory_space<hbm>>
        tpu.wait_dma2 semaphore(%run_scoped3A : memref<!tpu.dma_semaphore, #tpu.memory_space<semaphore_mem>>) src(%dma_wait3A_79 : memref<512xf32, #tpu.memory_space<hbm>>) dst(%dma_wait3A_78 : memref<512xf32, #tpu.memory_space<vmem>>)
        tpu.yield
      }) : () -> ()
      %scan3A_62 = arith.constant 0 : i32
      %scan3A_63 = arith.constant 0 : i32
      %scan3A_64 = arith.constant 4 : i32
      %scan3A_65 = arith.addi %scan3A_63, %scan3A_64 : i32
      %scan3A_66 = arith.constant 1 : i32
      %scan3A_67 = scf.for %scan3A_70 = %scan3A_63 to %scan3A_65 step %scan3A_66 iter_args(%scan3A_71 = %scan3A_62) -> (i32)  : i32 {
        %mul3A_72 = arith.constant 128 : i32
        %mul3A_73 = arith.muli %scan3A_70, %mul3A_72 : i32
        %add3A_74 = arith.addi %mul3A_24, %mul3A_73 : i32
        "tpu.region"() ({
          %run_scoped3A = tpu.sem_alloc : memref<!tpu.dma_semaphore, #tpu.memory_space<semaphore_mem>>
          %dma_start3A = arith.constant 0 : i32
          %dma_start3A_114 = tpu.memref_slice %arg10[%add3A_74, %dma_start3A] : memref<8192x96xf32, #tpu.memory_space<vmem_shared>> -> memref<128x96xf32, #tpu.memory_space<vmem_shared>>
          %dma_start3A_115 = arith.constant 0 : i32
          %dma_start3A_116 = tpu.memref_slice %arg10[%add3A_74, %dma_start3A_115] : memref<8192x96xf32, #tpu.memory_space<vmem_shared>> -> memref<128x96xf32, #tpu.memory_space<vmem_shared>>
          tpu.enqueue_dma source(%dma_start3A_116 : memref<128x96xf32, #tpu.memory_space<vmem_shared>>) target(%arg23 : memref<128x96xf32, #tpu.memory_space<vmem>>) target_semaphore(%run_scoped3A : memref<!tpu.dma_semaphore, #tpu.memory_space<semaphore_mem>>)
          %dma_wait3A = arith.constant 0 : i32
          %dma_wait3A_117 = tpu.memref_slice %arg10[%add3A_74, %dma_wait3A] : memref<8192x96xf32, #tpu.memory_space<vmem_shared>> -> memref<128x96xf32, #tpu.memory_space<vmem_shared>>
          %dma_wait3A_118 = arith.constant 0 : i32
          %dma_wait3A_119 = tpu.memref_slice %arg10[%add3A_74, %dma_wait3A_118] : memref<8192x96xf32, #tpu.memory_space<vmem_shared>> -> memref<128x96xf32, #tpu.memory_space<vmem_shared>>
          tpu.wait_dma2 semaphore(%run_scoped3A : memref<!tpu.dma_semaphore, #tpu.memory_space<semaphore_mem>>) src(%dma_wait3A_119 : memref<128x96xf32, #tpu.memory_space<vmem_shared>>) dst(%arg23 : memref<128x96xf32, #tpu.memory_space<vmem>>)
          tpu.yield
        }) : () -> ()
        %mul3A_75 = arith.constant 128 : i32
        %mul3A_76 = arith.muli %scan3A_70, %mul3A_75 : i32
        %scan3A_77 = arith.constant 0 : i32
        %scan3A_78 = arith.constant 128 : i32
        %scan3A_79 = arith.addi %scan3A_77, %scan3A_78 : i32
        %scan3A_80 = arith.constant 1 : i32
        %scan3A_81:6 = scf.for %scan3A_114 = %scan3A_77 to %scan3A_79 step %scan3A_80 iter_args(%scan3A_115 = %broadcast_in_dim3A_1, %scan3A_116 = %broadcast_in_dim3A_1, %scan3A_117 = %broadcast_in_dim3A_1, %scan3A_118 = %broadcast_in_dim3A_1, %scan3A_119 = %broadcast_in_dim3A_1, %scan3A_120 = %broadcast_in_dim3A_1) -> (vector<16xf32>, vector<16xf32>, vector<16xf32>, vector<16xf32>, vector<16xf32>, vector<16xf32>)  : i32 {
          %add3A_121 = arith.addi %mul3A_76, %scan3A_114 : i32
          %broadcast_in_dim3A_122 = vector.broadcast %add3A_121 : i32 to vector<16xi32>
          %gather3A = tpu.vector_load_idx %arg24[%broadcast_in_dim3A_122] : memref<2048xf32, #tpu.memory_space<vmem>>[vector<16xi32>], vector<16xf32>,
          %broadcast_in_dim3A_123 = vector.broadcast %scan3A_114 : i32 to vector<16xi32>
          %add3A_124 = arith.constant 0 : i32
          %add3A_125 = vector.broadcast %add3A_124 : i32 to vector<16xi32>
          %add3A_126 = arith.addi %iota3A, %add3A_125 : vector<16xi32>
          %gather3A_127 = tpu.vector_load_idx %arg23[%broadcast_in_dim3A_123, %add3A_126] : memref<128x96xf32, #tpu.memory_space<vmem>>[vector<16xi32>, vector<16xi32>], vector<16xf32>,
          %mul3A_128 = arith.mulf %gather3A, %gather3A_127 : vector<16xf32>
          %add3A_129 = arith.addf %scan3A_115, %mul3A_128 : vector<16xf32>
          %add3A_130 = arith.constant 16 : i32
          %add3A_131 = vector.broadcast %add3A_130 : i32 to vector<16xi32>
          %add3A_132 = arith.addi %iota3A, %add3A_131 : vector<16xi32>
          %gather3A_133 = tpu.vector_load_idx %arg23[%broadcast_in_dim3A_123, %add3A_132] : memref<128x96xf32, #tpu.memory_space<vmem>>[vector<16xi32>, vector<16xi32>], vector<16xf32>,
          %mul3A_134 = arith.mulf %gather3A, %gather3A_133 : vector<16xf32>
          %add3A_135 = arith.addf %scan3A_116, %mul3A_134 : vector<16xf32>
          %add3A_136 = arith.constant 32 : i32
          %add3A_137 = vector.broadcast %add3A_136 : i32 to vector<16xi32>
          %add3A_138 = arith.addi %iota3A, %add3A_137 : vector<16xi32>
          %gather3A_139 = tpu.vector_load_idx %arg23[%broadcast_in_dim3A_123, %add3A_138] : memref<128x96xf32, #tpu.memory_space<vmem>>[vector<16xi32>, vector<16xi32>], vector<16xf32>,
          %mul3A_140 = arith.mulf %gather3A, %gather3A_139 : vector<16xf32>
          %add3A_141 = arith.addf %scan3A_117, %mul3A_140 : vector<16xf32>
          %add3A_142 = arith.constant 48 : i32
          %add3A_143 = vector.broadcast %add3A_142 : i32 to vector<16xi32>
          %add3A_144 = arith.addi %iota3A, %add3A_143 : vector<16xi32>
          %gather3A_145 = tpu.vector_load_idx %arg23[%broadcast_in_dim3A_123, %add3A_144] : memref<128x96xf32, #tpu.memory_space<vmem>>[vector<16xi32>, vector<16xi32>], vector<16xf32>,
          %mul3A_146 = arith.mulf %gather3A, %gather3A_145 : vector<16xf32>
          %add3A_147 = arith.addf %scan3A_118, %mul3A_146 : vector<16xf32>
          %add3A_148 = arith.constant 64 : i32
          %add3A_149 = vector.broadcast %add3A_148 : i32 to vector<16xi32>
          %add3A_150 = arith.addi %iota3A, %add3A_149 : vector<16xi32>
          %gather3A_151 = tpu.vector_load_idx %arg23[%broadcast_in_dim3A_123, %add3A_150] : memref<128x96xf32, #tpu.memory_space<vmem>>[vector<16xi32>, vector<16xi32>], vector<16xf32>,
          %mul3A_152 = arith.mulf %gather3A, %gather3A_151 : vector<16xf32>
          %add3A_153 = arith.addf %scan3A_119, %mul3A_152 : vector<16xf32>
          %add3A_154 = arith.constant 80 : i32
          %add3A_155 = vector.broadcast %add3A_154 : i32 to vector<16xi32>
          %add3A_156 = arith.addi %iota3A, %add3A_155 : vector<16xi32>
          %gather3A_157 = tpu.vector_load_idx %arg23[%broadcast_in_dim3A_123, %add3A_156] : memref<128x96xf32, #tpu.memory_space<vmem>>[vector<16xi32>, vector<16xi32>], vector<16xf32>,
          %mul3A_158 = arith.mulf %gather3A, %gather3A_157 : vector<16xf32>
          %add3A_159 = arith.addf %scan3A_120, %mul3A_158 : vector<16xf32>
          scf.yield %add3A_129, %add3A_135, %add3A_141, %add3A_147, %add3A_153, %add3A_159 : vector<16xf32>, vector<16xf32>, vector<16xf32>, vector<16xf32>, vector<16xf32>, vector<16xf32>
        }
        %scan3A_82 = arith.constant 128 : i32
        %get3A = arith.constant 0 : index
        %get3A_83 = tpu.vector_load %arg25[%get3A] {strides = array<i32>} : memref<96xf32, #tpu.memory_space<vmem>>, vector<16xf32>,
        %add3A_84 = arith.addf %get3A_83, %scan3A_81#0 : vector<16xf32>
        %swap3A_85 = arith.constant 0 : index
        %swap3A_86 = tpu.vector_load %arg25[%swap3A_85] {strides = array<i32>} : memref<96xf32, #tpu.memory_space<vmem>>, vector<16xf32>,
        tpu.vector_store %arg25[%swap3A_85], %add3A_84 {strides = array<i32>} : memref<96xf32, #tpu.memory_space<vmem>>, vector<16xf32>,
        %get3A_87 = arith.constant 16 : index
        %get3A_88 = tpu.vector_load %arg25[%get3A_87] {strides = array<i32>} : memref<96xf32, #tpu.memory_space<vmem>>, vector<16xf32>,
        %add3A_89 = arith.addf %get3A_88, %scan3A_81#1 : vector<16xf32>
        %swap3A_90 = arith.constant 16 : index
        %swap3A_91 = tpu.vector_load %arg25[%swap3A_90] {strides = array<i32>} : memref<96xf32, #tpu.memory_space<vmem>>, vector<16xf32>,
        tpu.vector_store %arg25[%swap3A_90], %add3A_89 {strides = array<i32>} : memref<96xf32, #tpu.memory_space<vmem>>, vector<16xf32>,
        %get3A_92 = arith.constant 32 : index
        %get3A_93 = tpu.vector_load %arg25[%get3A_92] {strides = array<i32>} : memref<96xf32, #tpu.memory_space<vmem>>, vector<16xf32>,
        %add3A_94 = arith.addf %get3A_93, %scan3A_81#2 : vector<16xf32>
        %swap3A_95 = arith.constant 32 : index
        %swap3A_96 = tpu.vector_load %arg25[%swap3A_95] {strides = array<i32>} : memref<96xf32, #tpu.memory_space<vmem>>, vector<16xf32>,
        tpu.vector_store %arg25[%swap3A_95], %add3A_94 {strides = array<i32>} : memref<96xf32, #tpu.memory_space<vmem>>, vector<16xf32>,
        %get3A_97 = arith.constant 48 : index
        %get3A_98 = tpu.vector_load %arg25[%get3A_97] {strides = array<i32>} : memref<96xf32, #tpu.memory_space<vmem>>, vector<16xf32>,
        %add3A_99 = arith.addf %get3A_98, %scan3A_81#3 : vector<16xf32>
        %swap3A_100 = arith.constant 48 : index
        %swap3A_101 = tpu.vector_load %arg25[%swap3A_100] {strides = array<i32>} : memref<96xf32, #tpu.memory_space<vmem>>, vector<16xf32>,
        tpu.vector_store %arg25[%swap3A_100], %add3A_99 {strides = array<i32>} : memref<96xf32, #tpu.memory_space<vmem>>, vector<16xf32>,
        %get3A_102 = arith.constant 64 : index
        %get3A_103 = tpu.vector_load %arg25[%get3A_102] {strides = array<i32>} : memref<96xf32, #tpu.memory_space<vmem>>, vector<16xf32>,
        %add3A_104 = arith.addf %get3A_103, %scan3A_81#4 : vector<16xf32>
        %swap3A_105 = arith.constant 64 : index
        %swap3A_106 = tpu.vector_load %arg25[%swap3A_105] {strides = array<i32>} : memref<96xf32, #tpu.memory_space<vmem>>, vector<16xf32>,
        tpu.vector_store %arg25[%swap3A_105], %add3A_104 {strides = array<i32>} : memref<96xf32, #tpu.memory_space<vmem>>, vector<16xf32>,
        %get3A_107 = arith.constant 80 : index
        %get3A_108 = tpu.vector_load %arg25[%get3A_107] {strides = array<i32>} : memref<96xf32, #tpu.memory_space<vmem>>, vector<16xf32>,
        %add3A_109 = arith.addf %get3A_108, %scan3A_81#5 : vector<16xf32>
        %swap3A_110 = arith.constant 80 : index
        %swap3A_111 = tpu.vector_load %arg25[%swap3A_110] {strides = array<i32>} : memref<96xf32, #tpu.memory_space<vmem>>, vector<16xf32>,
        tpu.vector_store %arg25[%swap3A_110], %add3A_109 {strides = array<i32>} : memref<96xf32, #tpu.memory_space<vmem>>, vector<16xf32>,
        %add3A_112 = arith.addi %mul3A_38, %add3A_74 : i32
        "tpu.region"() ({
          %run_scoped3A = tpu.sem_alloc : memref<!tpu.dma_semaphore, #tpu.memory_space<semaphore_mem>>
          %dma_start3A = arith.constant 0 : i32
          %dma_start3A_114 = tpu.memref_slice %arg8[%add3A_112, %dma_start3A] : memref<65536x96xf32, #tpu.memory_space<hbm>> -> memref<128x96xf32, #tpu.memory_space<hbm>>
          %dma_start3A_115 = arith.constant 0 : i32
          %dma_start3A_116 = tpu.memref_slice %arg8[%add3A_112, %dma_start3A_115] : memref<65536x96xf32, #tpu.memory_space<hbm>> -> memref<128x96xf32, #tpu.memory_space<hbm>>
          tpu.enqueue_dma source(%arg23 : memref<128x96xf32, #tpu.memory_space<vmem>>) target(%dma_start3A_116 : memref<128x96xf32, #tpu.memory_space<hbm>>) target_semaphore(%run_scoped3A : memref<!tpu.dma_semaphore, #tpu.memory_space<semaphore_mem>>)
          %dma_wait3A = arith.constant 0 : i32
          %dma_wait3A_117 = tpu.memref_slice %arg8[%add3A_112, %dma_wait3A] : memref<65536x96xf32, #tpu.memory_space<hbm>> -> memref<128x96xf32, #tpu.memory_space<hbm>>
          %dma_wait3A_118 = arith.constant 0 : i32
          %dma_wait3A_119 = tpu.memref_slice %arg8[%add3A_112, %dma_wait3A_118] : memref<65536x96xf32, #tpu.memory_space<hbm>> -> memref<128x96xf32, #tpu.memory_space<hbm>>
          tpu.wait_dma2 semaphore(%run_scoped3A : memref<!tpu.dma_semaphore, #tpu.memory_space<semaphore_mem>>) src(%arg23 : memref<128x96xf32, #tpu.memory_space<vmem>>) dst(%dma_wait3A_119 : memref<128x96xf32, #tpu.memory_space<hbm>>)
          tpu.yield
        }) : () -> ()
        %scan3A_113 = arith.constant 0 : i32
        scf.yield %scan3A_113 : i32
      }
      %scan3A_68 = arith.constant 4 : i32
      %scan3A_69 = arith.constant 0 : i32
      scf.yield %scan3A_69 : i32
    }
    %scan3A_31 = arith.constant 4 : i32
    "tpu.region"() ({
      %run_scoped3A = tpu.sem_alloc : memref<!tpu.dma_semaphore, #tpu.memory_space<semaphore_mem>>
      %dma_start3A = arith.constant 0 : i32
      %dma_start3A_32 = tpu.memref_slice %arg9[%add3A, %dma_start3A] : memref<32x96xf32, #tpu.memory_space<hbm>> -> memref<1x96xf32, #tpu.memory_space<hbm>>
      %dma_start3A_33 = tpu.memref_squeeze %dma_start3A_32 : memref<1x96xf32, #tpu.memory_space<hbm>> -> memref<96xf32, #tpu.memory_space<hbm>>
      %dma_start3A_34 = arith.constant 0 : i32
      %dma_start3A_35 = tpu.memref_slice %arg9[%add3A, %dma_start3A_34] : memref<32x96xf32, #tpu.memory_space<hbm>> -> memref<1x96xf32, #tpu.memory_space<hbm>>
      %dma_start3A_36 = tpu.memref_squeeze %dma_start3A_35 : memref<1x96xf32, #tpu.memory_space<hbm>> -> memref<96xf32, #tpu.memory_space<hbm>>
      tpu.enqueue_dma source(%arg25 : memref<96xf32, #tpu.memory_space<vmem>>) target(%dma_start3A_36 : memref<96xf32, #tpu.memory_space<hbm>>) target_semaphore(%run_scoped3A : memref<!tpu.dma_semaphore, #tpu.memory_space<semaphore_mem>>)
      %dma_wait3A = arith.constant 0 : i32
      %dma_wait3A_37 = tpu.memref_slice %arg9[%add3A, %dma_wait3A] : memref<32x96xf32, #tpu.memory_space<hbm>> -> memref<1x96xf32, #tpu.memory_space<hbm>>
      %dma_wait3A_38 = tpu.memref_squeeze %dma_wait3A_37 : memref<1x96xf32, #tpu.memory_space<hbm>> -> memref<96xf32, #tpu.memory_space<hbm>>
      %dma_wait3A_39 = arith.constant 0 : i32
      %dma_wait3A_40 = tpu.memref_slice %arg9[%add3A, %dma_wait3A_39] : memref<32x96xf32, #tpu.memory_space<hbm>> -> memref<1x96xf32, #tpu.memory_space<hbm>>
      %dma_wait3A_41 = tpu.memref_squeeze %dma_wait3A_40 : memref<1x96xf32, #tpu.memory_space<hbm>> -> memref<96xf32, #tpu.memory_space<hbm>>
      tpu.wait_dma2 semaphore(%run_scoped3A : memref<!tpu.dma_semaphore, #tpu.memory_space<semaphore_mem>>) src(%arg25 : memref<96xf32, #tpu.memory_space<vmem>>) dst(%dma_wait3A_41 : memref<96xf32, #tpu.memory_space<hbm>>)
      tpu.yield
    }) : () -> ()
    return
  }
}

#map = affine_map<(d0, d1) -> (0, 0)>
#map1 = affine_map<(d0, d1) -> (0)>
module attributes {stable_mosaic.version = 14 : i64} {
  func.func @_bounce_body(%arg0: i32, %arg1: i32, %arg2: memref<65536x96xf32, #tpu.memory_space<hbm>>, %arg3: memref<524288xf32, #tpu.memory_space<hbm>>, %arg4: memref<65536xf32, #tpu.memory_space<hbm>>, %arg5: memref<524288xi32, #tpu.memory_space<hbm>>, %arg6: memref<524288xi32, #tpu.memory_space<hbm>>, %arg7: memref<524288xi32, #tpu.memory_space<hbm>>, %arg8: memref<65536x96xf32, #tpu.memory_space<hbm>>, %arg9: memref<32x96xf32, #tpu.memory_space<hbm>>, %arg10: memref<8192x96xf32, #tpu.memory_space<vmem_shared>>, %arg11: memref<4096xi32, #tpu.memory_space<vmem>>, %arg12: memref<4096xi32, #tpu.memory_space<vmem>>, %arg13: memref<4096xf32, #tpu.memory_space<vmem>>, %arg14: memref<4096xi32, #tpu.memory_space<vmem>>, %arg15: memref<4224xi32, #tpu.memory_space<vmem>>, %arg16: memref<4224xi32, #tpu.memory_space<vmem>>, %arg17: memref<4224xf32, #tpu.memory_space<vmem>>, %arg18: memref<4224xi32, #tpu.memory_space<vmem>>, %arg19: memref<128xi32, #tpu.memory_space<vmem>>, %arg20: memref<128xi32, #tpu.memory_space<vmem>>, %arg21: memref<128x96xf32, #tpu.memory_space<vmem>>, %arg22: memref<128x96xf32, #tpu.memory_space<vmem>>, %arg23: memref<128x96xf32, #tpu.memory_space<vmem>>, %arg24: memref<2048xf32, #tpu.memory_space<vmem>>, %arg25: memref<96xf32, #tpu.memory_space<vmem>>) attributes {dimension_semantics = [#tpu.dimension_semantics<core_parallel>, #tpu.dimension_semantics<subcore_parallel>], iteration_bounds = array<i64: 2, 16>, scalar_prefetch = 0 : i64, scratch_operands = 16 : i64, tpu.core_type = #tpu.core_type<sc_vector_subcore>, window_params = [{transform_indices = #map}, {transform_indices = #map1}, {transform_indices = #map1}, {transform_indices = #map1}, {transform_indices = #map1}, {transform_indices = #map1}, {transform_indices = #map}, {transform_indices = #map}]} {
    %mul3A = arith.constant 16 : i32
    %mul3A_0 = arith.muli %arg0, %mul3A : i32
    %add3A = arith.addi %mul3A_0, %arg1 : i32
    %iota3A = tpu.iota {dimensions = array<i32: 0>} : vector<16xi32>
    %broadcast_in_dim3A = arith.constant 0.000000e+00 : f32
    %broadcast_in_dim3A_1 = vector.broadcast %broadcast_in_dim3A : f32 to vector<16xf32>
    %broadcast_in_dim3A_2 = arith.constant 0 : i32
    %broadcast_in_dim3A_3 = vector.broadcast %broadcast_in_dim3A_2 : i32 to vector<16xi32>
    %swap3A = arith.constant 0 : index
    %swap3A_4 = tpu.vector_load %arg25[%swap3A] {strides = array<i32>} : memref<96xf32, #tpu.memory_space<vmem>>, vector<16xf32>,
    tpu.vector_store %arg25[%swap3A], %broadcast_in_dim3A_1 {strides = array<i32>} : memref<96xf32, #tpu.memory_space<vmem>>, vector<16xf32>,
    %swap3A_5 = arith.constant 16 : index
    %swap3A_6 = tpu.vector_load %arg25[%swap3A_5] {strides = array<i32>} : memref<96xf32, #tpu.memory_space<vmem>>, vector<16xf32>,
    tpu.vector_store %arg25[%swap3A_5], %broadcast_in_dim3A_1 {strides = array<i32>} : memref<96xf32, #tpu.memory_space<vmem>>, vector<16xf32>,
    %swap3A_7 = arith.constant 32 : index
    %swap3A_8 = tpu.vector_load %arg25[%swap3A_7] {strides = array<i32>} : memref<96xf32, #tpu.memory_space<vmem>>, vector<16xf32>,
    tpu.vector_store %arg25[%swap3A_7], %broadcast_in_dim3A_1 {strides = array<i32>} : memref<96xf32, #tpu.memory_space<vmem>>, vector<16xf32>,
    %swap3A_9 = arith.constant 48 : index
    %swap3A_10 = tpu.vector_load %arg25[%swap3A_9] {strides = array<i32>} : memref<96xf32, #tpu.memory_space<vmem>>, vector<16xf32>,
    tpu.vector_store %arg25[%swap3A_9], %broadcast_in_dim3A_1 {strides = array<i32>} : memref<96xf32, #tpu.memory_space<vmem>>, vector<16xf32>,
    %swap3A_11 = arith.constant 64 : index
    %swap3A_12 = tpu.vector_load %arg25[%swap3A_11] {strides = array<i32>} : memref<96xf32, #tpu.memory_space<vmem>>, vector<16xf32>,
    tpu.vector_store %arg25[%swap3A_11], %broadcast_in_dim3A_1 {strides = array<i32>} : memref<96xf32, #tpu.memory_space<vmem>>, vector<16xf32>,
    %swap3A_13 = arith.constant 80 : index
    %swap3A_14 = tpu.vector_load %arg25[%swap3A_13] {strides = array<i32>} : memref<96xf32, #tpu.memory_space<vmem>>, vector<16xf32>,
    tpu.vector_store %arg25[%swap3A_13], %broadcast_in_dim3A_1 {strides = array<i32>} : memref<96xf32, #tpu.memory_space<vmem>>, vector<16xf32>,
    %mul3A_15 = arith.constant 512 : i32
    %mul3A_16 = arith.muli %arg1, %mul3A_15 : i32
    %scan3A = arith.constant 0 : i32
    %scan3A_17 = arith.constant 0 : i32
    %scan3A_18 = arith.constant 4 : i32
    %scan3A_19 = arith.addi %scan3A_17, %scan3A_18 : i32
    %scan3A_20 = arith.constant 1 : i32
    %scan3A_21 = scf.for %scan3A_23 = %scan3A_17 to %scan3A_19 step %scan3A_20 iter_args(%scan3A_24 = %scan3A) -> (i32)  : i32 {
      %mul3A_25 = arith.constant 4 : i32
      %mul3A_26 = arith.muli %arg0, %mul3A_25 : i32
      %add3A_27 = arith.addi %mul3A_26, %scan3A_23 : i32
      %mul3A_28 = arith.constant 8192 : i32
      %mul3A_29 = arith.muli %add3A_27, %mul3A_28 : i32
      %scan3A_30 = arith.constant 0 : i32
      %scan3A_31 = arith.constant 0 : i32
      %scan3A_32 = arith.constant 128 : i32
      %scan3A_33 = arith.addi %scan3A_31, %scan3A_32 : i32
      %scan3A_34 = arith.constant 1 : i32
      %scan3A_35 = scf.for %scan3A_61 = %scan3A_31 to %scan3A_33 step %scan3A_34 iter_args(%scan3A_62 = %scan3A_30) -> (i32)  : i32 {
        %broadcast_in_dim3A_63 = vector.broadcast %scan3A_61 : i32 to vector<16xi32>
        %add3A_64 = arith.constant 0 : i32
        %add3A_65 = vector.broadcast %add3A_64 : i32 to vector<16xi32>
        %add3A_66 = arith.addi %iota3A, %add3A_65 : vector<16xi32>
        tpu.vector_store_idx %arg23[%broadcast_in_dim3A_63, %add3A_66], %broadcast_in_dim3A_1 : memref<128x96xf32, #tpu.memory_space<vmem>>[vector<16xi32>, vector<16xi32>], vector<16xf32>,
        %add3A_67 = arith.constant 16 : i32
        %add3A_68 = vector.broadcast %add3A_67 : i32 to vector<16xi32>
        %add3A_69 = arith.addi %iota3A, %add3A_68 : vector<16xi32>
        tpu.vector_store_idx %arg23[%broadcast_in_dim3A_63, %add3A_69], %broadcast_in_dim3A_1 : memref<128x96xf32, #tpu.memory_space<vmem>>[vector<16xi32>, vector<16xi32>], vector<16xf32>,
        %add3A_70 = arith.constant 32 : i32
        %add3A_71 = vector.broadcast %add3A_70 : i32 to vector<16xi32>
        %add3A_72 = arith.addi %iota3A, %add3A_71 : vector<16xi32>
        tpu.vector_store_idx %arg23[%broadcast_in_dim3A_63, %add3A_72], %broadcast_in_dim3A_1 : memref<128x96xf32, #tpu.memory_space<vmem>>[vector<16xi32>, vector<16xi32>], vector<16xf32>,
        %add3A_73 = arith.constant 48 : i32
        %add3A_74 = vector.broadcast %add3A_73 : i32 to vector<16xi32>
        %add3A_75 = arith.addi %iota3A, %add3A_74 : vector<16xi32>
        tpu.vector_store_idx %arg23[%broadcast_in_dim3A_63, %add3A_75], %broadcast_in_dim3A_1 : memref<128x96xf32, #tpu.memory_space<vmem>>[vector<16xi32>, vector<16xi32>], vector<16xf32>,
        %add3A_76 = arith.constant 64 : i32
        %add3A_77 = vector.broadcast %add3A_76 : i32 to vector<16xi32>
        %add3A_78 = arith.addi %iota3A, %add3A_77 : vector<16xi32>
        tpu.vector_store_idx %arg23[%broadcast_in_dim3A_63, %add3A_78], %broadcast_in_dim3A_1 : memref<128x96xf32, #tpu.memory_space<vmem>>[vector<16xi32>, vector<16xi32>], vector<16xf32>,
        %add3A_79 = arith.constant 80 : i32
        %add3A_80 = vector.broadcast %add3A_79 : i32 to vector<16xi32>
        %add3A_81 = arith.addi %iota3A, %add3A_80 : vector<16xi32>
        tpu.vector_store_idx %arg23[%broadcast_in_dim3A_63, %add3A_81], %broadcast_in_dim3A_1 : memref<128x96xf32, #tpu.memory_space<vmem>>[vector<16xi32>, vector<16xi32>], vector<16xf32>,
        %scan3A_82 = arith.constant 0 : i32
        scf.yield %scan3A_82 : i32
      }
      %scan3A_36 = arith.constant 128 : i32
      %scan3A_37 = arith.constant 0 : i32
      %scan3A_38 = arith.constant 0 : i32
      %scan3A_39 = arith.constant 4 : i32
      %scan3A_40 = arith.addi %scan3A_38, %scan3A_39 : i32
      %scan3A_41 = arith.constant 1 : i32
      %scan3A_42 = scf.for %scan3A_61 = %scan3A_38 to %scan3A_40 step %scan3A_41 iter_args(%scan3A_62 = %scan3A_37) -> (i32)  : i32 {
        %mul3A_63 = arith.constant 128 : i32
        %mul3A_64 = arith.muli %scan3A_61, %mul3A_63 : i32
        %add3A_65 = arith.addi %mul3A_16, %mul3A_64 : i32
        "tpu.region"() ({
          %run_scoped3A = tpu.sem_alloc : memref<!tpu.dma_semaphore, #tpu.memory_space<semaphore_mem>>
          %dma_start3A = arith.constant 0 : i32
          %dma_start3A_67 = tpu.memref_slice %arg10[%add3A_65, %dma_start3A] : memref<8192x96xf32, #tpu.memory_space<vmem_shared>> -> memref<128x96xf32, #tpu.memory_space<vmem_shared>>
          %dma_start3A_68 = arith.constant 0 : i32
          %dma_start3A_69 = tpu.memref_slice %arg10[%add3A_65, %dma_start3A_68] : memref<8192x96xf32, #tpu.memory_space<vmem_shared>> -> memref<128x96xf32, #tpu.memory_space<vmem_shared>>
          tpu.enqueue_dma source(%arg23 : memref<128x96xf32, #tpu.memory_space<vmem>>) target(%dma_start3A_69 : memref<128x96xf32, #tpu.memory_space<vmem_shared>>) target_semaphore(%run_scoped3A : memref<!tpu.dma_semaphore, #tpu.memory_space<semaphore_mem>>)
          %dma_wait3A = arith.constant 0 : i32
          %dma_wait3A_70 = tpu.memref_slice %arg10[%add3A_65, %dma_wait3A] : memref<8192x96xf32, #tpu.memory_space<vmem_shared>> -> memref<128x96xf32, #tpu.memory_space<vmem_shared>>
          %dma_wait3A_71 = arith.constant 0 : i32
          %dma_wait3A_72 = tpu.memref_slice %arg10[%add3A_65, %dma_wait3A_71] : memref<8192x96xf32, #tpu.memory_space<vmem_shared>> -> memref<128x96xf32, #tpu.memory_space<vmem_shared>>
          tpu.wait_dma2 semaphore(%run_scoped3A : memref<!tpu.dma_semaphore, #tpu.memory_space<semaphore_mem>>) src(%arg23 : memref<128x96xf32, #tpu.memory_space<vmem>>) dst(%dma_wait3A_72 : memref<128x96xf32, #tpu.memory_space<vmem_shared>>)
          tpu.yield
        }) : () -> ()
        %scan3A_66 = arith.constant 0 : i32
        scf.yield %scan3A_66 : i32
      }
      %scan3A_43 = arith.constant 4 : i32
      %barrier3A = arith.constant 0 : index
      tpu.barrier barrier_id(%barrier3A)
      %scan3A_44 = arith.constant 0 : i32
      %scan3A_45 = arith.constant 0 : i32
      %scan3A_46 = arith.constant 8 : i32
      %scan3A_47 = arith.addi %scan3A_45, %scan3A_46 : i32
      %scan3A_48 = arith.constant 1 : i32
      %scan3A_49 = scf.for %scan3A_61 = %scan3A_45 to %scan3A_47 step %scan3A_48 iter_args(%scan3A_62 = %scan3A_44) -> (i32)  : i32 {
        %mul3A_63 = arith.constant 32768 : i32
        %mul3A_64 = arith.muli %arg1, %mul3A_63 : i32
        %mul3A_65 = arith.constant 4096 : i32
        %mul3A_66 = arith.muli %scan3A_61, %mul3A_65 : i32
        %add3A_67 = arith.addi %mul3A_64, %mul3A_66 : i32
        "tpu.region"() ({
          %run_scoped3A = tpu.sem_alloc : memref<!tpu.dma_semaphore, #tpu.memory_space<semaphore_mem>>
          %dma_start3A = tpu.memref_slice %arg5[%add3A_67] : memref<524288xi32, #tpu.memory_space<hbm>> -> memref<4096xi32, #tpu.memory_space<hbm>>
          %dma_start3A_235 = tpu.memref_slice %arg5[%add3A_67] : memref<524288xi32, #tpu.memory_space<hbm>> -> memref<4096xi32, #tpu.memory_space<hbm>>
          tpu.enqueue_dma source(%dma_start3A_235 : memref<4096xi32, #tpu.memory_space<hbm>>) target(%arg11 : memref<4096xi32, #tpu.memory_space<vmem>>) target_semaphore(%run_scoped3A : memref<!tpu.dma_semaphore, #tpu.memory_space<semaphore_mem>>)
          %dma_wait3A = tpu.memref_slice %arg5[%add3A_67] : memref<524288xi32, #tpu.memory_space<hbm>> -> memref<4096xi32, #tpu.memory_space<hbm>>
          %dma_wait3A_236 = tpu.memref_slice %arg5[%add3A_67] : memref<524288xi32, #tpu.memory_space<hbm>> -> memref<4096xi32, #tpu.memory_space<hbm>>
          tpu.wait_dma2 semaphore(%run_scoped3A : memref<!tpu.dma_semaphore, #tpu.memory_space<semaphore_mem>>) src(%dma_wait3A_236 : memref<4096xi32, #tpu.memory_space<hbm>>) dst(%arg11 : memref<4096xi32, #tpu.memory_space<vmem>>)
          tpu.yield
        }) : () -> ()
        "tpu.region"() ({
          %run_scoped3A = tpu.sem_alloc : memref<!tpu.dma_semaphore, #tpu.memory_space<semaphore_mem>>
          %dma_start3A = tpu.memref_slice %arg6[%add3A_67] : memref<524288xi32, #tpu.memory_space<hbm>> -> memref<4096xi32, #tpu.memory_space<hbm>>
          %dma_start3A_235 = tpu.memref_slice %arg6[%add3A_67] : memref<524288xi32, #tpu.memory_space<hbm>> -> memref<4096xi32, #tpu.memory_space<hbm>>
          tpu.enqueue_dma source(%dma_start3A_235 : memref<4096xi32, #tpu.memory_space<hbm>>) target(%arg12 : memref<4096xi32, #tpu.memory_space<vmem>>) target_semaphore(%run_scoped3A : memref<!tpu.dma_semaphore, #tpu.memory_space<semaphore_mem>>)
          %dma_wait3A = tpu.memref_slice %arg6[%add3A_67] : memref<524288xi32, #tpu.memory_space<hbm>> -> memref<4096xi32, #tpu.memory_space<hbm>>
          %dma_wait3A_236 = tpu.memref_slice %arg6[%add3A_67] : memref<524288xi32, #tpu.memory_space<hbm>> -> memref<4096xi32, #tpu.memory_space<hbm>>
          tpu.wait_dma2 semaphore(%run_scoped3A : memref<!tpu.dma_semaphore, #tpu.memory_space<semaphore_mem>>) src(%dma_wait3A_236 : memref<4096xi32, #tpu.memory_space<hbm>>) dst(%arg12 : memref<4096xi32, #tpu.memory_space<vmem>>)
          tpu.yield
        }) : () -> ()
        "tpu.region"() ({
          %run_scoped3A = tpu.sem_alloc : memref<!tpu.dma_semaphore, #tpu.memory_space<semaphore_mem>>
          %dma_start3A = tpu.memref_slice %arg3[%add3A_67] : memref<524288xf32, #tpu.memory_space<hbm>> -> memref<4096xf32, #tpu.memory_space<hbm>>
          %dma_start3A_235 = tpu.memref_slice %arg3[%add3A_67] : memref<524288xf32, #tpu.memory_space<hbm>> -> memref<4096xf32, #tpu.memory_space<hbm>>
          tpu.enqueue_dma source(%dma_start3A_235 : memref<4096xf32, #tpu.memory_space<hbm>>) target(%arg13 : memref<4096xf32, #tpu.memory_space<vmem>>) target_semaphore(%run_scoped3A : memref<!tpu.dma_semaphore, #tpu.memory_space<semaphore_mem>>)
          %dma_wait3A = tpu.memref_slice %arg3[%add3A_67] : memref<524288xf32, #tpu.memory_space<hbm>> -> memref<4096xf32, #tpu.memory_space<hbm>>
          %dma_wait3A_236 = tpu.memref_slice %arg3[%add3A_67] : memref<524288xf32, #tpu.memory_space<hbm>> -> memref<4096xf32, #tpu.memory_space<hbm>>
          tpu.wait_dma2 semaphore(%run_scoped3A : memref<!tpu.dma_semaphore, #tpu.memory_space<semaphore_mem>>) src(%dma_wait3A_236 : memref<4096xf32, #tpu.memory_space<hbm>>) dst(%arg13 : memref<4096xf32, #tpu.memory_space<vmem>>)
          tpu.yield
        }) : () -> ()
        "tpu.region"() ({
          %run_scoped3A = tpu.sem_alloc : memref<!tpu.dma_semaphore, #tpu.memory_space<semaphore_mem>>
          %dma_start3A = tpu.memref_slice %arg7[%add3A_67] : memref<524288xi32, #tpu.memory_space<hbm>> -> memref<4096xi32, #tpu.memory_space<hbm>>
          %dma_start3A_235 = tpu.memref_slice %arg7[%add3A_67] : memref<524288xi32, #tpu.memory_space<hbm>> -> memref<4096xi32, #tpu.memory_space<hbm>>
          tpu.enqueue_dma source(%dma_start3A_235 : memref<4096xi32, #tpu.memory_space<hbm>>) target(%arg14 : memref<4096xi32, #tpu.memory_space<vmem>>) target_semaphore(%run_scoped3A : memref<!tpu.dma_semaphore, #tpu.memory_space<semaphore_mem>>)
          %dma_wait3A = tpu.memref_slice %arg7[%add3A_67] : memref<524288xi32, #tpu.memory_space<hbm>> -> memref<4096xi32, #tpu.memory_space<hbm>>
          %dma_wait3A_236 = tpu.memref_slice %arg7[%add3A_67] : memref<524288xi32, #tpu.memory_space<hbm>> -> memref<4096xi32, #tpu.memory_space<hbm>>
          tpu.wait_dma2 semaphore(%run_scoped3A : memref<!tpu.dma_semaphore, #tpu.memory_space<semaphore_mem>>) src(%dma_wait3A_236 : memref<4096xi32, #tpu.memory_space<hbm>>) dst(%arg14 : memref<4096xi32, #tpu.memory_space<vmem>>)
          tpu.yield
        }) : () -> ()
        %scan3A_68 = arith.constant 0 : i32
        %scan3A_69 = arith.constant 0 : i32
        %scan3A_70 = arith.constant 256 : i32
        %scan3A_71 = arith.addi %scan3A_69, %scan3A_70 : i32
        %scan3A_72 = arith.constant 1 : i32
        %scan3A_73 = scf.for %scan3A_235 = %scan3A_69 to %scan3A_71 step %scan3A_72 iter_args(%scan3A_236 = %scan3A_68) -> (i32)  : i32 {
          %mul3A_237 = arith.constant 16 : i32
          %mul3A_238 = arith.muli %scan3A_235, %mul3A_237 : i32
          %get3A = arith.index_cast %mul3A_238 : i32 to index
          %get3A_239 = tpu.vector_load %arg11[%get3A] {strides = array<i32>} : memref<4096xi32, #tpu.memory_space<vmem>>, vector<16xi32>,
          %shift_right_logical3A = arith.constant 13 : i32
          %shift_right_logical3A_240 = vector.broadcast %shift_right_logical3A : i32 to vector<16xi32>
          %shift_right_logical3A_241 = arith.shrui %get3A_239, %shift_right_logical3A_240 : vector<16xi32>
          %eq3A = vector.broadcast %add3A_27 : i32 to vector<16xi32>
          %eq3A_242 = arith.cmpi eq, %shift_right_logical3A_241, %eq3A : vector<16xi32>
          %and3A_243 = arith.constant 8191 : i32
          %and3A_244 = vector.broadcast %and3A_243 : i32 to vector<16xi32>
          %and3A_245 = arith.andi %get3A_239, %and3A_244 : vector<16xi32>
          %swap3A_246 = arith.index_cast %scan3A_236 : i32 to index
          %swap3A_247 = tpu.vector_load %arg15[%swap3A_246] masked %eq3A_242 {strides = array<i32>} : memref<4224xi32, #tpu.memory_space<vmem>>, vector<16xi32>, vector<16xi1>
          tpu.vector_store %arg15[%swap3A_246], %and3A_245 masked %eq3A_242 {strides = array<i32>} : memref<4224xi32, #tpu.memory_space<vmem>>, vector<16xi32>, vector<16xi1>
          %get3A_248 = arith.index_cast %mul3A_238 : i32 to index
          %get3A_249 = tpu.vector_load %arg12[%get3A_248] {strides = array<i32>} : memref<4096xi32, #tpu.memory_space<vmem>>, vector<16xi32>,
          %swap3A_250 = arith.index_cast %scan3A_236 : i32 to index
          %swap3A_251 = tpu.vector_load %arg16[%swap3A_250] masked %eq3A_242 {strides = array<i32>} : memref<4224xi32, #tpu.memory_space<vmem>>, vector<16xi32>, vector<16xi1>
          tpu.vector_store %arg16[%swap3A_250], %get3A_249 masked %eq3A_242 {strides = array<i32>} : memref<4224xi32, #tpu.memory_space<vmem>>, vector<16xi32>, vector<16xi1>
          %get3A_252 = arith.index_cast %mul3A_238 : i32 to index
          %get3A_253 = tpu.vector_load %arg13[%get3A_252] {strides = array<i32>} : memref<4096xf32, #tpu.memory_space<vmem>>, vector<16xf32>,
          %swap3A_254 = arith.index_cast %scan3A_236 : i32 to index
          %swap3A_255 = tpu.vector_load %arg17[%swap3A_254] masked %eq3A_242 {strides = array<i32>} : memref<4224xf32, #tpu.memory_space<vmem>>, vector<16xf32>, vector<16xi1>
          tpu.vector_store %arg17[%swap3A_254], %get3A_253 masked %eq3A_242 {strides = array<i32>} : memref<4224xf32, #tpu.memory_space<vmem>>, vector<16xf32>, vector<16xi1>
          %get3A_256 = arith.index_cast %mul3A_238 : i32 to index
          %get3A_257 = tpu.vector_load %arg14[%get3A_256] {strides = array<i32>} : memref<4096xi32, #tpu.memory_space<vmem>>, vector<16xi32>,
          %swap3A_258 = arith.index_cast %scan3A_236 : i32 to index
          %swap3A_259 = tpu.vector_load %arg18[%swap3A_258] masked %eq3A_242 {strides = array<i32>} : memref<4224xi32, #tpu.memory_space<vmem>>, vector<16xi32>, vector<16xi1>
          tpu.vector_store %arg18[%swap3A_258], %get3A_257 masked %eq3A_242 {strides = array<i32>} : memref<4224xi32, #tpu.memory_space<vmem>>, vector<16xi32>, vector<16xi1>
          %all_reduce_population_count3A = tpu.all_reduce %eq3A_242 {dim = 0 : i64, kind = #tpu.reduction_kind<sum>} : vector<16xi1> -> vector<16xi32>
          %reduce_max3A = arith.constant true
          %reduce_max3A_260 = vector.broadcast %reduce_max3A : i1 to vector<16xi1>
          %reduce_max3A_261 = arith.constant -2147483648 : i32
          %reduce_max3A_262 = vector.broadcast %reduce_max3A_261 : i32 to vector<16xi32>
          %reduce_max3A_263 = arith.xori %all_reduce_population_count3A, %reduce_max3A_262 : vector<16xi32>
          %reduce_max3A_264 = tpu.scan <max>, %reduce_max3A_263 masked %reduce_max3A_260 : vector<16xi32>, vector<16xi1> -> vector<16xi32>
          %reduce_max3A_265 = arith.xori %reduce_max3A_264, %reduce_max3A_262 : vector<16xi32>
          %reduce_max3A_266 = vector.extract %reduce_max3A_265[15] : i32 from vector<16xi32>
          %add3A_267 = arith.addi %scan3A_236, %reduce_max3A_266 : i32
          scf.yield %add3A_267 : i32
        }
        %scan3A_74 = arith.constant 256 : i32
        %add3A_75 = arith.constant 0 : i32
        %add3A_76 = arith.addi %scan3A_73, %add3A_75 : i32
        %swap3A_77 = arith.index_cast %add3A_76 : i32 to index
        %swap3A_78 = tpu.vector_load %arg15[%swap3A_77] {strides = array<i32>} : memref<4224xi32, #tpu.memory_space<vmem>>, vector<16xi32>,
        tpu.vector_store %arg15[%swap3A_77], %broadcast_in_dim3A_3 {strides = array<i32>} : memref<4224xi32, #tpu.memory_space<vmem>>, vector<16xi32>,
        %add3A_79 = arith.constant 0 : i32
        %add3A_80 = arith.addi %scan3A_73, %add3A_79 : i32
        %swap3A_81 = arith.index_cast %add3A_80 : i32 to index
        %swap3A_82 = tpu.vector_load %arg16[%swap3A_81] {strides = array<i32>} : memref<4224xi32, #tpu.memory_space<vmem>>, vector<16xi32>,
        tpu.vector_store %arg16[%swap3A_81], %broadcast_in_dim3A_3 {strides = array<i32>} : memref<4224xi32, #tpu.memory_space<vmem>>, vector<16xi32>,
        %add3A_83 = arith.constant 0 : i32
        %add3A_84 = arith.addi %scan3A_73, %add3A_83 : i32
        %swap3A_85 = arith.index_cast %add3A_84 : i32 to index
        %swap3A_86 = tpu.vector_load %arg17[%swap3A_85] {strides = array<i32>} : memref<4224xf32, #tpu.memory_space<vmem>>, vector<16xf32>,
        tpu.vector_store %arg17[%swap3A_85], %broadcast_in_dim3A_1 {strides = array<i32>} : memref<4224xf32, #tpu.memory_space<vmem>>, vector<16xf32>,
        %add3A_87 = arith.constant 0 : i32
        %add3A_88 = arith.addi %scan3A_73, %add3A_87 : i32
        %swap3A_89 = arith.index_cast %add3A_88 : i32 to index
        %swap3A_90 = tpu.vector_load %arg18[%swap3A_89] {strides = array<i32>} : memref<4224xi32, #tpu.memory_space<vmem>>, vector<16xi32>,
        tpu.vector_store %arg18[%swap3A_89], %broadcast_in_dim3A_3 {strides = array<i32>} : memref<4224xi32, #tpu.memory_space<vmem>>, vector<16xi32>,
        %add3A_91 = arith.constant 16 : i32
        %add3A_92 = arith.addi %scan3A_73, %add3A_91 : i32
        %swap3A_93 = arith.index_cast %add3A_92 : i32 to index
        %swap3A_94 = tpu.vector_load %arg15[%swap3A_93] {strides = array<i32>} : memref<4224xi32, #tpu.memory_space<vmem>>, vector<16xi32>,
        tpu.vector_store %arg15[%swap3A_93], %broadcast_in_dim3A_3 {strides = array<i32>} : memref<4224xi32, #tpu.memory_space<vmem>>, vector<16xi32>,
        %add3A_95 = arith.constant 16 : i32
        %add3A_96 = arith.addi %scan3A_73, %add3A_95 : i32
        %swap3A_97 = arith.index_cast %add3A_96 : i32 to index
        %swap3A_98 = tpu.vector_load %arg16[%swap3A_97] {strides = array<i32>} : memref<4224xi32, #tpu.memory_space<vmem>>, vector<16xi32>,
        tpu.vector_store %arg16[%swap3A_97], %broadcast_in_dim3A_3 {strides = array<i32>} : memref<4224xi32, #tpu.memory_space<vmem>>, vector<16xi32>,
        %add3A_99 = arith.constant 16 : i32
        %add3A_100 = arith.addi %scan3A_73, %add3A_99 : i32
        %swap3A_101 = arith.index_cast %add3A_100 : i32 to index
        %swap3A_102 = tpu.vector_load %arg17[%swap3A_101] {strides = array<i32>} : memref<4224xf32, #tpu.memory_space<vmem>>, vector<16xf32>,
        tpu.vector_store %arg17[%swap3A_101], %broadcast_in_dim3A_1 {strides = array<i32>} : memref<4224xf32, #tpu.memory_space<vmem>>, vector<16xf32>,
        %add3A_103 = arith.constant 16 : i32
        %add3A_104 = arith.addi %scan3A_73, %add3A_103 : i32
        %swap3A_105 = arith.index_cast %add3A_104 : i32 to index
        %swap3A_106 = tpu.vector_load %arg18[%swap3A_105] {strides = array<i32>} : memref<4224xi32, #tpu.memory_space<vmem>>, vector<16xi32>,
        tpu.vector_store %arg18[%swap3A_105], %broadcast_in_dim3A_3 {strides = array<i32>} : memref<4224xi32, #tpu.memory_space<vmem>>, vector<16xi32>,
        %add3A_107 = arith.constant 32 : i32
        %add3A_108 = arith.addi %scan3A_73, %add3A_107 : i32
        %swap3A_109 = arith.index_cast %add3A_108 : i32 to index
        %swap3A_110 = tpu.vector_load %arg15[%swap3A_109] {strides = array<i32>} : memref<4224xi32, #tpu.memory_space<vmem>>, vector<16xi32>,
        tpu.vector_store %arg15[%swap3A_109], %broadcast_in_dim3A_3 {strides = array<i32>} : memref<4224xi32, #tpu.memory_space<vmem>>, vector<16xi32>,
        %add3A_111 = arith.constant 32 : i32
        %add3A_112 = arith.addi %scan3A_73, %add3A_111 : i32
        %swap3A_113 = arith.index_cast %add3A_112 : i32 to index
        %swap3A_114 = tpu.vector_load %arg16[%swap3A_113] {strides = array<i32>} : memref<4224xi32, #tpu.memory_space<vmem>>, vector<16xi32>,
        tpu.vector_store %arg16[%swap3A_113], %broadcast_in_dim3A_3 {strides = array<i32>} : memref<4224xi32, #tpu.memory_space<vmem>>, vector<16xi32>,
        %add3A_115 = arith.constant 32 : i32
        %add3A_116 = arith.addi %scan3A_73, %add3A_115 : i32
        %swap3A_117 = arith.index_cast %add3A_116 : i32 to index
        %swap3A_118 = tpu.vector_load %arg17[%swap3A_117] {strides = array<i32>} : memref<4224xf32, #tpu.memory_space<vmem>>, vector<16xf32>,
        tpu.vector_store %arg17[%swap3A_117], %broadcast_in_dim3A_1 {strides = array<i32>} : memref<4224xf32, #tpu.memory_space<vmem>>, vector<16xf32>,
        %add3A_119 = arith.constant 32 : i32
        %add3A_120 = arith.addi %scan3A_73, %add3A_119 : i32
        %swap3A_121 = arith.index_cast %add3A_120 : i32 to index
        %swap3A_122 = tpu.vector_load %arg18[%swap3A_121] {strides = array<i32>} : memref<4224xi32, #tpu.memory_space<vmem>>, vector<16xi32>,
        tpu.vector_store %arg18[%swap3A_121], %broadcast_in_dim3A_3 {strides = array<i32>} : memref<4224xi32, #tpu.memory_space<vmem>>, vector<16xi32>,
        %add3A_123 = arith.constant 48 : i32
        %add3A_124 = arith.addi %scan3A_73, %add3A_123 : i32
        %swap3A_125 = arith.index_cast %add3A_124 : i32 to index
        %swap3A_126 = tpu.vector_load %arg15[%swap3A_125] {strides = array<i32>} : memref<4224xi32, #tpu.memory_space<vmem>>, vector<16xi32>,
        tpu.vector_store %arg15[%swap3A_125], %broadcast_in_dim3A_3 {strides = array<i32>} : memref<4224xi32, #tpu.memory_space<vmem>>, vector<16xi32>,
        %add3A_127 = arith.constant 48 : i32
        %add3A_128 = arith.addi %scan3A_73, %add3A_127 : i32
        %swap3A_129 = arith.index_cast %add3A_128 : i32 to index
        %swap3A_130 = tpu.vector_load %arg16[%swap3A_129] {strides = array<i32>} : memref<4224xi32, #tpu.memory_space<vmem>>, vector<16xi32>,
        tpu.vector_store %arg16[%swap3A_129], %broadcast_in_dim3A_3 {strides = array<i32>} : memref<4224xi32, #tpu.memory_space<vmem>>, vector<16xi32>,
        %add3A_131 = arith.constant 48 : i32
        %add3A_132 = arith.addi %scan3A_73, %add3A_131 : i32
        %swap3A_133 = arith.index_cast %add3A_132 : i32 to index
        %swap3A_134 = tpu.vector_load %arg17[%swap3A_133] {strides = array<i32>} : memref<4224xf32, #tpu.memory_space<vmem>>, vector<16xf32>,
        tpu.vector_store %arg17[%swap3A_133], %broadcast_in_dim3A_1 {strides = array<i32>} : memref<4224xf32, #tpu.memory_space<vmem>>, vector<16xf32>,
        %add3A_135 = arith.constant 48 : i32
        %add3A_136 = arith.addi %scan3A_73, %add3A_135 : i32
        %swap3A_137 = arith.index_cast %add3A_136 : i32 to index
        %swap3A_138 = tpu.vector_load %arg18[%swap3A_137] {strides = array<i32>} : memref<4224xi32, #tpu.memory_space<vmem>>, vector<16xi32>,
        tpu.vector_store %arg18[%swap3A_137], %broadcast_in_dim3A_3 {strides = array<i32>} : memref<4224xi32, #tpu.memory_space<vmem>>, vector<16xi32>,
        %add3A_139 = arith.constant 64 : i32
        %add3A_140 = arith.addi %scan3A_73, %add3A_139 : i32
        %swap3A_141 = arith.index_cast %add3A_140 : i32 to index
        %swap3A_142 = tpu.vector_load %arg15[%swap3A_141] {strides = array<i32>} : memref<4224xi32, #tpu.memory_space<vmem>>, vector<16xi32>,
        tpu.vector_store %arg15[%swap3A_141], %broadcast_in_dim3A_3 {strides = array<i32>} : memref<4224xi32, #tpu.memory_space<vmem>>, vector<16xi32>,
        %add3A_143 = arith.constant 64 : i32
        %add3A_144 = arith.addi %scan3A_73, %add3A_143 : i32
        %swap3A_145 = arith.index_cast %add3A_144 : i32 to index
        %swap3A_146 = tpu.vector_load %arg16[%swap3A_145] {strides = array<i32>} : memref<4224xi32, #tpu.memory_space<vmem>>, vector<16xi32>,
        tpu.vector_store %arg16[%swap3A_145], %broadcast_in_dim3A_3 {strides = array<i32>} : memref<4224xi32, #tpu.memory_space<vmem>>, vector<16xi32>,
        %add3A_147 = arith.constant 64 : i32
        %add3A_148 = arith.addi %scan3A_73, %add3A_147 : i32
        %swap3A_149 = arith.index_cast %add3A_148 : i32 to index
        %swap3A_150 = tpu.vector_load %arg17[%swap3A_149] {strides = array<i32>} : memref<4224xf32, #tpu.memory_space<vmem>>, vector<16xf32>,
        tpu.vector_store %arg17[%swap3A_149], %broadcast_in_dim3A_1 {strides = array<i32>} : memref<4224xf32, #tpu.memory_space<vmem>>, vector<16xf32>,
        %add3A_151 = arith.constant 64 : i32
        %add3A_152 = arith.addi %scan3A_73, %add3A_151 : i32
        %swap3A_153 = arith.index_cast %add3A_152 : i32 to index
        %swap3A_154 = tpu.vector_load %arg18[%swap3A_153] {strides = array<i32>} : memref<4224xi32, #tpu.memory_space<vmem>>, vector<16xi32>,
        tpu.vector_store %arg18[%swap3A_153], %broadcast_in_dim3A_3 {strides = array<i32>} : memref<4224xi32, #tpu.memory_space<vmem>>, vector<16xi32>,
        %add3A_155 = arith.constant 80 : i32
        %add3A_156 = arith.addi %scan3A_73, %add3A_155 : i32
        %swap3A_157 = arith.index_cast %add3A_156 : i32 to index
        %swap3A_158 = tpu.vector_load %arg15[%swap3A_157] {strides = array<i32>} : memref<4224xi32, #tpu.memory_space<vmem>>, vector<16xi32>,
        tpu.vector_store %arg15[%swap3A_157], %broadcast_in_dim3A_3 {strides = array<i32>} : memref<4224xi32, #tpu.memory_space<vmem>>, vector<16xi32>,
        %add3A_159 = arith.constant 80 : i32
        %add3A_160 = arith.addi %scan3A_73, %add3A_159 : i32
        %swap3A_161 = arith.index_cast %add3A_160 : i32 to index
        %swap3A_162 = tpu.vector_load %arg16[%swap3A_161] {strides = array<i32>} : memref<4224xi32, #tpu.memory_space<vmem>>, vector<16xi32>,
        tpu.vector_store %arg16[%swap3A_161], %broadcast_in_dim3A_3 {strides = array<i32>} : memref<4224xi32, #tpu.memory_space<vmem>>, vector<16xi32>,
        %add3A_163 = arith.constant 80 : i32
        %add3A_164 = arith.addi %scan3A_73, %add3A_163 : i32
        %swap3A_165 = arith.index_cast %add3A_164 : i32 to index
        %swap3A_166 = tpu.vector_load %arg17[%swap3A_165] {strides = array<i32>} : memref<4224xf32, #tpu.memory_space<vmem>>, vector<16xf32>,
        tpu.vector_store %arg17[%swap3A_165], %broadcast_in_dim3A_1 {strides = array<i32>} : memref<4224xf32, #tpu.memory_space<vmem>>, vector<16xf32>,
        %add3A_167 = arith.constant 80 : i32
        %add3A_168 = arith.addi %scan3A_73, %add3A_167 : i32
        %swap3A_169 = arith.index_cast %add3A_168 : i32 to index
        %swap3A_170 = tpu.vector_load %arg18[%swap3A_169] {strides = array<i32>} : memref<4224xi32, #tpu.memory_space<vmem>>, vector<16xi32>,
        tpu.vector_store %arg18[%swap3A_169], %broadcast_in_dim3A_3 {strides = array<i32>} : memref<4224xi32, #tpu.memory_space<vmem>>, vector<16xi32>,
        %add3A_171 = arith.constant 96 : i32
        %add3A_172 = arith.addi %scan3A_73, %add3A_171 : i32
        %swap3A_173 = arith.index_cast %add3A_172 : i32 to index
        %swap3A_174 = tpu.vector_load %arg15[%swap3A_173] {strides = array<i32>} : memref<4224xi32, #tpu.memory_space<vmem>>, vector<16xi32>,
        tpu.vector_store %arg15[%swap3A_173], %broadcast_in_dim3A_3 {strides = array<i32>} : memref<4224xi32, #tpu.memory_space<vmem>>, vector<16xi32>,
        %add3A_175 = arith.constant 96 : i32
        %add3A_176 = arith.addi %scan3A_73, %add3A_175 : i32
        %swap3A_177 = arith.index_cast %add3A_176 : i32 to index
        %swap3A_178 = tpu.vector_load %arg16[%swap3A_177] {strides = array<i32>} : memref<4224xi32, #tpu.memory_space<vmem>>, vector<16xi32>,
        tpu.vector_store %arg16[%swap3A_177], %broadcast_in_dim3A_3 {strides = array<i32>} : memref<4224xi32, #tpu.memory_space<vmem>>, vector<16xi32>,
        %add3A_179 = arith.constant 96 : i32
        %add3A_180 = arith.addi %scan3A_73, %add3A_179 : i32
        %swap3A_181 = arith.index_cast %add3A_180 : i32 to index
        %swap3A_182 = tpu.vector_load %arg17[%swap3A_181] {strides = array<i32>} : memref<4224xf32, #tpu.memory_space<vmem>>, vector<16xf32>,
        tpu.vector_store %arg17[%swap3A_181], %broadcast_in_dim3A_1 {strides = array<i32>} : memref<4224xf32, #tpu.memory_space<vmem>>, vector<16xf32>,
        %add3A_183 = arith.constant 96 : i32
        %add3A_184 = arith.addi %scan3A_73, %add3A_183 : i32
        %swap3A_185 = arith.index_cast %add3A_184 : i32 to index
        %swap3A_186 = tpu.vector_load %arg18[%swap3A_185] {strides = array<i32>} : memref<4224xi32, #tpu.memory_space<vmem>>, vector<16xi32>,
        tpu.vector_store %arg18[%swap3A_185], %broadcast_in_dim3A_3 {strides = array<i32>} : memref<4224xi32, #tpu.memory_space<vmem>>, vector<16xi32>,
        %add3A_187 = arith.constant 112 : i32
        %add3A_188 = arith.addi %scan3A_73, %add3A_187 : i32
        %swap3A_189 = arith.index_cast %add3A_188 : i32 to index
        %swap3A_190 = tpu.vector_load %arg15[%swap3A_189] {strides = array<i32>} : memref<4224xi32, #tpu.memory_space<vmem>>, vector<16xi32>,
        tpu.vector_store %arg15[%swap3A_189], %broadcast_in_dim3A_3 {strides = array<i32>} : memref<4224xi32, #tpu.memory_space<vmem>>, vector<16xi32>,
        %add3A_191 = arith.constant 112 : i32
        %add3A_192 = arith.addi %scan3A_73, %add3A_191 : i32
        %swap3A_193 = arith.index_cast %add3A_192 : i32 to index
        %swap3A_194 = tpu.vector_load %arg16[%swap3A_193] {strides = array<i32>} : memref<4224xi32, #tpu.memory_space<vmem>>, vector<16xi32>,
        tpu.vector_store %arg16[%swap3A_193], %broadcast_in_dim3A_3 {strides = array<i32>} : memref<4224xi32, #tpu.memory_space<vmem>>, vector<16xi32>,
        %add3A_195 = arith.constant 112 : i32
        %add3A_196 = arith.addi %scan3A_73, %add3A_195 : i32
        %swap3A_197 = arith.index_cast %add3A_196 : i32 to index
        %swap3A_198 = tpu.vector_load %arg17[%swap3A_197] {strides = array<i32>} : memref<4224xf32, #tpu.memory_space<vmem>>, vector<16xf32>,
        tpu.vector_store %arg17[%swap3A_197], %broadcast_in_dim3A_1 {strides = array<i32>} : memref<4224xf32, #tpu.memory_space<vmem>>, vector<16xf32>,
        %add3A_199 = arith.constant 112 : i32
        %add3A_200 = arith.addi %scan3A_73, %add3A_199 : i32
        %swap3A_201 = arith.index_cast %add3A_200 : i32 to index
        %swap3A_202 = tpu.vector_load %arg18[%swap3A_201] {strides = array<i32>} : memref<4224xi32, #tpu.memory_space<vmem>>, vector<16xi32>,
        tpu.vector_store %arg18[%swap3A_201], %broadcast_in_dim3A_3 {strides = array<i32>} : memref<4224xi32, #tpu.memory_space<vmem>>, vector<16xi32>,
        %add3A_203 = arith.constant 128 : i32
        %add3A_204 = arith.addi %scan3A_73, %add3A_203 : i32
        %sub3A = arith.constant 1 : i32
        %sub3A_205 = arith.subi %add3A_204, %sub3A : i32
        %jit3A = arith.constant 128 : i32
        %div3A = arith.divsi %sub3A_205, %jit3A : i32
        %sign3A = arith.constant 0 : i32
        %sign3A_206 = arith.cmpi sgt, %sub3A_205, %sign3A : i32
        %sign3A_207 = arith.extui %sign3A_206 : i1 to i32
        %sign3A_208 = arith.constant 0 : i32
        %sign3A_209 = arith.cmpi slt, %sub3A_205, %sign3A_208 : i32
        %sign3A_210 = arith.extui %sign3A_209 : i1 to i32
        %sign3A_211 = arith.subi %sign3A_207, %sign3A_210 : i32
        %sign3A_212 = arith.constant 0 : i32
        %sign3A_213 = arith.cmpi sgt, %jit3A, %sign3A_212 : i32
        %sign3A_214 = arith.extui %sign3A_213 : i1 to i32
        %sign3A_215 = arith.constant 0 : i32
        %sign3A_216 = arith.cmpi slt, %jit3A, %sign3A_215 : i32
        %sign3A_217 = arith.extui %sign3A_216 : i1 to i32
        %sign3A_218 = arith.subi %sign3A_214, %sign3A_217 : i32
        %ne3A = arith.cmpi ne, %sign3A_211, %sign3A_218 : i32
        %rem3A = arith.remsi %sub3A_205, %jit3A : i32
        %ne3A_219 = arith.constant 0 : i32
        %ne3A_220 = arith.cmpi ne, %rem3A, %ne3A_219 : i32
        %and3A = arith.andi %ne3A, %ne3A_220 : i1
        %sub3A_221 = arith.constant 1 : i32
        %sub3A_222 = arith.subi %div3A, %sub3A_221 : i32
        %select_n3A = arith.select %and3A, %sub3A_222, %div3A : i32
        %while3A = arith.constant 0 : i32
        %while3A_223 = arith.constant 0 : i32
        %while3A_224 = arith.subi %select_n3A, %while3A : i32
        %while3A_225 = arith.addi %while3A, %while3A_224 : i32
        %while3A_226 = arith.constant 1 : i32
        %while3A_227 = arith.divsi %while3A_224, %while3A_226 : i32
        %while3A_228 = arith.muli %while3A_227, %while3A_226 : i32
        %while3A_229 = arith.addi %while3A, %while3A_228 : i32
        %while3A_230 = arith.constant 1 : i32
        %while3A_231 = scf.for %while3A_235 = %while3A to %while3A_229 step %while3A_230 iter_args(%while3A_236 = %while3A_223) -> (i32)  : i32 {
          %mul3A_237 = arith.constant 128 : i32
          %mul3A_238 = arith.muli %while3A_235, %mul3A_237 : i32
          %add3A_239 = arith.constant 0 : i32
          %add3A_240 = arith.addi %mul3A_238, %add3A_239 : i32
          %get3A = arith.index_cast %add3A_240 : i32 to index
          %get3A_241 = tpu.vector_load %arg15[%get3A] {strides = array<i32>} : memref<4224xi32, #tpu.memory_space<vmem>>, vector<16xi32>,
          %swap3A_242 = arith.constant 0 : index
          %swap3A_243 = tpu.vector_load %arg19[%swap3A_242] {strides = array<i32>} : memref<128xi32, #tpu.memory_space<vmem>>, vector<16xi32>,
          tpu.vector_store %arg19[%swap3A_242], %get3A_241 {strides = array<i32>} : memref<128xi32, #tpu.memory_space<vmem>>, vector<16xi32>,
          %mul3A_244 = arith.constant 128 : i32
          %mul3A_245 = arith.muli %while3A_235, %mul3A_244 : i32
          %add3A_246 = arith.constant 0 : i32
          %add3A_247 = arith.addi %mul3A_245, %add3A_246 : i32
          %get3A_248 = arith.index_cast %add3A_247 : i32 to index
          %get3A_249 = tpu.vector_load %arg16[%get3A_248] {strides = array<i32>} : memref<4224xi32, #tpu.memory_space<vmem>>, vector<16xi32>,
          %swap3A_250 = arith.constant 0 : index
          %swap3A_251 = tpu.vector_load %arg20[%swap3A_250] {strides = array<i32>} : memref<128xi32, #tpu.memory_space<vmem>>, vector<16xi32>,
          tpu.vector_store %arg20[%swap3A_250], %get3A_249 {strides = array<i32>} : memref<128xi32, #tpu.memory_space<vmem>>, vector<16xi32>,
          %mul3A_252 = arith.constant 128 : i32
          %mul3A_253 = arith.muli %while3A_235, %mul3A_252 : i32
          %add3A_254 = arith.constant 16 : i32
          %add3A_255 = arith.addi %mul3A_253, %add3A_254 : i32
          %get3A_256 = arith.index_cast %add3A_255 : i32 to index
          %get3A_257 = tpu.vector_load %arg15[%get3A_256] {strides = array<i32>} : memref<4224xi32, #tpu.memory_space<vmem>>, vector<16xi32>,
          %swap3A_258 = arith.constant 16 : index
          %swap3A_259 = tpu.vector_load %arg19[%swap3A_258] {strides = array<i32>} : memref<128xi32, #tpu.memory_space<vmem>>, vector<16xi32>,
          tpu.vector_store %arg19[%swap3A_258], %get3A_257 {strides = array<i32>} : memref<128xi32, #tpu.memory_space<vmem>>, vector<16xi32>,
          %mul3A_260 = arith.constant 128 : i32
          %mul3A_261 = arith.muli %while3A_235, %mul3A_260 : i32
          %add3A_262 = arith.constant 16 : i32
          %add3A_263 = arith.addi %mul3A_261, %add3A_262 : i32
          %get3A_264 = arith.index_cast %add3A_263 : i32 to index
          %get3A_265 = tpu.vector_load %arg16[%get3A_264] {strides = array<i32>} : memref<4224xi32, #tpu.memory_space<vmem>>, vector<16xi32>,
          %swap3A_266 = arith.constant 16 : index
          %swap3A_267 = tpu.vector_load %arg20[%swap3A_266] {strides = array<i32>} : memref<128xi32, #tpu.memory_space<vmem>>, vector<16xi32>,
          tpu.vector_store %arg20[%swap3A_266], %get3A_265 {strides = array<i32>} : memref<128xi32, #tpu.memory_space<vmem>>, vector<16xi32>,
          %mul3A_268 = arith.constant 128 : i32
          %mul3A_269 = arith.muli %while3A_235, %mul3A_268 : i32
          %add3A_270 = arith.constant 32 : i32
          %add3A_271 = arith.addi %mul3A_269, %add3A_270 : i32
          %get3A_272 = arith.index_cast %add3A_271 : i32 to index
          %get3A_273 = tpu.vector_load %arg15[%get3A_272] {strides = array<i32>} : memref<4224xi32, #tpu.memory_space<vmem>>, vector<16xi32>,
          %swap3A_274 = arith.constant 32 : index
          %swap3A_275 = tpu.vector_load %arg19[%swap3A_274] {strides = array<i32>} : memref<128xi32, #tpu.memory_space<vmem>>, vector<16xi32>,
          tpu.vector_store %arg19[%swap3A_274], %get3A_273 {strides = array<i32>} : memref<128xi32, #tpu.memory_space<vmem>>, vector<16xi32>,
          %mul3A_276 = arith.constant 128 : i32
          %mul3A_277 = arith.muli %while3A_235, %mul3A_276 : i32
          %add3A_278 = arith.constant 32 : i32
          %add3A_279 = arith.addi %mul3A_277, %add3A_278 : i32
          %get3A_280 = arith.index_cast %add3A_279 : i32 to index
          %get3A_281 = tpu.vector_load %arg16[%get3A_280] {strides = array<i32>} : memref<4224xi32, #tpu.memory_space<vmem>>, vector<16xi32>,
          %swap3A_282 = arith.constant 32 : index
          %swap3A_283 = tpu.vector_load %arg20[%swap3A_282] {strides = array<i32>} : memref<128xi32, #tpu.memory_space<vmem>>, vector<16xi32>,
          tpu.vector_store %arg20[%swap3A_282], %get3A_281 {strides = array<i32>} : memref<128xi32, #tpu.memory_space<vmem>>, vector<16xi32>,
          %mul3A_284 = arith.constant 128 : i32
          %mul3A_285 = arith.muli %while3A_235, %mul3A_284 : i32
          %add3A_286 = arith.constant 48 : i32
          %add3A_287 = arith.addi %mul3A_285, %add3A_286 : i32
          %get3A_288 = arith.index_cast %add3A_287 : i32 to index
          %get3A_289 = tpu.vector_load %arg15[%get3A_288] {strides = array<i32>} : memref<4224xi32, #tpu.memory_space<vmem>>, vector<16xi32>,
          %swap3A_290 = arith.constant 48 : index
          %swap3A_291 = tpu.vector_load %arg19[%swap3A_290] {strides = array<i32>} : memref<128xi32, #tpu.memory_space<vmem>>, vector<16xi32>,
          tpu.vector_store %arg19[%swap3A_290], %get3A_289 {strides = array<i32>} : memref<128xi32, #tpu.memory_space<vmem>>, vector<16xi32>,
          %mul3A_292 = arith.constant 128 : i32
          %mul3A_293 = arith.muli %while3A_235, %mul3A_292 : i32
          %add3A_294 = arith.constant 48 : i32
          %add3A_295 = arith.addi %mul3A_293, %add3A_294 : i32
          %get3A_296 = arith.index_cast %add3A_295 : i32 to index
          %get3A_297 = tpu.vector_load %arg16[%get3A_296] {strides = array<i32>} : memref<4224xi32, #tpu.memory_space<vmem>>, vector<16xi32>,
          %swap3A_298 = arith.constant 48 : index
          %swap3A_299 = tpu.vector_load %arg20[%swap3A_298] {strides = array<i32>} : memref<128xi32, #tpu.memory_space<vmem>>, vector<16xi32>,
          tpu.vector_store %arg20[%swap3A_298], %get3A_297 {strides = array<i32>} : memref<128xi32, #tpu.memory_space<vmem>>, vector<16xi32>,
          %mul3A_300 = arith.constant 128 : i32
          %mul3A_301 = arith.muli %while3A_235, %mul3A_300 : i32
          %add3A_302 = arith.constant 64 : i32
          %add3A_303 = arith.addi %mul3A_301, %add3A_302 : i32
          %get3A_304 = arith.index_cast %add3A_303 : i32 to index
          %get3A_305 = tpu.vector_load %arg15[%get3A_304] {strides = array<i32>} : memref<4224xi32, #tpu.memory_space<vmem>>, vector<16xi32>,
          %swap3A_306 = arith.constant 64 : index
          %swap3A_307 = tpu.vector_load %arg19[%swap3A_306] {strides = array<i32>} : memref<128xi32, #tpu.memory_space<vmem>>, vector<16xi32>,
          tpu.vector_store %arg19[%swap3A_306], %get3A_305 {strides = array<i32>} : memref<128xi32, #tpu.memory_space<vmem>>, vector<16xi32>,
          %mul3A_308 = arith.constant 128 : i32
          %mul3A_309 = arith.muli %while3A_235, %mul3A_308 : i32
          %add3A_310 = arith.constant 64 : i32
          %add3A_311 = arith.addi %mul3A_309, %add3A_310 : i32
          %get3A_312 = arith.index_cast %add3A_311 : i32 to index
          %get3A_313 = tpu.vector_load %arg16[%get3A_312] {strides = array<i32>} : memref<4224xi32, #tpu.memory_space<vmem>>, vector<16xi32>,
          %swap3A_314 = arith.constant 64 : index
          %swap3A_315 = tpu.vector_load %arg20[%swap3A_314] {strides = array<i32>} : memref<128xi32, #tpu.memory_space<vmem>>, vector<16xi32>,
          tpu.vector_store %arg20[%swap3A_314], %get3A_313 {strides = array<i32>} : memref<128xi32, #tpu.memory_space<vmem>>, vector<16xi32>,
          %mul3A_316 = arith.constant 128 : i32
          %mul3A_317 = arith.muli %while3A_235, %mul3A_316 : i32
          %add3A_318 = arith.constant 80 : i32
          %add3A_319 = arith.addi %mul3A_317, %add3A_318 : i32
          %get3A_320 = arith.index_cast %add3A_319 : i32 to index
          %get3A_321 = tpu.vector_load %arg15[%get3A_320] {strides = array<i32>} : memref<4224xi32, #tpu.memory_space<vmem>>, vector<16xi32>,
          %swap3A_322 = arith.constant 80 : index
          %swap3A_323 = tpu.vector_load %arg19[%swap3A_322] {strides = array<i32>} : memref<128xi32, #tpu.memory_space<vmem>>, vector<16xi32>,
          tpu.vector_store %arg19[%swap3A_322], %get3A_321 {strides = array<i32>} : memref<128xi32, #tpu.memory_space<vmem>>, vector<16xi32>,
          %mul3A_324 = arith.constant 128 : i32
          %mul3A_325 = arith.muli %while3A_235, %mul3A_324 : i32
          %add3A_326 = arith.constant 80 : i32
          %add3A_327 = arith.addi %mul3A_325, %add3A_326 : i32
          %get3A_328 = arith.index_cast %add3A_327 : i32 to index
          %get3A_329 = tpu.vector_load %arg16[%get3A_328] {strides = array<i32>} : memref<4224xi32, #tpu.memory_space<vmem>>, vector<16xi32>,
          %swap3A_330 = arith.constant 80 : index
          %swap3A_331 = tpu.vector_load %arg20[%swap3A_330] {strides = array<i32>} : memref<128xi32, #tpu.memory_space<vmem>>, vector<16xi32>,
          tpu.vector_store %arg20[%swap3A_330], %get3A_329 {strides = array<i32>} : memref<128xi32, #tpu.memory_space<vmem>>, vector<16xi32>,
          %mul3A_332 = arith.constant 128 : i32
          %mul3A_333 = arith.muli %while3A_235, %mul3A_332 : i32
          %add3A_334 = arith.constant 96 : i32
          %add3A_335 = arith.addi %mul3A_333, %add3A_334 : i32
          %get3A_336 = arith.index_cast %add3A_335 : i32 to index
          %get3A_337 = tpu.vector_load %arg15[%get3A_336] {strides = array<i32>} : memref<4224xi32, #tpu.memory_space<vmem>>, vector<16xi32>,
          %swap3A_338 = arith.constant 96 : index
          %swap3A_339 = tpu.vector_load %arg19[%swap3A_338] {strides = array<i32>} : memref<128xi32, #tpu.memory_space<vmem>>, vector<16xi32>,
          tpu.vector_store %arg19[%swap3A_338], %get3A_337 {strides = array<i32>} : memref<128xi32, #tpu.memory_space<vmem>>, vector<16xi32>,
          %mul3A_340 = arith.constant 128 : i32
          %mul3A_341 = arith.muli %while3A_235, %mul3A_340 : i32
          %add3A_342 = arith.constant 96 : i32
          %add3A_343 = arith.addi %mul3A_341, %add3A_342 : i32
          %get3A_344 = arith.index_cast %add3A_343 : i32 to index
          %get3A_345 = tpu.vector_load %arg16[%get3A_344] {strides = array<i32>} : memref<4224xi32, #tpu.memory_space<vmem>>, vector<16xi32>,
          %swap3A_346 = arith.constant 96 : index
          %swap3A_347 = tpu.vector_load %arg20[%swap3A_346] {strides = array<i32>} : memref<128xi32, #tpu.memory_space<vmem>>, vector<16xi32>,
          tpu.vector_store %arg20[%swap3A_346], %get3A_345 {strides = array<i32>} : memref<128xi32, #tpu.memory_space<vmem>>, vector<16xi32>,
          %mul3A_348 = arith.constant 128 : i32
          %mul3A_349 = arith.muli %while3A_235, %mul3A_348 : i32
          %add3A_350 = arith.constant 112 : i32
          %add3A_351 = arith.addi %mul3A_349, %add3A_350 : i32
          %get3A_352 = arith.index_cast %add3A_351 : i32 to index
          %get3A_353 = tpu.vector_load %arg15[%get3A_352] {strides = array<i32>} : memref<4224xi32, #tpu.memory_space<vmem>>, vector<16xi32>,
          %swap3A_354 = arith.constant 112 : index
          %swap3A_355 = tpu.vector_load %arg19[%swap3A_354] {strides = array<i32>} : memref<128xi32, #tpu.memory_space<vmem>>, vector<16xi32>,
          tpu.vector_store %arg19[%swap3A_354], %get3A_353 {strides = array<i32>} : memref<128xi32, #tpu.memory_space<vmem>>, vector<16xi32>,
          %mul3A_356 = arith.constant 128 : i32
          %mul3A_357 = arith.muli %while3A_235, %mul3A_356 : i32
          %add3A_358 = arith.constant 112 : i32
          %add3A_359 = arith.addi %mul3A_357, %add3A_358 : i32
          %get3A_360 = arith.index_cast %add3A_359 : i32 to index
          %get3A_361 = tpu.vector_load %arg16[%get3A_360] {strides = array<i32>} : memref<4224xi32, #tpu.memory_space<vmem>>, vector<16xi32>,
          %swap3A_362 = arith.constant 112 : index
          %swap3A_363 = tpu.vector_load %arg20[%swap3A_362] {strides = array<i32>} : memref<128xi32, #tpu.memory_space<vmem>>, vector<16xi32>,
          tpu.vector_store %arg20[%swap3A_362], %get3A_361 {strides = array<i32>} : memref<128xi32, #tpu.memory_space<vmem>>, vector<16xi32>,
          "tpu.region"() ({
            %run_scoped3A = tpu.sem_alloc : memref<!tpu.dma_semaphore, #tpu.memory_space<semaphore_mem>>
            %dma_start3A = arith.constant 0 : i32
            %dma_start3A_372 = arith.constant 0 : i32
            %dma_start3A_373 = tpu.memref_slice %arg2[%dma_start3A, %dma_start3A_372] : memref<65536x96xf32, #tpu.memory_space<hbm>> -> memref<65536x96xf32, #tpu.memory_space<hbm>>
            tpu.enqueue_indirect_dma source(%dma_start3A_373 : memref<65536x96xf32, #tpu.memory_space<hbm>>) target(%arg21 : memref<128x96xf32, #tpu.memory_space<vmem>>) offsets(%arg20 : memref<128xi32, #tpu.memory_space<vmem>>) semaphore(%run_scoped3A : memref<!tpu.dma_semaphore, #tpu.memory_space<semaphore_mem>>)
            %dma_wait3A = arith.constant 0 : i32
            %dma_wait3A_374 = arith.constant 0 : i32
            %dma_wait3A_375 = tpu.memref_slice %arg2[%dma_wait3A, %dma_wait3A_374] : memref<65536x96xf32, #tpu.memory_space<hbm>> -> memref<65536x96xf32, #tpu.memory_space<hbm>>
            tpu.wait_indirect_dma semaphore(%run_scoped3A : memref<!tpu.dma_semaphore, #tpu.memory_space<semaphore_mem>>) src(%dma_wait3A_375 : memref<65536x96xf32, #tpu.memory_space<hbm>>) dst(%arg21 : memref<128x96xf32, #tpu.memory_space<vmem>>)
            tpu.yield
          }) : () -> ()
          %scan3A_364 = arith.constant 0 : i32
          %scan3A_365 = arith.constant 0 : i32
          %scan3A_366 = arith.constant 128 : i32
          %scan3A_367 = arith.addi %scan3A_365, %scan3A_366 : i32
          %scan3A_368 = arith.constant 1 : i32
          %scan3A_369 = scf.for %scan3A_372 = %scan3A_365 to %scan3A_367 step %scan3A_368 iter_args(%scan3A_373 = %scan3A_364) -> (i32)  : i32 {
            %mul3A_374 = arith.constant 128 : i32
            %mul3A_375 = arith.muli %while3A_235, %mul3A_374 : i32
            %add3A_376 = arith.addi %mul3A_375, %scan3A_372 : i32
            %broadcast_in_dim3A_377 = vector.broadcast %add3A_376 : i32 to vector<16xi32>
            %gather3A = tpu.vector_load_idx %arg18[%broadcast_in_dim3A_377] : memref<4224xi32, #tpu.memory_space<vmem>>[vector<16xi32>], vector<16xi32>,
            %broadcast_in_dim3A_378 = vector.broadcast %add3A_376 : i32 to vector<16xi32>
            %gather3A_379 = tpu.vector_load_idx %arg17[%broadcast_in_dim3A_378] : memref<4224xf32, #tpu.memory_space<vmem>>[vector<16xi32>], vector<16xf32>,
            %broadcast_in_dim3A_380 = vector.broadcast %scan3A_372 : i32 to vector<16xi32>
            %add3A_381 = arith.constant 0 : i32
            %add3A_382 = vector.broadcast %add3A_381 : i32 to vector<16xi32>
            %add3A_383 = arith.addi %iota3A, %add3A_382 : vector<16xi32>
            %sub3A_384 = arith.subi %add3A_383, %gather3A : vector<16xi32>
            %ge3A = arith.constant 0 : i32
            %ge3A_385 = vector.broadcast %ge3A : i32 to vector<16xi32>
            %ge3A_386 = arith.cmpi sge, %sub3A_384, %ge3A_385 : vector<16xi32>
            %gather3A_387 = tpu.vector_load_idx %arg21[%broadcast_in_dim3A_380, %sub3A_384] masked %ge3A_386 : memref<128x96xf32, #tpu.memory_space<vmem>>[vector<16xi32>, vector<16xi32>], vector<16xf32>, vector<16xi1>
            %jit3A_388 = arith.constant 0.000000e+00 : f32
            %broadcast_in_dim3A_389 = vector.broadcast %jit3A_388 : f32 to vector<16xf32>
            %select_n3A_390 = arith.select %ge3A_386, %gather3A_387, %broadcast_in_dim3A_389 : vector<16xi1>, vector<16xf32>
            %mul3A_391 = arith.mulf %select_n3A_390, %gather3A_379 : vector<16xf32>
            tpu.vector_store_idx %arg22[%broadcast_in_dim3A_380, %add3A_383], %mul3A_391 : memref<128x96xf32, #tpu.memory_space<vmem>>[vector<16xi32>, vector<16xi32>], vector<16xf32>,
            %add3A_392 = arith.constant 16 : i32
            %add3A_393 = vector.broadcast %add3A_392 : i32 to vector<16xi32>
            %add3A_394 = arith.addi %iota3A, %add3A_393 : vector<16xi32>
            %sub3A_395 = arith.subi %add3A_394, %gather3A : vector<16xi32>
            %ge3A_396 = arith.constant 0 : i32
            %ge3A_397 = vector.broadcast %ge3A_396 : i32 to vector<16xi32>
            %ge3A_398 = arith.cmpi sge, %sub3A_395, %ge3A_397 : vector<16xi32>
            %gather3A_399 = tpu.vector_load_idx %arg21[%broadcast_in_dim3A_380, %sub3A_395] masked %ge3A_398 : memref<128x96xf32, #tpu.memory_space<vmem>>[vector<16xi32>, vector<16xi32>], vector<16xf32>, vector<16xi1>
            %jit3A_400 = arith.constant 0.000000e+00 : f32
            %broadcast_in_dim3A_401 = vector.broadcast %jit3A_400 : f32 to vector<16xf32>
            %select_n3A_402 = arith.select %ge3A_398, %gather3A_399, %broadcast_in_dim3A_401 : vector<16xi1>, vector<16xf32>
            %mul3A_403 = arith.mulf %select_n3A_402, %gather3A_379 : vector<16xf32>
            tpu.vector_store_idx %arg22[%broadcast_in_dim3A_380, %add3A_394], %mul3A_403 : memref<128x96xf32, #tpu.memory_space<vmem>>[vector<16xi32>, vector<16xi32>], vector<16xf32>,
            %add3A_404 = arith.constant 32 : i32
            %add3A_405 = vector.broadcast %add3A_404 : i32 to vector<16xi32>
            %add3A_406 = arith.addi %iota3A, %add3A_405 : vector<16xi32>
            %sub3A_407 = arith.subi %add3A_406, %gather3A : vector<16xi32>
            %ge3A_408 = arith.constant 0 : i32
            %ge3A_409 = vector.broadcast %ge3A_408 : i32 to vector<16xi32>
            %ge3A_410 = arith.cmpi sge, %sub3A_407, %ge3A_409 : vector<16xi32>
            %gather3A_411 = tpu.vector_load_idx %arg21[%broadcast_in_dim3A_380, %sub3A_407] masked %ge3A_410 : memref<128x96xf32, #tpu.memory_space<vmem>>[vector<16xi32>, vector<16xi32>], vector<16xf32>, vector<16xi1>
            %jit3A_412 = arith.constant 0.000000e+00 : f32
            %broadcast_in_dim3A_413 = vector.broadcast %jit3A_412 : f32 to vector<16xf32>
            %select_n3A_414 = arith.select %ge3A_410, %gather3A_411, %broadcast_in_dim3A_413 : vector<16xi1>, vector<16xf32>
            %mul3A_415 = arith.mulf %select_n3A_414, %gather3A_379 : vector<16xf32>
            tpu.vector_store_idx %arg22[%broadcast_in_dim3A_380, %add3A_406], %mul3A_415 : memref<128x96xf32, #tpu.memory_space<vmem>>[vector<16xi32>, vector<16xi32>], vector<16xf32>,
            %add3A_416 = arith.constant 48 : i32
            %add3A_417 = vector.broadcast %add3A_416 : i32 to vector<16xi32>
            %add3A_418 = arith.addi %iota3A, %add3A_417 : vector<16xi32>
            %sub3A_419 = arith.subi %add3A_418, %gather3A : vector<16xi32>
            %ge3A_420 = arith.constant 0 : i32
            %ge3A_421 = vector.broadcast %ge3A_420 : i32 to vector<16xi32>
            %ge3A_422 = arith.cmpi sge, %sub3A_419, %ge3A_421 : vector<16xi32>
            %gather3A_423 = tpu.vector_load_idx %arg21[%broadcast_in_dim3A_380, %sub3A_419] masked %ge3A_422 : memref<128x96xf32, #tpu.memory_space<vmem>>[vector<16xi32>, vector<16xi32>], vector<16xf32>, vector<16xi1>
            %jit3A_424 = arith.constant 0.000000e+00 : f32
            %broadcast_in_dim3A_425 = vector.broadcast %jit3A_424 : f32 to vector<16xf32>
            %select_n3A_426 = arith.select %ge3A_422, %gather3A_423, %broadcast_in_dim3A_425 : vector<16xi1>, vector<16xf32>
            %mul3A_427 = arith.mulf %select_n3A_426, %gather3A_379 : vector<16xf32>
            tpu.vector_store_idx %arg22[%broadcast_in_dim3A_380, %add3A_418], %mul3A_427 : memref<128x96xf32, #tpu.memory_space<vmem>>[vector<16xi32>, vector<16xi32>], vector<16xf32>,
            %add3A_428 = arith.constant 64 : i32
            %add3A_429 = vector.broadcast %add3A_428 : i32 to vector<16xi32>
            %add3A_430 = arith.addi %iota3A, %add3A_429 : vector<16xi32>
            %sub3A_431 = arith.subi %add3A_430, %gather3A : vector<16xi32>
            %ge3A_432 = arith.constant 0 : i32
            %ge3A_433 = vector.broadcast %ge3A_432 : i32 to vector<16xi32>
            %ge3A_434 = arith.cmpi sge, %sub3A_431, %ge3A_433 : vector<16xi32>
            %gather3A_435 = tpu.vector_load_idx %arg21[%broadcast_in_dim3A_380, %sub3A_431] masked %ge3A_434 : memref<128x96xf32, #tpu.memory_space<vmem>>[vector<16xi32>, vector<16xi32>], vector<16xf32>, vector<16xi1>
            %jit3A_436 = arith.constant 0.000000e+00 : f32
            %broadcast_in_dim3A_437 = vector.broadcast %jit3A_436 : f32 to vector<16xf32>
            %select_n3A_438 = arith.select %ge3A_434, %gather3A_435, %broadcast_in_dim3A_437 : vector<16xi1>, vector<16xf32>
            %mul3A_439 = arith.mulf %select_n3A_438, %gather3A_379 : vector<16xf32>
            tpu.vector_store_idx %arg22[%broadcast_in_dim3A_380, %add3A_430], %mul3A_439 : memref<128x96xf32, #tpu.memory_space<vmem>>[vector<16xi32>, vector<16xi32>], vector<16xf32>,
            %add3A_440 = arith.constant 80 : i32
            %add3A_441 = vector.broadcast %add3A_440 : i32 to vector<16xi32>
            %add3A_442 = arith.addi %iota3A, %add3A_441 : vector<16xi32>
            %sub3A_443 = arith.subi %add3A_442, %gather3A : vector<16xi32>
            %ge3A_444 = arith.constant 0 : i32
            %ge3A_445 = vector.broadcast %ge3A_444 : i32 to vector<16xi32>
            %ge3A_446 = arith.cmpi sge, %sub3A_443, %ge3A_445 : vector<16xi32>
            %gather3A_447 = tpu.vector_load_idx %arg21[%broadcast_in_dim3A_380, %sub3A_443] masked %ge3A_446 : memref<128x96xf32, #tpu.memory_space<vmem>>[vector<16xi32>, vector<16xi32>], vector<16xf32>, vector<16xi1>
            %jit3A_448 = arith.constant 0.000000e+00 : f32
            %broadcast_in_dim3A_449 = vector.broadcast %jit3A_448 : f32 to vector<16xf32>
            %select_n3A_450 = arith.select %ge3A_446, %gather3A_447, %broadcast_in_dim3A_449 : vector<16xi1>, vector<16xf32>
            %mul3A_451 = arith.mulf %select_n3A_450, %gather3A_379 : vector<16xf32>
            tpu.vector_store_idx %arg22[%broadcast_in_dim3A_380, %add3A_442], %mul3A_451 : memref<128x96xf32, #tpu.memory_space<vmem>>[vector<16xi32>, vector<16xi32>], vector<16xf32>,
            %scan3A_452 = arith.constant 0 : i32
            scf.yield %scan3A_452 : i32
          }
          %scan3A_370 = arith.constant 128 : i32
          "tpu.region"() ({
            %run_scoped3A = tpu.sem_alloc : memref<!tpu.dma_semaphore, #tpu.memory_space<semaphore_mem>>
            %dma_start3A = arith.constant 0 : i32
            %dma_start3A_372 = arith.constant 0 : i32
            %dma_start3A_373 = tpu.memref_slice %arg10[%dma_start3A, %dma_start3A_372] : memref<8192x96xf32, #tpu.memory_space<vmem_shared>> -> memref<8192x96xf32, #tpu.memory_space<vmem_shared>>
            tpu.enqueue_indirect_dma source(%arg22 : memref<128x96xf32, #tpu.memory_space<vmem>>) target(%dma_start3A_373 : memref<8192x96xf32, #tpu.memory_space<vmem_shared>>) offsets(%arg19 : memref<128xi32, #tpu.memory_space<vmem>>) semaphore(%run_scoped3A : memref<!tpu.dma_semaphore, #tpu.memory_space<semaphore_mem>>) {add = true}
            %dma_wait3A = arith.constant 0 : i32
            %dma_wait3A_374 = arith.constant 0 : i32
            %dma_wait3A_375 = tpu.memref_slice %arg10[%dma_wait3A, %dma_wait3A_374] : memref<8192x96xf32, #tpu.memory_space<vmem_shared>> -> memref<8192x96xf32, #tpu.memory_space<vmem_shared>>
            tpu.wait_indirect_dma semaphore(%run_scoped3A : memref<!tpu.dma_semaphore, #tpu.memory_space<semaphore_mem>>) src(%arg22 : memref<128x96xf32, #tpu.memory_space<vmem>>) dst(%dma_wait3A_375 : memref<8192x96xf32, #tpu.memory_space<vmem_shared>>)
            tpu.yield
          }) : () -> ()
          %while3A_371 = arith.constant 0 : i32
          scf.yield %while3A_371 : i32
        }
        %while3A_232 = arith.constant 1 : i32
        %while3A_233 = scf.for %while3A_235 = %while3A_229 to %while3A_225 step %while3A_232 iter_args(%while3A_236 = %while3A_231) -> (i32)  : i32 {
          %mul3A_237 = arith.constant 128 : i32
          %mul3A_238 = arith.muli %while3A_235, %mul3A_237 : i32
          %add3A_239 = arith.constant 0 : i32
          %add3A_240 = arith.addi %mul3A_238, %add3A_239 : i32
          %get3A = arith.index_cast %add3A_240 : i32 to index
          %get3A_241 = tpu.vector_load %arg15[%get3A] {strides = array<i32>} : memref<4224xi32, #tpu.memory_space<vmem>>, vector<16xi32>,
          %swap3A_242 = arith.constant 0 : index
          %swap3A_243 = tpu.vector_load %arg19[%swap3A_242] {strides = array<i32>} : memref<128xi32, #tpu.memory_space<vmem>>, vector<16xi32>,
          tpu.vector_store %arg19[%swap3A_242], %get3A_241 {strides = array<i32>} : memref<128xi32, #tpu.memory_space<vmem>>, vector<16xi32>,
          %mul3A_244 = arith.constant 128 : i32
          %mul3A_245 = arith.muli %while3A_235, %mul3A_244 : i32
          %add3A_246 = arith.constant 0 : i32
          %add3A_247 = arith.addi %mul3A_245, %add3A_246 : i32
          %get3A_248 = arith.index_cast %add3A_247 : i32 to index
          %get3A_249 = tpu.vector_load %arg16[%get3A_248] {strides = array<i32>} : memref<4224xi32, #tpu.memory_space<vmem>>, vector<16xi32>,
          %swap3A_250 = arith.constant 0 : index
          %swap3A_251 = tpu.vector_load %arg20[%swap3A_250] {strides = array<i32>} : memref<128xi32, #tpu.memory_space<vmem>>, vector<16xi32>,
          tpu.vector_store %arg20[%swap3A_250], %get3A_249 {strides = array<i32>} : memref<128xi32, #tpu.memory_space<vmem>>, vector<16xi32>,
          %mul3A_252 = arith.constant 128 : i32
          %mul3A_253 = arith.muli %while3A_235, %mul3A_252 : i32
          %add3A_254 = arith.constant 16 : i32
          %add3A_255 = arith.addi %mul3A_253, %add3A_254 : i32
          %get3A_256 = arith.index_cast %add3A_255 : i32 to index
          %get3A_257 = tpu.vector_load %arg15[%get3A_256] {strides = array<i32>} : memref<4224xi32, #tpu.memory_space<vmem>>, vector<16xi32>,
          %swap3A_258 = arith.constant 16 : index
          %swap3A_259 = tpu.vector_load %arg19[%swap3A_258] {strides = array<i32>} : memref<128xi32, #tpu.memory_space<vmem>>, vector<16xi32>,
          tpu.vector_store %arg19[%swap3A_258], %get3A_257 {strides = array<i32>} : memref<128xi32, #tpu.memory_space<vmem>>, vector<16xi32>,
          %mul3A_260 = arith.constant 128 : i32
          %mul3A_261 = arith.muli %while3A_235, %mul3A_260 : i32
          %add3A_262 = arith.constant 16 : i32
          %add3A_263 = arith.addi %mul3A_261, %add3A_262 : i32
          %get3A_264 = arith.index_cast %add3A_263 : i32 to index
          %get3A_265 = tpu.vector_load %arg16[%get3A_264] {strides = array<i32>} : memref<4224xi32, #tpu.memory_space<vmem>>, vector<16xi32>,
          %swap3A_266 = arith.constant 16 : index
          %swap3A_267 = tpu.vector_load %arg20[%swap3A_266] {strides = array<i32>} : memref<128xi32, #tpu.memory_space<vmem>>, vector<16xi32>,
          tpu.vector_store %arg20[%swap3A_266], %get3A_265 {strides = array<i32>} : memref<128xi32, #tpu.memory_space<vmem>>, vector<16xi32>,
          %mul3A_268 = arith.constant 128 : i32
          %mul3A_269 = arith.muli %while3A_235, %mul3A_268 : i32
          %add3A_270 = arith.constant 32 : i32
          %add3A_271 = arith.addi %mul3A_269, %add3A_270 : i32
          %get3A_272 = arith.index_cast %add3A_271 : i32 to index
          %get3A_273 = tpu.vector_load %arg15[%get3A_272] {strides = array<i32>} : memref<4224xi32, #tpu.memory_space<vmem>>, vector<16xi32>,
          %swap3A_274 = arith.constant 32 : index
          %swap3A_275 = tpu.vector_load %arg19[%swap3A_274] {strides = array<i32>} : memref<128xi32, #tpu.memory_space<vmem>>, vector<16xi32>,
          tpu.vector_store %arg19[%swap3A_274], %get3A_273 {strides = array<i32>} : memref<128xi32, #tpu.memory_space<vmem>>, vector<16xi32>,
          %mul3A_276 = arith.constant 128 : i32
          %mul3A_277 = arith.muli %while3A_235, %mul3A_276 : i32
          %add3A_278 = arith.constant 32 : i32
          %add3A_279 = arith.addi %mul3A_277, %add3A_278 : i32
          %get3A_280 = arith.index_cast %add3A_279 : i32 to index
          %get3A_281 = tpu.vector_load %arg16[%get3A_280] {strides = array<i32>} : memref<4224xi32, #tpu.memory_space<vmem>>, vector<16xi32>,
          %swap3A_282 = arith.constant 32 : index
          %swap3A_283 = tpu.vector_load %arg20[%swap3A_282] {strides = array<i32>} : memref<128xi32, #tpu.memory_space<vmem>>, vector<16xi32>,
          tpu.vector_store %arg20[%swap3A_282], %get3A_281 {strides = array<i32>} : memref<128xi32, #tpu.memory_space<vmem>>, vector<16xi32>,
          %mul3A_284 = arith.constant 128 : i32
          %mul3A_285 = arith.muli %while3A_235, %mul3A_284 : i32
          %add3A_286 = arith.constant 48 : i32
          %add3A_287 = arith.addi %mul3A_285, %add3A_286 : i32
          %get3A_288 = arith.index_cast %add3A_287 : i32 to index
          %get3A_289 = tpu.vector_load %arg15[%get3A_288] {strides = array<i32>} : memref<4224xi32, #tpu.memory_space<vmem>>, vector<16xi32>,
          %swap3A_290 = arith.constant 48 : index
          %swap3A_291 = tpu.vector_load %arg19[%swap3A_290] {strides = array<i32>} : memref<128xi32, #tpu.memory_space<vmem>>, vector<16xi32>,
          tpu.vector_store %arg19[%swap3A_290], %get3A_289 {strides = array<i32>} : memref<128xi32, #tpu.memory_space<vmem>>, vector<16xi32>,
          %mul3A_292 = arith.constant 128 : i32
          %mul3A_293 = arith.muli %while3A_235, %mul3A_292 : i32
          %add3A_294 = arith.constant 48 : i32
          %add3A_295 = arith.addi %mul3A_293, %add3A_294 : i32
          %get3A_296 = arith.index_cast %add3A_295 : i32 to index
          %get3A_297 = tpu.vector_load %arg16[%get3A_296] {strides = array<i32>} : memref<4224xi32, #tpu.memory_space<vmem>>, vector<16xi32>,
          %swap3A_298 = arith.constant 48 : index
          %swap3A_299 = tpu.vector_load %arg20[%swap3A_298] {strides = array<i32>} : memref<128xi32, #tpu.memory_space<vmem>>, vector<16xi32>,
          tpu.vector_store %arg20[%swap3A_298], %get3A_297 {strides = array<i32>} : memref<128xi32, #tpu.memory_space<vmem>>, vector<16xi32>,
          %mul3A_300 = arith.constant 128 : i32
          %mul3A_301 = arith.muli %while3A_235, %mul3A_300 : i32
          %add3A_302 = arith.constant 64 : i32
          %add3A_303 = arith.addi %mul3A_301, %add3A_302 : i32
          %get3A_304 = arith.index_cast %add3A_303 : i32 to index
          %get3A_305 = tpu.vector_load %arg15[%get3A_304] {strides = array<i32>} : memref<4224xi32, #tpu.memory_space<vmem>>, vector<16xi32>,
          %swap3A_306 = arith.constant 64 : index
          %swap3A_307 = tpu.vector_load %arg19[%swap3A_306] {strides = array<i32>} : memref<128xi32, #tpu.memory_space<vmem>>, vector<16xi32>,
          tpu.vector_store %arg19[%swap3A_306], %get3A_305 {strides = array<i32>} : memref<128xi32, #tpu.memory_space<vmem>>, vector<16xi32>,
          %mul3A_308 = arith.constant 128 : i32
          %mul3A_309 = arith.muli %while3A_235, %mul3A_308 : i32
          %add3A_310 = arith.constant 64 : i32
          %add3A_311 = arith.addi %mul3A_309, %add3A_310 : i32
          %get3A_312 = arith.index_cast %add3A_311 : i32 to index
          %get3A_313 = tpu.vector_load %arg16[%get3A_312] {strides = array<i32>} : memref<4224xi32, #tpu.memory_space<vmem>>, vector<16xi32>,
          %swap3A_314 = arith.constant 64 : index
          %swap3A_315 = tpu.vector_load %arg20[%swap3A_314] {strides = array<i32>} : memref<128xi32, #tpu.memory_space<vmem>>, vector<16xi32>,
          tpu.vector_store %arg20[%swap3A_314], %get3A_313 {strides = array<i32>} : memref<128xi32, #tpu.memory_space<vmem>>, vector<16xi32>,
          %mul3A_316 = arith.constant 128 : i32
          %mul3A_317 = arith.muli %while3A_235, %mul3A_316 : i32
          %add3A_318 = arith.constant 80 : i32
          %add3A_319 = arith.addi %mul3A_317, %add3A_318 : i32
          %get3A_320 = arith.index_cast %add3A_319 : i32 to index
          %get3A_321 = tpu.vector_load %arg15[%get3A_320] {strides = array<i32>} : memref<4224xi32, #tpu.memory_space<vmem>>, vector<16xi32>,
          %swap3A_322 = arith.constant 80 : index
          %swap3A_323 = tpu.vector_load %arg19[%swap3A_322] {strides = array<i32>} : memref<128xi32, #tpu.memory_space<vmem>>, vector<16xi32>,
          tpu.vector_store %arg19[%swap3A_322], %get3A_321 {strides = array<i32>} : memref<128xi32, #tpu.memory_space<vmem>>, vector<16xi32>,
          %mul3A_324 = arith.constant 128 : i32
          %mul3A_325 = arith.muli %while3A_235, %mul3A_324 : i32
          %add3A_326 = arith.constant 80 : i32
          %add3A_327 = arith.addi %mul3A_325, %add3A_326 : i32
          %get3A_328 = arith.index_cast %add3A_327 : i32 to index
          %get3A_329 = tpu.vector_load %arg16[%get3A_328] {strides = array<i32>} : memref<4224xi32, #tpu.memory_space<vmem>>, vector<16xi32>,
          %swap3A_330 = arith.constant 80 : index
          %swap3A_331 = tpu.vector_load %arg20[%swap3A_330] {strides = array<i32>} : memref<128xi32, #tpu.memory_space<vmem>>, vector<16xi32>,
          tpu.vector_store %arg20[%swap3A_330], %get3A_329 {strides = array<i32>} : memref<128xi32, #tpu.memory_space<vmem>>, vector<16xi32>,
          %mul3A_332 = arith.constant 128 : i32
          %mul3A_333 = arith.muli %while3A_235, %mul3A_332 : i32
          %add3A_334 = arith.constant 96 : i32
          %add3A_335 = arith.addi %mul3A_333, %add3A_334 : i32
          %get3A_336 = arith.index_cast %add3A_335 : i32 to index
          %get3A_337 = tpu.vector_load %arg15[%get3A_336] {strides = array<i32>} : memref<4224xi32, #tpu.memory_space<vmem>>, vector<16xi32>,
          %swap3A_338 = arith.constant 96 : index
          %swap3A_339 = tpu.vector_load %arg19[%swap3A_338] {strides = array<i32>} : memref<128xi32, #tpu.memory_space<vmem>>, vector<16xi32>,
          tpu.vector_store %arg19[%swap3A_338], %get3A_337 {strides = array<i32>} : memref<128xi32, #tpu.memory_space<vmem>>, vector<16xi32>,
          %mul3A_340 = arith.constant 128 : i32
          %mul3A_341 = arith.muli %while3A_235, %mul3A_340 : i32
          %add3A_342 = arith.constant 96 : i32
          %add3A_343 = arith.addi %mul3A_341, %add3A_342 : i32
          %get3A_344 = arith.index_cast %add3A_343 : i32 to index
          %get3A_345 = tpu.vector_load %arg16[%get3A_344] {strides = array<i32>} : memref<4224xi32, #tpu.memory_space<vmem>>, vector<16xi32>,
          %swap3A_346 = arith.constant 96 : index
          %swap3A_347 = tpu.vector_load %arg20[%swap3A_346] {strides = array<i32>} : memref<128xi32, #tpu.memory_space<vmem>>, vector<16xi32>,
          tpu.vector_store %arg20[%swap3A_346], %get3A_345 {strides = array<i32>} : memref<128xi32, #tpu.memory_space<vmem>>, vector<16xi32>,
          %mul3A_348 = arith.constant 128 : i32
          %mul3A_349 = arith.muli %while3A_235, %mul3A_348 : i32
          %add3A_350 = arith.constant 112 : i32
          %add3A_351 = arith.addi %mul3A_349, %add3A_350 : i32
          %get3A_352 = arith.index_cast %add3A_351 : i32 to index
          %get3A_353 = tpu.vector_load %arg15[%get3A_352] {strides = array<i32>} : memref<4224xi32, #tpu.memory_space<vmem>>, vector<16xi32>,
          %swap3A_354 = arith.constant 112 : index
          %swap3A_355 = tpu.vector_load %arg19[%swap3A_354] {strides = array<i32>} : memref<128xi32, #tpu.memory_space<vmem>>, vector<16xi32>,
          tpu.vector_store %arg19[%swap3A_354], %get3A_353 {strides = array<i32>} : memref<128xi32, #tpu.memory_space<vmem>>, vector<16xi32>,
          %mul3A_356 = arith.constant 128 : i32
          %mul3A_357 = arith.muli %while3A_235, %mul3A_356 : i32
          %add3A_358 = arith.constant 112 : i32
          %add3A_359 = arith.addi %mul3A_357, %add3A_358 : i32
          %get3A_360 = arith.index_cast %add3A_359 : i32 to index
          %get3A_361 = tpu.vector_load %arg16[%get3A_360] {strides = array<i32>} : memref<4224xi32, #tpu.memory_space<vmem>>, vector<16xi32>,
          %swap3A_362 = arith.constant 112 : index
          %swap3A_363 = tpu.vector_load %arg20[%swap3A_362] {strides = array<i32>} : memref<128xi32, #tpu.memory_space<vmem>>, vector<16xi32>,
          tpu.vector_store %arg20[%swap3A_362], %get3A_361 {strides = array<i32>} : memref<128xi32, #tpu.memory_space<vmem>>, vector<16xi32>,
          "tpu.region"() ({
            %run_scoped3A = tpu.sem_alloc : memref<!tpu.dma_semaphore, #tpu.memory_space<semaphore_mem>>
            %dma_start3A = arith.constant 0 : i32
            %dma_start3A_372 = arith.constant 0 : i32
            %dma_start3A_373 = tpu.memref_slice %arg2[%dma_start3A, %dma_start3A_372] : memref<65536x96xf32, #tpu.memory_space<hbm>> -> memref<65536x96xf32, #tpu.memory_space<hbm>>
            tpu.enqueue_indirect_dma source(%dma_start3A_373 : memref<65536x96xf32, #tpu.memory_space<hbm>>) target(%arg21 : memref<128x96xf32, #tpu.memory_space<vmem>>) offsets(%arg20 : memref<128xi32, #tpu.memory_space<vmem>>) semaphore(%run_scoped3A : memref<!tpu.dma_semaphore, #tpu.memory_space<semaphore_mem>>)
            %dma_wait3A = arith.constant 0 : i32
            %dma_wait3A_374 = arith.constant 0 : i32
            %dma_wait3A_375 = tpu.memref_slice %arg2[%dma_wait3A, %dma_wait3A_374] : memref<65536x96xf32, #tpu.memory_space<hbm>> -> memref<65536x96xf32, #tpu.memory_space<hbm>>
            tpu.wait_indirect_dma semaphore(%run_scoped3A : memref<!tpu.dma_semaphore, #tpu.memory_space<semaphore_mem>>) src(%dma_wait3A_375 : memref<65536x96xf32, #tpu.memory_space<hbm>>) dst(%arg21 : memref<128x96xf32, #tpu.memory_space<vmem>>)
            tpu.yield
          }) : () -> ()
          %scan3A_364 = arith.constant 0 : i32
          %scan3A_365 = arith.constant 0 : i32
          %scan3A_366 = arith.constant 128 : i32
          %scan3A_367 = arith.addi %scan3A_365, %scan3A_366 : i32
          %scan3A_368 = arith.constant 1 : i32
          %scan3A_369 = scf.for %scan3A_372 = %scan3A_365 to %scan3A_367 step %scan3A_368 iter_args(%scan3A_373 = %scan3A_364) -> (i32)  : i32 {
            %mul3A_374 = arith.constant 128 : i32
            %mul3A_375 = arith.muli %while3A_235, %mul3A_374 : i32
            %add3A_376 = arith.addi %mul3A_375, %scan3A_372 : i32
            %broadcast_in_dim3A_377 = vector.broadcast %add3A_376 : i32 to vector<16xi32>
            %gather3A = tpu.vector_load_idx %arg18[%broadcast_in_dim3A_377] : memref<4224xi32, #tpu.memory_space<vmem>>[vector<16xi32>], vector<16xi32>,
            %broadcast_in_dim3A_378 = vector.broadcast %add3A_376 : i32 to vector<16xi32>
            %gather3A_379 = tpu.vector_load_idx %arg17[%broadcast_in_dim3A_378] : memref<4224xf32, #tpu.memory_space<vmem>>[vector<16xi32>], vector<16xf32>,
            %broadcast_in_dim3A_380 = vector.broadcast %scan3A_372 : i32 to vector<16xi32>
            %add3A_381 = arith.constant 0 : i32
            %add3A_382 = vector.broadcast %add3A_381 : i32 to vector<16xi32>
            %add3A_383 = arith.addi %iota3A, %add3A_382 : vector<16xi32>
            %sub3A_384 = arith.subi %add3A_383, %gather3A : vector<16xi32>
            %ge3A = arith.constant 0 : i32
            %ge3A_385 = vector.broadcast %ge3A : i32 to vector<16xi32>
            %ge3A_386 = arith.cmpi sge, %sub3A_384, %ge3A_385 : vector<16xi32>
            %gather3A_387 = tpu.vector_load_idx %arg21[%broadcast_in_dim3A_380, %sub3A_384] masked %ge3A_386 : memref<128x96xf32, #tpu.memory_space<vmem>>[vector<16xi32>, vector<16xi32>], vector<16xf32>, vector<16xi1>
            %jit3A_388 = arith.constant 0.000000e+00 : f32
            %broadcast_in_dim3A_389 = vector.broadcast %jit3A_388 : f32 to vector<16xf32>
            %select_n3A_390 = arith.select %ge3A_386, %gather3A_387, %broadcast_in_dim3A_389 : vector<16xi1>, vector<16xf32>
            %mul3A_391 = arith.mulf %select_n3A_390, %gather3A_379 : vector<16xf32>
            tpu.vector_store_idx %arg22[%broadcast_in_dim3A_380, %add3A_383], %mul3A_391 : memref<128x96xf32, #tpu.memory_space<vmem>>[vector<16xi32>, vector<16xi32>], vector<16xf32>,
            %add3A_392 = arith.constant 16 : i32
            %add3A_393 = vector.broadcast %add3A_392 : i32 to vector<16xi32>
            %add3A_394 = arith.addi %iota3A, %add3A_393 : vector<16xi32>
            %sub3A_395 = arith.subi %add3A_394, %gather3A : vector<16xi32>
            %ge3A_396 = arith.constant 0 : i32
            %ge3A_397 = vector.broadcast %ge3A_396 : i32 to vector<16xi32>
            %ge3A_398 = arith.cmpi sge, %sub3A_395, %ge3A_397 : vector<16xi32>
            %gather3A_399 = tpu.vector_load_idx %arg21[%broadcast_in_dim3A_380, %sub3A_395] masked %ge3A_398 : memref<128x96xf32, #tpu.memory_space<vmem>>[vector<16xi32>, vector<16xi32>], vector<16xf32>, vector<16xi1>
            %jit3A_400 = arith.constant 0.000000e+00 : f32
            %broadcast_in_dim3A_401 = vector.broadcast %jit3A_400 : f32 to vector<16xf32>
            %select_n3A_402 = arith.select %ge3A_398, %gather3A_399, %broadcast_in_dim3A_401 : vector<16xi1>, vector<16xf32>
            %mul3A_403 = arith.mulf %select_n3A_402, %gather3A_379 : vector<16xf32>
            tpu.vector_store_idx %arg22[%broadcast_in_dim3A_380, %add3A_394], %mul3A_403 : memref<128x96xf32, #tpu.memory_space<vmem>>[vector<16xi32>, vector<16xi32>], vector<16xf32>,
            %add3A_404 = arith.constant 32 : i32
            %add3A_405 = vector.broadcast %add3A_404 : i32 to vector<16xi32>
            %add3A_406 = arith.addi %iota3A, %add3A_405 : vector<16xi32>
            %sub3A_407 = arith.subi %add3A_406, %gather3A : vector<16xi32>
            %ge3A_408 = arith.constant 0 : i32
            %ge3A_409 = vector.broadcast %ge3A_408 : i32 to vector<16xi32>
            %ge3A_410 = arith.cmpi sge, %sub3A_407, %ge3A_409 : vector<16xi32>
            %gather3A_411 = tpu.vector_load_idx %arg21[%broadcast_in_dim3A_380, %sub3A_407] masked %ge3A_410 : memref<128x96xf32, #tpu.memory_space<vmem>>[vector<16xi32>, vector<16xi32>], vector<16xf32>, vector<16xi1>
            %jit3A_412 = arith.constant 0.000000e+00 : f32
            %broadcast_in_dim3A_413 = vector.broadcast %jit3A_412 : f32 to vector<16xf32>
            %select_n3A_414 = arith.select %ge3A_410, %gather3A_411, %broadcast_in_dim3A_413 : vector<16xi1>, vector<16xf32>
            %mul3A_415 = arith.mulf %select_n3A_414, %gather3A_379 : vector<16xf32>
            tpu.vector_store_idx %arg22[%broadcast_in_dim3A_380, %add3A_406], %mul3A_415 : memref<128x96xf32, #tpu.memory_space<vmem>>[vector<16xi32>, vector<16xi32>], vector<16xf32>,
            %add3A_416 = arith.constant 48 : i32
            %add3A_417 = vector.broadcast %add3A_416 : i32 to vector<16xi32>
            %add3A_418 = arith.addi %iota3A, %add3A_417 : vector<16xi32>
            %sub3A_419 = arith.subi %add3A_418, %gather3A : vector<16xi32>
            %ge3A_420 = arith.constant 0 : i32
            %ge3A_421 = vector.broadcast %ge3A_420 : i32 to vector<16xi32>
            %ge3A_422 = arith.cmpi sge, %sub3A_419, %ge3A_421 : vector<16xi32>
            %gather3A_423 = tpu.vector_load_idx %arg21[%broadcast_in_dim3A_380, %sub3A_419] masked %ge3A_422 : memref<128x96xf32, #tpu.memory_space<vmem>>[vector<16xi32>, vector<16xi32>], vector<16xf32>, vector<16xi1>
            %jit3A_424 = arith.constant 0.000000e+00 : f32
            %broadcast_in_dim3A_425 = vector.broadcast %jit3A_424 : f32 to vector<16xf32>
            %select_n3A_426 = arith.select %ge3A_422, %gather3A_423, %broadcast_in_dim3A_425 : vector<16xi1>, vector<16xf32>
            %mul3A_427 = arith.mulf %select_n3A_426, %gather3A_379 : vector<16xf32>
            tpu.vector_store_idx %arg22[%broadcast_in_dim3A_380, %add3A_418], %mul3A_427 : memref<128x96xf32, #tpu.memory_space<vmem>>[vector<16xi32>, vector<16xi32>], vector<16xf32>,
            %add3A_428 = arith.constant 64 : i32
            %add3A_429 = vector.broadcast %add3A_428 : i32 to vector<16xi32>
            %add3A_430 = arith.addi %iota3A, %add3A_429 : vector<16xi32>
            %sub3A_431 = arith.subi %add3A_430, %gather3A : vector<16xi32>
            %ge3A_432 = arith.constant 0 : i32
            %ge3A_433 = vector.broadcast %ge3A_432 : i32 to vector<16xi32>
            %ge3A_434 = arith.cmpi sge, %sub3A_431, %ge3A_433 : vector<16xi32>
            %gather3A_435 = tpu.vector_load_idx %arg21[%broadcast_in_dim3A_380, %sub3A_431] masked %ge3A_434 : memref<128x96xf32, #tpu.memory_space<vmem>>[vector<16xi32>, vector<16xi32>], vector<16xf32>, vector<16xi1>
            %jit3A_436 = arith.constant 0.000000e+00 : f32
            %broadcast_in_dim3A_437 = vector.broadcast %jit3A_436 : f32 to vector<16xf32>
            %select_n3A_438 = arith.select %ge3A_434, %gather3A_435, %broadcast_in_dim3A_437 : vector<16xi1>, vector<16xf32>
            %mul3A_439 = arith.mulf %select_n3A_438, %gather3A_379 : vector<16xf32>
            tpu.vector_store_idx %arg22[%broadcast_in_dim3A_380, %add3A_430], %mul3A_439 : memref<128x96xf32, #tpu.memory_space<vmem>>[vector<16xi32>, vector<16xi32>], vector<16xf32>,
            %add3A_440 = arith.constant 80 : i32
            %add3A_441 = vector.broadcast %add3A_440 : i32 to vector<16xi32>
            %add3A_442 = arith.addi %iota3A, %add3A_441 : vector<16xi32>
            %sub3A_443 = arith.subi %add3A_442, %gather3A : vector<16xi32>
            %ge3A_444 = arith.constant 0 : i32
            %ge3A_445 = vector.broadcast %ge3A_444 : i32 to vector<16xi32>
            %ge3A_446 = arith.cmpi sge, %sub3A_443, %ge3A_445 : vector<16xi32>
            %gather3A_447 = tpu.vector_load_idx %arg21[%broadcast_in_dim3A_380, %sub3A_443] masked %ge3A_446 : memref<128x96xf32, #tpu.memory_space<vmem>>[vector<16xi32>, vector<16xi32>], vector<16xf32>, vector<16xi1>
            %jit3A_448 = arith.constant 0.000000e+00 : f32
            %broadcast_in_dim3A_449 = vector.broadcast %jit3A_448 : f32 to vector<16xf32>
            %select_n3A_450 = arith.select %ge3A_446, %gather3A_447, %broadcast_in_dim3A_449 : vector<16xi1>, vector<16xf32>
            %mul3A_451 = arith.mulf %select_n3A_450, %gather3A_379 : vector<16xf32>
            tpu.vector_store_idx %arg22[%broadcast_in_dim3A_380, %add3A_442], %mul3A_451 : memref<128x96xf32, #tpu.memory_space<vmem>>[vector<16xi32>, vector<16xi32>], vector<16xf32>,
            %scan3A_452 = arith.constant 0 : i32
            scf.yield %scan3A_452 : i32
          }
          %scan3A_370 = arith.constant 128 : i32
          "tpu.region"() ({
            %run_scoped3A = tpu.sem_alloc : memref<!tpu.dma_semaphore, #tpu.memory_space<semaphore_mem>>
            %dma_start3A = arith.constant 0 : i32
            %dma_start3A_372 = arith.constant 0 : i32
            %dma_start3A_373 = tpu.memref_slice %arg10[%dma_start3A, %dma_start3A_372] : memref<8192x96xf32, #tpu.memory_space<vmem_shared>> -> memref<8192x96xf32, #tpu.memory_space<vmem_shared>>
            tpu.enqueue_indirect_dma source(%arg22 : memref<128x96xf32, #tpu.memory_space<vmem>>) target(%dma_start3A_373 : memref<8192x96xf32, #tpu.memory_space<vmem_shared>>) offsets(%arg19 : memref<128xi32, #tpu.memory_space<vmem>>) semaphore(%run_scoped3A : memref<!tpu.dma_semaphore, #tpu.memory_space<semaphore_mem>>) {add = true}
            %dma_wait3A = arith.constant 0 : i32
            %dma_wait3A_374 = arith.constant 0 : i32
            %dma_wait3A_375 = tpu.memref_slice %arg10[%dma_wait3A, %dma_wait3A_374] : memref<8192x96xf32, #tpu.memory_space<vmem_shared>> -> memref<8192x96xf32, #tpu.memory_space<vmem_shared>>
            tpu.wait_indirect_dma semaphore(%run_scoped3A : memref<!tpu.dma_semaphore, #tpu.memory_space<semaphore_mem>>) src(%arg22 : memref<128x96xf32, #tpu.memory_space<vmem>>) dst(%dma_wait3A_375 : memref<8192x96xf32, #tpu.memory_space<vmem_shared>>)
            tpu.yield
          }) : () -> ()
          %while3A_371 = arith.constant 0 : i32
          scf.yield %while3A_371 : i32
        }
        %scan3A_234 = arith.constant 0 : i32
        scf.yield %scan3A_234 : i32
      }
      %scan3A_50 = arith.constant 8 : i32
      %barrier3A_51 = arith.constant 0 : index
      tpu.barrier barrier_id(%barrier3A_51)
      %add3A_52 = arith.addi %mul3A_29, %mul3A_16 : i32
      "tpu.region"() ({
        %run_scoped3A = tpu.sem_alloc : memref<!tpu.dma_semaphore, #tpu.memory_space<semaphore_mem>>
        %dma_start3A = arith.constant 0 : i32
        %dma_start3A_61 = tpu.memref_slice %arg24[%dma_start3A] : memref<2048xf32, #tpu.memory_space<vmem>> -> memref<512xf32, #tpu.memory_space<vmem>>
        %dma_start3A_62 = tpu.memref_slice %arg4[%add3A_52] : memref<65536xf32, #tpu.memory_space<hbm>> -> memref<512xf32, #tpu.memory_space<hbm>>
        %dma_start3A_63 = arith.constant 0 : i32
        %dma_start3A_64 = tpu.memref_slice %arg24[%dma_start3A_63] : memref<2048xf32, #tpu.memory_space<vmem>> -> memref<512xf32, #tpu.memory_space<vmem>>
        %dma_start3A_65 = tpu.memref_slice %arg4[%add3A_52] : memref<65536xf32, #tpu.memory_space<hbm>> -> memref<512xf32, #tpu.memory_space<hbm>>
        tpu.enqueue_dma source(%dma_start3A_65 : memref<512xf32, #tpu.memory_space<hbm>>) target(%dma_start3A_64 : memref<512xf32, #tpu.memory_space<vmem>>) target_semaphore(%run_scoped3A : memref<!tpu.dma_semaphore, #tpu.memory_space<semaphore_mem>>)
        %dma_wait3A = arith.constant 0 : i32
        %dma_wait3A_66 = tpu.memref_slice %arg24[%dma_wait3A] : memref<2048xf32, #tpu.memory_space<vmem>> -> memref<512xf32, #tpu.memory_space<vmem>>
        %dma_wait3A_67 = tpu.memref_slice %arg4[%add3A_52] : memref<65536xf32, #tpu.memory_space<hbm>> -> memref<512xf32, #tpu.memory_space<hbm>>
        %dma_wait3A_68 = arith.constant 0 : i32
        %dma_wait3A_69 = tpu.memref_slice %arg24[%dma_wait3A_68] : memref<2048xf32, #tpu.memory_space<vmem>> -> memref<512xf32, #tpu.memory_space<vmem>>
        %dma_wait3A_70 = tpu.memref_slice %arg4[%add3A_52] : memref<65536xf32, #tpu.memory_space<hbm>> -> memref<512xf32, #tpu.memory_space<hbm>>
        tpu.wait_dma2 semaphore(%run_scoped3A : memref<!tpu.dma_semaphore, #tpu.memory_space<semaphore_mem>>) src(%dma_wait3A_70 : memref<512xf32, #tpu.memory_space<hbm>>) dst(%dma_wait3A_69 : memref<512xf32, #tpu.memory_space<vmem>>)
        tpu.yield
      }) : () -> ()
      %scan3A_53 = arith.constant 0 : i32
      %scan3A_54 = arith.constant 0 : i32
      %scan3A_55 = arith.constant 4 : i32
      %scan3A_56 = arith.addi %scan3A_54, %scan3A_55 : i32
      %scan3A_57 = arith.constant 1 : i32
      %scan3A_58 = scf.for %scan3A_61 = %scan3A_54 to %scan3A_56 step %scan3A_57 iter_args(%scan3A_62 = %scan3A_53) -> (i32)  : i32 {
        %mul3A_63 = arith.constant 128 : i32
        %mul3A_64 = arith.muli %scan3A_61, %mul3A_63 : i32
        %add3A_65 = arith.addi %mul3A_16, %mul3A_64 : i32
        "tpu.region"() ({
          %run_scoped3A = tpu.sem_alloc : memref<!tpu.dma_semaphore, #tpu.memory_space<semaphore_mem>>
          %dma_start3A = arith.constant 0 : i32
          %dma_start3A_105 = tpu.memref_slice %arg10[%add3A_65, %dma_start3A] : memref<8192x96xf32, #tpu.memory_space<vmem_shared>> -> memref<128x96xf32, #tpu.memory_space<vmem_shared>>
          %dma_start3A_106 = arith.constant 0 : i32
          %dma_start3A_107 = tpu.memref_slice %arg10[%add3A_65, %dma_start3A_106] : memref<8192x96xf32, #tpu.memory_space<vmem_shared>> -> memref<128x96xf32, #tpu.memory_space<vmem_shared>>
          tpu.enqueue_dma source(%dma_start3A_107 : memref<128x96xf32, #tpu.memory_space<vmem_shared>>) target(%arg23 : memref<128x96xf32, #tpu.memory_space<vmem>>) target_semaphore(%run_scoped3A : memref<!tpu.dma_semaphore, #tpu.memory_space<semaphore_mem>>)
          %dma_wait3A = arith.constant 0 : i32
          %dma_wait3A_108 = tpu.memref_slice %arg10[%add3A_65, %dma_wait3A] : memref<8192x96xf32, #tpu.memory_space<vmem_shared>> -> memref<128x96xf32, #tpu.memory_space<vmem_shared>>
          %dma_wait3A_109 = arith.constant 0 : i32
          %dma_wait3A_110 = tpu.memref_slice %arg10[%add3A_65, %dma_wait3A_109] : memref<8192x96xf32, #tpu.memory_space<vmem_shared>> -> memref<128x96xf32, #tpu.memory_space<vmem_shared>>
          tpu.wait_dma2 semaphore(%run_scoped3A : memref<!tpu.dma_semaphore, #tpu.memory_space<semaphore_mem>>) src(%dma_wait3A_110 : memref<128x96xf32, #tpu.memory_space<vmem_shared>>) dst(%arg23 : memref<128x96xf32, #tpu.memory_space<vmem>>)
          tpu.yield
        }) : () -> ()
        %mul3A_66 = arith.constant 128 : i32
        %mul3A_67 = arith.muli %scan3A_61, %mul3A_66 : i32
        %scan3A_68 = arith.constant 0 : i32
        %scan3A_69 = arith.constant 128 : i32
        %scan3A_70 = arith.addi %scan3A_68, %scan3A_69 : i32
        %scan3A_71 = arith.constant 1 : i32
        %scan3A_72:6 = scf.for %scan3A_105 = %scan3A_68 to %scan3A_70 step %scan3A_71 iter_args(%scan3A_106 = %broadcast_in_dim3A_1, %scan3A_107 = %broadcast_in_dim3A_1, %scan3A_108 = %broadcast_in_dim3A_1, %scan3A_109 = %broadcast_in_dim3A_1, %scan3A_110 = %broadcast_in_dim3A_1, %scan3A_111 = %broadcast_in_dim3A_1) -> (vector<16xf32>, vector<16xf32>, vector<16xf32>, vector<16xf32>, vector<16xf32>, vector<16xf32>)  : i32 {
          %add3A_112 = arith.addi %mul3A_67, %scan3A_105 : i32
          %broadcast_in_dim3A_113 = vector.broadcast %add3A_112 : i32 to vector<16xi32>
          %gather3A = tpu.vector_load_idx %arg24[%broadcast_in_dim3A_113] : memref<2048xf32, #tpu.memory_space<vmem>>[vector<16xi32>], vector<16xf32>,
          %broadcast_in_dim3A_114 = vector.broadcast %scan3A_105 : i32 to vector<16xi32>
          %add3A_115 = arith.constant 0 : i32
          %add3A_116 = vector.broadcast %add3A_115 : i32 to vector<16xi32>
          %add3A_117 = arith.addi %iota3A, %add3A_116 : vector<16xi32>
          %gather3A_118 = tpu.vector_load_idx %arg23[%broadcast_in_dim3A_114, %add3A_117] : memref<128x96xf32, #tpu.memory_space<vmem>>[vector<16xi32>, vector<16xi32>], vector<16xf32>,
          %mul3A_119 = arith.mulf %gather3A, %gather3A_118 : vector<16xf32>
          %add3A_120 = arith.addf %scan3A_106, %mul3A_119 : vector<16xf32>
          %add3A_121 = arith.constant 16 : i32
          %add3A_122 = vector.broadcast %add3A_121 : i32 to vector<16xi32>
          %add3A_123 = arith.addi %iota3A, %add3A_122 : vector<16xi32>
          %gather3A_124 = tpu.vector_load_idx %arg23[%broadcast_in_dim3A_114, %add3A_123] : memref<128x96xf32, #tpu.memory_space<vmem>>[vector<16xi32>, vector<16xi32>], vector<16xf32>,
          %mul3A_125 = arith.mulf %gather3A, %gather3A_124 : vector<16xf32>
          %add3A_126 = arith.addf %scan3A_107, %mul3A_125 : vector<16xf32>
          %add3A_127 = arith.constant 32 : i32
          %add3A_128 = vector.broadcast %add3A_127 : i32 to vector<16xi32>
          %add3A_129 = arith.addi %iota3A, %add3A_128 : vector<16xi32>
          %gather3A_130 = tpu.vector_load_idx %arg23[%broadcast_in_dim3A_114, %add3A_129] : memref<128x96xf32, #tpu.memory_space<vmem>>[vector<16xi32>, vector<16xi32>], vector<16xf32>,
          %mul3A_131 = arith.mulf %gather3A, %gather3A_130 : vector<16xf32>
          %add3A_132 = arith.addf %scan3A_108, %mul3A_131 : vector<16xf32>
          %add3A_133 = arith.constant 48 : i32
          %add3A_134 = vector.broadcast %add3A_133 : i32 to vector<16xi32>
          %add3A_135 = arith.addi %iota3A, %add3A_134 : vector<16xi32>
          %gather3A_136 = tpu.vector_load_idx %arg23[%broadcast_in_dim3A_114, %add3A_135] : memref<128x96xf32, #tpu.memory_space<vmem>>[vector<16xi32>, vector<16xi32>], vector<16xf32>,
          %mul3A_137 = arith.mulf %gather3A, %gather3A_136 : vector<16xf32>
          %add3A_138 = arith.addf %scan3A_109, %mul3A_137 : vector<16xf32>
          %add3A_139 = arith.constant 64 : i32
          %add3A_140 = vector.broadcast %add3A_139 : i32 to vector<16xi32>
          %add3A_141 = arith.addi %iota3A, %add3A_140 : vector<16xi32>
          %gather3A_142 = tpu.vector_load_idx %arg23[%broadcast_in_dim3A_114, %add3A_141] : memref<128x96xf32, #tpu.memory_space<vmem>>[vector<16xi32>, vector<16xi32>], vector<16xf32>,
          %mul3A_143 = arith.mulf %gather3A, %gather3A_142 : vector<16xf32>
          %add3A_144 = arith.addf %scan3A_110, %mul3A_143 : vector<16xf32>
          %add3A_145 = arith.constant 80 : i32
          %add3A_146 = vector.broadcast %add3A_145 : i32 to vector<16xi32>
          %add3A_147 = arith.addi %iota3A, %add3A_146 : vector<16xi32>
          %gather3A_148 = tpu.vector_load_idx %arg23[%broadcast_in_dim3A_114, %add3A_147] : memref<128x96xf32, #tpu.memory_space<vmem>>[vector<16xi32>, vector<16xi32>], vector<16xf32>,
          %mul3A_149 = arith.mulf %gather3A, %gather3A_148 : vector<16xf32>
          %add3A_150 = arith.addf %scan3A_111, %mul3A_149 : vector<16xf32>
          scf.yield %add3A_120, %add3A_126, %add3A_132, %add3A_138, %add3A_144, %add3A_150 : vector<16xf32>, vector<16xf32>, vector<16xf32>, vector<16xf32>, vector<16xf32>, vector<16xf32>
        }
        %scan3A_73 = arith.constant 128 : i32
        %get3A = arith.constant 0 : index
        %get3A_74 = tpu.vector_load %arg25[%get3A] {strides = array<i32>} : memref<96xf32, #tpu.memory_space<vmem>>, vector<16xf32>,
        %add3A_75 = arith.addf %get3A_74, %scan3A_72#0 : vector<16xf32>
        %swap3A_76 = arith.constant 0 : index
        %swap3A_77 = tpu.vector_load %arg25[%swap3A_76] {strides = array<i32>} : memref<96xf32, #tpu.memory_space<vmem>>, vector<16xf32>,
        tpu.vector_store %arg25[%swap3A_76], %add3A_75 {strides = array<i32>} : memref<96xf32, #tpu.memory_space<vmem>>, vector<16xf32>,
        %get3A_78 = arith.constant 16 : index
        %get3A_79 = tpu.vector_load %arg25[%get3A_78] {strides = array<i32>} : memref<96xf32, #tpu.memory_space<vmem>>, vector<16xf32>,
        %add3A_80 = arith.addf %get3A_79, %scan3A_72#1 : vector<16xf32>
        %swap3A_81 = arith.constant 16 : index
        %swap3A_82 = tpu.vector_load %arg25[%swap3A_81] {strides = array<i32>} : memref<96xf32, #tpu.memory_space<vmem>>, vector<16xf32>,
        tpu.vector_store %arg25[%swap3A_81], %add3A_80 {strides = array<i32>} : memref<96xf32, #tpu.memory_space<vmem>>, vector<16xf32>,
        %get3A_83 = arith.constant 32 : index
        %get3A_84 = tpu.vector_load %arg25[%get3A_83] {strides = array<i32>} : memref<96xf32, #tpu.memory_space<vmem>>, vector<16xf32>,
        %add3A_85 = arith.addf %get3A_84, %scan3A_72#2 : vector<16xf32>
        %swap3A_86 = arith.constant 32 : index
        %swap3A_87 = tpu.vector_load %arg25[%swap3A_86] {strides = array<i32>} : memref<96xf32, #tpu.memory_space<vmem>>, vector<16xf32>,
        tpu.vector_store %arg25[%swap3A_86], %add3A_85 {strides = array<i32>} : memref<96xf32, #tpu.memory_space<vmem>>, vector<16xf32>,
        %get3A_88 = arith.constant 48 : index
        %get3A_89 = tpu.vector_load %arg25[%get3A_88] {strides = array<i32>} : memref<96xf32, #tpu.memory_space<vmem>>, vector<16xf32>,
        %add3A_90 = arith.addf %get3A_89, %scan3A_72#3 : vector<16xf32>
        %swap3A_91 = arith.constant 48 : index
        %swap3A_92 = tpu.vector_load %arg25[%swap3A_91] {strides = array<i32>} : memref<96xf32, #tpu.memory_space<vmem>>, vector<16xf32>,
        tpu.vector_store %arg25[%swap3A_91], %add3A_90 {strides = array<i32>} : memref<96xf32, #tpu.memory_space<vmem>>, vector<16xf32>,
        %get3A_93 = arith.constant 64 : index
        %get3A_94 = tpu.vector_load %arg25[%get3A_93] {strides = array<i32>} : memref<96xf32, #tpu.memory_space<vmem>>, vector<16xf32>,
        %add3A_95 = arith.addf %get3A_94, %scan3A_72#4 : vector<16xf32>
        %swap3A_96 = arith.constant 64 : index
        %swap3A_97 = tpu.vector_load %arg25[%swap3A_96] {strides = array<i32>} : memref<96xf32, #tpu.memory_space<vmem>>, vector<16xf32>,
        tpu.vector_store %arg25[%swap3A_96], %add3A_95 {strides = array<i32>} : memref<96xf32, #tpu.memory_space<vmem>>, vector<16xf32>,
        %get3A_98 = arith.constant 80 : index
        %get3A_99 = tpu.vector_load %arg25[%get3A_98] {strides = array<i32>} : memref<96xf32, #tpu.memory_space<vmem>>, vector<16xf32>,
        %add3A_100 = arith.addf %get3A_99, %scan3A_72#5 : vector<16xf32>
        %swap3A_101 = arith.constant 80 : index
        %swap3A_102 = tpu.vector_load %arg25[%swap3A_101] {strides = array<i32>} : memref<96xf32, #tpu.memory_space<vmem>>, vector<16xf32>,
        tpu.vector_store %arg25[%swap3A_101], %add3A_100 {strides = array<i32>} : memref<96xf32, #tpu.memory_space<vmem>>, vector<16xf32>,
        %add3A_103 = arith.addi %mul3A_29, %add3A_65 : i32
        "tpu.region"() ({
          %run_scoped3A = tpu.sem_alloc : memref<!tpu.dma_semaphore, #tpu.memory_space<semaphore_mem>>
          %dma_start3A = arith.constant 0 : i32
          %dma_start3A_105 = tpu.memref_slice %arg8[%add3A_103, %dma_start3A] : memref<65536x96xf32, #tpu.memory_space<hbm>> -> memref<128x96xf32, #tpu.memory_space<hbm>>
          %dma_start3A_106 = arith.constant 0 : i32
          %dma_start3A_107 = tpu.memref_slice %arg8[%add3A_103, %dma_start3A_106] : memref<65536x96xf32, #tpu.memory_space<hbm>> -> memref<128x96xf32, #tpu.memory_space<hbm>>
          tpu.enqueue_dma source(%arg23 : memref<128x96xf32, #tpu.memory_space<vmem>>) target(%dma_start3A_107 : memref<128x96xf32, #tpu.memory_space<hbm>>) target_semaphore(%run_scoped3A : memref<!tpu.dma_semaphore, #tpu.memory_space<semaphore_mem>>)
          %dma_wait3A = arith.constant 0 : i32
          %dma_wait3A_108 = tpu.memref_slice %arg8[%add3A_103, %dma_wait3A] : memref<65536x96xf32, #tpu.memory_space<hbm>> -> memref<128x96xf32, #tpu.memory_space<hbm>>
          %dma_wait3A_109 = arith.constant 0 : i32
          %dma_wait3A_110 = tpu.memref_slice %arg8[%add3A_103, %dma_wait3A_109] : memref<65536x96xf32, #tpu.memory_space<hbm>> -> memref<128x96xf32, #tpu.memory_space<hbm>>
          tpu.wait_dma2 semaphore(%run_scoped3A : memref<!tpu.dma_semaphore, #tpu.memory_space<semaphore_mem>>) src(%arg23 : memref<128x96xf32, #tpu.memory_space<vmem>>) dst(%dma_wait3A_110 : memref<128x96xf32, #tpu.memory_space<hbm>>)
          tpu.yield
        }) : () -> ()
        %scan3A_104 = arith.constant 0 : i32
        scf.yield %scan3A_104 : i32
      }
      %scan3A_59 = arith.constant 4 : i32
      %scan3A_60 = arith.constant 0 : i32
      scf.yield %scan3A_60 : i32
    }
    %scan3A_22 = arith.constant 4 : i32
    "tpu.region"() ({
      %run_scoped3A = tpu.sem_alloc : memref<!tpu.dma_semaphore, #tpu.memory_space<semaphore_mem>>
      %dma_start3A = arith.constant 0 : i32
      %dma_start3A_23 = tpu.memref_slice %arg9[%add3A, %dma_start3A] : memref<32x96xf32, #tpu.memory_space<hbm>> -> memref<1x96xf32, #tpu.memory_space<hbm>>
      %dma_start3A_24 = tpu.memref_squeeze %dma_start3A_23 : memref<1x96xf32, #tpu.memory_space<hbm>> -> memref<96xf32, #tpu.memory_space<hbm>>
      %dma_start3A_25 = arith.constant 0 : i32
      %dma_start3A_26 = tpu.memref_slice %arg9[%add3A, %dma_start3A_25] : memref<32x96xf32, #tpu.memory_space<hbm>> -> memref<1x96xf32, #tpu.memory_space<hbm>>
      %dma_start3A_27 = tpu.memref_squeeze %dma_start3A_26 : memref<1x96xf32, #tpu.memory_space<hbm>> -> memref<96xf32, #tpu.memory_space<hbm>>
      tpu.enqueue_dma source(%arg25 : memref<96xf32, #tpu.memory_space<vmem>>) target(%dma_start3A_27 : memref<96xf32, #tpu.memory_space<hbm>>) target_semaphore(%run_scoped3A : memref<!tpu.dma_semaphore, #tpu.memory_space<semaphore_mem>>)
      %dma_wait3A = arith.constant 0 : i32
      %dma_wait3A_28 = tpu.memref_slice %arg9[%add3A, %dma_wait3A] : memref<32x96xf32, #tpu.memory_space<hbm>> -> memref<1x96xf32, #tpu.memory_space<hbm>>
      %dma_wait3A_29 = tpu.memref_squeeze %dma_wait3A_28 : memref<1x96xf32, #tpu.memory_space<hbm>> -> memref<96xf32, #tpu.memory_space<hbm>>
      %dma_wait3A_30 = arith.constant 0 : i32
      %dma_wait3A_31 = tpu.memref_slice %arg9[%add3A, %dma_wait3A_30] : memref<32x96xf32, #tpu.memory_space<hbm>> -> memref<1x96xf32, #tpu.memory_space<hbm>>
      %dma_wait3A_32 = tpu.memref_squeeze %dma_wait3A_31 : memref<1x96xf32, #tpu.memory_space<hbm>> -> memref<96xf32, #tpu.memory_space<hbm>>
      tpu.wait_dma2 semaphore(%run_scoped3A : memref<!tpu.dma_semaphore, #tpu.memory_space<semaphore_mem>>) src(%arg25 : memref<96xf32, #tpu.memory_space<vmem>>) dst(%dma_wait3A_32 : memref<96xf32, #tpu.memory_space<hbm>>)
      tpu.yield
    }) : () -> ()
    return
  }
}

</mosaic_0001>

<sc_bundles>
// kernel: kernel.4.cloned.1.call-start
scs
__scs_entry_jumppad:
0x0: {  	(pc) =	sbr.rel $0x88, $3  }
0x1: {  	(tag) =	ssettag $0x0;
	lr =	simm.s32 $0x1  }
0x2: {  	[smem:$0x3F9B] =	sst lr;
	_ =	strace $0xD0000000  }
0x3: {  	_ = 	snop  }
0x4: {  	_ = 	snop  }
0x5: {  	_ = 	snop  }
0x6: {  	_ = 	snop  }
0x7: {  	_ = 	snop  }
__scs_overlays_trampoline_lowered:
0x8: {  	[smem:$0x3FAA] =	sst s0  }
0x9: {  	[smem:$0x3FAB] =	sst s1  }
0xa: {  	[smem:$0x3FAC] =	sst s2  }
0xb: {  	[smem:$0x3FAD] =	sst s3  }
0xc: {  	[smem:$0x3FAE] =	sst s4  }
0xd: {  	[smem:$0x3FAF] =	sst s5  }
0xe: {  	[smem:$0x3FB0] =	sst s6  }
0xf: {  	[smem:$0x3FB1] =	sst s7  }
0x10: {  	[smem:$0x3FB2] =	sst s8  }
0x11: {  	[smem:$0x3FB3] =	sst s9;
	s0 =	simm.s32 @!p0 $0x0  }
0x12: {  	s1 =	sld [smem:$0x3F99];
	s0 =	simm.s32 @p0 $0x1  }
0x13: {  	[smem:$0x3FB4] =	sst s0;
	s0 =	simm.s32 @!p1 $0x0  }
0x14: {  	s2 =	sld [smem:$0x3F98];
	s0 =	simm.s32 @p1 $0x1  }
0x15: {  	[smem:$0x3FB5] =	sst s0;
	s0 =	simm.s32 @!p2 $0x0  }
0x16: {  	s3 =	sld [smem:$0x3FDB];
	s0 =	simm.s32 @p2 $0x1  }
0x17: {  	s4 =	simm.s32 $0x1BF5;
	[smem:$0x3FB7] =	sst s0  }
0x18: {  	s0 =	sld [smem:$0x3F9A];
	_ =	swait.ge [sflag:s4], $0x0  }
0x19: {  	s7 =	sld [smem:$0x3F9B]  }
0x1a: {  	s8 =	sadd.s32 $0xFFFFE003, lr  }
0x1b: {  	s9 =	sadd.s32 $0xFFFFFEF7, lr;
	s5 =	simm.s32 $0xFFFFFFFF;
	p2 =	slt.u32 s8, $0xFFFFF086  }
0x1c: {  	p1 =	slt.u32 s9, $0xF7A;
	s5 =	simm.s32 @!p2 $0x0  }
0x1d: {  	s5 =	simm.s32 @p1 $0x1;
	p0 =	seq.s32 s7, s2  }
0x1e: {  	s7 =	smul.u32 @!p0 $0xF7A, s2;
	p2 =	seq.s32 @!p0 s5, $0x0  }
0x1f: {  	s9 =	smul.u32 $0xF7A, s1;
	s8 =	simm.s32 @!p0 $0x1BF5;
	p2 =	por !p2, p0  }
0x20: {  	[sflag:s8] =	ssyncset.s32 @!p0 $0xFFFFF086;
	s6 =	sadd.s32 @!p0 s3, s7;
	s7 =	simm.s32 @!p0 $0x108  }
0x21: {  	s3 =	sadd.s32 s3, s9;
	s6 =	sadd.s32 @!p0 $0x88, s6;
	s7 =	simm.s32 @p2 $0x1082  }
0x22: {  	[simem:s7], [sflag:s8] =	dma.local @!p0 [hbm:s6], $0xF7A  }
0x23: {  	s9 =	sor.u32 $0xD0000000, s2;
	s6 =	simm.s32 $0x108;
	_ =	swait.ge @!p0 [sflag:s8], $0x0  }
0x24: {  	s3 =	sadd.s32 $0x88, s3;
	s6 =	simm.s32 @!p1 $0x1082;
	[sflag:s4] =	ssyncset.s32 $0xFFFFF086  }
0x25: {  	[simem:s6], [sflag:s4] =	dma.local [hbm:s3], $0xF7A  }
0x26: {  	[smem:$0x3F9B] =	sst s1;
	(tag) =	ssettag s2;
	_ =	strace s9  }
0x27: {  	s1 =	sld [smem:$0x3FAB]  }
0x28: {  	s2 =	sld [smem:$0x3FAC]  }
0x29: {  	s4 =	sld [smem:$0x3FAE]  }
0x2a: {  	p0 =	seq.s32 s5, $0x0;
	s5 =	sld [smem:$0x3FAF]  }
0x2b: {  	s6 =	sld [smem:$0x3FB0]  }
0x2c: {  	s7 =	sld [smem:$0x3FB1]  }
0x2d: {  	s3 =	simm.s32 $0x108;
	s8 =	sld [smem:$0x3FB2]  }
0x2e: {  	s3 =	simm.s32 @!p0 $0x1082;
	s9 =	sld [smem:$0x3FB3]  }
0x2f: {  	lr =	sadd.s32 s0, s3;
	s0 =	sld [smem:$0x3FAA]  }
0x30: {  	s3 =	sld [smem:$0x3FAD]  }
0x31: {  	[smem:$0x3FB6] =	sst s10  }
0x32: {  	s10 =	sld [smem:$0x3FB4];
	_ =	sdelay $0x3  }
0x33: {  	p0 =	seq.s32 s10, $0x1;
	s10 =	sld [smem:$0x3FB6];
	_ =	sdelay $0x3  }
0x34: {  	[smem:$0x3FB6] =	sst s10  }
0x35: {  	s10 =	sld [smem:$0x3FB5];
	_ =	sdelay $0x3  }
0x36: {  	p1 =	seq.s32 s10, $0x1;
	s10 =	sld [smem:$0x3FB6];
	_ =	sdelay $0x3  }
0x37: {  	[smem:$0x3FB6] =	sst s10  }
0x38: {  	s10 =	sld [smem:$0x3FB7]  }
0x39: {  	_ = 	snop;
	(pc) =	sbr.ind lr, $3  }
0x3a: {  	_ = 	snop  }
0x3b: {  	_ = 	snop  }
0x3c: {  	p2 =	seq.s32 s10, $0x1;
	s10 =	sld [smem:$0x3FB6]  }
0x3d: {  	_ =	shalt  }
0x3e: {  	_ =	shalt  }
0x3f: {  	_ =	shalt  }
0x40: {  	_ =	shalt  }
0x41: {  	_ =	shalt  }
0x42: {  	_ =	shalt  }
0x43: {  	_ =	shalt  }
0x44: {  	_ =	shalt  }
0x45: {  	_ =	shalt  }
0x46: {  	_ =	shalt  }
0x47: {  	_ =	shalt  }
0x48: {  	_ =	shalt  }
0x49: {  	_ =	shalt  }
0x4a: {  	_ =	shalt  }
0x4b: {  	_ =	shalt  }
0x4c: {  	_ =	shalt  }
0x4d: {  	_ =	shalt  }
0x4e: {  	_ =	shalt  }
0x4f: {  	_ =	shalt  }
0x50: {  	_ =	shalt  }
0x51: {  	_ =	shalt  }
0x52: {  	_ =	shalt  }
0x53: {  	_ =	shalt  }
0x54: {  	_ =	shalt  }
0x55: {  	_ =	shalt  }
0x56: {  	_ =	shalt  }
0x57: {  	_ =	shalt  }
0x58: {  	_ =	shalt  }
0x59: {  	_ =	shalt  }
0x5a: {  	_ =	shalt  }
0x5b: {  	_ =	shalt  }
0x5c: {  	_ =	shalt  }
0x5d: {  	_ =	shalt  }
0x5e: {  	_ =	shalt  }
0x5f: {  	_ =	shalt  }
0x60: {  	_ =	shalt  }
0x61: {  	_ =	shalt  }
0x62: {  	_ =	shalt  }
0x63: {  	_ =	shalt  }
0x64: {  	_ =	shalt  }
0x65: {  	_ =	shalt  }
0x66: {  	_ =	shalt  }
0x67: {  	_ =	shalt  }
0x68: {  	_ =	shalt  }
0x69: {  	_ =	shalt  }
0x6a: {  	_ =	shalt  }
0x6b: {  	_ =	shalt  }
0x6c: {  	_ =	shalt  }
0x6d: {  	_ =	shalt  }
0x6e: {  	_ =	shalt  }
0x6f: {  	_ =	shalt  }
0x70: {  	_ =	shalt  }
0x71: {  	_ =	shalt  }
0x72: {  	_ =	shalt  }
0x73: {  	_ =	shalt  }
0x74: {  	_ =	shalt  }
0x75: {  	_ =	shalt  }
0x76: {  	_ =	shalt  }
0x77: {  	_ =	shalt  }
0x78: {  	_ =	shalt  }
0x79: {  	_ =	shalt  }
0x7a: {  	_ =	shalt  }
0x7b: {  	_ =	shalt  }
0x7c: {  	_ =	shalt  }
0x7d: {  	_ =	shalt  }
0x7e: {  	_ =	shalt  }
0x7f: {  	_ =	shalt  }
0x80: {  	_ =	shalt  }
0x81: {  	_ =	shalt  }
0x82: {  	_ =	shalt  }
0x83: {  	_ =	shalt  }
0x84: {  	_ =	shalt  }
0x85: {  	_ =	shalt  }
0x86: {  	_ =	shalt  }
0x87: {  	_ =	shalt  }
.Lfunc_end0:
.L_simem_size_0:
called_computation_lowered:
.L_overlay_start_0:
0x88: {  	s2 =	sld [smem:$0x3FD9]  }
0x89: {  	s3 =	sld [smem:$0x3FFE];
	_ =	sdelay $0x1  }
0x8a: {  	s1 =	srdreg.scid  }
0x8b: {  	s0 =	sand.u32 $0x1, s1  }
0x8c: {  	s17 =	sshll.u32 s0, $0xA;
	s2 =	sadd.s32 s3, s2  }
0x8d: {  	s2 =	sadd.s32 s2, s17  }
0x8e: {  	[smem:$0x3FC2] =	sst s2  }
0x8f: {  	_ = 	snop  }
0x90: {  	s2 =	sld [smem:$0x3FC8]  }
0x91: {  	s18 =	sld [smem:$0x3FC7]  }
0x92: {  	s4 =	sld [smem:$0x3FC6]  }
0x93: {  	s5 =	sld [smem:$0x3FC5]  }
0x94: {  	s6 =	sld [smem:$0x3FC4];
	(tm) =	ssettm $0x1  }
0x95: {  	s7 =	sld [smem:$0x3FFB];
	_ =	sdelay $0x3  }
0x96: {  	_ =	strace s7  }
0x97: {  	s7 =	sld [smem:$0x3FFC];
	_ =	sdelay $0x3  }
0x98: {  	_ =	strace s7  }
0x99: {  	s7 =	sld [smem:$0x3FFD];
	_ =	sdelay $0x3  }
0x9a: {  	_ =	strace s7  }
0x9b: {  	_ =	strace $0x8FFFFFFF  }
0x9c: {  	s19 =	sld [smem:$0x3FDB];
	_ =	sdelay $0x1  }
0x9d: {  	s8 =	simm.s32 $_scs_section_size  }
0x9e: {  	s9 =	simm.s32 $_size__tile_overlayer_lowered;
	s10 =	simm.s32 $_tile_overlayer_lowered  }
0x9f: {  	s22 =	simm.s32 $0x1BFF;
	s21 =	sshll.u32 s10, $0x1;
	s7 =	sadd.s32 s8, s19  }
0xa0: {  	s11 =	simm.s32 $0x0;
	s20 =	sshll.u32 s9, $0x1;
	s9 =	sadd.s32 s21, s7  }
0xa1: {  	[timem:s11], [sflag:s22] =	dma.local [hbm:s9], s20  }
0xa2: {  	_ =	swait.ge [sflag:s22], s20  }
0xa3: {  	s8 =	ssub.s32 $0x0, s20;
	[sflag:s22] =	ssyncset.done $0x0  }
0xa4: {  	[sflag:s22] =	ssyncadd.s32 s8;
	_ =	sdelay $0x1  }
0xa5: {  	s23 =	simm.s32 $0x1B8B  }
0xa6: {  	_ =	swait.ge [sflag:s23], $0x1  }
0xa7: {  	[sflag:s23] =	ssyncset.done $0x0  }
0xa8: {  	s25 =	simm.s32 $0x1B8E;
	s24 =	sld [smem:$0x3FFE];
	[sflag:s23] =	ssyncadd.s32 $0xFFFFFFFF  }
0xa9: {  	s26 =	simm.s32 $execute0_lowered;
	[smem:$0x3FD2] =	sst s25  }
0xaa: {  	s9 =	sshll.u32 s26, $0x1;
	_ =	strace $0x80000046;
	[dreg:$0x1] =	wrdreg $0xFFFFFFFF  }
0xab: {  	s28 =	simm.s32 $_size_execute0_lowered;
	s7 =	sadd.s32 s7, s9;
	[dreg:$0x0] =	wrdreg $0x0  }
0xac: {  	s9 =	sshll.u32 s28, $0x1;
	[dreg:$0x2] =	wrdreg s7  }
0xad: {  	[dreg:$0x3] =	wrdreg s9  }
0xae: {  	[dreg:$0x4] =	wrdreg $0xC0  }
0xaf: {  	_ =	task [dreg:s11], $0x5FFFF  }
0xb0: {  	[dreg:$0x1] =	wrdreg $0xFFFFFFFF  }
0xb1: {  	[dreg:$0x0] =	wrdreg $0x60  }
0xb2: {  	[dreg:$0x2] =	wrdreg s24  }
0xb3: {  	[dreg:$0x3] =	wrdreg s2  }
0xb4: {  	[dreg:$0x4] =	wrdreg s18  }
0xb5: {  	[dreg:$0x5] =	wrdreg s4  }
0xb6: {  	[dreg:$0x6] =	wrdreg s5  }
0xb7: {  	[dreg:$0x7] =	wrdreg s6  }
0xb8: {  	[dreg:$0x8] =	wrdreg $0x0  }
0xb9: {  	[dreg:$0x9] =	wrdreg $0x9  }
0xba: {  	_ =	task.clear_ibuf [dreg:s11], $0xAFFFF;
	_ =	strace $0x90000046  }
0xbb: {  	s29 =	simm.s32 $0x9;
	_ =	strace $0x80000048  }
0xbc: {  	_ =	swait.ge [sflag:s29], $0x1  }
0xbd: {  	[sflag:s29] =	ssyncadd.s32 $0xFFFFFFFF  }
0xbe: {  	_ =	strace $0x90000048  }
0xbf: {  	_ =	sfence  }
0xc0: {  	s30 =	sld [smem:$0x0];
	_ =	sdelay $0x2  }
0xc1: {  	s31 =	sshll.u32 s1, $0xD;
	s1 =	sshrl.u32 s1, $0x2  }
0xc2: {  	s3 =	sand.u32 $0x4000, s31;
	s1 =	sadd.s32 s1, s30  }
0xc3: {  	s0 =	sor.u32 s3, s0;
	s1 =	sshll.u32 s1, $0x11  }
0xc4: {  	s0 =	sor.u32 s1, s0  }
0xc5: {  	s0 =	sadd.s32 $0x8F2B, s0  }
0xc6: {  	[sflag:s0] =	ssyncadd.remote.s32 $0x1  }
0xc7: {  	_ =	sfence.sel $0xFFFF  }
0xc8: {  	[dreg:$0x0] =	wrdreg $0xFFFFFFFF;
	(pc) =	sbr.abs _section_cstart, $3  }
0xc9: {  	[dreg:$0x1] =	wrdreg $0xFFFFFFFF  }
0xca: {  	_ =	task.clear_ibuf [dreg:s11], $0x2FFFF;
	_ =	strace $0x9FFFFFFF  }
0xcb: {  	(tm) =	ssettm $0x7FFFFFFF  }
tec
execute0_lowered:
.L_overlay_start_1:
0x0: {  	(tag) =	ssettag $0x1  }
0x1: {  	s0 =	rddreg [dreg:$0x0]  }
0x2: {  	s3 =	rddreg [dreg:$0x2]  }
0x3: {  	s4 =	rddreg [dreg:$0x4]  }
0x4: {  	s5 =	rddreg [dreg:$0x5]  }
0x5: {  	s6 =	rddreg [dreg:$0x6]  }
0x6: {  	s1 =	srdreg.scid;
	s8 =	simm.s32 $0x0;
	s14 =	stileid.u32  }
0x7: {  	s28 =	simm.s32 $0xE000;
	s29 =	simm.s32 $0xF000;
	s30 =	simm.s32 $0x80  }
0x8: {  	s31 =	simm.s32 $0x14280;
	s17 =	simm.s32 $0x17300;
	s18 =	simm.s32 $0x14200  }
0x9: {  	s1 =	sand.u32 $0x1, s1;
	[smem:$0x7FF] =	sst s8;
	s9 =	sadd.s32 $0x100800, s0  }
0xa: {  	s10 =	sadd.s32 $0xA00, s0;
	s12 =	smul.u32 $0x30000, s14;
	s13 =	sshll.u32 s14, $0x9  }
0xb: {  	s15 =	sshll.u32 s14, $0xC;
	s2 =	sshll.u32 s1, $0x4;
	_ =	strace $0x80000047  }
0xc: {  	s11 =	ssub.s32 $0x2, s1;
	s1 =	sshll.u32 s1, $0x2;
	s2 =	sor.u32 s14, s2  }
0xd: {  	s20 =	sshrl.u32 s11, $0x1;
	s21 =	sshrl.u32 s12, $0x2;
	[dreg:$0xa] =	wrdreg s1  }
0xe: {  	s1 =	simm.s32 $0x14300;
	s7 =	smul.u32 $0xC, s2;
	s22 =	sadd.s32 s21, s6  }
0xf: {  	s19 =	sshll.u32 s2, $0xB;
	s2 =	sshll.u32 s2, $0x8;
	[dreg:$0xb] =	wrdreg s22  }
0x10: {  	s12 =	simm.s32 $0x12100;
	s2 =	sadd.s32 s3, s2;
	[dreg:$0x8] =	wrdreg s19  }
0x11: {  	s21 =	simm.s32 $0x0;
	s24 =	sadd.s32 $0x3000, s22;
	[dreg:$0x9] =	wrdreg s2  }
0x12: {  	s25 =	sadd.s32 $0x6000, s22;
	s26 =	sadd.s32 $0x9000, s22;
	[dreg:$0xe] =	wrdreg s24  }
0x13: {  	s22 =	simm.s32 $0x1D300;
	s0 =	sadd.s32 s7, s0;
	[dreg:$0xf] =	wrdreg s25  }
0x14: {  	s7 =	ssub.s32 s11, s20;
	[dreg:$0x10] =	wrdreg s26;
	s24 =	simm.s32 $0x1A300  }
0x15: {  	v0 =	vimm.f32 $0.0e+00;
	v1 =	vlaneseq.u32;
	s25 =	simm.s32 $0xC000;
	s26 =	simm.s32 $0xD000;
	s0 =	sadd.s32 $0x800, s0  }
0x16: {  	v7 =	vimm.s32 $0x0;
	v2 =	vor.u32 $0x10, v1;
	v3 =	vor.u32 $0x20, v1;
	s2 =	simm.s32 $0x0;
	s23 =	smax.u32 s7, $0x1;
	[dreg:$0xc] =	wrdreg s0  }
0x17: {  	v4 =	vor.u32 $0x30, v1;
	v5 =	vor.u32 $0x40, v1;
	v6 =	vor.u32 $0x50, v1;
	s7 =	simm.s32 $0x13180;
	[dreg:$0xd] =	wrdreg s23;
	s23 =	simm.s32 $0x1  }
.LBB2_1:
0x18: {  	[tilespmem:$0x1DB00] =	vst v0  }
0x19: {  	[tilespmem:$0x1DB10] =	vst v0  }
0x1a: {  	[tilespmem:$0x1DB20] =	vst v0  }
0x1b: {  	[tilespmem:$0x1DB30] =	vst v0  }
0x1c: {  	[dreg:$0x11] =	wrdreg s2;
	[tilespmem:$0x1DB40] =	vst v0  }
0x1d: {  	[tilespmem:$0x1DB50] =	vst v0;
	s0 =	rddreg [dreg:$0x9]  }
0x1e: {  	[tilespmem:s22], [sflag:$0x1] =	stream.linear.gather [hbm4b:s0+s8], $0x800, $0x38;
	[tilespmem:$0x1DB60] =	vst v63  }
0x1f: {  	_ =	swait.ge [sflag:s23], $0x800  }
0x20: {  	[sflag:s23] =	ssyncset.done $0x0  }
0x21: {  	s2 =	simm.s32 $0x0;
	s11 =	simm.s32 $0x0;
	[sflag:s23] =	ssyncadd.s32 $0xFFFFF800  }
.LBB2_2:
0x22: {  	s0 =	simm.s32 $0x0  }
0x23: {  	s14 =	sshll.u32 s11, $0x7;
	v8 =	vmov s0  }
0x24: {  	s14 =	sadd.s32 s19, s14;
	v8 =	vmul.u32 $0x60, v8  }
0x25: {  	s14 =	smul.u32 $0xC, s14  }
0x26: {  	s16 =	sadd.s32 $0x0, s2;
	v8 =	vbroadcast v8, $0x0  }
0x27: {  	s3 =	simm.s32 $0x1;
	v9 =	vmov s16;
	s14 =	sadd.s32 s9, s14  }
0x28: {  	v13 =	vmov s3;
	[tilespmem:s24], [sflag:$0x1] =	stream.linear.gather [hbm4b:s14+s0], $0x3000, $0x38;
	v10 =	vadd.s32 v6, v8;
	[tilespmem:$0x1DB60] =	vst v63  }
0x29: {  	v13 =	vmul.u32 $0x60, v13;
	_ =	swait.ge [sflag:s23], $0x3000;
	v11 =	vor.u32 v1, v8  }
0x2a: {  	v12 =	vor.u32 v2, v8;
	[sflag:s23] =	ssyncset.done $0x0  }
0x2b: {  	v13 =	vbroadcast v13, $0x0;
	v14 =	vadd.s32 v3, v8;
	[sflag:s23] =	ssyncadd.s32 $0xFFFFD000  }
0x2c: {  	v15 =	vadd.s32 v5, v8;
	v27 =	vld.idx.msk [tilespmem:v9+s22+$0x0], $0xffff  }
0x2d: {  	v17 =	vadd.s32 v6, v13;
	v10 =	vld.idx.msk [tilespmem:v10+s24+$0x0], $0xffff  }
0x2e: {  	v9 =	vadd.s32 v4, v8;
	v11 =	vld.idx.msk [tilespmem:v11+s24+$0x0], $0xffff  }
0x2f: {  	v19 =	vor.u32 v2, v13;
	v12 =	vld.idx.msk [tilespmem:v12+s24+$0x0], $0xffff  }
0x30: {  	s14 =	sadd.s32 $0x1, s2;
	v29 =	vadd.s32 v4, v13;
	v14 =	vld.idx.msk [tilespmem:v14+s24+$0x0], $0xffff  }
0x31: {  	v16 =	vmov s14;
	v28 =	vld.idx.msk [tilespmem:v15+s24+$0x0], $0xffff  }
0x32: {  	s20 =	sadd.s32 $0x2, s2;
	s16 =	simm.s32 $0x2;
	v18 =	vor.u32 v1, v13;
	v31 =	vld.idx.msk [tilespmem:v17+s24+$0x0], $0xffff  }
0x33: {  	v25 =	vmov s20;
	v21 =	vld.idx.msk [tilespmem:v9+s24+$0x0], $0xffff;
	v9 =	vmov s16  }
0x34: {  	v20 =	vadd.s32 v3, v13;
	v17 =	vld.idx.msk [tilespmem:v19+s24+$0x0], $0xffff;
	v15 =	vmul.u32 $0x60, v9;
	v10 =	vmul.f32 v10, v27  }
0x35: {  	v30 =	vadd.s32 v5, v13;
	v19 =	vld.idx.msk [tilespmem:v29+s24+$0x0], $0xffff;
	v11 =	vmul.f32 v11, v27;
	v12 =	vmul.f32 v12, v27  }
0x36: {  	s0 =	simm.s32 $0x3;
	v8 =	vimm.f32 $0.0e+00;
	v9 =	vld.idx.msk [tilespmem:v16+s22+$0x0], $0xffff;
	v14 =	vmul.f32 v14, v27;
	v13 =	vbroadcast v15, $0x0  }
0x37: {  	v29 =	vmov s0;
	v16 =	vld.idx.msk [tilespmem:v18+s24+$0x0], $0xffff;
	v10 =	vadd.f32 v10, v8;
	v11 =	vadd.f32 v11, v8  }
0x38: {  	v12 =	vadd.f32 v12, v8;
	v14 =	vadd.f32 v14, v8;
	v26 =	vadd.s32 v6, v13  }
0x39: {  	v18 =	vld.idx.msk [tilespmem:v20+s24+$0x0], $0xffff;
	v15 =	vmul.f32 v21, v27;
	v24 =	vor.u32 v1, v13;
	v23 =	vor.u32 v2, v13  }
0x3a: {  	v21 =	vadd.s32 v3, v13;
	v20 =	vadd.s32 v4, v13;
	v27 =	vmul.f32 v28, v27  }
0x3b: {  	s14 =	simm.s32 $0x4;
	v22 =	vadd.s32 v5, v13;
	v28 =	vmul.f32 v31, v9;
	v13 =	vadd.f32 v15, v8;
	v15 =	vld.idx.msk [tilespmem:v30+s24+$0x0], $0xffff  }
.LBB2_3:
0x3c: {  	p0 =	sne.s32 s14, $0x7F;
	v29 =	vmul.u32 $0x60, v29;
	v30 =	vld.idx.msk [tilespmem:v25+s22+$0x0], $0xffff;
	v25 =	vmul.f32 v16, v9;
	v8 =	vadd.f32 v27, v8  }
0x3d: {  	v31 =	vld.idx.msk [tilespmem:v26+s24+$0x0], $0xffff;
	v26 =	vmul.f32 v17, v9;
	v10 =	vadd.f32 v28, v10  }
0x3e: {  	s16 =	sadd.s32 s0, s2;
	s0 =	smov.u32 s14;
	v28 =	vmul.f32 v18, v9;
	v27 =	vbroadcast v29, $0x0;
	v16 =	vld.idx.msk [tilespmem:v24+s24+$0x0], $0xffff;
	v11 =	vadd.f32 v25, v11  }
.Ltmp0:
0x3f: {  	v25 =	vmov s16;
	v29 =	vmul.f32 v19, v9;
	v17 =	vld.idx.msk [tilespmem:v23+s24+$0x0], $0xffff;
	v12 =	vadd.f32 v26, v12;
	(pc) =	sbr.rel @p0 .LBB2_3-.Ltmp0, $4  }
0x40: {  	v24 =	vor.u32 v1, v27;
	v23 =	vor.u32 v2, v27;
	v26 =	vadd.s32 v6, v27;
	v18 =	vld.idx.msk [tilespmem:v21+s24+$0x0], $0xffff  }
0x41: {  	v21 =	vadd.s32 v3, v27;
	v32 =	vadd.s32 v5, v27;
	v19 =	vld.idx.msk [tilespmem:v20+s24+$0x0], $0xffff;
	v20 =	vadd.s32 v4, v27  }
0x42: {  	v14 =	vadd.f32 v28, v14;
	v13 =	vadd.f32 v29, v13;
	v27 =	vmul.f32 v15, v9;
	v15 =	vld.idx.msk [tilespmem:v22+s24+$0x0], $0xffff  }
0x43: {  	s14 =	sadd.s32 $0x1, s14;
	v29 =	vmov s0;
	v9 =	vmovc v30;
	v28 =	vmul.f32 v31, v30;
	v22 =	vmov v32  }
0x44: {  	_ =	sdelay $0x3  }
0x45: {  	v25 =	vld.idx.msk [tilespmem:v25+s22+$0x0], $0xffff  }
0x46: {  	v29 =	vmul.u32 $0x60, v29;
	v26 =	vld.idx.msk [tilespmem:v26+s24+$0x0], $0xffff  }
0x47: {  	v24 =	vld.idx.msk [tilespmem:v24+s24+$0x0], $0xffff  }
0x48: {  	s0 =	sadd.s32 s0, s2;
	v23 =	vld.idx.msk [tilespmem:v23+s24+$0x0], $0xffff;
	v29 =	vbroadcast v29, $0x0  }
0x49: {  	v21 =	vld.idx.msk [tilespmem:v21+s24+$0x0], $0xffff;
	v30 =	vmov s0  }
0x4a: {  	v20 =	vld.idx.msk [tilespmem:v20+s24+$0x0], $0xffff;
	v32 =	vor.u32 v1, v29  }
0x4b: {  	v22 =	vld.idx.msk [tilespmem:v22+s24+$0x0], $0xffff;
	v33 =	vor.u32 v2, v29  }
0x4c: {  	v48 =	vld [tilespmem:$0x1DB00];
	v34 =	vadd.s32 v3, v29  }
0x4d: {  	v16 =	vmul.f32 v16, v9;
	v8 =	vadd.f32 v27, v8;
	v51 =	vld [tilespmem:$0x1DB10];
	v35 =	vadd.s32 v4, v29  }
0x4e: {  	v17 =	vmul.f32 v17, v9;
	v31 =	vadd.s32 v6, v29;
	v29 =	vadd.s32 v5, v29;
	v30 =	vld.idx.msk [tilespmem:v30+s22+$0x0], $0xffff  }
0x4f: {  	v10 =	vadd.f32 v28, v10;
	v37 =	vmul.f32 v18, v9;
	v11 =	vadd.f32 v16, v11;
	v36 =	vld.idx.msk [tilespmem:v32+s24+$0x0], $0xffff  }
0x50: {  	v12 =	vadd.f32 v17, v12;
	v39 =	vmul.f32 v19, v9;
	v40 =	vmul.f32 v15, v9;
	v38 =	vld.idx.msk [tilespmem:v33+s24+$0x0], $0xffff  }
0x51: {  	v14 =	vadd.f32 v37, v14;
	v42 =	vmul.f32 v26, v25;
	v43 =	vmul.f32 v24, v25;
	v41 =	vld.idx.msk [tilespmem:v34+s24+$0x0], $0xffff  }
0x52: {  	v13 =	vadd.f32 v39, v13;
	v45 =	vmul.f32 v23, v25;
	v47 =	vmul.f32 v21, v25;
	v44 =	vld.idx.msk [tilespmem:v35+s24+$0x0], $0xffff  }
0x53: {  	v8 =	vadd.f32 v40, v8;
	v49 =	vmul.f32 v20, v25;
	v52 =	vmul.f32 v22, v25;
	v46 =	vld.idx.msk [tilespmem:v29+s24+$0x0], $0xffff  }
0x54: {  	v10 =	vadd.f32 v42, v10;
	v11 =	vadd.f32 v43, v11;
	v31 =	vld.idx.msk [tilespmem:v31+s24+$0x0], $0xffff;
	v50 =	vmul.f32 v36, v30  }
0x55: {  	v53 =	vld [tilespmem:$0x1DB20];
	v9 =	vadd.f32 v45, v12;
	v14 =	vadd.f32 v47, v14;
	v18 =	vmul.f32 v38, v30  }
0x56: {  	v55 =	vld [tilespmem:$0x1DB30];
	v12 =	vadd.f32 v49, v13;
	v54 =	vmul.f32 v41, v30;
	v11 =	vadd.f32 v50, v11  }
0x57: {  	v57 =	vld [tilespmem:$0x1DB40];
	v8 =	vadd.f32 v52, v8;
	v56 =	vmul.f32 v44, v30;
	v9 =	vadd.f32 v18, v9  }
0x58: {  	v59 =	vld [tilespmem:$0x1DB50];
	v58 =	vmul.f32 v46, v30;
	v13 =	vadd.f32 v54, v14;
	v11 =	vadd.f32 v48, v11  }
0x59: {  	s11 =	sadd.s32 $0x1, s11;
	v60 =	vmul.f32 v31, v30;
	v12 =	vadd.f32 v56, v12;
	v9 =	vadd.f32 v51, v9  }
0x5a: {  	p0 =	sne.s32 s11, $0x10;
	v8 =	vadd.f32 v58, v8;
	v61 =	vadd.f32 v53, v13;
	[tilespmem:$0x1DB00] =	vst v11  }
.Ltmp1:
0x5b: {  	v10 =	vadd.f32 v60, v10;
	v62 =	vadd.f32 v55, v12;
	[tilespmem:$0x1DB10] =	vst v9;
	(pc) =	sbr.rel @p0 .LBB2_2-.Ltmp1, $4  }
0x5c: {  	v8 =	vadd.f32 v57, v8;
	[tilespmem:$0x1DB20] =	vst v61  }
0x5d: {  	v63 =	vadd.f32 v59, v10;
	[tilespmem:$0x1DB30] =	vst v62  }
0x5e: {  	[tilespmem:$0x1DB40] =	vst v8  }
0x5f: {  	s2 =	sadd.s32 $0x80, s2;
	s0 =	simm.s32 $0x0;
	[tilespmem:$0x1DB50] =	vst v63  }
0x60: {  	s2 =	simm.s32 $0x0  }
.LBB2_6:
0x61: {  	v8 =	vmov s0  }
0x62: {  	v8 =	vmul.u32 $0x60, v8;
	_ =	sdelay $0x1  }
0x63: {  	v9 =	vbroadcast v8, $0x0;
	_ =	sdelay $0x1  }
0x64: {  	s20 =	simm.s32 $0x1;
	v12 =	vor.u32 v1, v9  }
0x65: {  	v8 =	vmov s20;
	v15 =	vor.u32 v2, v9  }
0x66: {  	v8 =	vmul.u32 $0x60, v8;
	v13 =	vadd.s32 v3, v9  }
0x67: {  	v10 =	vadd.s32 v4, v9  }
0x68: {  	v11 =	vadd.s32 v5, v9;
	v8 =	vbroadcast v8, $0x0  }
0x69: {  	[tilespmem:v12+s24+$0x0] =	vst.idx.msk $0xffff, v0;
	v12 =	vadd.s32 v6, v9  }
0x6a: {  	s0 =	simm.s32 $0x2;
	v14 =	vor.u32 v1, v8;
	v9 =	vor.u32 v2, v8;
	[tilespmem:v15+s24+$0x0] =	vst.idx.msk $0xffff, v0  }
.LBB2_7:
0x6b: {  	v15 =	vmov s0;
	p0 =	sne.s32 s0, $0x7F;
	s0 =	sadd.s32 $0x1, s0;
	[tilespmem:v13+s24+$0x0] =	vst.idx.msk $0xffff, v0  }
.Ltmp2:
0x6c: {  	v13 =	vadd.s32 v3, v8;
	v15 =	vmul.u32 $0x60, v15;
	[tilespmem:v10+s24+$0x0] =	vst.idx.msk $0xffff, v0;
	(pc) =	sbr.rel @p0 .LBB2_7-.Ltmp2, $4  }
0x6d: {  	v10 =	vadd.s32 v4, v8;
	[tilespmem:v11+s24+$0x0] =	vst.idx.msk $0xffff, v0  }
0x6e: {  	v11 =	vadd.s32 v5, v8;
	v15 =	vbroadcast v15, $0x0;
	[tilespmem:v12+s24+$0x0] =	vst.idx.msk $0xffff, v0  }
0x6f: {  	v12 =	vadd.s32 v6, v8;
	[tilespmem:v14+s24+$0x0] =	vst.idx.msk $0xffff, v0  }
0x70: {  	v14 =	vor.u32 v1, v15;
	[tilespmem:v9+s24+$0x0] =	vst.idx.msk $0xffff, v0;
	v9 =	vor.u32 v2, v15;
	v8 =	vmov v15  }
0x71: {  	_ =	sdelay $0x3  }
0x72: {  	[tilespmem:v13+s24+$0x0] =	vst.idx.msk $0xffff, v0  }
0x73: {  	v63 =	vadd.s32 v3, v8;
	[tilespmem:v10+s24+$0x0] =	vst.idx.msk $0xffff, v0  }
0x74: {  	v10 =	vadd.s32 v4, v8;
	[tilespmem:v11+s24+$0x0] =	vst.idx.msk $0xffff, v0  }
0x75: {  	v11 =	vadd.s32 v5, v8;
	[tilespmem:v12+s24+$0x0] =	vst.idx.msk $0xffff, v0  }
0x76: {  	v8 =	vadd.s32 v6, v8;
	[tilespmem:v14+s24+$0x0] =	vst.idx.msk $0xffff, v0  }
0x77: {  	[tilespmem:v9+s24+$0x0] =	vst.idx.msk $0xffff, v0  }
0x78: {  	[tilespmem:v63+s24+$0x0] =	vst.idx.msk $0xffff, v0  }
0x79: {  	[tilespmem:v10+s24+$0x0] =	vst.idx.msk $0xffff, v0  }
0x7a: {  	[tilespmem:v11+s24+$0x0] =	vst.idx.msk $0xffff, v0  }
0x7b: {  	s0 =	rddreg [dreg:$0xb];
	[tilespmem:v8+s24+$0x0] =	vst.idx.msk $0xffff, v0  }
0x7c: {  	[spmem:s0] =	stream.linear.scatter [tilespmem:s24], [sflag:$0x1], $0x3000, $0x38;
	[tilespmem:$0x1DB60] =	vst v63  }
0x7d: {  	_ =	swait.ge [sflag:s23], $0x3000  }
0x7e: {  	[sflag:s23] =	ssyncset.done $0x0  }
0x7f: {  	s14 =	rddreg [dreg:$0xe];
	[sflag:s23] =	ssyncadd.s32 $0xFFFFD000  }
0x80: {  	[spmem:s14] =	stream.linear.scatter [tilespmem:s24], [sflag:$0x1], $0x3000, $0x38;
	[tilespmem:$0x1DB60] =	vst v63  }
0x81: {  	_ =	swait.ge [sflag:s23], $0x3000  }
0x82: {  	[sflag:s23] =	ssyncset.done $0x0  }
0x83: {  	s16 =	rddreg [dreg:$0xf];
	[sflag:s23] =	ssyncadd.s32 $0xFFFFD000  }
0x84: {  	[spmem:s16] =	stream.linear.scatter [tilespmem:s24], [sflag:$0x1], $0x3000, $0x38;
	[tilespmem:$0x1DB60] =	vst v63  }
0x85: {  	_ =	swait.ge [sflag:s23], $0x3000  }
0x86: {  	[sflag:s23] =	ssyncset.done $0x0  }
0x87: {  	s19 =	rddreg [dreg:$0x10];
	[sflag:s23] =	ssyncadd.s32 $0xFFFFD000  }
0x88: {  	[spmem:s19] =	stream.linear.scatter [tilespmem:s24], [sflag:$0x1], $0x3000, $0x38;
	[tilespmem:$0x1DB60] =	vst v63  }
.Ltmp3:
0x89: {  	_ =	swait.ge [sflag:s23], $0x3000;
	(pc) =	sbr.rel .LBB2_9-.Ltmp3, $4  }
0x8a: {  	[dreg:$0x12] =	wrdreg s2;
	[sflag:s23] =	ssyncset.done $0x0  }
0x8b: {  	s20 =	rddreg [dreg:$0xa];
	[sflag:s23] =	ssyncadd.s32 $0xFFFFD000  }
0x8c: {  	s0 =	sadd.s32 s20, s2;
	[bflag:$0x0] =	sbarrier.arrive $0xFFFF  }
0x8d: {  	s16 =	simm.s32 $0x0;
	s19 =	simm.s32 $0x0;
	v8 =	vmov s0;
	[dreg:$0x13] =	wrdreg s0  }
.LBB2_15:
0x8e: {  	s16 =	sadd.s32 $0x1, s16  }
0x8f: {  	p0 =	sne.s32 s16, $0x8  }
.Ltmp4:
0x90: {  	_ = 	snop;
	(pc) =	sbr.rel @!p0 .LBB2_16-.Ltmp4, $1  }
0x91: {  	_ =	sdelay $0x3  }
.LBB2_9:
0x92: {  	s0 =	sshll.u32 s16, $0x9  }
0x93: {  	s2 =	rddreg [dreg:$0x3];
	s0 =	sadd.s32 s15, s0  }
0x94: {  	s2 =	sadd.s32 s2, s0  }
0x95: {  	[tilespmem:s25], [sflag:$0x1] =	stream.linear.gather [hbm4b:s2+s19], $0x1000, $0x38;
	[tilespmem:$0x1DB60] =	vst v63  }
0x96: {  	_ =	swait.ge [sflag:s23], $0x1000  }
0x97: {  	[sflag:s23] =	ssyncset.done $0x0  }
0x98: {  	s11 =	sadd.s32 s4, s0;
	[sflag:s23] =	ssyncadd.s32 $0xFFFFF000  }
0x99: {  	[tilespmem:s26], [sflag:$0x1] =	stream.linear.gather [hbm4b:s11+s19], $0x1000, $0x38;
	[tilespmem:$0x1DB60] =	vst v63  }
0x9a: {  	_ =	swait.ge [sflag:s23], $0x1000  }
0x9b: {  	[sflag:s23] =	ssyncset.done $0x0  }
0x9c: {  	[sflag:s23] =	ssyncadd.s32 $0xFFFFF000  }
0x9d: {  	s14 =	rddreg [dreg:$0x1]  }
0x9e: {  	s2 =	sadd.s32 s14, s0  }
0x9f: {  	[tilespmem:s28], [sflag:$0x1] =	stream.linear.gather [hbm4b:s2+s19], $0x1000, $0x38;
	[tilespmem:$0x1DB60] =	vst v63  }
0xa0: {  	_ =	swait.ge [sflag:s23], $0x1000  }
0xa1: {  	[sflag:s23] =	ssyncset.done $0x0  }
0xa2: {  	s0 =	sadd.s32 s5, s0;
	[sflag:s23] =	ssyncadd.s32 $0xFFFFF000  }
0xa3: {  	[tilespmem:s29], [sflag:$0x1] =	stream.linear.gather [hbm4b:s0+s19], $0x1000, $0x38;
	[tilespmem:$0x1DB60] =	vst v63  }
0xa4: {  	_ =	swait.ge [sflag:s23], $0x1000  }
0xa5: {  	[sflag:s23] =	ssyncset.done $0x0  }
0xa6: {  	s20 =	simm.s32 $0x0;
	[sflag:s23] =	ssyncadd.s32 $0xFFFFF000  }
0xa7: {  	v9 =	vld [tilespmem:s20+$0xC000];
	_ =	sdelay $0x4  }
0xa8: {  	v10 =	vshrl.u32 v9, $0xD  }
0xa9: {  	vm0 =	veq.s32 v10, v8  }
0xaa: {  	v9 =	vand.u32 $0x1FFF, v9;
	v10 =	vmpcnt.ones.xlane vm0  }
0xab: {  	[tilespmem:s19+$0x10000] =	vst.msk vm0, v9  }
0xac: {  	v9 =	vld [tilespmem:s20+$0xD000];
	v10 =	vxor.u32 $0x80000000, v10  }
0xad: {  	(xrf0) =	vmax.scan.msk.u32 $0xffff, v10;
	_ =	sdelay $0x3  }
0xae: {  	[tilespmem:s19+$0x11080] =	vst.msk vm0, v9  }
0xaf: {  	v9 =	vld [tilespmem:s20+$0xE000]  }
0xb0: {  	v10, _, _ =	vpop (xrf0)  }
0xb1: {  	(v2sf) =	vpush v10, $0xF;
	_ =	sdelay $0x2  }
0xb2: {  	[tilespmem:s19+$0x12100] =	vst.msk vm0, v9  }
0xb3: {  	v9 =	vld [tilespmem:s20+$0xF000];
	_ =	sdelay $0x4  }
0xb4: {  	s11 =	simm.s32 $0x80;
	s2 =	simm.s32 $0x0;
	s0 =	simm.s32 $0x10;
	[tilespmem:s19+$0x13180] =	vst.msk vm0, v9  }
.LBB2_10:
0xb5: {  	p0 =	sne.s32 s11, $0x3FC0;
	v9 =	vld [tilespmem:s0+$0xC000];
	_ =	sdelay $0x4  }
0xb6: {  	v10 =	vshrl.u32 v9, $0xD;
	v9 =	vand.u32 $0x1FFF, v9;
	s14 =	spop (v2sf)  }
0xb7: {  	vm0 =	veq.s32 v10, v8;
	s2 =	sadd.s32 s14, s2  }
0xb8: {  	v10 =	vmpcnt.ones.xlane vm0;
	s2 =	sadd.s32 $0x80000000, s2  }
0xb9: {  	[tilespmem:s2+$0x10000] =	vst.msk vm0, v9  }
0xba: {  	v9 =	vld [tilespmem:s0+$0xD000];
	v10 =	vxor.u32 $0x80000000, v10  }
0xbb: {  	(xrf0) =	vmax.scan.msk.u32 $0xffff, v10;
	_ =	sdelay $0x3  }
0xbc: {  	[tilespmem:s2+$0x11080] =	vst.msk vm0, v9  }
0xbd: {  	v9 =	vld [tilespmem:s0+$0xE000]  }
0xbe: {  	v10, _, _ =	vpop (xrf0)  }
0xbf: {  	(v2sf) =	vpush v10, $0xF;
	_ =	sdelay $0x2  }
0xc0: {  	[tilespmem:s2+$0x12100] =	vst.msk vm0, v9  }
0xc1: {  	v9 =	vld [tilespmem:s0+$0xF000]  }
.Ltmp5:
0xc2: {  	(pc) =	sbr.rel @p0 .LBB2_10-.Ltmp5, $2  }
0xc3: {  	_ =	sdelay $0x2  }
0xc4: {  	s0 =	sshra.s32 s11, $0x2;
	s11 =	sadd.s32 $0x40, s11;
	[tilespmem:s2+$0x13180] =	vst.msk vm0, v9  }
0xc5: {  	v9 =	vld [tilespmem:s0+$0xC000];
	_ =	sdelay $0x4  }
0xc6: {  	v10 =	vshrl.u32 v9, $0xD  }
0xc7: {  	vm0 =	veq.s32 v10, v8  }
0xc8: {  	v10 =	vmpcnt.ones.xlane vm0;
	_ =	sdelay $0x1  }
0xc9: {  	v10 =	vxor.u32 $0x80000000, v10  }
0xca: {  	(xrf0) =	vmax.scan.msk.u32 $0xffff, v10;
	_ =	sdelay $0x2  }
0xcb: {  	s11 =	spop (v2sf);
	v9 =	vand.u32 $0x1FFF, v9  }
0xcc: {  	s2 =	sadd.s32 s11, s2  }
0xcd: {  	s2 =	sadd.s32 $0x80000000, s2  }
0xce: {  	[tilespmem:s2+$0x10000] =	vst.msk vm0, v9;
	v9, _, _ =	vpop (xrf0)  }
0xcf: {  	v10 =	vld [tilespmem:s0+$0xD000];
	(v2sf) =	vpush v9, $0xF;
	_ =	sdelay $0x4  }
0xd0: {  	[tilespmem:s2+$0x11080] =	vst.msk vm0, v10  }
0xd1: {  	v9 =	vld [tilespmem:s0+$0xE000];
	_ =	sdelay $0x4  }
0xd2: {  	[tilespmem:s2+$0x12100] =	vst.msk vm0, v9  }
0xd3: {  	v9 =	vld [tilespmem:s0+$0xF000];
	_ =	sdelay $0x2  }
0xd4: {  	s20 =	spop (v2sf)  }
0xd5: {  	s0 =	sadd.s32 s20, s2  }
0xd6: {  	[tilespmem:s2+$0x13180] =	vst.msk vm0, v9;
	s0 =	sadd.s32 $0x80000000, s0  }
0xd7: {  	[tilespmem:s0+$0x10000] =	vst v7  }
0xd8: {  	[tilespmem:s0+$0x11080] =	vst v7  }
0xd9: {  	[tilespmem:s0+$0x12100] =	vst v0  }
0xda: {  	[tilespmem:s0+$0x13180] =	vst v7  }
0xdb: {  	[tilespmem:s0+$0x10010] =	vst v7  }
0xdc: {  	[tilespmem:s0+$0x11090] =	vst v7  }
0xdd: {  	[tilespmem:s0+$0x12110] =	vst v0  }
0xde: {  	[tilespmem:s0+$0x13190] =	vst v7  }
0xdf: {  	[tilespmem:s0+$0x10020] =	vst v7  }
0xe0: {  	[tilespmem:s0+$0x110A0] =	vst v7  }
0xe1: {  	[tilespmem:s0+$0x12120] =	vst v0  }
0xe2: {  	[tilespmem:s0+$0x131A0] =	vst v7  }
0xe3: {  	[tilespmem:s0+$0x10030] =	vst v7  }
0xe4: {  	[tilespmem:s0+$0x110B0] =	vst v7  }
0xe5: {  	[tilespmem:s0+$0x12130] =	vst v0  }
0xe6: {  	[tilespmem:s0+$0x131B0] =	vst v7  }
0xe7: {  	[tilespmem:s0+$0x10040] =	vst v7  }
0xe8: {  	[tilespmem:s0+$0x110C0] =	vst v7  }
0xe9: {  	[tilespmem:s0+$0x12140] =	vst v0  }
0xea: {  	[tilespmem:s0+$0x131C0] =	vst v7;
	s2 =	sadd.s32 $0x7F, s0  }
0xeb: {  	[tilespmem:s0+$0x10050] =	vst v7;
	s3 =	sand.u32 $0x7F, s2  }
0xec: {  	[tilespmem:s0+$0x110D0] =	vst v7;
	s14 =	sshra.s32 s2, $0x1F;
	p0 =	slt.s32 s2, $0x1;
	p1 =	sne.s32 s3, $0x0  }
0xed: {  	[tilespmem:s0+$0x12150] =	vst v0;
	s20 =	sshrl.u32 s14, $0x19;
	p0 =	por !p0, !p1  }
0xee: {  	s11 =	simm.s32 $0x1;
	[tilespmem:s0+$0x131D0] =	vst v7;
	s2 =	sadd.s32 s20, s2;
	p0 =	por !p0, !p0  }
0xef: {  	[tilespmem:s0+$0x10060] =	vst v7;
	s2 =	sshra.s32 s2, $0x7;
	s11 =	simm.s32 @!p0 $0x0  }
0xf0: {  	[tilespmem:s0+$0x110E0] =	vst v7;
	s20 =	ssub.s32 s2, s11  }
0xf1: {  	[tilespmem:s0+$0x12160] =	vst v0;
	p0 =	slt.s32 s20, $0x1  }
.Ltmp6:
0xf2: {  	[tilespmem:s0+$0x131E0] =	vst v7;
	(pc) =	sbr.rel @p0 .LBB2_15-.Ltmp6, $4  }
0xf3: {  	[tilespmem:s0+$0x10070] =	vst v7  }
0xf4: {  	[tilespmem:s0+$0x110F0] =	vst v7  }
0xf5: {  	[tilespmem:s0+$0x12170] =	vst v0  }
0xf6: {  	[tilespmem:s0+$0x131F0] =	vst v7;
	s14 =	simm.s32 $0x0;
	s2 =	simm.s32 $0x0  }
.LBB2_12:
0xf7: {  	s0 =	sshll.u32 s14, $0x7  }
0xf8: {  	v9 =	vld [tilespmem:s0+$0x10000];
	_ =	sdelay $0x4  }
0xf9: {  	[tilespmem:$0x14200] =	vst v9  }
0xfa: {  	v9 =	vld [tilespmem:s0+$0x11080];
	_ =	sdelay $0x4  }
0xfb: {  	[tilespmem:$0x14280] =	vst v9  }
0xfc: {  	v9 =	vld [tilespmem:s0+$0x10010];
	_ =	sdelay $0x4  }
0xfd: {  	[tilespmem:$0x14210] =	vst v9  }
0xfe: {  	v9 =	vld [tilespmem:s0+$0x11090];
	_ =	sdelay $0x4  }
0xff: {  	[tilespmem:$0x14290] =	vst v9  }
0x100: {  	v9 =	vld [tilespmem:s0+$0x10020];
	_ =	sdelay $0x4  }
0x101: {  	[tilespmem:$0x14220] =	vst v9  }
0x102: {  	v9 =	vld [tilespmem:s0+$0x110A0];
	_ =	sdelay $0x4  }
0x103: {  	[tilespmem:$0x142A0] =	vst v9  }
0x104: {  	v9 =	vld [tilespmem:s0+$0x10030];
	_ =	sdelay $0x4  }
0x105: {  	[tilespmem:$0x14230] =	vst v9  }
0x106: {  	v9 =	vld [tilespmem:s0+$0x110B0];
	_ =	sdelay $0x4  }
0x107: {  	[tilespmem:$0x142B0] =	vst v9  }
0x108: {  	v9 =	vld [tilespmem:s0+$0x10040];
	_ =	sdelay $0x4  }
0x109: {  	[tilespmem:$0x14240] =	vst v9  }
0x10a: {  	v9 =	vld [tilespmem:s0+$0x110C0];
	_ =	sdelay $0x4  }
0x10b: {  	[tilespmem:$0x142C0] =	vst v9  }
0x10c: {  	v9 =	vld [tilespmem:s0+$0x10050];
	_ =	sdelay $0x4  }
0x10d: {  	[tilespmem:$0x14250] =	vst v9  }
0x10e: {  	v9 =	vld [tilespmem:s0+$0x110D0];
	_ =	sdelay $0x4  }
0x10f: {  	[tilespmem:$0x142D0] =	vst v9  }
0x110: {  	v9 =	vld [tilespmem:s0+$0x10060];
	_ =	sdelay $0x4  }
0x111: {  	[tilespmem:$0x14260] =	vst v9  }
0x112: {  	v9 =	vld [tilespmem:s0+$0x110E0];
	_ =	sdelay $0x4  }
0x113: {  	[tilespmem:$0x142E0] =	vst v9  }
0x114: {  	v9 =	vld [tilespmem:s0+$0x10070];
	_ =	sdelay $0x4  }
0x115: {  	[tilespmem:$0x14270] =	vst v9  }
0x116: {  	v9 =	vld [tilespmem:s0+$0x110F0];
	_ =	sdelay $0x3  }
0x117: {  	s11 =	sadd.s32 $0x0, s2  }
0x118: {  	[tilespmem:$0x142F0] =	vst v9;
	v9 =	vmov s11  }
0x119: {  	[tilespmem:s1], [sflag:$0x1] =	stream.indirect.gather [hbm4b:s9+s30], $0x60, s31, s30, $0xb8;
	[tilespmem:$0x1DB60] =	vst v63  }
0x11a: {  	_ =	swait.ge [sflag:s23], $0x3000  }
0x11b: {  	[sflag:s23] =	ssyncset.done $0x0  }
0x11c: {  	[sflag:s23] =	ssyncadd.s32 $0xFFFFD000  }
0x11d: {  	v10 =	vld.idx.msk [tilespmem:v9+s7+$0x0], $0xffff;
	_ =	sdelay $0x1  }
0x11e: {  	v11 =	vmov s21  }
0x11f: {  	v11 =	vmul.u32 $0x60, v11;
	_ =	sdelay $0x1  }
0x120: {  	v11 =	vbroadcast v11, $0x0;
	v12 =	vsub.s32 v1, v10  }
0x121: {  	v13 =	vand.u32 $0xFFFFFFF8, v12  }
0x122: {  	vm0 =	vgt.s32 v12, $0xFFFFFFFF;
	v12 =	vand.u32 $0x7, v12;
	v13 =	vadd.s32 v11, v13  }
0x123: {  	v12 =	vor.u32 v12, v13;
	_ =	sdelay $0x4  }
0x124: {  	v12 =	vld.idx.msk [tilespmem:v12+s1+$0x0], vm0  }
0x125: {  	v15 =	vld.idx.msk [tilespmem:v9+s12+$0x0], $0xffff;
	v50 =	vsub.s32 v2, v10  }
0x126: {  	v51 =	vor.u32 v1, v11;
	v14 =	vand.u32 $0xFFFFFFF8, v50  }
0x127: {  	vm1 =	vgt.s32 v50, $0xFFFFFFFF;
	v9 =	vadd.s32 v11, v14;
	v13 =	vand.u32 $0x7, v50  }
0x128: {  	v9 =	vor.u32 v13, v9  }
0x129: {  	v12 =	vnsel vm0, $0x0, v12  }
0x12a: {  	v12 =	vmul.f32 v12, v15;
	_ =	sdelay $0x1  }
0x12b: {  	[tilespmem:v51+s17+$0x0] =	vst.idx.msk $0xffff, v12  }
0x12c: {  	v9 =	vld.idx.msk [tilespmem:v9+s1+$0x0], vm1  }
0x12d: {  	v52 =	vsub.s32 v3, v10  }
0x12e: {  	v54 =	vor.u32 v2, v11;
	v53 =	vand.u32 $0xFFFFFFF8, v52  }
0x12f: {  	vm12 =	vgt.s32 v52, $0xFFFFFFFF;
	v13 =	vadd.s32 v11, v53;
	v12 =	vand.u32 $0x7, v52  }
0x130: {  	v12 =	vor.u32 v12, v13  }
0x131: {  	v9 =	vnsel vm1, $0x0, v9  }
0x132: {  	v9 =	vmul.f32 v9, v15;
	_ =	sdelay $0x1  }
0x133: {  	[tilespmem:v54+s17+$0x0] =	vst.idx.msk $0xffff, v9  }
0x134: {  	v12 =	vld.idx.msk [tilespmem:v12+s1+$0x0], vm12  }
0x135: {  	v9 =	vsub.s32 v4, v10  }
0x136: {  	v56 =	vadd.s32 v3, v11;
	v55 =	vand.u32 $0xFFFFFFF8, v9  }
0x137: {  	vm13 =	vgt.s32 v9, $0xFFFFFFFF;
	v9 =	vand.u32 $0x7, v9;
	v13 =	vadd.s32 v11, v55  }
0x138: {  	v9 =	vor.u32 v9, v13  }
0x139: {  	v12 =	vnsel vm12, $0x0, v12  }
0x13a: {  	v12 =	vmul.f32 v12, v15;
	_ =	sdelay $0x1  }
0x13b: {  	[tilespmem:v56+s17+$0x0] =	vst.idx.msk $0xffff, v12  }
0x13c: {  	v9 =	vld.idx.msk [tilespmem:v9+s1+$0x0], vm13  }
0x13d: {  	v57 =	vsub.s32 v5, v10  }
0x13e: {  	v59 =	vadd.s32 v4, v11;
	v58 =	vand.u32 $0xFFFFFFF8, v57  }
0x13f: {  	vm14 =	vgt.s32 v57, $0xFFFFFFFF;
	v13 =	vadd.s32 v11, v58;
	v12 =	vand.u32 $0x7, v57  }
0x140: {  	v12 =	vor.u32 v12, v13  }
0x141: {  	v9 =	vnsel vm13, $0x0, v9  }
0x142: {  	v9 =	vmul.f32 v9, v15;
	_ =	sdelay $0x1  }
0x143: {  	[tilespmem:v59+s17+$0x0] =	vst.idx.msk $0xffff, v9  }
0x144: {  	v9 =	vld.idx.msk [tilespmem:v12+s1+$0x0], vm14  }
0x145: {  	v10 =	vsub.s32 v6, v10  }
0x146: {  	v62 =	vadd.s32 v5, v11;
	v60 =	vand.u32 $0xFFFFFFF8, v10  }
0x147: {  	v61 =	vand.u32 $0x7, v10;
	vm15 =	vgt.s32 v10, $0xFFFFFFFF;
	v12 =	vadd.s32 v11, v60  }
0x148: {  	v10 =	vor.u32 v61, v12  }
0x149: {  	v9 =	vnsel vm14, $0x0, v9  }
0x14a: {  	v9 =	vmul.f32 v9, v15;
	_ =	sdelay $0x1  }
0x14b: {  	[tilespmem:v62+s17+$0x0] =	vst.idx.msk $0xffff, v9  }
0x14c: {  	v9 =	vld.idx.msk [tilespmem:v10+s1+$0x0], vm15;
	_ =	sdelay $0x3  }
0x14d: {  	s3 =	sadd.s32 $0x1, s2;
	v10 =	vadd.s32 v6, v11  }
0x14e: {  	v63 =	vnsel vm15, $0x0, v9;
	v9 =	vmov s3;
	_ =	sdelay $0x1  }
0x14f: {  	s0 =	simm.s32 $0x2;
	s11 =	simm.s32 $0x1;
	v11 =	vmul.f32 v63, v15  }
.LBB2_13:
0x150: {  	p0 =	sne.s32 s0, $0x7F;
	s3 =	smov.u32 s0;
	s0 =	sadd.s32 $0x1, s0  }
0x151: {  	[tilespmem:v10+s17+$0x0] =	vst.idx.msk $0xffff, v11  }
0x152: {  	v10 =	vld.idx.msk [tilespmem:v9+s7+$0x0], $0xffff;
	_ =	sdelay $0x1  }
0x153: {  	v11 =	vmov s11;
	s11 =	smov.u32 s3  }
0x154: {  	v11 =	vmul.u32 $0x60, v11;
	_ =	sdelay $0x2  }
0x155: {  	v11 =	vbroadcast v11, $0x0;
	v12 =	vsub.s32 v1, v10;
	v13 =	vsub.s32 v2, v10  }
0x156: {  	vm0 =	vgt.s32 v12, $0xFFFFFFFF;
	v14 =	vand.u32 $0xFFFFFFF8, v12;
	v12 =	vand.u32 $0x7, v12  }
0x157: {  	v16 =	vsub.s32 v3, v10;
	v15 =	vand.u32 $0xFFFFFFF8, v13;
	v14 =	vadd.s32 v11, v14  }
0x158: {  	v12 =	vor.u32 v12, v14;
	v14 =	vadd.s32 v11, v15;
	v15 =	vand.u32 $0xFFFFFFF8, v16  }
0x159: {  	v17 =	vsub.s32 v4, v10;
	v18 =	vsub.s32 v5, v10;
	v15 =	vadd.s32 v11, v15  }
0x15a: {  	v10 =	vsub.s32 v6, v10;
	v19 =	vand.u32 $0xFFFFFFF8, v17;
	v20 =	vand.u32 $0xFFFFFFF8, v18  }
0x15b: {  	v21 =	vand.u32 $0xFFFFFFF8, v10;
	v19 =	vadd.s32 v11, v19;
	v20 =	vadd.s32 v11, v20  }
0x15c: {  	v22 =	vand.u32 $0x7, v10;
	v21 =	vadd.s32 v11, v21  }
0x15d: {  	v21 =	vor.u32 v22, v21;
	v12 =	vld.idx.msk [tilespmem:v12+s1+$0x0], vm0  }
0x15e: {  	v22 =	vld.idx.msk [tilespmem:v9+s12+$0x0], $0xffff;
	_ =	sdelay $0x1  }
0x15f: {  	vm1 =	vgt.s32 v13, $0xFFFFFFFF;
	v13 =	vand.u32 $0x7, v13;
	v9 =	vor.u32 v1, v11  }
0x160: {  	v13 =	vor.u32 v13, v14;
	_ =	sdelay $0x1  }
0x161: {  	v12 =	vnsel vm0, $0x0, v12  }
0x162: {  	v12 =	vmul.f32 v12, v22;
	_ =	sdelay $0x1  }
0x163: {  	[tilespmem:v9+s17+$0x0] =	vst.idx.msk $0xffff, v12  }
0x164: {  	v9 =	vld.idx.msk [tilespmem:v13+s1+$0x0], vm1;
	_ =	sdelay $0x2  }
0x165: {  	vm0 =	vgt.s32 v16, $0xFFFFFFFF;
	v12 =	vor.u32 v2, v11;
	v13 =	vand.u32 $0x7, v16  }
0x166: {  	v13 =	vor.u32 v13, v15;
	_ =	sdelay $0x1  }
0x167: {  	v9 =	vnsel vm1, $0x0, v9  }
0x168: {  	v9 =	vmul.f32 v9, v22;
	_ =	sdelay $0x1  }
0x169: {  	[tilespmem:v12+s17+$0x0] =	vst.idx.msk $0xffff, v9  }
0x16a: {  	v9 =	vld.idx.msk [tilespmem:v13+s1+$0x0], vm0;
	_ =	sdelay $0x2  }
0x16b: {  	vm1 =	vgt.s32 v17, $0xFFFFFFFF;
	v12 =	vadd.s32 v3, v11;
	v13 =	vand.u32 $0x7, v17  }
0x16c: {  	v13 =	vor.u32 v13, v19;
	_ =	sdelay $0x1  }
0x16d: {  	v9 =	vnsel vm0, $0x0, v9  }
0x16e: {  	v9 =	vmul.f32 v9, v22;
	_ =	sdelay $0x1  }
0x16f: {  	[tilespmem:v12+s17+$0x0] =	vst.idx.msk $0xffff, v9  }
0x170: {  	v9 =	vld.idx.msk [tilespmem:v13+s1+$0x0], vm1;
	_ =	sdelay $0x2  }
0x171: {  	vm0 =	vgt.s32 v18, $0xFFFFFFFF;
	v12 =	vadd.s32 v4, v11;
	v13 =	vand.u32 $0x7, v18  }
0x172: {  	v13 =	vor.u32 v13, v20;
	_ =	sdelay $0x1  }
0x173: {  	v9 =	vnsel vm1, $0x0, v9  }
0x174: {  	v9 =	vmul.f32 v9, v22;
	_ =	sdelay $0x1  }
0x175: {  	[tilespmem:v12+s17+$0x0] =	vst.idx.msk $0xffff, v9  }
0x176: {  	v9 =	vld.idx.msk [tilespmem:v13+s1+$0x0], vm0;
	_ =	sdelay $0x2  }
0x177: {  	vm1 =	vgt.s32 v10, $0xFFFFFFFF;
	v12 =	vadd.s32 v5, v11;
	_ =	sdelay $0x2  }
0x178: {  	v9 =	vnsel vm0, $0x0, v9  }
0x179: {  	v9 =	vmul.f32 v9, v22;
	_ =	sdelay $0x1  }
0x17a: {  	[tilespmem:v12+s17+$0x0] =	vst.idx.msk $0xffff, v9  }
0x17b: {  	v12 =	vld.idx.msk [tilespmem:v21+s1+$0x0], vm1;
	_ =	sdelay $0x2  }
.Ltmp7:
0x17c: {  	s3 =	sadd.s32 s11, s2;
	v10 =	vadd.s32 v6, v11;
	(pc) =	sbr.rel @p0 .LBB2_13-.Ltmp7, $3  }
0x17d: {  	v9 =	vmov s3;
	_ =	sdelay $0x1  }
0x17e: {  	v11 =	vnsel vm1, $0x0, v12  }
0x17f: {  	v11 =	vmul.f32 v11, v22  }
0x180: {  	_ =	sdelay $0x3  }
0x181: {  	[tilespmem:v10+s17+$0x0] =	vst.idx.msk $0xffff, v11  }
0x182: {  	v10 =	vld.idx.msk [tilespmem:v9+s7+$0x0], $0xffff;
	_ =	sdelay $0x1  }
0x183: {  	v11 =	vmov s11  }
0x184: {  	v11 =	vmul.u32 $0x60, v11;
	_ =	sdelay $0x1  }
0x185: {  	v11 =	vbroadcast v11, $0x0;
	v12 =	vsub.s32 v1, v10  }
0x186: {  	v13 =	vand.u32 $0xFFFFFFF8, v12  }
0x187: {  	vm0 =	vgt.s32 v12, $0xFFFFFFFF;
	v12 =	vand.u32 $0x7, v12;
	v13 =	vadd.s32 v11, v13  }
0x188: {  	v12 =	vor.u32 v12, v13;
	_ =	sdelay $0x4  }
0x189: {  	v12 =	vld.idx.msk [tilespmem:v12+s1+$0x0], vm0  }
0x18a: {  	v9 =	vld.idx.msk [tilespmem:v9+s12+$0x0], $0xffff;
	v51 =	vsub.s32 v2, v10  }
0x18b: {  	v15 =	vor.u32 v1, v11;
	v14 =	vand.u32 $0xFFFFFFF8, v51  }
0x18c: {  	vm1 =	vgt.s32 v51, $0xFFFFFFFF;
	v14 =	vadd.s32 v11, v14;
	v13 =	vand.u32 $0x7, v51  }
0x18d: {  	v13 =	vor.u32 v13, v14  }
0x18e: {  	v12 =	vnsel vm0, $0x0, v12  }
0x18f: {  	v12 =	vmul.f32 v12, v9;
	_ =	sdelay $0x1  }
0x190: {  	[tilespmem:v15+s17+$0x0] =	vst.idx.msk $0xffff, v12  }
0x191: {  	v13 =	vld.idx.msk [tilespmem:v13+s1+$0x0], vm1  }
0x192: {  	v52 =	vsub.s32 v3, v10  }
0x193: {  	v54 =	vor.u32 v2, v11;
	v53 =	vand.u32 $0xFFFFFFF8, v52  }
0x194: {  	vm12 =	vgt.s32 v52, $0xFFFFFFFF;
	v14 =	vadd.s32 v11, v53;
	v12 =	vand.u32 $0x7, v52  }
0x195: {  	v12 =	vor.u32 v12, v14  }
0x196: {  	v13 =	vnsel vm1, $0x0, v13  }
0x197: {  	v13 =	vmul.f32 v13, v9;
	_ =	sdelay $0x1  }
0x198: {  	[tilespmem:v54+s17+$0x0] =	vst.idx.msk $0xffff, v13  }
0x199: {  	v12 =	vld.idx.msk [tilespmem:v12+s1+$0x0], vm12  }
0x19a: {  	v55 =	vsub.s32 v4, v10  }
0x19b: {  	v57 =	vadd.s32 v3, v11;
	v56 =	vand.u32 $0xFFFFFFF8, v55  }
0x19c: {  	vm13 =	vgt.s32 v55, $0xFFFFFFFF;
	v14 =	vadd.s32 v11, v56;
	v13 =	vand.u32 $0x7, v55  }
0x19d: {  	v13 =	vor.u32 v13, v14  }
0x19e: {  	v12 =	vnsel vm12, $0x0, v12  }
0x19f: {  	v12 =	vmul.f32 v12, v9;
	_ =	sdelay $0x1  }
0x1a0: {  	[tilespmem:v57+s17+$0x0] =	vst.idx.msk $0xffff, v12  }
0x1a1: {  	v13 =	vld.idx.msk [tilespmem:v13+s1+$0x0], vm13  }
0x1a2: {  	v58 =	vsub.s32 v5, v10  }
0x1a3: {  	v60 =	vadd.s32 v4, v11;
	v59 =	vand.u32 $0xFFFFFFF8, v58  }
0x1a4: {  	vm14 =	vgt.s32 v58, $0xFFFFFFFF;
	v14 =	vadd.s32 v11, v59;
	v12 =	vand.u32 $0x7, v58  }
0x1a5: {  	v12 =	vor.u32 v12, v14  }
0x1a6: {  	v13 =	vnsel vm13, $0x0, v13  }
0x1a7: {  	v13 =	vmul.f32 v13, v9;
	_ =	sdelay $0x1  }
0x1a8: {  	[tilespmem:v60+s17+$0x0] =	vst.idx.msk $0xffff, v13  }
0x1a9: {  	v12 =	vld.idx.msk [tilespmem:v12+s1+$0x0], vm14  }
0x1aa: {  	v10 =	vsub.s32 v6, v10  }
0x1ab: {  	v63 =	vadd.s32 v5, v11;
	v61 =	vand.u32 $0xFFFFFFF8, v10  }
0x1ac: {  	v62 =	vand.u32 $0x7, v10;
	vm15 =	vgt.s32 v10, $0xFFFFFFFF;
	v13 =	vadd.s32 v11, v61  }
0x1ad: {  	v10 =	vor.u32 v62, v13  }
0x1ae: {  	v12 =	vnsel vm14, $0x0, v12  }
0x1af: {  	v12 =	vmul.f32 v12, v9;
	_ =	sdelay $0x1  }
0x1b0: {  	[tilespmem:v63+s17+$0x0] =	vst.idx.msk $0xffff, v12  }
0x1b1: {  	v10 =	vld.idx.msk [tilespmem:v10+s1+$0x0], vm15;
	_ =	sdelay $0x2  }
0x1b2: {  	v11 =	vadd.s32 v6, v11;
	_ =	sdelay $0x1  }
0x1b3: {  	v10 =	vnsel vm15, $0x0, v10  }
0x1b4: {  	v9 =	vmul.f32 v10, v9  }
0x1b5: {  	s14 =	sadd.s32 $0x1, s14  }
0x1b6: {  	p0 =	sne.s32 s14, s20;
	[tilespmem:v11+s17+$0x0] =	vst.idx.msk $0xffff, v9  }
0x1b7: {  	[spmem:s6] =	stream.indirect.scatter.add.f32 [tilespmem:s17], [sflag:$0x1], $0x60, s18, s30, $0xb8;
	[tilespmem:$0x1DB60] =	vst v63  }
.Ltmp8:
0x1b8: {  	_ = 	snop;
	(pc) =	sbr.rel @p0 .LBB2_12-.Ltmp8, $4  }
.Ltmp9:
0x1b9: {  	_ = 	snop;
	(pc) =	sbr.rel @!p0 .LBB2_15-.Ltmp9, $4  }
0x1ba: {  	_ =	swait.ge [sflag:s23], $0x3000  }
0x1bb: {  	[sflag:s23] =	ssyncset.done $0x0  }
0x1bc: {  	s2 =	sadd.s32 $0x80, s2;
	[sflag:s23] =	ssyncadd.s32 $0xFFFFD000  }
0x1bd: {  	_ = 	snop  }
.LBB2_16:
0x1be: {  	s0 =	rddreg [dreg:$0x13]  }
0x1bf: {  	s2 =	sshll.u32 s0, $0xD  }
0x1c0: {  	[bflag:$0x0] =	sbarrier.arrive $0xFFFF;
	s0 =	sor.u32 s13, s2  }
0x1c1: {  	s3 =	rddreg [dreg:$0x2];
	s0 =	sshrl.u32 s0, $0x3  }
0x1c2: {  	s14 =	simm.s32 $0x0;
	s0 =	sadd.s32 s3, s0  }
0x1c3: {  	[tilespmem:s22], [sflag:$0x1] =	stream.linear.gather [hbm4b:s0+s14], $0x200, $0x38;
	[tilespmem:$0x1DB60] =	vst v63  }
0x1c4: {  	_ =	swait.ge [sflag:s23], $0x200  }
0x1c5: {  	[sflag:s23] =	ssyncset.done $0x0  }
0x1c6: {  	s16 =	simm.s32 $0x0;
	s19 =	simm.s32 $0x0;
	[sflag:s23] =	ssyncadd.s32 $0xFFFFFE00  }
.LBB2_17:
0x1c7: {  	s0 =	sshll.u32 s19, $0x7  }
0x1c8: {  	v8 =	vmov s14;
	s20 =	sor.u32 s13, s0  }
0x1c9: {  	v8 =	vmul.u32 $0x60, v8;
	s0 =	smul.u32 $0x180, s20;
	_ =	sdelay $0x1  }
0x1ca: {  	s3 =	sadd.s32 $0x0, s16;
	v8 =	vbroadcast v8, $0x0;
	s0 =	sshra.s32 s0, $0x2  }
0x1cb: {  	v9 =	vmov s3;
	s3 =	simm.s32 $0x1;
	s0 =	sadd.s32 s0, s6  }
0x1cc: {  	v13 =	vmov s3;
	v10 =	vadd.s32 v6, v8;
	[tilespmem:s24], [sflag:$0x1] =	stream.linear.gather [spmem:s0], $0x3000, $0x38;
	[tilespmem:$0x1DB60] =	vst v63  }
0x1cd: {  	v13 =	vmul.u32 $0x60, v13;
	v11 =	vor.u32 v1, v8;
	_ =	swait.ge [sflag:s23], $0x3000  }
0x1ce: {  	v12 =	vor.u32 v2, v8;
	[sflag:s23] =	ssyncset.done $0x0  }
0x1cf: {  	v14 =	vadd.s32 v3, v8;
	v13 =	vbroadcast v13, $0x0;
	[sflag:s23] =	ssyncadd.s32 $0xFFFFD000  }
0x1d0: {  	v15 =	vadd.s32 v5, v8;
	v27 =	vld.idx.msk [tilespmem:v9+s22+$0x0], $0xffff  }
0x1d1: {  	v17 =	vadd.s32 v6, v13;
	v10 =	vld.idx.msk [tilespmem:v10+s24+$0x0], $0xffff  }
0x1d2: {  	v9 =	vadd.s32 v4, v8;
	v11 =	vld.idx.msk [tilespmem:v11+s24+$0x0], $0xffff  }
0x1d3: {  	v19 =	vor.u32 v2, v13;
	v12 =	vld.idx.msk [tilespmem:v12+s24+$0x0], $0xffff  }
0x1d4: {  	s11 =	sadd.s32 $0x1, s16;
	v29 =	vadd.s32 v4, v13;
	v14 =	vld.idx.msk [tilespmem:v14+s24+$0x0], $0xffff  }
0x1d5: {  	v16 =	vmov s11;
	v28 =	vld.idx.msk [tilespmem:v15+s24+$0x0], $0xffff  }
0x1d6: {  	s11 =	sadd.s32 $0x2, s16;
	s3 =	simm.s32 $0x2;
	v18 =	vor.u32 v1, v13;
	v31 =	vld.idx.msk [tilespmem:v17+s24+$0x0], $0xffff  }
0x1d7: {  	v25 =	vmov s11;
	v21 =	vld.idx.msk [tilespmem:v9+s24+$0x0], $0xffff;
	v9 =	vmov s3  }
0x1d8: {  	v20 =	vadd.s32 v3, v13;
	v17 =	vld.idx.msk [tilespmem:v19+s24+$0x0], $0xffff;
	v10 =	vmul.f32 v10, v27;
	v15 =	vmul.u32 $0x60, v9  }
0x1d9: {  	v30 =	vadd.s32 v5, v13;
	v19 =	vld.idx.msk [tilespmem:v29+s24+$0x0], $0xffff;
	v11 =	vmul.f32 v11, v27;
	v12 =	vmul.f32 v12, v27  }
0x1da: {  	s0 =	simm.s32 $0x3;
	v8 =	vimm.f32 $0.0e+00;
	v14 =	vmul.f32 v14, v27;
	v9 =	vld.idx.msk [tilespmem:v16+s22+$0x0], $0xffff;
	v13 =	vbroadcast v15, $0x0  }
0x1db: {  	v29 =	vmov s0;
	v16 =	vld.idx.msk [tilespmem:v18+s24+$0x0], $0xffff;
	v10 =	vadd.f32 v10, v8;
	v11 =	vadd.f32 v11, v8  }
0x1dc: {  	v12 =	vadd.f32 v12, v8;
	v14 =	vadd.f32 v14, v8;
	v26 =	vadd.s32 v6, v13  }
0x1dd: {  	v18 =	vld.idx.msk [tilespmem:v20+s24+$0x0], $0xffff;
	v15 =	vmul.f32 v21, v27;
	v24 =	vor.u32 v1, v13;
	v23 =	vor.u32 v2, v13  }
0x1de: {  	v21 =	vadd.s32 v3, v13;
	v20 =	vadd.s32 v4, v13;
	v27 =	vmul.f32 v28, v27  }
0x1df: {  	s11 =	simm.s32 $0x4;
	v22 =	vadd.s32 v5, v13;
	v28 =	vmul.f32 v31, v9;
	v13 =	vadd.f32 v15, v8;
	v15 =	vld.idx.msk [tilespmem:v30+s24+$0x0], $0xffff  }
.LBB2_18:
0x1e0: {  	p0 =	sne.s32 s11, $0x7F;
	v29 =	vmul.u32 $0x60, v29;
	v30 =	vld.idx.msk [tilespmem:v25+s22+$0x0], $0xffff;
	v25 =	vmul.f32 v16, v9;
	v8 =	vadd.f32 v27, v8  }
0x1e1: {  	v31 =	vld.idx.msk [tilespmem:v26+s24+$0x0], $0xffff;
	v26 =	vmul.f32 v17, v9;
	v10 =	vadd.f32 v28, v10  }
0x1e2: {  	s3 =	sadd.s32 s0, s16;
	s0 =	smov.u32 s11;
	v28 =	vmul.f32 v18, v9;
	v27 =	vbroadcast v29, $0x0;
	v16 =	vld.idx.msk [tilespmem:v24+s24+$0x0], $0xffff;
	v11 =	vadd.f32 v25, v11  }
.Ltmp10:
0x1e3: {  	v25 =	vmov s3;
	v29 =	vmul.f32 v19, v9;
	v17 =	vld.idx.msk [tilespmem:v23+s24+$0x0], $0xffff;
	v12 =	vadd.f32 v26, v12;
	(pc) =	sbr.rel @p0 .LBB2_18-.Ltmp10, $4  }
0x1e4: {  	v24 =	vor.u32 v1, v27;
	v23 =	vor.u32 v2, v27;
	v26 =	vadd.s32 v6, v27;
	v18 =	vld.idx.msk [tilespmem:v21+s24+$0x0], $0xffff  }
0x1e5: {  	v21 =	vadd.s32 v3, v27;
	v32 =	vadd.s32 v5, v27;
	v19 =	vld.idx.msk [tilespmem:v20+s24+$0x0], $0xffff;
	v20 =	vadd.s32 v4, v27  }
0x1e6: {  	v14 =	vadd.f32 v28, v14;
	v13 =	vadd.f32 v29, v13;
	v27 =	vmul.f32 v15, v9;
	v15 =	vld.idx.msk [tilespmem:v22+s24+$0x0], $0xffff  }
0x1e7: {  	s11 =	sadd.s32 $0x1, s11;
	v29 =	vmov s0;
	v9 =	vmovc v30;
	v28 =	vmul.f32 v31, v30;
	v22 =	vmov v32  }
0x1e8: {  	_ =	sdelay $0x3  }
0x1e9: {  	v25 =	vld.idx.msk [tilespmem:v25+s22+$0x0], $0xffff  }
0x1ea: {  	v29 =	vmul.u32 $0x60, v29;
	v26 =	vld.idx.msk [tilespmem:v26+s24+$0x0], $0xffff  }
0x1eb: {  	v24 =	vld.idx.msk [tilespmem:v24+s24+$0x0], $0xffff  }
0x1ec: {  	s0 =	sadd.s32 s0, s16;
	v23 =	vld.idx.msk [tilespmem:v23+s24+$0x0], $0xffff;
	v29 =	vbroadcast v29, $0x0  }
0x1ed: {  	v21 =	vld.idx.msk [tilespmem:v21+s24+$0x0], $0xffff;
	v30 =	vmov s0  }
0x1ee: {  	v20 =	vld.idx.msk [tilespmem:v20+s24+$0x0], $0xffff;
	v32 =	vor.u32 v1, v29  }
0x1ef: {  	v22 =	vld.idx.msk [tilespmem:v22+s24+$0x0], $0xffff;
	v33 =	vor.u32 v2, v29  }
0x1f0: {  	v48 =	vld [tilespmem:$0x1DB00];
	v34 =	vadd.s32 v3, v29  }
0x1f1: {  	v16 =	vmul.f32 v16, v9;
	v8 =	vadd.f32 v27, v8;
	v51 =	vld [tilespmem:$0x1DB10];
	v35 =	vadd.s32 v4, v29  }
0x1f2: {  	v17 =	vmul.f32 v17, v9;
	v31 =	vadd.s32 v6, v29;
	v29 =	vadd.s32 v5, v29;
	v30 =	vld.idx.msk [tilespmem:v30+s22+$0x0], $0xffff  }
0x1f3: {  	v10 =	vadd.f32 v28, v10;
	v37 =	vmul.f32 v18, v9;
	v11 =	vadd.f32 v16, v11;
	v36 =	vld.idx.msk [tilespmem:v32+s24+$0x0], $0xffff  }
0x1f4: {  	v12 =	vadd.f32 v17, v12;
	v39 =	vmul.f32 v19, v9;
	v40 =	vmul.f32 v15, v9;
	v38 =	vld.idx.msk [tilespmem:v33+s24+$0x0], $0xffff  }
0x1f5: {  	v14 =	vadd.f32 v37, v14;
	v42 =	vmul.f32 v26, v25;
	v43 =	vmul.f32 v24, v25;
	v41 =	vld.idx.msk [tilespmem:v34+s24+$0x0], $0xffff  }
0x1f6: {  	v13 =	vadd.f32 v39, v13;
	v45 =	vmul.f32 v23, v25;
	v47 =	vmul.f32 v21, v25;
	v44 =	vld.idx.msk [tilespmem:v35+s24+$0x0], $0xffff  }
0x1f7: {  	v8 =	vadd.f32 v40, v8;
	v49 =	vmul.f32 v20, v25;
	v52 =	vmul.f32 v22, v25;
	v46 =	vld.idx.msk [tilespmem:v29+s24+$0x0], $0xffff  }
0x1f8: {  	v10 =	vadd.f32 v42, v10;
	v11 =	vadd.f32 v43, v11;
	v31 =	vld.idx.msk [tilespmem:v31+s24+$0x0], $0xffff;
	v50 =	vmul.f32 v36, v30  }
0x1f9: {  	v53 =	vld [tilespmem:$0x1DB20];
	v9 =	vadd.f32 v45, v12;
	v14 =	vadd.f32 v47, v14;
	v18 =	vmul.f32 v38, v30  }
0x1fa: {  	v55 =	vld [tilespmem:$0x1DB30];
	v12 =	vadd.f32 v49, v13;
	v54 =	vmul.f32 v41, v30;
	v11 =	vadd.f32 v50, v11  }
0x1fb: {  	v57 =	vld [tilespmem:$0x1DB40];
	v8 =	vadd.f32 v52, v8;
	v56 =	vmul.f32 v44, v30;
	v9 =	vadd.f32 v18, v9  }
0x1fc: {  	v59 =	vld [tilespmem:$0x1DB50];
	v58 =	vmul.f32 v46, v30;
	v13 =	vadd.f32 v54, v14;
	v11 =	vadd.f32 v48, v11  }
0x1fd: {  	v60 =	vmul.f32 v31, v30;
	v12 =	vadd.f32 v56, v12;
	v9 =	vadd.f32 v51, v9  }
0x1fe: {  	v8 =	vadd.f32 v58, v8;
	v61 =	vadd.f32 v53, v13;
	[tilespmem:$0x1DB00] =	vst v11  }
0x1ff: {  	v10 =	vadd.f32 v60, v10;
	v62 =	vadd.f32 v55, v12;
	[tilespmem:$0x1DB10] =	vst v9  }
0x200: {  	s20 =	sadd.s32 s2, s20;
	v8 =	vadd.f32 v57, v8;
	[tilespmem:$0x1DB20] =	vst v61  }
0x201: {  	s19 =	sadd.s32 $0x1, s19;
	s0 =	smul.u32 $0xC, s20;
	v63 =	vadd.f32 v59, v10;
	[tilespmem:$0x1DB30] =	vst v62  }
0x202: {  	p0 =	sne.s32 s19, $0x4;
	[tilespmem:$0x1DB40] =	vst v8  }
.Ltmp11:
0x203: {  	s0 =	sadd.s32 s10, s0;
	[tilespmem:$0x1DB50] =	vst v63;
	(pc) =	sbr.rel @p0 .LBB2_17-.Ltmp11, $4  }
0x204: {  	[hbm4b:s0+s8] =	stream.linear.scatter [tilespmem:s24], [sflag:$0x1], $0x3000, $0x38;
	[tilespmem:$0x1DB60] =	vst v63  }
0x205: {  	_ =	swait.ge [sflag:s23], $0x3000  }
0x206: {  	[sflag:s23] =	ssyncset.done $0x0  }
0x207: {  	s16 =	sadd.s32 $0x80, s16;
	[sflag:s23] =	ssyncadd.s32 $0xFFFFD000  }
0x208: {  	s2 =	rddreg [dreg:$0x12]  }
0x209: {  	s2 =	sadd.s32 $0x1, s2  }
0x20a: {  	p0 =	sne.s32 s2, $0x4  }
.Ltmp12:
0x20b: {  	_ = 	snop;
	(pc) =	sbr.rel @p0 .LBB2_6-.Ltmp12, $2  }
0x20c: {  	_ =	sdelay $0x2  }
0x20d: {  	s0 =	simm.s32 $0x0  }
0x20e: {  	s0 =	rddreg [dreg:$0xc];
	s2 =	simm.s32 $0x1DB00  }
0x20f: {  	[hbm4b:s0+s8] =	stream.linear.scatter [tilespmem:s2], [sflag:$0x1], $0x60, $0x38;
	[tilespmem:$0x1DB60] =	vst v63  }
0x210: {  	_ =	swait.ge [sflag:s23], $0x60  }
0x211: {  	s19 =	rddreg [dreg:$0x11]  }
0x212: {  	s20 =	rddreg [dreg:$0xd];
	s2 =	sadd.s32 $0x1, s19  }
0x213: {  	p0 =	sne.s32 s2, s20  }
.Ltmp13:
0x214: {  	_ = 	snop;
	(pc) =	sbr.rel @p0 .LBB2_1-.Ltmp13, $3  }
0x215: {  	_ =	sdelay $0x1  }
0x216: {  	[sflag:s23] =	ssyncset.done $0x0  }
0x217: {  	[sflag:s23] =	ssyncadd.s32 $0xFFFFFFA0;
	s19 =	rddreg [dreg:$0x8]  }
0x218: {  	_ =	sfence.sel $0x180000  }
0x219: {  	[bflag:$0x0] =	sbarrier.arrive $0xFFFF  }
0x21a: {  	_ =	strace $0x90000047  }
0x21b: {  	s0 =	stileid.u32;
	[bflag:$0x2] =	sbarrier.arrive $0xFFFF  }
0x21c: {  	p0 =	sne.s32 s0, $0x0;
	s0 =	rddreg [dreg:$0x7]  }
0x21d: {  	s0 =	sadd.s32 @!p0 $0x100000, s0  }
0x21e: {  	[sflag:s0] =	ssyncadd.tile.s32 @!p0 $0x1;
	_ =	shalt  }
.Lfunc_end2:
_tile_overlayer_lowered:
.L_overlay_start_2:
0x21f: {  	(tag) =	ssettag $0x2  }
0x220: {  	s0 =	rddreg [dreg:$0x0];
	s2 =	stileid.u32  }
0x221: {  	s1 =	rddreg [dreg:$0x1];
	p0 =	sne.s32 s2, $0x0  }
0x222: {  	s3 =	rddreg [dreg:$0x2];
	[bflag:$0x3] =	sbarrier.arrive $0xFFFF;
	s2 =	simm.s32 @!p0 $0x1C01  }
0x223: {  	[timem:s3], [sflag:s2] =	dma.local @!p0 [hbm:s0], s1  }
0x224: {  	s0 =	simm.s32 @!p0 $0x1  }
0x225: {  	_ =	swait.ge @!p0 [sflag:s0], s1  }
0x226: {  	s1 =	ssub.s32 @!p0 $0x0, s1;
	[sflag:s0] =	ssyncset.done @!p0 $0x0  }
0x227: {  	[sflag:s0] =	ssyncadd.s32 @!p0 s1  }
0x228: {  	[bflag:$0x3] =	sbarrier.arrive $0xFFFF  }
0x229: {  	_ =	shalt  }

// kernel: kernel.7.cloned.1.call-start
scs
__scs_entry_jumppad:
0x0: {  	(pc) =	sbr.rel $0x88, $3  }
0x1: {  	(tag) =	ssettag $0x0;
	lr =	simm.s32 $0x1  }
0x2: {  	[smem:$0x3F9B] =	sst lr;
	_ =	strace $0xD0000000  }
0x3: {  	_ = 	snop  }
0x4: {  	_ = 	snop  }
0x5: {  	_ = 	snop  }
0x6: {  	_ = 	snop  }
0x7: {  	_ = 	snop  }
__scs_overlays_trampoline_lowered:
0x8: {  	[smem:$0x3FAA] =	sst s0  }
0x9: {  	[smem:$0x3FAB] =	sst s1  }
0xa: {  	[smem:$0x3FAC] =	sst s2  }
0xb: {  	[smem:$0x3FAD] =	sst s3  }
0xc: {  	[smem:$0x3FAE] =	sst s4  }
0xd: {  	[smem:$0x3FAF] =	sst s5  }
0xe: {  	[smem:$0x3FB0] =	sst s6  }
0xf: {  	[smem:$0x3FB1] =	sst s7  }
0x10: {  	[smem:$0x3FB2] =	sst s8  }
0x11: {  	[smem:$0x3FB3] =	sst s9;
	s0 =	simm.s32 @!p0 $0x0  }
0x12: {  	s1 =	sld [smem:$0x3F99];
	s0 =	simm.s32 @p0 $0x1  }
0x13: {  	[smem:$0x3FB4] =	sst s0;
	s0 =	simm.s32 @!p1 $0x0  }
0x14: {  	s2 =	sld [smem:$0x3F98];
	s0 =	simm.s32 @p1 $0x1  }
0x15: {  	[smem:$0x3FB5] =	sst s0;
	s0 =	simm.s32 @!p2 $0x0  }
0x16: {  	s3 =	sld [smem:$0x3FDB];
	s0 =	simm.s32 @p2 $0x1  }
0x17: {  	s4 =	simm.s32 $0x1BF5;
	[smem:$0x3FB7] =	sst s0  }
0x18: {  	s0 =	sld [smem:$0x3F9A];
	_ =	swait.ge [sflag:s4], $0x0  }
0x19: {  	s7 =	sld [smem:$0x3F9B]  }
0x1a: {  	s8 =	sadd.s32 $0xFFFFE003, lr  }
0x1b: {  	s9 =	sadd.s32 $0xFFFFFEF7, lr;
	s5 =	simm.s32 $0xFFFFFFFF;
	p2 =	slt.u32 s8, $0xFFFFF086  }
0x1c: {  	p1 =	slt.u32 s9, $0xF7A;
	s5 =	simm.s32 @!p2 $0x0  }
0x1d: {  	s5 =	simm.s32 @p1 $0x1;
	p0 =	seq.s32 s7, s2  }
0x1e: {  	s7 =	smul.u32 @!p0 $0xF7A, s2;
	p2 =	seq.s32 @!p0 s5, $0x0  }
0x1f: {  	s9 =	smul.u32 $0xF7A, s1;
	s8 =	simm.s32 @!p0 $0x1BF5;
	p2 =	por !p2, p0  }
0x20: {  	[sflag:s8] =	ssyncset.s32 @!p0 $0xFFFFF086;
	s6 =	sadd.s32 @!p0 s3, s7;
	s7 =	simm.s32 @!p0 $0x108  }
0x21: {  	s3 =	sadd.s32 s3, s9;
	s6 =	sadd.s32 @!p0 $0x88, s6;
	s7 =	simm.s32 @p2 $0x1082  }
0x22: {  	[simem:s7], [sflag:s8] =	dma.local @!p0 [hbm:s6], $0xF7A  }
0x23: {  	s9 =	sor.u32 $0xD0000000, s2;
	s6 =	simm.s32 $0x108;
	_ =	swait.ge @!p0 [sflag:s8], $0x0  }
0x24: {  	s3 =	sadd.s32 $0x88, s3;
	s6 =	simm.s32 @!p1 $0x1082;
	[sflag:s4] =	ssyncset.s32 $0xFFFFF086  }
0x25: {  	[simem:s6], [sflag:s4] =	dma.local [hbm:s3], $0xF7A  }
0x26: {  	[smem:$0x3F9B] =	sst s1;
	(tag) =	ssettag s2;
	_ =	strace s9  }
0x27: {  	s1 =	sld [smem:$0x3FAB]  }
0x28: {  	s2 =	sld [smem:$0x3FAC]  }
0x29: {  	s4 =	sld [smem:$0x3FAE]  }
0x2a: {  	p0 =	seq.s32 s5, $0x0;
	s5 =	sld [smem:$0x3FAF]  }
0x2b: {  	s6 =	sld [smem:$0x3FB0]  }
0x2c: {  	s7 =	sld [smem:$0x3FB1]  }
0x2d: {  	s3 =	simm.s32 $0x108;
	s8 =	sld [smem:$0x3FB2]  }
0x2e: {  	s3 =	simm.s32 @!p0 $0x1082;
	s9 =	sld [smem:$0x3FB3]  }
0x2f: {  	lr =	sadd.s32 s0, s3;
	s0 =	sld [smem:$0x3FAA]  }
0x30: {  	s3 =	sld [smem:$0x3FAD]  }
0x31: {  	[smem:$0x3FB6] =	sst s10  }
0x32: {  	s10 =	sld [smem:$0x3FB4];
	_ =	sdelay $0x3  }
0x33: {  	p0 =	seq.s32 s10, $0x1;
	s10 =	sld [smem:$0x3FB6];
	_ =	sdelay $0x3  }
0x34: {  	[smem:$0x3FB6] =	sst s10  }
0x35: {  	s10 =	sld [smem:$0x3FB5];
	_ =	sdelay $0x3  }
0x36: {  	p1 =	seq.s32 s10, $0x1;
	s10 =	sld [smem:$0x3FB6];
	_ =	sdelay $0x3  }
0x37: {  	[smem:$0x3FB6] =	sst s10  }
0x38: {  	s10 =	sld [smem:$0x3FB7]  }
0x39: {  	_ = 	snop;
	(pc) =	sbr.ind lr, $3  }
0x3a: {  	_ = 	snop  }
0x3b: {  	_ = 	snop  }
0x3c: {  	p2 =	seq.s32 s10, $0x1;
	s10 =	sld [smem:$0x3FB6]  }
0x3d: {  	_ =	shalt  }
0x3e: {  	_ =	shalt  }
0x3f: {  	_ =	shalt  }
0x40: {  	_ =	shalt  }
0x41: {  	_ =	shalt  }
0x42: {  	_ =	shalt  }
0x43: {  	_ =	shalt  }
0x44: {  	_ =	shalt  }
0x45: {  	_ =	shalt  }
0x46: {  	_ =	shalt  }
0x47: {  	_ =	shalt  }
0x48: {  	_ =	shalt  }
0x49: {  	_ =	shalt  }
0x4a: {  	_ =	shalt  }
0x4b: {  	_ =	shalt  }
0x4c: {  	_ =	shalt  }
0x4d: {  	_ =	shalt  }
0x4e: {  	_ =	shalt  }
0x4f: {  	_ =	shalt  }
0x50: {  	_ =	shalt  }
0x51: {  	_ =	shalt  }
0x52: {  	_ =	shalt  }
0x53: {  	_ =	shalt  }
0x54: {  	_ =	shalt  }
0x55: {  	_ =	shalt  }
0x56: {  	_ =	shalt  }
0x57: {  	_ =	shalt  }
0x58: {  	_ =	shalt  }
0x59: {  	_ =	shalt  }
0x5a: {  	_ =	shalt  }
0x5b: {  	_ =	shalt  }
0x5c: {  	_ =	shalt  }
0x5d: {  	_ =	shalt  }
0x5e: {  	_ =	shalt  }
0x5f: {  	_ =	shalt  }
0x60: {  	_ =	shalt  }
0x61: {  	_ =	shalt  }
0x62: {  	_ =	shalt  }
0x63: {  	_ =	shalt  }
0x64: {  	_ =	shalt  }
0x65: {  	_ =	shalt  }
0x66: {  	_ =	shalt  }
0x67: {  	_ =	shalt  }
0x68: {  	_ =	shalt  }
0x69: {  	_ =	shalt  }
0x6a: {  	_ =	shalt  }
0x6b: {  	_ =	shalt  }
0x6c: {  	_ =	shalt  }
0x6d: {  	_ =	shalt  }
0x6e: {  	_ =	shalt  }
0x6f: {  	_ =	shalt  }
0x70: {  	_ =	shalt  }
0x71: {  	_ =	shalt  }
0x72: {  	_ =	shalt  }
0x73: {  	_ =	shalt  }
0x74: {  	_ =	shalt  }
0x75: {  	_ =	shalt  }
0x76: {  	_ =	shalt  }
0x77: {  	_ =	shalt  }
0x78: {  	_ =	shalt  }
0x79: {  	_ =	shalt  }
0x7a: {  	_ =	shalt  }
0x7b: {  	_ =	shalt  }
0x7c: {  	_ =	shalt  }
0x7d: {  	_ =	shalt  }
0x7e: {  	_ =	shalt  }
0x7f: {  	_ =	shalt  }
0x80: {  	_ =	shalt  }
0x81: {  	_ =	shalt  }
0x82: {  	_ =	shalt  }
0x83: {  	_ =	shalt  }
0x84: {  	_ =	shalt  }
0x85: {  	_ =	shalt  }
0x86: {  	_ =	shalt  }
0x87: {  	_ =	shalt  }
.Lfunc_end0:
.L_simem_size_0:
called_computation.1_lowered:
.L_overlay_start_0:
0x88: {  	s2 =	sld [smem:$0x3FD9]  }
0x89: {  	s3 =	sld [smem:$0x3FFE];
	_ =	sdelay $0x1  }
0x8a: {  	s1 =	srdreg.scid  }
0x8b: {  	s0 =	sand.u32 $0x1, s1  }
0x8c: {  	s17 =	sshll.u32 s0, $0xA;
	s2 =	sadd.s32 s3, s2  }
0x8d: {  	s2 =	sadd.s32 s2, s17  }
0x8e: {  	[smem:$0x3FC2] =	sst s2  }
0x8f: {  	_ = 	snop  }
0x90: {  	s2 =	sld [smem:$0x3FC8]  }
0x91: {  	s18 =	sld [smem:$0x3FC7]  }
0x92: {  	s4 =	sld [smem:$0x3FC6]  }
0x93: {  	s5 =	sld [smem:$0x3FC5]  }
0x94: {  	s6 =	sld [smem:$0x3FC4];
	(tm) =	ssettm $0x1  }
0x95: {  	s7 =	sld [smem:$0x3FFB];
	_ =	sdelay $0x3  }
0x96: {  	_ =	strace s7  }
0x97: {  	s7 =	sld [smem:$0x3FFC];
	_ =	sdelay $0x3  }
0x98: {  	_ =	strace s7  }
0x99: {  	s7 =	sld [smem:$0x3FFD];
	_ =	sdelay $0x3  }
0x9a: {  	_ =	strace s7  }
0x9b: {  	_ =	strace $0x8FFFFFFF  }
0x9c: {  	s19 =	sld [smem:$0x3FDB];
	_ =	sdelay $0x1  }
0x9d: {  	s8 =	simm.s32 $_scs_section_size  }
0x9e: {  	s9 =	simm.s32 $_size__tile_overlayer_lowered;
	s10 =	simm.s32 $_tile_overlayer_lowered  }
0x9f: {  	s22 =	simm.s32 $0x1BFF;
	s21 =	sshll.u32 s10, $0x1;
	s7 =	sadd.s32 s8, s19  }
0xa0: {  	s11 =	simm.s32 $0x0;
	s20 =	sshll.u32 s9, $0x1;
	s9 =	sadd.s32 s21, s7  }
0xa1: {  	[timem:s11], [sflag:s22] =	dma.local [hbm:s9], s20  }
0xa2: {  	_ =	swait.ge [sflag:s22], s20  }
0xa3: {  	s8 =	ssub.s32 $0x0, s20;
	[sflag:s22] =	ssyncset.done $0x0  }
0xa4: {  	[sflag:s22] =	ssyncadd.s32 s8;
	_ =	sdelay $0x1  }
0xa5: {  	s23 =	simm.s32 $0x1B8B  }
0xa6: {  	_ =	swait.ge [sflag:s23], $0x1  }
0xa7: {  	[sflag:s23] =	ssyncset.done $0x0  }
0xa8: {  	s25 =	simm.s32 $0x1B8E;
	s24 =	sld [smem:$0x3FFE];
	[sflag:s23] =	ssyncadd.s32 $0xFFFFFFFF  }
0xa9: {  	s26 =	simm.s32 $execute0_lowered;
	[smem:$0x3FD2] =	sst s25  }
0xaa: {  	s9 =	sshll.u32 s26, $0x1;
	_ =	strace $0x80000049;
	[dreg:$0x1] =	wrdreg $0xFFFFFFFF  }
0xab: {  	s28 =	simm.s32 $_size_execute0_lowered;
	s7 =	sadd.s32 s7, s9;
	[dreg:$0x0] =	wrdreg $0x0  }
0xac: {  	s9 =	sshll.u32 s28, $0x1;
	[dreg:$0x2] =	wrdreg s7  }
0xad: {  	[dreg:$0x3] =	wrdreg s9  }
0xae: {  	[dreg:$0x4] =	wrdreg $0xC0  }
0xaf: {  	_ =	task [dreg:s11], $0x5FFFF  }
0xb0: {  	[dreg:$0x1] =	wrdreg $0xFFFFFFFF  }
0xb1: {  	[dreg:$0x0] =	wrdreg $0x60  }
0xb2: {  	[dreg:$0x2] =	wrdreg s24  }
0xb3: {  	[dreg:$0x3] =	wrdreg s2  }
0xb4: {  	[dreg:$0x4] =	wrdreg s18  }
0xb5: {  	[dreg:$0x5] =	wrdreg s4  }
0xb6: {  	[dreg:$0x6] =	wrdreg s5  }
0xb7: {  	[dreg:$0x7] =	wrdreg s6  }
0xb8: {  	[dreg:$0x8] =	wrdreg $0x0  }
0xb9: {  	[dreg:$0x9] =	wrdreg $0x9  }
0xba: {  	_ =	task.clear_ibuf [dreg:s11], $0xAFFFF;
	_ =	strace $0x90000049  }
0xbb: {  	s29 =	simm.s32 $0x9;
	_ =	strace $0x8000004B  }
0xbc: {  	_ =	swait.ge [sflag:s29], $0x1  }
0xbd: {  	[sflag:s29] =	ssyncadd.s32 $0xFFFFFFFF  }
0xbe: {  	_ =	strace $0x9000004B  }
0xbf: {  	_ =	sfence  }
0xc0: {  	s30 =	sld [smem:$0x0];
	_ =	sdelay $0x2  }
0xc1: {  	s31 =	sshll.u32 s1, $0xD;
	s1 =	sshrl.u32 s1, $0x2  }
0xc2: {  	s3 =	sand.u32 $0x4000, s31;
	s1 =	sadd.s32 s1, s30  }
0xc3: {  	s0 =	sor.u32 s3, s0;
	s1 =	sshll.u32 s1, $0x11  }
0xc4: {  	s0 =	sor.u32 s1, s0  }
0xc5: {  	s0 =	sadd.s32 $0x8F2B, s0  }
0xc6: {  	[sflag:s0] =	ssyncadd.remote.s32 $0x1  }
0xc7: {  	_ =	sfence.sel $0xFFFF  }
0xc8: {  	[dreg:$0x0] =	wrdreg $0xFFFFFFFF;
	(pc) =	sbr.abs _section_cstart, $3  }
0xc9: {  	[dreg:$0x1] =	wrdreg $0xFFFFFFFF  }
0xca: {  	_ =	task.clear_ibuf [dreg:s11], $0x2FFFF;
	_ =	strace $0x9FFFFFFF  }
0xcb: {  	(tm) =	ssettm $0x7FFFFFFF  }
tec
execute0_lowered:
.L_overlay_start_1:
0x0: {  	(tag) =	ssettag $0x1  }
0x1: {  	s0 =	rddreg [dreg:$0x0]  }
0x2: {  	s4 =	rddreg [dreg:$0x4]  }
0x3: {  	s5 =	rddreg [dreg:$0x5]  }
0x4: {  	s6 =	rddreg [dreg:$0x6]  }
0x5: {  	s1 =	srdreg.scid;
	s8 =	simm.s32 $0x0;
	s3 =	stileid.u32  }
0x6: {  	s28 =	simm.s32 $0x14280;
	s29 =	simm.s32 $0x14300;
	s30 =	simm.s32 $0x13180  }
0x7: {  	s31 =	simm.s32 $0x12100;
	s15 =	simm.s32 $0x1D300;
	s1 =	sand.u32 $0x1, s1  }
0x8: {  	[smem:$0x7FF] =	sst s8;
	s9 =	sadd.s32 $0xA00, s0;
	s12 =	smul.u32 $0x30000, s3  }
0x9: {  	s10 =	sadd.s32 $0xC0A00, s0;
	s11 =	sshll.u32 s3, $0x9;
	s13 =	sshll.u32 s3, $0xC  }
0xa: {  	s2 =	sshll.u32 s1, $0x4;
	_ =	strace $0x8000004A;
	s7 =	ssub.s32 $0x2, s1  }
0xb: {  	s1 =	sshll.u32 s1, $0x2;
	s2 =	sor.u32 s3, s2;
	s20 =	sshrl.u32 s7, $0x1  }
0xc: {  	s21 =	sshrl.u32 s12, $0x2;
	[dreg:$0x8] =	wrdreg s1;
	s1 =	simm.s32 $0x17300  }
0xd: {  	s2 =	smul.u32 $0xC, s2;
	s22 =	sadd.s32 s21, s6;
	s21 =	simm.s32 $0x1  }
0xe: {  	s24 =	sadd.s32 $0x3000, s22;
	s25 =	sadd.s32 $0x6000, s22;
	[dreg:$0x9] =	wrdreg s22  }
0xf: {  	s26 =	sadd.s32 $0x9000, s22;
	s22 =	simm.s32 $0xC000;
	[dreg:$0xc] =	wrdreg s24  }
0x10: {  	s0 =	sadd.s32 s2, s0;
	s2 =	ssub.s32 s7, s20;
	[dreg:$0xd] =	wrdreg s25  }
0x11: {  	[dreg:$0xe] =	wrdreg s26;
	s20 =	simm.s32 $0x1A300;
	s24 =	simm.s32 $0xE000  }
0x12: {  	v0 =	vimm.f32 $0.0e+00;
	v1 =	vlaneseq.u32;
	s25 =	simm.s32 $0xF000;
	s26 =	simm.s32 $0x80;
	s0 =	sadd.s32 $0x180A00, s0  }
0x13: {  	v7 =	vimm.s32 $0x0;
	v2 =	vor.u32 $0x10, v1;
	v3 =	vor.u32 $0x20, v1;
	s7 =	simm.s32 $0x14200;
	s23 =	smax.u32 s2, $0x1;
	[dreg:$0xa] =	wrdreg s0  }
0x14: {  	v4 =	vor.u32 $0x30, v1;
	v5 =	vor.u32 $0x40, v1;
	v6 =	vor.u32 $0x50, v1;
	s2 =	simm.s32 $0x0;
	[dreg:$0xb] =	wrdreg s23;
	s23 =	simm.s32 $0xD000  }
.LBB2_1:
0x15: {  	[tilespmem:$0x1DB00] =	vst v0  }
0x16: {  	[tilespmem:$0x1DB10] =	vst v0  }
0x17: {  	[tilespmem:$0x1DB20] =	vst v0  }
0x18: {  	[tilespmem:$0x1DB30] =	vst v0  }
0x19: {  	[tilespmem:$0x1DB40] =	vst v0  }
0x1a: {  	[dreg:$0xf] =	wrdreg s2;
	[tilespmem:$0x1DB50] =	vst v0;
	s2 =	simm.s32 $0x0  }
.LBB2_2:
0x1b: {  	s0 =	simm.s32 $0x0  }
0x1c: {  	v8 =	vmov s0  }
0x1d: {  	v8 =	vmul.u32 $0x60, v8;
	_ =	sdelay $0x1  }
0x1e: {  	v9 =	vbroadcast v8, $0x0;
	_ =	sdelay $0x1  }
0x1f: {  	s19 =	simm.s32 $0x1;
	v12 =	vor.u32 v1, v9  }
0x20: {  	v8 =	vmov s19;
	v15 =	vor.u32 v2, v9  }
0x21: {  	v8 =	vmul.u32 $0x60, v8;
	v13 =	vadd.s32 v3, v9  }
0x22: {  	v10 =	vadd.s32 v4, v9  }
0x23: {  	v11 =	vadd.s32 v5, v9;
	v8 =	vbroadcast v8, $0x0  }
0x24: {  	[tilespmem:v12+s20+$0x0] =	vst.idx.msk $0xffff, v0;
	v12 =	vadd.s32 v6, v9  }
0x25: {  	s0 =	simm.s32 $0x2;
	v14 =	vor.u32 v1, v8;
	v9 =	vor.u32 v2, v8;
	[tilespmem:v15+s20+$0x0] =	vst.idx.msk $0xffff, v0  }
.LBB2_3:
0x26: {  	v15 =	vmov s0;
	p0 =	seq.s32 s0, $0x7F;
	s0 =	sadd.s32 $0x1, s0;
	[tilespmem:v13+s20+$0x0] =	vst.idx.msk $0xffff, v0  }
.Ltmp0:
0x27: {  	v13 =	vadd.s32 v3, v8;
	v15 =	vmul.u32 $0x60, v15;
	[tilespmem:v10+s20+$0x0] =	vst.idx.msk $0xffff, v0;
	(pc) =	sbr.rel @!p0 .LBB2_3-.Ltmp0, $4  }
0x28: {  	v10 =	vadd.s32 v4, v8;
	[tilespmem:v11+s20+$0x0] =	vst.idx.msk $0xffff, v0  }
0x29: {  	v11 =	vadd.s32 v5, v8;
	v15 =	vbroadcast v15, $0x0;
	[tilespmem:v12+s20+$0x0] =	vst.idx.msk $0xffff, v0  }
0x2a: {  	v12 =	vadd.s32 v6, v8;
	[tilespmem:v14+s20+$0x0] =	vst.idx.msk $0xffff, v0  }
0x2b: {  	v14 =	vor.u32 v1, v15;
	[tilespmem:v9+s20+$0x0] =	vst.idx.msk $0xffff, v0;
	v9 =	vor.u32 v2, v15;
	v8 =	vmov v15  }
0x2c: {  	_ =	sdelay $0x3  }
0x2d: {  	[tilespmem:v13+s20+$0x0] =	vst.idx.msk $0xffff, v0  }
0x2e: {  	v63 =	vadd.s32 v3, v8;
	[tilespmem:v10+s20+$0x0] =	vst.idx.msk $0xffff, v0  }
0x2f: {  	v10 =	vadd.s32 v4, v8;
	[tilespmem:v11+s20+$0x0] =	vst.idx.msk $0xffff, v0  }
0x30: {  	v11 =	vadd.s32 v5, v8;
	[tilespmem:v12+s20+$0x0] =	vst.idx.msk $0xffff, v0  }
0x31: {  	v8 =	vadd.s32 v6, v8;
	[tilespmem:v14+s20+$0x0] =	vst.idx.msk $0xffff, v0  }
0x32: {  	[tilespmem:v9+s20+$0x0] =	vst.idx.msk $0xffff, v0  }
0x33: {  	[tilespmem:v63+s20+$0x0] =	vst.idx.msk $0xffff, v0  }
0x34: {  	[tilespmem:v10+s20+$0x0] =	vst.idx.msk $0xffff, v0  }
0x35: {  	[tilespmem:v11+s20+$0x0] =	vst.idx.msk $0xffff, v0  }
0x36: {  	s0 =	rddreg [dreg:$0x9];
	[tilespmem:v8+s20+$0x0] =	vst.idx.msk $0xffff, v0  }
0x37: {  	[spmem:s0] =	stream.linear.scatter [tilespmem:s20], [sflag:$0x1], $0x3000, $0x38;
	[tilespmem:$0x1DB60] =	vst v63  }
0x38: {  	_ =	swait.ge [sflag:s21], $0x3000  }
0x39: {  	[sflag:s21] =	ssyncset.done $0x0  }
0x3a: {  	s16 =	rddreg [dreg:$0xc];
	[sflag:s21] =	ssyncadd.s32 $0xFFFFD000  }
0x3b: {  	[spmem:s16] =	stream.linear.scatter [tilespmem:s20], [sflag:$0x1], $0x3000, $0x38;
	[tilespmem:$0x1DB60] =	vst v63  }
0x3c: {  	_ =	swait.ge [sflag:s21], $0x3000  }
0x3d: {  	[sflag:s21] =	ssyncset.done $0x0  }
0x3e: {  	s17 =	rddreg [dreg:$0xd];
	[sflag:s21] =	ssyncadd.s32 $0xFFFFD000  }
0x3f: {  	[spmem:s17] =	stream.linear.scatter [tilespmem:s20], [sflag:$0x1], $0x3000, $0x38;
	[tilespmem:$0x1DB60] =	vst v63  }
0x40: {  	_ =	swait.ge [sflag:s21], $0x3000  }
0x41: {  	[sflag:s21] =	ssyncset.done $0x0  }
0x42: {  	s18 =	rddreg [dreg:$0xe];
	[sflag:s21] =	ssyncadd.s32 $0xFFFFD000  }
0x43: {  	[spmem:s18] =	stream.linear.scatter [tilespmem:s20], [sflag:$0x1], $0x3000, $0x38;
	[tilespmem:$0x1DB60] =	vst v63  }
.Ltmp1:
0x44: {  	_ =	swait.ge [sflag:s21], $0x3000;
	(pc) =	sbr.rel .LBB2_5-.Ltmp1, $4  }
0x45: {  	[dreg:$0x10] =	wrdreg s2;
	[sflag:s21] =	ssyncset.done $0x0  }
0x46: {  	s19 =	rddreg [dreg:$0x8];
	[sflag:s21] =	ssyncadd.s32 $0xFFFFD000  }
0x47: {  	s0 =	sadd.s32 s19, s2;
	[bflag:$0x0] =	sbarrier.arrive $0xFFFF  }
0x48: {  	s12 =	simm.s32 $0x0;
	s14 =	simm.s32 $0x0;
	v8 =	vmov s0;
	[dreg:$0x11] =	wrdreg s0  }
.LBB2_11:
0x49: {  	s14 =	sadd.s32 $0x1, s14  }
0x4a: {  	p0 =	sne.s32 s14, $0x8  }
.Ltmp2:
0x4b: {  	_ = 	snop;
	(pc) =	sbr.rel @!p0 .LBB2_12-.Ltmp2, $1  }
0x4c: {  	_ =	sdelay $0x3  }
.LBB2_5:
0x4d: {  	s0 =	sshll.u32 s14, $0x9  }
0x4e: {  	s2 =	rddreg [dreg:$0x3];
	s0 =	sadd.s32 s13, s0  }
0x4f: {  	s2 =	sadd.s32 s2, s0  }
0x50: {  	[tilespmem:s22], [sflag:$0x1] =	stream.linear.gather [hbm4b:s2+s12], $0x1000, $0x38;
	[tilespmem:$0x1DB60] =	vst v63  }
0x51: {  	_ =	swait.ge [sflag:s21], $0x1000  }
0x52: {  	[sflag:s21] =	ssyncset.done $0x0  }
0x53: {  	s17 =	sadd.s32 s4, s0;
	[sflag:s21] =	ssyncadd.s32 $0xFFFFF000  }
0x54: {  	[tilespmem:s23], [sflag:$0x1] =	stream.linear.gather [hbm4b:s17+s12], $0x1000, $0x38;
	[tilespmem:$0x1DB60] =	vst v63  }
0x55: {  	_ =	swait.ge [sflag:s21], $0x1000  }
0x56: {  	[sflag:s21] =	ssyncset.done $0x0  }
0x57: {  	[sflag:s21] =	ssyncadd.s32 $0xFFFFF000  }
0x58: {  	s18 =	rddreg [dreg:$0x1]  }
0x59: {  	s2 =	sadd.s32 s18, s0  }
0x5a: {  	[tilespmem:s24], [sflag:$0x1] =	stream.linear.gather [hbm4b:s2+s12], $0x1000, $0x38;
	[tilespmem:$0x1DB60] =	vst v63  }
0x5b: {  	_ =	swait.ge [sflag:s21], $0x1000  }
0x5c: {  	[sflag:s21] =	ssyncset.done $0x0  }
0x5d: {  	s0 =	sadd.s32 s5, s0;
	[sflag:s21] =	ssyncadd.s32 $0xFFFFF000  }
0x5e: {  	[tilespmem:s25], [sflag:$0x1] =	stream.linear.gather [hbm4b:s0+s12], $0x1000, $0x38;
	[tilespmem:$0x1DB60] =	vst v63  }
0x5f: {  	_ =	swait.ge [sflag:s21], $0x1000  }
0x60: {  	[sflag:s21] =	ssyncset.done $0x0  }
0x61: {  	s19 =	simm.s32 $0x0;
	[sflag:s21] =	ssyncadd.s32 $0xFFFFF000  }
0x62: {  	v9 =	vld [tilespmem:s19+$0xC000];
	_ =	sdelay $0x4  }
0x63: {  	v10 =	vshrl.u32 v9, $0xD  }
0x64: {  	vm0 =	veq.s32 v10, v8  }
0x65: {  	v9 =	vand.u32 $0x1FFF, v9;
	v10 =	vmpcnt.ones.xlane vm0  }
0x66: {  	[tilespmem:s12+$0x10000] =	vst.msk vm0, v9  }
0x67: {  	v9 =	vld [tilespmem:s19+$0xD000];
	v10 =	vxor.u32 $0x80000000, v10  }
0x68: {  	(xrf0) =	vmax.scan.msk.u32 $0xffff, v10;
	_ =	sdelay $0x3  }
0x69: {  	[tilespmem:s12+$0x11080] =	vst.msk vm0, v9  }
0x6a: {  	v9 =	vld [tilespmem:s19+$0xE000]  }
0x6b: {  	v10, _, _ =	vpop (xrf0)  }
0x6c: {  	(v2sf) =	vpush v10, $0xF;
	_ =	sdelay $0x2  }
0x6d: {  	[tilespmem:s12+$0x12100] =	vst.msk vm0, v9  }
0x6e: {  	v9 =	vld [tilespmem:s19+$0xF000];
	_ =	sdelay $0x4  }
0x6f: {  	s16 =	simm.s32 $0x80;
	s2 =	simm.s32 $0x0;
	s0 =	simm.s32 $0x10;
	[tilespmem:s12+$0x13180] =	vst.msk vm0, v9  }
.LBB2_6:
0x70: {  	p0 =	sne.s32 s16, $0x3FC0;
	v9 =	vld [tilespmem:s0+$0xC000];
	_ =	sdelay $0x4  }
0x71: {  	v10 =	vshrl.u32 v9, $0xD;
	v9 =	vand.u32 $0x1FFF, v9;
	s17 =	spop (v2sf)  }
0x72: {  	vm0 =	veq.s32 v10, v8;
	s2 =	sadd.s32 s17, s2  }
0x73: {  	v10 =	vmpcnt.ones.xlane vm0;
	s2 =	sadd.s32 $0x80000000, s2  }
0x74: {  	[tilespmem:s2+$0x10000] =	vst.msk vm0, v9  }
0x75: {  	v9 =	vld [tilespmem:s0+$0xD000];
	v10 =	vxor.u32 $0x80000000, v10  }
0x76: {  	(xrf0) =	vmax.scan.msk.u32 $0xffff, v10;
	_ =	sdelay $0x3  }
0x77: {  	[tilespmem:s2+$0x11080] =	vst.msk vm0, v9  }
0x78: {  	v9 =	vld [tilespmem:s0+$0xE000]  }
0x79: {  	v10, _, _ =	vpop (xrf0)  }
0x7a: {  	(v2sf) =	vpush v10, $0xF;
	_ =	sdelay $0x2  }
0x7b: {  	[tilespmem:s2+$0x12100] =	vst.msk vm0, v9  }
0x7c: {  	v9 =	vld [tilespmem:s0+$0xF000]  }
.Ltmp3:
0x7d: {  	(pc) =	sbr.rel @p0 .LBB2_6-.Ltmp3, $2  }
0x7e: {  	_ =	sdelay $0x2  }
0x7f: {  	s0 =	sshra.s32 s16, $0x2;
	s16 =	sadd.s32 $0x40, s16;
	[tilespmem:s2+$0x13180] =	vst.msk vm0, v9  }
0x80: {  	v9 =	vld [tilespmem:s0+$0xC000];
	_ =	sdelay $0x4  }
0x81: {  	v10 =	vshrl.u32 v9, $0xD  }
0x82: {  	vm0 =	veq.s32 v10, v8  }
0x83: {  	v10 =	vmpcnt.ones.xlane vm0;
	_ =	sdelay $0x1  }
0x84: {  	v10 =	vxor.u32 $0x80000000, v10  }
0x85: {  	(xrf0) =	vmax.scan.msk.u32 $0xffff, v10;
	_ =	sdelay $0x2  }
0x86: {  	s16 =	spop (v2sf);
	v9 =	vand.u32 $0x1FFF, v9  }
0x87: {  	s2 =	sadd.s32 s16, s2  }
0x88: {  	s2 =	sadd.s32 $0x80000000, s2  }
0x89: {  	[tilespmem:s2+$0x10000] =	vst.msk vm0, v9;
	v9, _, _ =	vpop (xrf0)  }
0x8a: {  	v10 =	vld [tilespmem:s0+$0xD000];
	(v2sf) =	vpush v9, $0xF;
	_ =	sdelay $0x4  }
0x8b: {  	[tilespmem:s2+$0x11080] =	vst.msk vm0, v10  }
0x8c: {  	v9 =	vld [tilespmem:s0+$0xE000];
	_ =	sdelay $0x4  }
0x8d: {  	[tilespmem:s2+$0x12100] =	vst.msk vm0, v9  }
0x8e: {  	v9 =	vld [tilespmem:s0+$0xF000];
	_ =	sdelay $0x2  }
0x8f: {  	s19 =	spop (v2sf)  }
0x90: {  	s0 =	sadd.s32 s19, s2  }
0x91: {  	[tilespmem:s2+$0x13180] =	vst.msk vm0, v9;
	s0 =	sadd.s32 $0x80000000, s0  }
0x92: {  	[tilespmem:s0+$0x10000] =	vst v7  }
0x93: {  	[tilespmem:s0+$0x11080] =	vst v7  }
0x94: {  	[tilespmem:s0+$0x12100] =	vst v0  }
0x95: {  	[tilespmem:s0+$0x13180] =	vst v7  }
0x96: {  	[tilespmem:s0+$0x10010] =	vst v7  }
0x97: {  	[tilespmem:s0+$0x11090] =	vst v7  }
0x98: {  	[tilespmem:s0+$0x12110] =	vst v0  }
0x99: {  	[tilespmem:s0+$0x13190] =	vst v7  }
0x9a: {  	[tilespmem:s0+$0x10020] =	vst v7  }
0x9b: {  	[tilespmem:s0+$0x110A0] =	vst v7  }
0x9c: {  	[tilespmem:s0+$0x12120] =	vst v0  }
0x9d: {  	[tilespmem:s0+$0x131A0] =	vst v7  }
0x9e: {  	[tilespmem:s0+$0x10030] =	vst v7  }
0x9f: {  	[tilespmem:s0+$0x110B0] =	vst v7  }
0xa0: {  	[tilespmem:s0+$0x12130] =	vst v0  }
0xa1: {  	[tilespmem:s0+$0x131B0] =	vst v7  }
0xa2: {  	[tilespmem:s0+$0x10040] =	vst v7  }
0xa3: {  	[tilespmem:s0+$0x110C0] =	vst v7  }
0xa4: {  	[tilespmem:s0+$0x12140] =	vst v0  }
0xa5: {  	[tilespmem:s0+$0x131C0] =	vst v7;
	s3 =	sadd.s32 $0x7F, s0  }
0xa6: {  	[tilespmem:s0+$0x10050] =	vst v7;
	s18 =	sand.u32 $0x7F, s3  }
0xa7: {  	[tilespmem:s0+$0x110D0] =	vst v7;
	s17 =	sshra.s32 s3, $0x1F;
	p0 =	slt.s32 s3, $0x1;
	p1 =	sne.s32 s18, $0x0  }
0xa8: {  	[tilespmem:s0+$0x12150] =	vst v0;
	s19 =	sshrl.u32 s17, $0x19;
	p0 =	por !p0, !p1  }
0xa9: {  	s16 =	simm.s32 $0x1;
	[tilespmem:s0+$0x131D0] =	vst v7;
	s2 =	sadd.s32 s19, s3;
	p0 =	por !p0, !p0  }
0xaa: {  	[tilespmem:s0+$0x10060] =	vst v7;
	s2 =	sshra.s32 s2, $0x7;
	s16 =	simm.s32 @!p0 $0x0  }
0xab: {  	[tilespmem:s0+$0x110E0] =	vst v7;
	s17 =	ssub.s32 s2, s16  }
0xac: {  	[tilespmem:s0+$0x12160] =	vst v0;
	p0 =	slt.s32 s17, $0x1  }
.Ltmp4:
0xad: {  	[tilespmem:s0+$0x131E0] =	vst v7;
	(pc) =	sbr.rel @p0 .LBB2_11-.Ltmp4, $4  }
0xae: {  	[tilespmem:s0+$0x10070] =	vst v7  }
0xaf: {  	[tilespmem:s0+$0x110F0] =	vst v7  }
0xb0: {  	[tilespmem:s0+$0x12170] =	vst v0  }
0xb1: {  	[tilespmem:s0+$0x131F0] =	vst v7;
	s18 =	simm.s32 $0x0;
	s19 =	simm.s32 $0x0;
	s2 =	simm.s32 $0x0  }
.LBB2_8:
0xb2: {  	s0 =	sshll.u32 s2, $0x7  }
0xb3: {  	v9 =	vld [tilespmem:s0+$0x10000];
	_ =	sdelay $0x4  }
0xb4: {  	[tilespmem:$0x14200] =	vst v9  }
0xb5: {  	v9 =	vld [tilespmem:s0+$0x11080];
	_ =	sdelay $0x4  }
0xb6: {  	[tilespmem:$0x14280] =	vst v9  }
0xb7: {  	v9 =	vld [tilespmem:s0+$0x10010];
	_ =	sdelay $0x4  }
0xb8: {  	[tilespmem:$0x14210] =	vst v9  }
0xb9: {  	v9 =	vld [tilespmem:s0+$0x11090];
	_ =	sdelay $0x4  }
0xba: {  	[tilespmem:$0x14290] =	vst v9  }
0xbb: {  	v9 =	vld [tilespmem:s0+$0x10020];
	_ =	sdelay $0x4  }
0xbc: {  	[tilespmem:$0x14220] =	vst v9  }
0xbd: {  	v9 =	vld [tilespmem:s0+$0x110A0];
	_ =	sdelay $0x4  }
0xbe: {  	[tilespmem:$0x142A0] =	vst v9  }
0xbf: {  	v9 =	vld [tilespmem:s0+$0x10030];
	_ =	sdelay $0x4  }
0xc0: {  	[tilespmem:$0x14230] =	vst v9  }
0xc1: {  	v9 =	vld [tilespmem:s0+$0x110B0];
	_ =	sdelay $0x4  }
0xc2: {  	[tilespmem:$0x142B0] =	vst v9  }
0xc3: {  	v9 =	vld [tilespmem:s0+$0x10040];
	_ =	sdelay $0x4  }
0xc4: {  	[tilespmem:$0x14240] =	vst v9  }
0xc5: {  	v9 =	vld [tilespmem:s0+$0x110C0];
	_ =	sdelay $0x4  }
0xc6: {  	[tilespmem:$0x142C0] =	vst v9  }
0xc7: {  	v9 =	vld [tilespmem:s0+$0x10050];
	_ =	sdelay $0x4  }
0xc8: {  	[tilespmem:$0x14250] =	vst v9  }
0xc9: {  	v9 =	vld [tilespmem:s0+$0x110D0];
	_ =	sdelay $0x4  }
0xca: {  	[tilespmem:$0x142D0] =	vst v9  }
0xcb: {  	v9 =	vld [tilespmem:s0+$0x10060];
	_ =	sdelay $0x4  }
0xcc: {  	[tilespmem:$0x14260] =	vst v9  }
0xcd: {  	v9 =	vld [tilespmem:s0+$0x110E0];
	_ =	sdelay $0x4  }
0xce: {  	[tilespmem:$0x142E0] =	vst v9  }
0xcf: {  	v9 =	vld [tilespmem:s0+$0x10070];
	_ =	sdelay $0x4  }
0xd0: {  	[tilespmem:$0x14270] =	vst v9  }
0xd1: {  	v9 =	vld [tilespmem:s0+$0x110F0];
	_ =	sdelay $0x3  }
0xd2: {  	s16 =	sadd.s32 $0x0, s19  }
0xd3: {  	[tilespmem:$0x142F0] =	vst v9;
	v9 =	vmov s16  }
0xd4: {  	[tilespmem:s29], [sflag:$0x1] =	stream.indirect.gather [hbm4b:s9+s26], $0x60, s28, s26, $0xb8;
	[tilespmem:$0x1DB60] =	vst v63  }
0xd5: {  	_ =	swait.ge [sflag:s21], $0x3000  }
0xd6: {  	[sflag:s21] =	ssyncset.done $0x0  }
0xd7: {  	[sflag:s21] =	ssyncadd.s32 $0xFFFFD000  }
0xd8: {  	v10 =	vld.idx.msk [tilespmem:v9+s30+$0x0], $0xffff;
	_ =	sdelay $0x1  }
0xd9: {  	v11 =	vmov s18  }
0xda: {  	v11 =	vmul.u32 $0x60, v11;
	_ =	sdelay $0x1  }
0xdb: {  	v11 =	vbroadcast v11, $0x0;
	v12 =	vsub.s32 v1, v10  }
0xdc: {  	v13 =	vand.u32 $0xFFFFFFF8, v12  }
0xdd: {  	vm0 =	vgt.s32 v12, $0xFFFFFFFF;
	v12 =	vand.u32 $0x7, v12;
	v13 =	vadd.s32 v11, v13  }
0xde: {  	v12 =	vor.u32 v12, v13;
	_ =	sdelay $0x4  }
0xdf: {  	v12 =	vld.idx.msk [tilespmem:v12+s29+$0x0], vm0  }
0xe0: {  	v15 =	vld.idx.msk [tilespmem:v9+s31+$0x0], $0xffff;
	v50 =	vsub.s32 v2, v10  }
0xe1: {  	v51 =	vor.u32 v1, v11;
	v14 =	vand.u32 $0xFFFFFFF8, v50  }
0xe2: {  	vm1 =	vgt.s32 v50, $0xFFFFFFFF;
	v9 =	vadd.s32 v11, v14;
	v13 =	vand.u32 $0x7, v50  }
0xe3: {  	v9 =	vor.u32 v13, v9  }
0xe4: {  	v12 =	vnsel vm0, $0x0, v12  }
0xe5: {  	v12 =	vmul.f32 v12, v15;
	_ =	sdelay $0x1  }
0xe6: {  	[tilespmem:v51+s1+$0x0] =	vst.idx.msk $0xffff, v12  }
0xe7: {  	v9 =	vld.idx.msk [tilespmem:v9+s29+$0x0], vm1  }
0xe8: {  	v52 =	vsub.s32 v3, v10  }
0xe9: {  	v54 =	vor.u32 v2, v11;
	v53 =	vand.u32 $0xFFFFFFF8, v52  }
0xea: {  	vm12 =	vgt.s32 v52, $0xFFFFFFFF;
	v13 =	vadd.s32 v11, v53;
	v12 =	vand.u32 $0x7, v52  }
0xeb: {  	v12 =	vor.u32 v12, v13  }
0xec: {  	v9 =	vnsel vm1, $0x0, v9  }
0xed: {  	v9 =	vmul.f32 v9, v15;
	_ =	sdelay $0x1  }
0xee: {  	[tilespmem:v54+s1+$0x0] =	vst.idx.msk $0xffff, v9  }
0xef: {  	v12 =	vld.idx.msk [tilespmem:v12+s29+$0x0], vm12  }
0xf0: {  	v9 =	vsub.s32 v4, v10  }
0xf1: {  	v56 =	vadd.s32 v3, v11;
	v55 =	vand.u32 $0xFFFFFFF8, v9  }
0xf2: {  	vm13 =	vgt.s32 v9, $0xFFFFFFFF;
	v9 =	vand.u32 $0x7, v9;
	v13 =	vadd.s32 v11, v55  }
0xf3: {  	v9 =	vor.u32 v9, v13  }
0xf4: {  	v12 =	vnsel vm12, $0x0, v12  }
0xf5: {  	v12 =	vmul.f32 v12, v15;
	_ =	sdelay $0x1  }
0xf6: {  	[tilespmem:v56+s1+$0x0] =	vst.idx.msk $0xffff, v12  }
0xf7: {  	v9 =	vld.idx.msk [tilespmem:v9+s29+$0x0], vm13  }
0xf8: {  	v57 =	vsub.s32 v5, v10  }
0xf9: {  	v59 =	vadd.s32 v4, v11;
	v58 =	vand.u32 $0xFFFFFFF8, v57  }
0xfa: {  	vm14 =	vgt.s32 v57, $0xFFFFFFFF;
	v13 =	vadd.s32 v11, v58;
	v12 =	vand.u32 $0x7, v57  }
0xfb: {  	v12 =	vor.u32 v12, v13  }
0xfc: {  	v9 =	vnsel vm13, $0x0, v9  }
0xfd: {  	v9 =	vmul.f32 v9, v15;
	_ =	sdelay $0x1  }
0xfe: {  	[tilespmem:v59+s1+$0x0] =	vst.idx.msk $0xffff, v9  }
0xff: {  	v9 =	vld.idx.msk [tilespmem:v12+s29+$0x0], vm14  }
0x100: {  	v10 =	vsub.s32 v6, v10  }
0x101: {  	v62 =	vadd.s32 v5, v11;
	v60 =	vand.u32 $0xFFFFFFF8, v10  }
0x102: {  	v61 =	vand.u32 $0x7, v10;
	vm15 =	vgt.s32 v10, $0xFFFFFFFF;
	v12 =	vadd.s32 v11, v60  }
0x103: {  	v10 =	vor.u32 v61, v12  }
0x104: {  	v9 =	vnsel vm14, $0x0, v9  }
0x105: {  	v9 =	vmul.f32 v9, v15;
	_ =	sdelay $0x1  }
0x106: {  	[tilespmem:v62+s1+$0x0] =	vst.idx.msk $0xffff, v9  }
0x107: {  	v9 =	vld.idx.msk [tilespmem:v10+s29+$0x0], vm15;
	_ =	sdelay $0x3  }
0x108: {  	s3 =	sadd.s32 $0x1, s19;
	v10 =	vadd.s32 v6, v11  }
0x109: {  	v63 =	vnsel vm15, $0x0, v9;
	v9 =	vmov s3;
	_ =	sdelay $0x1  }
0x10a: {  	s0 =	simm.s32 $0x2;
	s16 =	simm.s32 $0x1;
	v11 =	vmul.f32 v63, v15  }
.LBB2_9:
0x10b: {  	p0 =	sne.s32 s0, $0x7F;
	s3 =	smov.u32 s0;
	s0 =	sadd.s32 $0x1, s0  }
0x10c: {  	[tilespmem:v10+s1+$0x0] =	vst.idx.msk $0xffff, v11  }
0x10d: {  	v10 =	vld.idx.msk [tilespmem:v9+s30+$0x0], $0xffff;
	_ =	sdelay $0x1  }
0x10e: {  	v11 =	vmov s16;
	s16 =	smov.u32 s3  }
0x10f: {  	v11 =	vmul.u32 $0x60, v11;
	_ =	sdelay $0x2  }
0x110: {  	v11 =	vbroadcast v11, $0x0;
	v12 =	vsub.s32 v1, v10;
	v13 =	vsub.s32 v2, v10  }
0x111: {  	vm0 =	vgt.s32 v12, $0xFFFFFFFF;
	v14 =	vand.u32 $0xFFFFFFF8, v12;
	v12 =	vand.u32 $0x7, v12  }
0x112: {  	v16 =	vsub.s32 v3, v10;
	v15 =	vand.u32 $0xFFFFFFF8, v13;
	v14 =	vadd.s32 v11, v14  }
0x113: {  	v12 =	vor.u32 v12, v14;
	v14 =	vadd.s32 v11, v15;
	v15 =	vand.u32 $0xFFFFFFF8, v16  }
0x114: {  	v17 =	vsub.s32 v4, v10;
	v18 =	vsub.s32 v5, v10;
	v15 =	vadd.s32 v11, v15  }
0x115: {  	v10 =	vsub.s32 v6, v10;
	v19 =	vand.u32 $0xFFFFFFF8, v17;
	v20 =	vand.u32 $0xFFFFFFF8, v18  }
0x116: {  	v21 =	vand.u32 $0xFFFFFFF8, v10;
	v19 =	vadd.s32 v11, v19;
	v20 =	vadd.s32 v11, v20  }
0x117: {  	v22 =	vand.u32 $0x7, v10;
	v21 =	vadd.s32 v11, v21  }
0x118: {  	v21 =	vor.u32 v22, v21;
	v12 =	vld.idx.msk [tilespmem:v12+s29+$0x0], vm0  }
0x119: {  	v22 =	vld.idx.msk [tilespmem:v9+s31+$0x0], $0xffff;
	_ =	sdelay $0x1  }
0x11a: {  	vm1 =	vgt.s32 v13, $0xFFFFFFFF;
	v13 =	vand.u32 $0x7, v13;
	v9 =	vor.u32 v1, v11  }
0x11b: {  	v13 =	vor.u32 v13, v14;
	_ =	sdelay $0x1  }
0x11c: {  	v12 =	vnsel vm0, $0x0, v12  }
0x11d: {  	v12 =	vmul.f32 v12, v22;
	_ =	sdelay $0x1  }
0x11e: {  	[tilespmem:v9+s1+$0x0] =	vst.idx.msk $0xffff, v12  }
0x11f: {  	v9 =	vld.idx.msk [tilespmem:v13+s29+$0x0], vm1;
	_ =	sdelay $0x2  }
0x120: {  	vm0 =	vgt.s32 v16, $0xFFFFFFFF;
	v12 =	vor.u32 v2, v11;
	v13 =	vand.u32 $0x7, v16  }
0x121: {  	v13 =	vor.u32 v13, v15;
	_ =	sdelay $0x1  }
0x122: {  	v9 =	vnsel vm1, $0x0, v9  }
0x123: {  	v9 =	vmul.f32 v9, v22;
	_ =	sdelay $0x1  }
0x124: {  	[tilespmem:v12+s1+$0x0] =	vst.idx.msk $0xffff, v9  }
0x125: {  	v9 =	vld.idx.msk [tilespmem:v13+s29+$0x0], vm0;
	_ =	sdelay $0x2  }
0x126: {  	vm1 =	vgt.s32 v17, $0xFFFFFFFF;
	v12 =	vadd.s32 v3, v11;
	v13 =	vand.u32 $0x7, v17  }
0x127: {  	v13 =	vor.u32 v13, v19;
	_ =	sdelay $0x1  }
0x128: {  	v9 =	vnsel vm0, $0x0, v9  }
0x129: {  	v9 =	vmul.f32 v9, v22;
	_ =	sdelay $0x1  }
0x12a: {  	[tilespmem:v12+s1+$0x0] =	vst.idx.msk $0xffff, v9  }
0x12b: {  	v9 =	vld.idx.msk [tilespmem:v13+s29+$0x0], vm1;
	_ =	sdelay $0x2  }
0x12c: {  	vm0 =	vgt.s32 v18, $0xFFFFFFFF;
	v12 =	vadd.s32 v4, v11;
	v13 =	vand.u32 $0x7, v18  }
0x12d: {  	v13 =	vor.u32 v13, v20;
	_ =	sdelay $0x1  }
0x12e: {  	v9 =	vnsel vm1, $0x0, v9  }
0x12f: {  	v9 =	vmul.f32 v9, v22;
	_ =	sdelay $0x1  }
0x130: {  	[tilespmem:v12+s1+$0x0] =	vst.idx.msk $0xffff, v9  }
0x131: {  	v9 =	vld.idx.msk [tilespmem:v13+s29+$0x0], vm0;
	_ =	sdelay $0x2  }
0x132: {  	vm1 =	vgt.s32 v10, $0xFFFFFFFF;
	v12 =	vadd.s32 v5, v11;
	_ =	sdelay $0x2  }
0x133: {  	v9 =	vnsel vm0, $0x0, v9  }
0x134: {  	v9 =	vmul.f32 v9, v22;
	_ =	sdelay $0x1  }
0x135: {  	[tilespmem:v12+s1+$0x0] =	vst.idx.msk $0xffff, v9  }
0x136: {  	v12 =	vld.idx.msk [tilespmem:v21+s29+$0x0], vm1;
	_ =	sdelay $0x2  }
.Ltmp5:
0x137: {  	s3 =	sadd.s32 s16, s19;
	v10 =	vadd.s32 v6, v11;
	(pc) =	sbr.rel @p0 .LBB2_9-.Ltmp5, $3  }
0x138: {  	v9 =	vmov s3;
	_ =	sdelay $0x1  }
0x139: {  	v11 =	vnsel vm1, $0x0, v12  }
0x13a: {  	v11 =	vmul.f32 v11, v22  }
0x13b: {  	_ =	sdelay $0x3  }
0x13c: {  	[tilespmem:v10+s1+$0x0] =	vst.idx.msk $0xffff, v11  }
0x13d: {  	v10 =	vld.idx.msk [tilespmem:v9+s30+$0x0], $0xffff;
	_ =	sdelay $0x1  }
0x13e: {  	v11 =	vmov s16  }
0x13f: {  	v11 =	vmul.u32 $0x60, v11;
	_ =	sdelay $0x1  }
0x140: {  	v11 =	vbroadcast v11, $0x0;
	v12 =	vsub.s32 v1, v10  }
0x141: {  	v13 =	vand.u32 $0xFFFFFFF8, v12  }
0x142: {  	vm0 =	vgt.s32 v12, $0xFFFFFFFF;
	v12 =	vand.u32 $0x7, v12;
	v13 =	vadd.s32 v11, v13  }
0x143: {  	v12 =	vor.u32 v12, v13;
	_ =	sdelay $0x4  }
0x144: {  	v12 =	vld.idx.msk [tilespmem:v12+s29+$0x0], vm0  }
0x145: {  	v9 =	vld.idx.msk [tilespmem:v9+s31+$0x0], $0xffff;
	v51 =	vsub.s32 v2, v10  }
0x146: {  	v15 =	vor.u32 v1, v11;
	v14 =	vand.u32 $0xFFFFFFF8, v51  }
0x147: {  	vm1 =	vgt.s32 v51, $0xFFFFFFFF;
	v14 =	vadd.s32 v11, v14;
	v13 =	vand.u32 $0x7, v51  }
0x148: {  	v13 =	vor.u32 v13, v14  }
0x149: {  	v12 =	vnsel vm0, $0x0, v12  }
0x14a: {  	v12 =	vmul.f32 v12, v9;
	_ =	sdelay $0x1  }
0x14b: {  	[tilespmem:v15+s1+$0x0] =	vst.idx.msk $0xffff, v12  }
0x14c: {  	v13 =	vld.idx.msk [tilespmem:v13+s29+$0x0], vm1  }
0x14d: {  	v52 =	vsub.s32 v3, v10  }
0x14e: {  	v54 =	vor.u32 v2, v11;
	v53 =	vand.u32 $0xFFFFFFF8, v52  }
0x14f: {  	vm12 =	vgt.s32 v52, $0xFFFFFFFF;
	v14 =	vadd.s32 v11, v53;
	v12 =	vand.u32 $0x7, v52  }
0x150: {  	v12 =	vor.u32 v12, v14  }
0x151: {  	v13 =	vnsel vm1, $0x0, v13  }
0x152: {  	v13 =	vmul.f32 v13, v9;
	_ =	sdelay $0x1  }
0x153: {  	[tilespmem:v54+s1+$0x0] =	vst.idx.msk $0xffff, v13  }
0x154: {  	v12 =	vld.idx.msk [tilespmem:v12+s29+$0x0], vm12  }
0x155: {  	v55 =	vsub.s32 v4, v10  }
0x156: {  	v57 =	vadd.s32 v3, v11;
	v56 =	vand.u32 $0xFFFFFFF8, v55  }
0x157: {  	vm13 =	vgt.s32 v55, $0xFFFFFFFF;
	v14 =	vadd.s32 v11, v56;
	v13 =	vand.u32 $0x7, v55  }
0x158: {  	v13 =	vor.u32 v13, v14  }
0x159: {  	v12 =	vnsel vm12, $0x0, v12  }
0x15a: {  	v12 =	vmul.f32 v12, v9;
	_ =	sdelay $0x1  }
0x15b: {  	[tilespmem:v57+s1+$0x0] =	vst.idx.msk $0xffff, v12  }
0x15c: {  	v13 =	vld.idx.msk [tilespmem:v13+s29+$0x0], vm13  }
0x15d: {  	v58 =	vsub.s32 v5, v10  }
0x15e: {  	v60 =	vadd.s32 v4, v11;
	v59 =	vand.u32 $0xFFFFFFF8, v58  }
0x15f: {  	vm14 =	vgt.s32 v58, $0xFFFFFFFF;
	v14 =	vadd.s32 v11, v59;
	v12 =	vand.u32 $0x7, v58  }
0x160: {  	v12 =	vor.u32 v12, v14  }
0x161: {  	v13 =	vnsel vm13, $0x0, v13  }
0x162: {  	v13 =	vmul.f32 v13, v9;
	_ =	sdelay $0x1  }
0x163: {  	[tilespmem:v60+s1+$0x0] =	vst.idx.msk $0xffff, v13  }
0x164: {  	v12 =	vld.idx.msk [tilespmem:v12+s29+$0x0], vm14  }
0x165: {  	v10 =	vsub.s32 v6, v10  }
0x166: {  	v63 =	vadd.s32 v5, v11;
	v61 =	vand.u32 $0xFFFFFFF8, v10  }
0x167: {  	v62 =	vand.u32 $0x7, v10;
	vm15 =	vgt.s32 v10, $0xFFFFFFFF;
	v13 =	vadd.s32 v11, v61  }
0x168: {  	v10 =	vor.u32 v62, v13  }
0x169: {  	v12 =	vnsel vm14, $0x0, v12  }
0x16a: {  	v12 =	vmul.f32 v12, v9;
	_ =	sdelay $0x1  }
0x16b: {  	[tilespmem:v63+s1+$0x0] =	vst.idx.msk $0xffff, v12  }
0x16c: {  	v10 =	vld.idx.msk [tilespmem:v10+s29+$0x0], vm15;
	_ =	sdelay $0x2  }
0x16d: {  	v11 =	vadd.s32 v6, v11;
	_ =	sdelay $0x1  }
0x16e: {  	v10 =	vnsel vm15, $0x0, v10  }
0x16f: {  	v9 =	vmul.f32 v10, v9  }
0x170: {  	s2 =	sadd.s32 $0x1, s2  }
0x171: {  	p0 =	sne.s32 s2, s17;
	[tilespmem:v11+s1+$0x0] =	vst.idx.msk $0xffff, v9  }
0x172: {  	[spmem:s6] =	stream.indirect.scatter.add.f32 [tilespmem:s1], [sflag:$0x1], $0x60, s7, s26, $0xb8;
	[tilespmem:$0x1DB60] =	vst v63  }
.Ltmp6:
0x173: {  	_ = 	snop;
	(pc) =	sbr.rel @p0 .LBB2_8-.Ltmp6, $4  }
.Ltmp7:
0x174: {  	_ = 	snop;
	(pc) =	sbr.rel @!p0 .LBB2_11-.Ltmp7, $4  }
0x175: {  	_ =	swait.ge [sflag:s21], $0x3000  }
0x176: {  	[sflag:s21] =	ssyncset.done $0x0  }
0x177: {  	s19 =	sadd.s32 $0x80, s19;
	[sflag:s21] =	ssyncadd.s32 $0xFFFFD000  }
0x178: {  	_ = 	snop  }
.LBB2_12:
0x179: {  	s0 =	rddreg [dreg:$0x11]  }
0x17a: {  	s2 =	sshll.u32 s0, $0xD  }
0x17b: {  	[bflag:$0x0] =	sbarrier.arrive $0xFFFF;
	s0 =	sor.u32 s11, s2  }
0x17c: {  	s3 =	rddreg [dreg:$0x2];
	s0 =	sshrl.u32 s0, $0x3  }
0x17d: {  	s12 =	simm.s32 $0x0;
	s0 =	sadd.s32 s3, s0  }
0x17e: {  	[tilespmem:s15], [sflag:$0x1] =	stream.linear.gather [hbm4b:s0+s12], $0x200, $0x38;
	[tilespmem:$0x1DB60] =	vst v63  }
0x17f: {  	_ =	swait.ge [sflag:s21], $0x200  }
0x180: {  	[sflag:s21] =	ssyncset.done $0x0  }
0x181: {  	s14 =	simm.s32 $0x0;
	s17 =	simm.s32 $0x0;
	[sflag:s21] =	ssyncadd.s32 $0xFFFFFE00  }
.LBB2_13:
0x182: {  	s0 =	sshll.u32 s17, $0x7  }
0x183: {  	v8 =	vmov s12;
	s18 =	sor.u32 s11, s0  }
0x184: {  	v8 =	vmul.u32 $0x60, v8;
	s0 =	smul.u32 $0x180, s18;
	_ =	sdelay $0x1  }
0x185: {  	s3 =	sadd.s32 $0x0, s14;
	v8 =	vbroadcast v8, $0x0;
	s0 =	sshra.s32 s0, $0x2  }
0x186: {  	s19 =	simm.s32 $0x1;
	v9 =	vmov s3;
	s0 =	sadd.s32 s0, s6  }
0x187: {  	v13 =	vmov s19;
	v10 =	vadd.s32 v6, v8;
	[tilespmem:s20], [sflag:$0x1] =	stream.linear.gather [spmem:s0], $0x3000, $0x38;
	[tilespmem:$0x1DB60] =	vst v63  }
0x188: {  	v13 =	vmul.u32 $0x60, v13;
	v11 =	vor.u32 v1, v8;
	_ =	swait.ge [sflag:s21], $0x3000  }
0x189: {  	v12 =	vor.u32 v2, v8;
	[sflag:s21] =	ssyncset.done $0x0  }
0x18a: {  	v13 =	vbroadcast v13, $0x0;
	v14 =	vadd.s32 v3, v8;
	[sflag:s21] =	ssyncadd.s32 $0xFFFFD000  }
0x18b: {  	v15 =	vadd.s32 v5, v8;
	v27 =	vld.idx.msk [tilespmem:v9+s15+$0x0], $0xffff  }
0x18c: {  	v17 =	vadd.s32 v6, v13;
	v10 =	vld.idx.msk [tilespmem:v10+s20+$0x0], $0xffff  }
0x18d: {  	v9 =	vadd.s32 v4, v8;
	v11 =	vld.idx.msk [tilespmem:v11+s20+$0x0], $0xffff  }
0x18e: {  	v19 =	vor.u32 v2, v13;
	v12 =	vld.idx.msk [tilespmem:v12+s20+$0x0], $0xffff  }
0x18f: {  	s3 =	sadd.s32 $0x1, s14;
	v29 =	vadd.s32 v4, v13;
	v14 =	vld.idx.msk [tilespmem:v14+s20+$0x0], $0xffff  }
0x190: {  	v16 =	vmov s3;
	v28 =	vld.idx.msk [tilespmem:v15+s20+$0x0], $0xffff  }
0x191: {  	s16 =	simm.s32 $0x2;
	s19 =	sadd.s32 $0x2, s14;
	v18 =	vor.u32 v1, v13;
	v31 =	vld.idx.msk [tilespmem:v17+s20+$0x0], $0xffff  }
0x192: {  	v25 =	vmov s19;
	v21 =	vld.idx.msk [tilespmem:v9+s20+$0x0], $0xffff;
	v9 =	vmov s16  }
0x193: {  	v20 =	vadd.s32 v3, v13;
	v17 =	vld.idx.msk [tilespmem:v19+s20+$0x0], $0xffff;
	v10 =	vmul.f32 v10, v27;
	v15 =	vmul.u32 $0x60, v9  }
0x194: {  	v30 =	vadd.s32 v5, v13;
	v19 =	vld.idx.msk [tilespmem:v29+s20+$0x0], $0xffff;
	v11 =	vmul.f32 v11, v27;
	v12 =	vmul.f32 v12, v27  }
0x195: {  	s0 =	simm.s32 $0x3;
	v8 =	vimm.f32 $0.0e+00;
	v14 =	vmul.f32 v14, v27;
	v9 =	vld.idx.msk [tilespmem:v16+s15+$0x0], $0xffff;
	v13 =	vbroadcast v15, $0x0  }
0x196: {  	v29 =	vmov s0;
	v16 =	vld.idx.msk [tilespmem:v18+s20+$0x0], $0xffff;
	v10 =	vadd.f32 v10, v8;
	v11 =	vadd.f32 v11, v8  }
0x197: {  	v12 =	vadd.f32 v12, v8;
	v14 =	vadd.f32 v14, v8;
	v26 =	vadd.s32 v6, v13  }
0x198: {  	v18 =	vld.idx.msk [tilespmem:v20+s20+$0x0], $0xffff;
	v15 =	vmul.f32 v21, v27;
	v24 =	vor.u32 v1, v13;
	v23 =	vor.u32 v2, v13  }
0x199: {  	v21 =	vadd.s32 v3, v13;
	v20 =	vadd.s32 v4, v13;
	v27 =	vmul.f32 v28, v27  }
0x19a: {  	s16 =	simm.s32 $0x4;
	v22 =	vadd.s32 v5, v13;
	v28 =	vmul.f32 v31, v9;
	v13 =	vadd.f32 v15, v8;
	v15 =	vld.idx.msk [tilespmem:v30+s20+$0x0], $0xffff  }
.LBB2_14:
0x19b: {  	p0 =	sne.s32 s16, $0x7F;
	v29 =	vmul.u32 $0x60, v29;
	v30 =	vld.idx.msk [tilespmem:v25+s15+$0x0], $0xffff;
	v25 =	vmul.f32 v16, v9;
	v8 =	vadd.f32 v27, v8  }
0x19c: {  	v31 =	vld.idx.msk [tilespmem:v26+s20+$0x0], $0xffff;
	v26 =	vmul.f32 v17, v9;
	v10 =	vadd.f32 v28, v10  }
0x19d: {  	s3 =	sadd.s32 s0, s14;
	s0 =	smov.u32 s16;
	v28 =	vmul.f32 v18, v9;
	v27 =	vbroadcast v29, $0x0;
	v16 =	vld.idx.msk [tilespmem:v24+s20+$0x0], $0xffff;
	v11 =	vadd.f32 v25, v11  }
.Ltmp8:
0x19e: {  	v25 =	vmov s3;
	v29 =	vmul.f32 v19, v9;
	v17 =	vld.idx.msk [tilespmem:v23+s20+$0x0], $0xffff;
	v12 =	vadd.f32 v26, v12;
	(pc) =	sbr.rel @p0 .LBB2_14-.Ltmp8, $4  }
0x19f: {  	v24 =	vor.u32 v1, v27;
	v23 =	vor.u32 v2, v27;
	v26 =	vadd.s32 v6, v27;
	v18 =	vld.idx.msk [tilespmem:v21+s20+$0x0], $0xffff  }
0x1a0: {  	v21 =	vadd.s32 v3, v27;
	v32 =	vadd.s32 v5, v27;
	v19 =	vld.idx.msk [tilespmem:v20+s20+$0x0], $0xffff;
	v20 =	vadd.s32 v4, v27  }
0x1a1: {  	v14 =	vadd.f32 v28, v14;
	v13 =	vadd.f32 v29, v13;
	v27 =	vmul.f32 v15, v9;
	v15 =	vld.idx.msk [tilespmem:v22+s20+$0x0], $0xffff  }
0x1a2: {  	s16 =	sadd.s32 $0x1, s16;
	v29 =	vmov s0;
	v9 =	vmovc v30;
	v28 =	vmul.f32 v31, v30;
	v22 =	vmov v32  }
0x1a3: {  	_ =	sdelay $0x3  }
0x1a4: {  	v25 =	vld.idx.msk [tilespmem:v25+s15+$0x0], $0xffff  }
0x1a5: {  	v29 =	vmul.u32 $0x60, v29;
	v26 =	vld.idx.msk [tilespmem:v26+s20+$0x0], $0xffff  }
0x1a6: {  	v24 =	vld.idx.msk [tilespmem:v24+s20+$0x0], $0xffff  }
0x1a7: {  	s0 =	sadd.s32 s0, s14;
	v23 =	vld.idx.msk [tilespmem:v23+s20+$0x0], $0xffff;
	v29 =	vbroadcast v29, $0x0  }
0x1a8: {  	v21 =	vld.idx.msk [tilespmem:v21+s20+$0x0], $0xffff;
	v30 =	vmov s0  }
0x1a9: {  	v20 =	vld.idx.msk [tilespmem:v20+s20+$0x0], $0xffff;
	v32 =	vor.u32 v1, v29  }
0x1aa: {  	v22 =	vld.idx.msk [tilespmem:v22+s20+$0x0], $0xffff;
	v33 =	vor.u32 v2, v29  }
0x1ab: {  	v48 =	vld [tilespmem:$0x1DB00];
	v34 =	vadd.s32 v3, v29  }
0x1ac: {  	v16 =	vmul.f32 v16, v9;
	v8 =	vadd.f32 v27, v8;
	v51 =	vld [tilespmem:$0x1DB10];
	v35 =	vadd.s32 v4, v29  }
0x1ad: {  	v17 =	vmul.f32 v17, v9;
	v31 =	vadd.s32 v6, v29;
	v29 =	vadd.s32 v5, v29;
	v30 =	vld.idx.msk [tilespmem:v30+s15+$0x0], $0xffff  }
0x1ae: {  	v10 =	vadd.f32 v28, v10;
	v37 =	vmul.f32 v18, v9;
	v11 =	vadd.f32 v16, v11;
	v36 =	vld.idx.msk [tilespmem:v32+s20+$0x0], $0xffff  }
0x1af: {  	v12 =	vadd.f32 v17, v12;
	v39 =	vmul.f32 v19, v9;
	v40 =	vmul.f32 v15, v9;
	v38 =	vld.idx.msk [tilespmem:v33+s20+$0x0], $0xffff  }
0x1b0: {  	v14 =	vadd.f32 v37, v14;
	v42 =	vmul.f32 v26, v25;
	v43 =	vmul.f32 v24, v25;
	v41 =	vld.idx.msk [tilespmem:v34+s20+$0x0], $0xffff  }
0x1b1: {  	v13 =	vadd.f32 v39, v13;
	v45 =	vmul.f32 v23, v25;
	v47 =	vmul.f32 v21, v25;
	v44 =	vld.idx.msk [tilespmem:v35+s20+$0x0], $0xffff  }
0x1b2: {  	v8 =	vadd.f32 v40, v8;
	v49 =	vmul.f32 v20, v25;
	v52 =	vmul.f32 v22, v25;
	v46 =	vld.idx.msk [tilespmem:v29+s20+$0x0], $0xffff  }
0x1b3: {  	v10 =	vadd.f32 v42, v10;
	v11 =	vadd.f32 v43, v11;
	v31 =	vld.idx.msk [tilespmem:v31+s20+$0x0], $0xffff;
	v50 =	vmul.f32 v36, v30  }
0x1b4: {  	v53 =	vld [tilespmem:$0x1DB20];
	v9 =	vadd.f32 v45, v12;
	v14 =	vadd.f32 v47, v14;
	v18 =	vmul.f32 v38, v30  }
0x1b5: {  	v55 =	vld [tilespmem:$0x1DB30];
	v12 =	vadd.f32 v49, v13;
	v54 =	vmul.f32 v41, v30;
	v11 =	vadd.f32 v50, v11  }
0x1b6: {  	v57 =	vld [tilespmem:$0x1DB40];
	v8 =	vadd.f32 v52, v8;
	v56 =	vmul.f32 v44, v30;
	v9 =	vadd.f32 v18, v9  }
0x1b7: {  	v59 =	vld [tilespmem:$0x1DB50];
	v58 =	vmul.f32 v46, v30;
	v13 =	vadd.f32 v54, v14;
	v11 =	vadd.f32 v48, v11  }
0x1b8: {  	v60 =	vmul.f32 v31, v30;
	v12 =	vadd.f32 v56, v12;
	v9 =	vadd.f32 v51, v9  }
0x1b9: {  	v8 =	vadd.f32 v58, v8;
	v61 =	vadd.f32 v53, v13;
	[tilespmem:$0x1DB00] =	vst v11  }
0x1ba: {  	v10 =	vadd.f32 v60, v10;
	v62 =	vadd.f32 v55, v12;
	[tilespmem:$0x1DB10] =	vst v9  }
0x1bb: {  	s19 =	sadd.s32 s2, s18;
	v8 =	vadd.f32 v57, v8;
	[tilespmem:$0x1DB20] =	vst v61  }
0x1bc: {  	s17 =	sadd.s32 $0x1, s17;
	s0 =	smul.u32 $0xC, s19;
	v63 =	vadd.f32 v59, v10;
	[tilespmem:$0x1DB30] =	vst v62  }
0x1bd: {  	p0 =	sne.s32 s17, $0x4;
	[tilespmem:$0x1DB40] =	vst v8  }
.Ltmp9:
0x1be: {  	s0 =	sadd.s32 s10, s0;
	[tilespmem:$0x1DB50] =	vst v63;
	(pc) =	sbr.rel @p0 .LBB2_13-.Ltmp9, $4  }
0x1bf: {  	[hbm4b:s0+s8] =	stream.linear.scatter [tilespmem:s20], [sflag:$0x1], $0x3000, $0x38;
	[tilespmem:$0x1DB60] =	vst v63  }
0x1c0: {  	_ =	swait.ge [sflag:s21], $0x3000  }
0x1c1: {  	[sflag:s21] =	ssyncset.done $0x0  }
0x1c2: {  	s14 =	sadd.s32 $0x80, s14;
	[sflag:s21] =	ssyncadd.s32 $0xFFFFD000  }
0x1c3: {  	s2 =	rddreg [dreg:$0x10]  }
0x1c4: {  	s2 =	sadd.s32 $0x1, s2  }
0x1c5: {  	p0 =	sne.s32 s2, $0x4  }
.Ltmp10:
0x1c6: {  	_ = 	snop;
	(pc) =	sbr.rel @p0 .LBB2_2-.Ltmp10, $1  }
0x1c7: {  	_ =	sdelay $0x3  }
0x1c8: {  	s0 =	rddreg [dreg:$0xa];
	s2 =	simm.s32 $0x1DB00  }
0x1c9: {  	[hbm4b:s0+s8] =	stream.linear.scatter [tilespmem:s2], [sflag:$0x1], $0x60, $0x38;
	[tilespmem:$0x1DB60] =	vst v63  }
0x1ca: {  	_ =	swait.ge [sflag:s21], $0x60  }
0x1cb: {  	s18 =	rddreg [dreg:$0xf]  }
0x1cc: {  	s19 =	rddreg [dreg:$0xb];
	s2 =	sadd.s32 $0x1, s18  }
0x1cd: {  	p0 =	sne.s32 s2, s19  }
.Ltmp11:
0x1ce: {  	_ = 	snop;
	(pc) =	sbr.rel @p0 .LBB2_1-.Ltmp11, $3  }
0x1cf: {  	_ =	sdelay $0x1  }
0x1d0: {  	[sflag:s21] =	ssyncset.done $0x0  }
0x1d1: {  	[sflag:s21] =	ssyncadd.s32 $0xFFFFFFA0  }
0x1d2: {  	_ =	sfence.sel $0x180000  }
0x1d3: {  	[bflag:$0x0] =	sbarrier.arrive $0xFFFF  }
0x1d4: {  	_ =	strace $0x9000004A  }
0x1d5: {  	s0 =	stileid.u32;
	[bflag:$0x2] =	sbarrier.arrive $0xFFFF  }
0x1d6: {  	p0 =	sne.s32 s0, $0x0;
	s0 =	rddreg [dreg:$0x7]  }
0x1d7: {  	s0 =	sadd.s32 @!p0 $0x100000, s0  }
0x1d8: {  	[sflag:s0] =	ssyncadd.tile.s32 @!p0 $0x1;
	_ =	shalt  }
.Lfunc_end2:
_tile_overlayer_lowered:
.L_overlay_start_2:
0x1d9: {  	(tag) =	ssettag $0x2  }
0x1da: {  	s0 =	rddreg [dreg:$0x0];
	s2 =	stileid.u32  }
0x1db: {  	s1 =	rddreg [dreg:$0x1];
	p0 =	sne.s32 s2, $0x0  }
0x1dc: {  	s3 =	rddreg [dreg:$0x2];
	[bflag:$0x3] =	sbarrier.arrive $0xFFFF;
	s2 =	simm.s32 @!p0 $0x1C01  }
0x1dd: {  	[timem:s3], [sflag:s2] =	dma.local @!p0 [hbm:s0], s1  }
0x1de: {  	s0 =	simm.s32 @!p0 $0x1  }
0x1df: {  	_ =	swait.ge @!p0 [sflag:s0], s1  }
0x1e0: {  	s1 =	ssub.s32 @!p0 $0x0, s1;
	[sflag:s0] =	ssyncset.done @!p0 $0x0  }
0x1e1: {  	[sflag:s0] =	ssyncadd.s32 @!p0 s1  }
0x1e2: {  	[bflag:$0x3] =	sbarrier.arrive $0xFFFF  }
0x1e3: {  	_ =	shalt  }

</sc_bundles>
